<compile_context>
chip_gen: v7x
topology: tpu7x:2x2x1
jax: 0.10.2.dev20260603
libtpu: 0.0.44.dev20260713+nightly
codegen_flags: <defaults>
</compile_context>

<pallas_src>
import functools

import jax
import jax.numpy as jnp
from jax import lax
from jax.experimental import pallas as pl
from jax.experimental.pallas import tpu as pltpu
from jax.experimental.pallas import tpu_sc as plsc

N_SO = 100000
DIM = 32
BATCH = 16384
N_ELEC = 50

NC = 2
NS = 16
NW = NC * NS
B_PER_W = BATCH // NW
NBUF = 8


def _accum_row(buf, out_v, b_v, out_row):
    for h in range(2):
        sl = pl.ds(16 * h, 16)
        acc = [buf[k, sl] for k in range(4)]
        for e in range(4, N_ELEC):
            acc[e % 4] = acc[e % 4] + buf[e, sl]
        out_v[out_row, sl] = ((acc[0] + acc[1]) + (acc[2] + acc[3])) + b_v[sl]


@functools.partial(
    pl.kernel,
    out_type=jax.ShapeDtypeStruct((BATCH, DIM), jnp.float32),
    mesh=plsc.VectorSubcoreMesh(core_axis_name="c", subcore_axis_name="s"),
    compiler_params=pltpu.CompilerParams(use_tc_tiling_on_sc=False),
    scratch_types=(
        [pltpu.VMEM((B_PER_W, N_ELEC), jnp.int32)]
        + [pltpu.VMEM((N_ELEC, DIM), jnp.float32)] * NBUF
        + [pltpu.VMEM((B_PER_W, DIM), jnp.float32)]
        + [pltpu.VMEM((DIM,), jnp.float32)]
        + [pltpu.SemaphoreType.DMA] * NBUF
    ),
)
def _pool_kernel(occ_hbm, e_hbm, b_hbm, out_hbm, idx_v, *rest):
    bufs = rest[:NBUF]
    out_v = rest[NBUF]
    b_v = rest[NBUF + 1]
    sems = rest[NBUF + 2:]

    wid = lax.axis_index("s") * NC + lax.axis_index("c")

    pltpu.sync_copy(b_hbm, b_v)
    pltpu.sync_copy(occ_hbm.at[pl.ds(wid * B_PER_W, B_PER_W), :], idx_v)

    for k in range(NBUF):
        pltpu.async_copy(e_hbm.at[idx_v.at[k]], bufs[k], sems[k])

    def body(j, carry):
        r = j * NBUF
        for k in range(NBUF):
            pltpu.make_async_copy(e_hbm.at[idx_v.at[r + k]], bufs[k], sems[k]).wait()
            _accum_row(bufs[k], out_v, b_v, r + k)

            @pl.when(r + k + NBUF < B_PER_W)
            def _():
                pltpu.async_copy(e_hbm.at[idx_v.at[r + k + NBUF]], bufs[k], sems[k])

        return carry

    lax.fori_loop(0, B_PER_W // NBUF, body, 0)

    pltpu.sync_copy(out_v, out_hbm.at[pl.ds(wid * B_PER_W, B_PER_W), :])


def kernel(occ_so, E, b):
    return _pool_kernel(occ_so.astype(jnp.int32), E, b)

# --- scband reference (transcript-rebuilt; emitter-appended) ---
"""Pipeline reference for scband-embedding-pool-encoder-54984171323910 (READ-ONLY COPY).

The authoritative reference and input builder live on the scoring server;
editing this copy changes nothing except your own understanding.
"""

import jax, jax.numpy as jnp
import numpy as np

N_SO = 100000
DIM = 32
BATCH = 16384
N_ELEC = 50

def _glorot_uniform(key, shape, dtype=jnp.float32):
    fan_in, fan_out = shape[0], shape[1]
    limit = jnp.sqrt(6.0 / (fan_in + fan_out))
    return jax.random.uniform(key, shape, dtype=dtype, minval=-limit, maxval=limit)

def setup_inputs(seed: int = 0) -> dict:
    key = jax.random.key(seed)
    k_idx, k_emb = jax.random.split(key)
    occ_so = jax.random.randint(k_idx, (BATCH, N_ELEC), 0, N_SO, dtype=jnp.int64)
    E = _glorot_uniform(k_emb, (N_SO, DIM), dtype=jnp.float32)
    b = jnp.zeros((DIM,), dtype=jnp.float32)
    return {"occ_so": occ_so, "E": E, "b": b}

def reference(occ_so, E, b):
    # Faithful translation of EmbeddingPoolEncoder.__call__ with pool='sum'
    occ = occ_so.astype(jnp.int32)
    tokens = jnp.take(E, occ, axis=0)          # (..., n_elec, dim) gather
    x = jnp.sum(tokens, axis=-2) + b           # pooled sum + bias
    return x

if __name__ == "__main__":
    import jax
    _d = setup_inputs()
    print(jax.jit(kernel)(*tuple(_d.values())))

</pallas_src>

<mosaic_0001>
#map = affine_map<(d0, d1) -> (0, 0)>
#map1 = affine_map<(d0, d1) -> (0)>
module attributes {stable_mosaic.version = 14 : i64} {
  func.func @_pool_kernel(%arg0: i32, %arg1: i32, %arg2: memref<16384x50xi32, #tpu.memory_space<hbm>>, %arg3: memref<100000x32xf32, #tpu.memory_space<hbm>>, %arg4: memref<32xf32, #tpu.memory_space<hbm>>, %arg5: memref<16384x32xf32, #tpu.memory_space<hbm>>, %arg6: memref<512x50xi32, #tpu.memory_space<vmem>>, %arg7: memref<50x32xf32, #tpu.memory_space<vmem>>, %arg8: memref<50x32xf32, #tpu.memory_space<vmem>>, %arg9: memref<50x32xf32, #tpu.memory_space<vmem>>, %arg10: memref<50x32xf32, #tpu.memory_space<vmem>>, %arg11: memref<50x32xf32, #tpu.memory_space<vmem>>, %arg12: memref<50x32xf32, #tpu.memory_space<vmem>>, %arg13: memref<50x32xf32, #tpu.memory_space<vmem>>, %arg14: memref<50x32xf32, #tpu.memory_space<vmem>>, %arg15: memref<512x32xf32, #tpu.memory_space<vmem>>, %arg16: memref<32xf32, #tpu.memory_space<vmem>>, %arg17: memref<!tpu.dma_semaphore, #tpu.memory_space<semaphore_mem>>, %arg18: memref<!tpu.dma_semaphore, #tpu.memory_space<semaphore_mem>>, %arg19: memref<!tpu.dma_semaphore, #tpu.memory_space<semaphore_mem>>, %arg20: memref<!tpu.dma_semaphore, #tpu.memory_space<semaphore_mem>>, %arg21: memref<!tpu.dma_semaphore, #tpu.memory_space<semaphore_mem>>, %arg22: memref<!tpu.dma_semaphore, #tpu.memory_space<semaphore_mem>>, %arg23: memref<!tpu.dma_semaphore, #tpu.memory_space<semaphore_mem>>, %arg24: memref<!tpu.dma_semaphore, #tpu.memory_space<semaphore_mem>>) attributes {dimension_semantics = [#tpu.dimension_semantics<core_parallel>, #tpu.dimension_semantics<subcore_parallel>], iteration_bounds = array<i64: 2, 16>, scalar_prefetch = 0 : i64, scratch_operands = 19 : i64, tpu.core_type = #tpu.core_type<sc_vector_subcore>, window_params = [{transform_indices = #map}, {transform_indices = #map}, {transform_indices = #map1}, {transform_indices = #map}]} {
    %mul3A = arith.constant 2 : i32
    %mul3A_0 = arith.muli %arg1, %mul3A : i32
    %add3A = arith.addi %mul3A_0, %arg0 : i32
    "tpu.region"() ({
      %run_scoped3A = tpu.sem_alloc : memref<!tpu.dma_semaphore, #tpu.memory_space<semaphore_mem>>
      tpu.enqueue_dma source(%arg4 : memref<32xf32, #tpu.memory_space<hbm>>) target(%arg16 : memref<32xf32, #tpu.memory_space<vmem>>) target_semaphore(%run_scoped3A : memref<!tpu.dma_semaphore, #tpu.memory_space<semaphore_mem>>)
      tpu.wait_dma2 semaphore(%run_scoped3A : memref<!tpu.dma_semaphore, #tpu.memory_space<semaphore_mem>>) src(%arg4 : memref<32xf32, #tpu.memory_space<hbm>>) dst(%arg16 : memref<32xf32, #tpu.memory_space<vmem>>)
      tpu.yield
    }) : () -> ()
    %mul3A_1 = arith.constant 512 : i32
    %mul3A_2 = arith.muli %add3A, %mul3A_1 : i32
    "tpu.region"() ({
      %run_scoped3A = tpu.sem_alloc : memref<!tpu.dma_semaphore, #tpu.memory_space<semaphore_mem>>
      %dma_start3A_65 = arith.constant 0 : i32
      %dma_start3A_66 = tpu.memref_slice %arg2[%mul3A_2, %dma_start3A_65] : memref<16384x50xi32, #tpu.memory_space<hbm>> -> memref<512x50xi32, #tpu.memory_space<hbm>>
      %dma_start3A_67 = arith.constant 0 : i32
      %dma_start3A_68 = tpu.memref_slice %arg2[%mul3A_2, %dma_start3A_67] : memref<16384x50xi32, #tpu.memory_space<hbm>> -> memref<512x50xi32, #tpu.memory_space<hbm>>
      tpu.enqueue_dma source(%dma_start3A_68 : memref<512x50xi32, #tpu.memory_space<hbm>>) target(%arg6 : memref<512x50xi32, #tpu.memory_space<vmem>>) target_semaphore(%run_scoped3A : memref<!tpu.dma_semaphore, #tpu.memory_space<semaphore_mem>>)
      %dma_wait3A = arith.constant 0 : i32
      %dma_wait3A_69 = tpu.memref_slice %arg2[%mul3A_2, %dma_wait3A] : memref<16384x50xi32, #tpu.memory_space<hbm>> -> memref<512x50xi32, #tpu.memory_space<hbm>>
      %dma_wait3A_70 = arith.constant 0 : i32
      %dma_wait3A_71 = tpu.memref_slice %arg2[%mul3A_2, %dma_wait3A_70] : memref<16384x50xi32, #tpu.memory_space<hbm>> -> memref<512x50xi32, #tpu.memory_space<hbm>>
      tpu.wait_dma2 semaphore(%run_scoped3A : memref<!tpu.dma_semaphore, #tpu.memory_space<semaphore_mem>>) src(%dma_wait3A_71 : memref<512x50xi32, #tpu.memory_space<hbm>>) dst(%arg6 : memref<512x50xi32, #tpu.memory_space<vmem>>)
      tpu.yield
    }) : () -> ()
    %dma_start3A = arith.constant 0 : i32
    %dma_start3A_3 = arith.constant 0 : i32
    %dma_start3A_4 = tpu.memref_slice %arg6[%dma_start3A, %dma_start3A_3] : memref<512x50xi32, #tpu.memory_space<vmem>> -> memref<1x50xi32, #tpu.memory_space<vmem>>
    %dma_start3A_5 = tpu.memref_squeeze %dma_start3A_4 : memref<1x50xi32, #tpu.memory_space<vmem>> -> memref<50xi32, #tpu.memory_space<vmem>>
    %dma_start3A_6 = arith.constant 0 : i32
    %dma_start3A_7 = arith.constant 0 : i32
    %dma_start3A_8 = tpu.memref_slice %arg3[%dma_start3A_6, %dma_start3A_7] : memref<100000x32xf32, #tpu.memory_space<hbm>> -> memref<100000x32xf32, #tpu.memory_space<hbm>>
    tpu.enqueue_indirect_dma source(%dma_start3A_8 : memref<100000x32xf32, #tpu.memory_space<hbm>>) target(%arg7 : memref<50x32xf32, #tpu.memory_space<vmem>>) offsets(%dma_start3A_5 : memref<50xi32, #tpu.memory_space<vmem>>) semaphore(%arg17 : memref<!tpu.dma_semaphore, #tpu.memory_space<semaphore_mem>>)
    %dma_start3A_9 = arith.constant 1 : i32
    %dma_start3A_10 = arith.constant 0 : i32
    %dma_start3A_11 = tpu.memref_slice %arg6[%dma_start3A_9, %dma_start3A_10] : memref<512x50xi32, #tpu.memory_space<vmem>> -> memref<1x50xi32, #tpu.memory_space<vmem>>
    %dma_start3A_12 = tpu.memref_squeeze %dma_start3A_11 : memref<1x50xi32, #tpu.memory_space<vmem>> -> memref<50xi32, #tpu.memory_space<vmem>>
    %dma_start3A_13 = arith.constant 0 : i32
    %dma_start3A_14 = arith.constant 0 : i32
    %dma_start3A_15 = tpu.memref_slice %arg3[%dma_start3A_13, %dma_start3A_14] : memref<100000x32xf32, #tpu.memory_space<hbm>> -> memref<100000x32xf32, #tpu.memory_space<hbm>>
    tpu.enqueue_indirect_dma source(%dma_start3A_15 : memref<100000x32xf32, #tpu.memory_space<hbm>>) target(%arg8 : memref<50x32xf32, #tpu.memory_space<vmem>>) offsets(%dma_start3A_12 : memref<50xi32, #tpu.memory_space<vmem>>) semaphore(%arg18 : memref<!tpu.dma_semaphore, #tpu.memory_space<semaphore_mem>>)
    %dma_start3A_16 = arith.constant 2 : i32
    %dma_start3A_17 = arith.constant 0 : i32
    %dma_start3A_18 = tpu.memref_slice %arg6[%dma_start3A_16, %dma_start3A_17] : memref<512x50xi32, #tpu.memory_space<vmem>> -> memref<1x50xi32, #tpu.memory_space<vmem>>
    %dma_start3A_19 = tpu.memref_squeeze %dma_start3A_18 : memref<1x50xi32, #tpu.memory_space<vmem>> -> memref<50xi32, #tpu.memory_space<vmem>>
    %dma_start3A_20 = arith.constant 0 : i32
    %dma_start3A_21 = arith.constant 0 : i32
    %dma_start3A_22 = tpu.memref_slice %arg3[%dma_start3A_20, %dma_start3A_21] : memref<100000x32xf32, #tpu.memory_space<hbm>> -> memref<100000x32xf32, #tpu.memory_space<hbm>>
    tpu.enqueue_indirect_dma source(%dma_start3A_22 : memref<100000x32xf32, #tpu.memory_space<hbm>>) target(%arg9 : memref<50x32xf32, #tpu.memory_space<vmem>>) offsets(%dma_start3A_19 : memref<50xi32, #tpu.memory_space<vmem>>) semaphore(%arg19 : memref<!tpu.dma_semaphore, #tpu.memory_space<semaphore_mem>>)
    %dma_start3A_23 = arith.constant 3 : i32
    %dma_start3A_24 = arith.constant 0 : i32
    %dma_start3A_25 = tpu.memref_slice %arg6[%dma_start3A_23, %dma_start3A_24] : memref<512x50xi32, #tpu.memory_space<vmem>> -> memref<1x50xi32, #tpu.memory_space<vmem>>
    %dma_start3A_26 = tpu.memref_squeeze %dma_start3A_25 : memref<1x50xi32, #tpu.memory_space<vmem>> -> memref<50xi32, #tpu.memory_space<vmem>>
    %dma_start3A_27 = arith.constant 0 : i32
    %dma_start3A_28 = arith.constant 0 : i32
    %dma_start3A_29 = tpu.memref_slice %arg3[%dma_start3A_27, %dma_start3A_28] : memref<100000x32xf32, #tpu.memory_space<hbm>> -> memref<100000x32xf32, #tpu.memory_space<hbm>>
    tpu.enqueue_indirect_dma source(%dma_start3A_29 : memref<100000x32xf32, #tpu.memory_space<hbm>>) target(%arg10 : memref<50x32xf32, #tpu.memory_space<vmem>>) offsets(%dma_start3A_26 : memref<50xi32, #tpu.memory_space<vmem>>) semaphore(%arg20 : memref<!tpu.dma_semaphore, #tpu.memory_space<semaphore_mem>>)
    %dma_start3A_30 = arith.constant 4 : i32
    %dma_start3A_31 = arith.constant 0 : i32
    %dma_start3A_32 = tpu.memref_slice %arg6[%dma_start3A_30, %dma_start3A_31] : memref<512x50xi32, #tpu.memory_space<vmem>> -> memref<1x50xi32, #tpu.memory_space<vmem>>
    %dma_start3A_33 = tpu.memref_squeeze %dma_start3A_32 : memref<1x50xi32, #tpu.memory_space<vmem>> -> memref<50xi32, #tpu.memory_space<vmem>>
    %dma_start3A_34 = arith.constant 0 : i32
    %dma_start3A_35 = arith.constant 0 : i32
    %dma_start3A_36 = tpu.memref_slice %arg3[%dma_start3A_34, %dma_start3A_35] : memref<100000x32xf32, #tpu.memory_space<hbm>> -> memref<100000x32xf32, #tpu.memory_space<hbm>>
    tpu.enqueue_indirect_dma source(%dma_start3A_36 : memref<100000x32xf32, #tpu.memory_space<hbm>>) target(%arg11 : memref<50x32xf32, #tpu.memory_space<vmem>>) offsets(%dma_start3A_33 : memref<50xi32, #tpu.memory_space<vmem>>) semaphore(%arg21 : memref<!tpu.dma_semaphore, #tpu.memory_space<semaphore_mem>>)
    %dma_start3A_37 = arith.constant 5 : i32
    %dma_start3A_38 = arith.constant 0 : i32
    %dma_start3A_39 = tpu.memref_slice %arg6[%dma_start3A_37, %dma_start3A_38] : memref<512x50xi32, #tpu.memory_space<vmem>> -> memref<1x50xi32, #tpu.memory_space<vmem>>
    %dma_start3A_40 = tpu.memref_squeeze %dma_start3A_39 : memref<1x50xi32, #tpu.memory_space<vmem>> -> memref<50xi32, #tpu.memory_space<vmem>>
    %dma_start3A_41 = arith.constant 0 : i32
    %dma_start3A_42 = arith.constant 0 : i32
    %dma_start3A_43 = tpu.memref_slice %arg3[%dma_start3A_41, %dma_start3A_42] : memref<100000x32xf32, #tpu.memory_space<hbm>> -> memref<100000x32xf32, #tpu.memory_space<hbm>>
    tpu.enqueue_indirect_dma source(%dma_start3A_43 : memref<100000x32xf32, #tpu.memory_space<hbm>>) target(%arg12 : memref<50x32xf32, #tpu.memory_space<vmem>>) offsets(%dma_start3A_40 : memref<50xi32, #tpu.memory_space<vmem>>) semaphore(%arg22 : memref<!tpu.dma_semaphore, #tpu.memory_space<semaphore_mem>>)
    %dma_start3A_44 = arith.constant 6 : i32
    %dma_start3A_45 = arith.constant 0 : i32
    %dma_start3A_46 = tpu.memref_slice %arg6[%dma_start3A_44, %dma_start3A_45] : memref<512x50xi32, #tpu.memory_space<vmem>> -> memref<1x50xi32, #tpu.memory_space<vmem>>
    %dma_start3A_47 = tpu.memref_squeeze %dma_start3A_46 : memref<1x50xi32, #tpu.memory_space<vmem>> -> memref<50xi32, #tpu.memory_space<vmem>>
    %dma_start3A_48 = arith.constant 0 : i32
    %dma_start3A_49 = arith.constant 0 : i32
    %dma_start3A_50 = tpu.memref_slice %arg3[%dma_start3A_48, %dma_start3A_49] : memref<100000x32xf32, #tpu.memory_space<hbm>> -> memref<100000x32xf32, #tpu.memory_space<hbm>>
    tpu.enqueue_indirect_dma source(%dma_start3A_50 : memref<100000x32xf32, #tpu.memory_space<hbm>>) target(%arg13 : memref<50x32xf32, #tpu.memory_space<vmem>>) offsets(%dma_start3A_47 : memref<50xi32, #tpu.memory_space<vmem>>) semaphore(%arg23 : memref<!tpu.dma_semaphore, #tpu.memory_space<semaphore_mem>>)
    %dma_start3A_51 = arith.constant 7 : i32
    %dma_start3A_52 = arith.constant 0 : i32
    %dma_start3A_53 = tpu.memref_slice %arg6[%dma_start3A_51, %dma_start3A_52] : memref<512x50xi32, #tpu.memory_space<vmem>> -> memref<1x50xi32, #tpu.memory_space<vmem>>
    %dma_start3A_54 = tpu.memref_squeeze %dma_start3A_53 : memref<1x50xi32, #tpu.memory_space<vmem>> -> memref<50xi32, #tpu.memory_space<vmem>>
    %dma_start3A_55 = arith.constant 0 : i32
    %dma_start3A_56 = arith.constant 0 : i32
    %dma_start3A_57 = tpu.memref_slice %arg3[%dma_start3A_55, %dma_start3A_56] : memref<100000x32xf32, #tpu.memory_space<hbm>> -> memref<100000x32xf32, #tpu.memory_space<hbm>>
    tpu.enqueue_indirect_dma source(%dma_start3A_57 : memref<100000x32xf32, #tpu.memory_space<hbm>>) target(%arg14 : memref<50x32xf32, #tpu.memory_space<vmem>>) offsets(%dma_start3A_54 : memref<50xi32, #tpu.memory_space<vmem>>) semaphore(%arg24 : memref<!tpu.dma_semaphore, #tpu.memory_space<semaphore_mem>>)
    %scan3A = arith.constant 0 : i32
    %scan3A_58 = arith.constant 0 : i32
    %scan3A_59 = arith.constant 64 : i32
    %scan3A_60 = arith.addi %scan3A_58, %scan3A_59 : i32
    %scan3A_61 = arith.constant 1 : i32
    scf.for %scan3A_65 = %scan3A_58 to %scan3A_60 step %scan3A_61  : i32 {
      %mul3A_66 = arith.constant 8 : i32
      %mul3A_67 = arith.muli %scan3A_65, %mul3A_66 : i32
      %add3A_68 = arith.constant 0 : i32
      %add3A_69 = arith.addi %mul3A_67, %add3A_68 : i32
      %dma_wait3A = arith.constant 0 : i32
      %dma_wait3A_70 = tpu.memref_slice %arg6[%add3A_69, %dma_wait3A] : memref<512x50xi32, #tpu.memory_space<vmem>> -> memref<1x50xi32, #tpu.memory_space<vmem>>
      %dma_wait3A_71 = tpu.memref_squeeze %dma_wait3A_70 : memref<1x50xi32, #tpu.memory_space<vmem>> -> memref<50xi32, #tpu.memory_space<vmem>>
      %dma_wait3A_72 = arith.constant 0 : i32
      %dma_wait3A_73 = arith.constant 0 : i32
      %dma_wait3A_74 = tpu.memref_slice %arg3[%dma_wait3A_72, %dma_wait3A_73] : memref<100000x32xf32, #tpu.memory_space<hbm>> -> memref<100000x32xf32, #tpu.memory_space<hbm>>
      tpu.wait_indirect_dma semaphore(%arg17 : memref<!tpu.dma_semaphore, #tpu.memory_space<semaphore_mem>>) src(%dma_wait3A_74 : memref<100000x32xf32, #tpu.memory_space<hbm>>) dst(%arg7 : memref<50x32xf32, #tpu.memory_space<vmem>>)
      %add3A_75 = arith.constant 0 : i32
      %add3A_76 = arith.addi %mul3A_67, %add3A_75 : i32
      %get3A = arith.constant 0 : i32
      %get3A_77 = arith.index_cast %get3A : i32 to index
      %get3A_78 = arith.constant 0 : index
      %get3A_79 = tpu.vector_load %arg7[%get3A_77, %get3A_78] {strides = array<i32>} : memref<50x32xf32, #tpu.memory_space<vmem>>, vector<1x16xf32>,
      %get3A_80 = vector.shape_cast %get3A_79 : vector<1x16xf32> to vector<16xf32>
      %get3A_81 = arith.constant 1 : i32
      %get3A_82 = arith.index_cast %get3A_81 : i32 to index
      %get3A_83 = arith.constant 0 : index
      %get3A_84 = tpu.vector_load %arg7[%get3A_82, %get3A_83] {strides = array<i32>} : memref<50x32xf32, #tpu.memory_space<vmem>>, vector<1x16xf32>,
      %get3A_85 = vector.shape_cast %get3A_84 : vector<1x16xf32> to vector<16xf32>
      %get3A_86 = arith.constant 2 : i32
      %get3A_87 = arith.index_cast %get3A_86 : i32 to index
      %get3A_88 = arith.constant 0 : index
      %get3A_89 = tpu.vector_load %arg7[%get3A_87, %get3A_88] {strides = array<i32>} : memref<50x32xf32, #tpu.memory_space<vmem>>, vector<1x16xf32>,
      %get3A_90 = vector.shape_cast %get3A_89 : vector<1x16xf32> to vector<16xf32>
      %get3A_91 = arith.constant 3 : i32
      %get3A_92 = arith.index_cast %get3A_91 : i32 to index
      %get3A_93 = arith.constant 0 : index
      %get3A_94 = tpu.vector_load %arg7[%get3A_92, %get3A_93] {strides = array<i32>} : memref<50x32xf32, #tpu.memory_space<vmem>>, vector<1x16xf32>,
      %get3A_95 = vector.shape_cast %get3A_94 : vector<1x16xf32> to vector<16xf32>
      %get3A_96 = arith.constant 4 : i32
      %get3A_97 = arith.index_cast %get3A_96 : i32 to index
      %get3A_98 = arith.constant 0 : index
      %get3A_99 = tpu.vector_load %arg7[%get3A_97, %get3A_98] {strides = array<i32>} : memref<50x32xf32, #tpu.memory_space<vmem>>, vector<1x16xf32>,
      %get3A_100 = vector.shape_cast %get3A_99 : vector<1x16xf32> to vector<16xf32>
      %add3A_101 = arith.addf %get3A_80, %get3A_100 : vector<16xf32>
      %get3A_102 = arith.constant 5 : i32
      %get3A_103 = arith.index_cast %get3A_102 : i32 to index
      %get3A_104 = arith.constant 0 : index
      %get3A_105 = tpu.vector_load %arg7[%get3A_103, %get3A_104] {strides = array<i32>} : memref<50x32xf32, #tpu.memory_space<vmem>>, vector<1x16xf32>,
      %get3A_106 = vector.shape_cast %get3A_105 : vector<1x16xf32> to vector<16xf32>
      %add3A_107 = arith.addf %get3A_85, %get3A_106 : vector<16xf32>
      %get3A_108 = arith.constant 6 : i32
      %get3A_109 = arith.index_cast %get3A_108 : i32 to index
      %get3A_110 = arith.constant 0 : index
      %get3A_111 = tpu.vector_load %arg7[%get3A_109, %get3A_110] {strides = array<i32>} : memref<50x32xf32, #tpu.memory_space<vmem>>, vector<1x16xf32>,
      %get3A_112 = vector.shape_cast %get3A_111 : vector<1x16xf32> to vector<16xf32>
      %add3A_113 = arith.addf %get3A_90, %get3A_112 : vector<16xf32>
      %get3A_114 = arith.constant 7 : i32
      %get3A_115 = arith.index_cast %get3A_114 : i32 to index
      %get3A_116 = arith.constant 0 : index
      %get3A_117 = tpu.vector_load %arg7[%get3A_115, %get3A_116] {strides = array<i32>} : memref<50x32xf32, #tpu.memory_space<vmem>>, vector<1x16xf32>,
      %get3A_118 = vector.shape_cast %get3A_117 : vector<1x16xf32> to vector<16xf32>
      %add3A_119 = arith.addf %get3A_95, %get3A_118 : vector<16xf32>
      %get3A_120 = arith.constant 8 : i32
      %get3A_121 = arith.index_cast %get3A_120 : i32 to index
      %get3A_122 = arith.constant 0 : index
      %get3A_123 = tpu.vector_load %arg7[%get3A_121, %get3A_122] {strides = array<i32>} : memref<50x32xf32, #tpu.memory_space<vmem>>, vector<1x16xf32>,
      %get3A_124 = vector.shape_cast %get3A_123 : vector<1x16xf32> to vector<16xf32>
      %add3A_125 = arith.addf %add3A_101, %get3A_124 : vector<16xf32>
      %get3A_126 = arith.constant 9 : i32
      %get3A_127 = arith.index_cast %get3A_126 : i32 to index
      %get3A_128 = arith.constant 0 : index
      %get3A_129 = tpu.vector_load %arg7[%get3A_127, %get3A_128] {strides = array<i32>} : memref<50x32xf32, #tpu.memory_space<vmem>>, vector<1x16xf32>,
      %get3A_130 = vector.shape_cast %get3A_129 : vector<1x16xf32> to vector<16xf32>
      %add3A_131 = arith.addf %add3A_107, %get3A_130 : vector<16xf32>
      %get3A_132 = arith.constant 10 : i32
      %get3A_133 = arith.index_cast %get3A_132 : i32 to index
      %get3A_134 = arith.constant 0 : index
      %get3A_135 = tpu.vector_load %arg7[%get3A_133, %get3A_134] {strides = array<i32>} : memref<50x32xf32, #tpu.memory_space<vmem>>, vector<1x16xf32>,
      %get3A_136 = vector.shape_cast %get3A_135 : vector<1x16xf32> to vector<16xf32>
      %add3A_137 = arith.addf %add3A_113, %get3A_136 : vector<16xf32>
      %get3A_138 = arith.constant 11 : i32
      %get3A_139 = arith.index_cast %get3A_138 : i32 to index
      %get3A_140 = arith.constant 0 : index
      %get3A_141 = tpu.vector_load %arg7[%get3A_139, %get3A_140] {strides = array<i32>} : memref<50x32xf32, #tpu.memory_space<vmem>>, vector<1x16xf32>,
      %get3A_142 = vector.shape_cast %get3A_141 : vector<1x16xf32> to vector<16xf32>
      %add3A_143 = arith.addf %add3A_119, %get3A_142 : vector<16xf32>
      %get3A_144 = arith.constant 12 : i32
      %get3A_145 = arith.index_cast %get3A_144 : i32 to index
      %get3A_146 = arith.constant 0 : index
      %get3A_147 = tpu.vector_load %arg7[%get3A_145, %get3A_146] {strides = array<i32>} : memref<50x32xf32, #tpu.memory_space<vmem>>, vector<1x16xf32>,
      %get3A_148 = vector.shape_cast %get3A_147 : vector<1x16xf32> to vector<16xf32>
      %add3A_149 = arith.addf %add3A_125, %get3A_148 : vector<16xf32>
      %get3A_150 = arith.constant 13 : i32
      %get3A_151 = arith.index_cast %get3A_150 : i32 to index
      %get3A_152 = arith.constant 0 : index
      %get3A_153 = tpu.vector_load %arg7[%get3A_151, %get3A_152] {strides = array<i32>} : memref<50x32xf32, #tpu.memory_space<vmem>>, vector<1x16xf32>,
      %get3A_154 = vector.shape_cast %get3A_153 : vector<1x16xf32> to vector<16xf32>
      %add3A_155 = arith.addf %add3A_131, %get3A_154 : vector<16xf32>
      %get3A_156 = arith.constant 14 : i32
      %get3A_157 = arith.index_cast %get3A_156 : i32 to index
      %get3A_158 = arith.constant 0 : index
      %get3A_159 = tpu.vector_load %arg7[%get3A_157, %get3A_158] {strides = array<i32>} : memref<50x32xf32, #tpu.memory_space<vmem>>, vector<1x16xf32>,
      %get3A_160 = vector.shape_cast %get3A_159 : vector<1x16xf32> to vector<16xf32>
      %add3A_161 = arith.addf %add3A_137, %get3A_160 : vector<16xf32>
      %get3A_162 = arith.constant 15 : i32
      %get3A_163 = arith.index_cast %get3A_162 : i32 to index
      %get3A_164 = arith.constant 0 : index
      %get3A_165 = tpu.vector_load %arg7[%get3A_163, %get3A_164] {strides = array<i32>} : memref<50x32xf32, #tpu.memory_space<vmem>>, vector<1x16xf32>,
      %get3A_166 = vector.shape_cast %get3A_165 : vector<1x16xf32> to vector<16xf32>
      %add3A_167 = arith.addf %add3A_143, %get3A_166 : vector<16xf32>
      %get3A_168 = arith.constant 16 : i32
      %get3A_169 = arith.index_cast %get3A_168 : i32 to index
      %get3A_170 = arith.constant 0 : index
      %get3A_171 = tpu.vector_load %arg7[%get3A_169, %get3A_170] {strides = array<i32>} : memref<50x32xf32, #tpu.memory_space<vmem>>, vector<1x16xf32>,
      %get3A_172 = vector.shape_cast %get3A_171 : vector<1x16xf32> to vector<16xf32>
      %add3A_173 = arith.addf %add3A_149, %get3A_172 : vector<16xf32>
      %get3A_174 = arith.constant 17 : i32
      %get3A_175 = arith.index_cast %get3A_174 : i32 to index
      %get3A_176 = arith.constant 0 : index
      %get3A_177 = tpu.vector_load %arg7[%get3A_175, %get3A_176] {strides = array<i32>} : memref<50x32xf32, #tpu.memory_space<vmem>>, vector<1x16xf32>,
      %get3A_178 = vector.shape_cast %get3A_177 : vector<1x16xf32> to vector<16xf32>
      %add3A_179 = arith.addf %add3A_155, %get3A_178 : vector<16xf32>
      %get3A_180 = arith.constant 18 : i32
      %get3A_181 = arith.index_cast %get3A_180 : i32 to index
      %get3A_182 = arith.constant 0 : index
      %get3A_183 = tpu.vector_load %arg7[%get3A_181, %get3A_182] {strides = array<i32>} : memref<50x32xf32, #tpu.memory_space<vmem>>, vector<1x16xf32>,
      %get3A_184 = vector.shape_cast %get3A_183 : vector<1x16xf32> to vector<16xf32>
      %add3A_185 = arith.addf %add3A_161, %get3A_184 : vector<16xf32>
      %get3A_186 = arith.constant 19 : i32
      %get3A_187 = arith.index_cast %get3A_186 : i32 to index
      %get3A_188 = arith.constant 0 : index
      %get3A_189 = tpu.vector_load %arg7[%get3A_187, %get3A_188] {strides = array<i32>} : memref<50x32xf32, #tpu.memory_space<vmem>>, vector<1x16xf32>,
      %get3A_190 = vector.shape_cast %get3A_189 : vector<1x16xf32> to vector<16xf32>
      %add3A_191 = arith.addf %add3A_167, %get3A_190 : vector<16xf32>
      %get3A_192 = arith.constant 20 : i32
      %get3A_193 = arith.index_cast %get3A_192 : i32 to index
      %get3A_194 = arith.constant 0 : index
      %get3A_195 = tpu.vector_load %arg7[%get3A_193, %get3A_194] {strides = array<i32>} : memref<50x32xf32, #tpu.memory_space<vmem>>, vector<1x16xf32>,
      %get3A_196 = vector.shape_cast %get3A_195 : vector<1x16xf32> to vector<16xf32>
      %add3A_197 = arith.addf %add3A_173, %get3A_196 : vector<16xf32>
      %get3A_198 = arith.constant 21 : i32
      %get3A_199 = arith.index_cast %get3A_198 : i32 to index
      %get3A_200 = arith.constant 0 : index
      %get3A_201 = tpu.vector_load %arg7[%get3A_199, %get3A_200] {strides = array<i32>} : memref<50x32xf32, #tpu.memory_space<vmem>>, vector<1x16xf32>,
      %get3A_202 = vector.shape_cast %get3A_201 : vector<1x16xf32> to vector<16xf32>
      %add3A_203 = arith.addf %add3A_179, %get3A_202 : vector<16xf32>
      %get3A_204 = arith.constant 22 : i32
      %get3A_205 = arith.index_cast %get3A_204 : i32 to index
      %get3A_206 = arith.constant 0 : index
      %get3A_207 = tpu.vector_load %arg7[%get3A_205, %get3A_206] {strides = array<i32>} : memref<50x32xf32, #tpu.memory_space<vmem>>, vector<1x16xf32>,
      %get3A_208 = vector.shape_cast %get3A_207 : vector<1x16xf32> to vector<16xf32>
      %add3A_209 = arith.addf %add3A_185, %get3A_208 : vector<16xf32>
      %get3A_210 = arith.constant 23 : i32
      %get3A_211 = arith.index_cast %get3A_210 : i32 to index
      %get3A_212 = arith.constant 0 : index
      %get3A_213 = tpu.vector_load %arg7[%get3A_211, %get3A_212] {strides = array<i32>} : memref<50x32xf32, #tpu.memory_space<vmem>>, vector<1x16xf32>,
      %get3A_214 = vector.shape_cast %get3A_213 : vector<1x16xf32> to vector<16xf32>
      %add3A_215 = arith.addf %add3A_191, %get3A_214 : vector<16xf32>
      %get3A_216 = arith.constant 24 : i32
      %get3A_217 = arith.index_cast %get3A_216 : i32 to index
      %get3A_218 = arith.constant 0 : index
      %get3A_219 = tpu.vector_load %arg7[%get3A_217, %get3A_218] {strides = array<i32>} : memref<50x32xf32, #tpu.memory_space<vmem>>, vector<1x16xf32>,
      %get3A_220 = vector.shape_cast %get3A_219 : vector<1x16xf32> to vector<16xf32>
      %add3A_221 = arith.addf %add3A_197, %get3A_220 : vector<16xf32>
      %get3A_222 = arith.constant 25 : i32
      %get3A_223 = arith.index_cast %get3A_222 : i32 to index
      %get3A_224 = arith.constant 0 : index
      %get3A_225 = tpu.vector_load %arg7[%get3A_223, %get3A_224] {strides = array<i32>} : memref<50x32xf32, #tpu.memory_space<vmem>>, vector<1x16xf32>,
      %get3A_226 = vector.shape_cast %get3A_225 : vector<1x16xf32> to vector<16xf32>
      %add3A_227 = arith.addf %add3A_203, %get3A_226 : vector<16xf32>
      %get3A_228 = arith.constant 26 : i32
      %get3A_229 = arith.index_cast %get3A_228 : i32 to index
      %get3A_230 = arith.constant 0 : index
      %get3A_231 = tpu.vector_load %arg7[%get3A_229, %get3A_230] {strides = array<i32>} : memref<50x32xf32, #tpu.memory_space<vmem>>, vector<1x16xf32>,
      %get3A_232 = vector.shape_cast %get3A_231 : vector<1x16xf32> to vector<16xf32>
      %add3A_233 = arith.addf %add3A_209, %get3A_232 : vector<16xf32>
      %get3A_234 = arith.constant 27 : i32
      %get3A_235 = arith.index_cast %get3A_234 : i32 to index
      %get3A_236 = arith.constant 0 : index
      %get3A_237 = tpu.vector_load %arg7[%get3A_235, %get3A_236] {strides = array<i32>} : memref<50x32xf32, #tpu.memory_space<vmem>>, vector<1x16xf32>,
      %get3A_238 = vector.shape_cast %get3A_237 : vector<1x16xf32> to vector<16xf32>
      %add3A_239 = arith.addf %add3A_215, %get3A_238 : vector<16xf32>
      %get3A_240 = arith.constant 28 : i32
      %get3A_241 = arith.index_cast %get3A_240 : i32 to index
      %get3A_242 = arith.constant 0 : index
      %get3A_243 = tpu.vector_load %arg7[%get3A_241, %get3A_242] {strides = array<i32>} : memref<50x32xf32, #tpu.memory_space<vmem>>, vector<1x16xf32>,
      %get3A_244 = vector.shape_cast %get3A_243 : vector<1x16xf32> to vector<16xf32>
      %add3A_245 = arith.addf %add3A_221, %get3A_244 : vector<16xf32>
      %get3A_246 = arith.constant 29 : i32
      %get3A_247 = arith.index_cast %get3A_246 : i32 to index
      %get3A_248 = arith.constant 0 : index
      %get3A_249 = tpu.vector_load %arg7[%get3A_247, %get3A_248] {strides = array<i32>} : memref<50x32xf32, #tpu.memory_space<vmem>>, vector<1x16xf32>,
      %get3A_250 = vector.shape_cast %get3A_249 : vector<1x16xf32> to vector<16xf32>
      %add3A_251 = arith.addf %add3A_227, %get3A_250 : vector<16xf32>
      %get3A_252 = arith.constant 30 : i32
      %get3A_253 = arith.index_cast %get3A_252 : i32 to index
      %get3A_254 = arith.constant 0 : index
      %get3A_255 = tpu.vector_load %arg7[%get3A_253, %get3A_254] {strides = array<i32>} : memref<50x32xf32, #tpu.memory_space<vmem>>, vector<1x16xf32>,
      %get3A_256 = vector.shape_cast %get3A_255 : vector<1x16xf32> to vector<16xf32>
      %add3A_257 = arith.addf %add3A_233, %get3A_256 : vector<16xf32>
      %get3A_258 = arith.constant 31 : i32
      %get3A_259 = arith.index_cast %get3A_258 : i32 to index
      %get3A_260 = arith.constant 0 : index
      %get3A_261 = tpu.vector_load %arg7[%get3A_259, %get3A_260] {strides = array<i32>} : memref<50x32xf32, #tpu.memory_space<vmem>>, vector<1x16xf32>,
      %get3A_262 = vector.shape_cast %get3A_261 : vector<1x16xf32> to vector<16xf32>
      %add3A_263 = arith.addf %add3A_239, %get3A_262 : vector<16xf32>
      %get3A_264 = arith.constant 32 : i32
      %get3A_265 = arith.index_cast %get3A_264 : i32 to index
      %get3A_266 = arith.constant 0 : index
      %get3A_267 = tpu.vector_load %arg7[%get3A_265, %get3A_266] {strides = array<i32>} : memref<50x32xf32, #tpu.memory_space<vmem>>, vector<1x16xf32>,
      %get3A_268 = vector.shape_cast %get3A_267 : vector<1x16xf32> to vector<16xf32>
      %add3A_269 = arith.addf %add3A_245, %get3A_268 : vector<16xf32>
      %get3A_270 = arith.constant 33 : i32
      %get3A_271 = arith.index_cast %get3A_270 : i32 to index
      %get3A_272 = arith.constant 0 : index
      %get3A_273 = tpu.vector_load %arg7[%get3A_271, %get3A_272] {strides = array<i32>} : memref<50x32xf32, #tpu.memory_space<vmem>>, vector<1x16xf32>,
      %get3A_274 = vector.shape_cast %get3A_273 : vector<1x16xf32> to vector<16xf32>
      %add3A_275 = arith.addf %add3A_251, %get3A_274 : vector<16xf32>
      %get3A_276 = arith.constant 34 : i32
      %get3A_277 = arith.index_cast %get3A_276 : i32 to index
      %get3A_278 = arith.constant 0 : index
      %get3A_279 = tpu.vector_load %arg7[%get3A_277, %get3A_278] {strides = array<i32>} : memref<50x32xf32, #tpu.memory_space<vmem>>, vector<1x16xf32>,
      %get3A_280 = vector.shape_cast %get3A_279 : vector<1x16xf32> to vector<16xf32>
      %add3A_281 = arith.addf %add3A_257, %get3A_280 : vector<16xf32>
      %get3A_282 = arith.constant 35 : i32
      %get3A_283 = arith.index_cast %get3A_282 : i32 to index
      %get3A_284 = arith.constant 0 : index
      %get3A_285 = tpu.vector_load %arg7[%get3A_283, %get3A_284] {strides = array<i32>} : memref<50x32xf32, #tpu.memory_space<vmem>>, vector<1x16xf32>,
      %get3A_286 = vector.shape_cast %get3A_285 : vector<1x16xf32> to vector<16xf32>
      %add3A_287 = arith.addf %add3A_263, %get3A_286 : vector<16xf32>
      %get3A_288 = arith.constant 36 : i32
      %get3A_289 = arith.index_cast %get3A_288 : i32 to index
      %get3A_290 = arith.constant 0 : index
      %get3A_291 = tpu.vector_load %arg7[%get3A_289, %get3A_290] {strides = array<i32>} : memref<50x32xf32, #tpu.memory_space<vmem>>, vector<1x16xf32>,
      %get3A_292 = vector.shape_cast %get3A_291 : vector<1x16xf32> to vector<16xf32>
      %add3A_293 = arith.addf %add3A_269, %get3A_292 : vector<16xf32>
      %get3A_294 = arith.constant 37 : i32
      %get3A_295 = arith.index_cast %get3A_294 : i32 to index
      %get3A_296 = arith.constant 0 : index
      %get3A_297 = tpu.vector_load %arg7[%get3A_295, %get3A_296] {strides = array<i32>} : memref<50x32xf32, #tpu.memory_space<vmem>>, vector<1x16xf32>,
      %get3A_298 = vector.shape_cast %get3A_297 : vector<1x16xf32> to vector<16xf32>
      %add3A_299 = arith.addf %add3A_275, %get3A_298 : vector<16xf32>
      %get3A_300 = arith.constant 38 : i32
      %get3A_301 = arith.index_cast %get3A_300 : i32 to index
      %get3A_302 = arith.constant 0 : index
      %get3A_303 = tpu.vector_load %arg7[%get3A_301, %get3A_302] {strides = array<i32>} : memref<50x32xf32, #tpu.memory_space<vmem>>, vector<1x16xf32>,
      %get3A_304 = vector.shape_cast %get3A_303 : vector<1x16xf32> to vector<16xf32>
      %add3A_305 = arith.addf %add3A_281, %get3A_304 : vector<16xf32>
      %get3A_306 = arith.constant 39 : i32
      %get3A_307 = arith.index_cast %get3A_306 : i32 to index
      %get3A_308 = arith.constant 0 : index
      %get3A_309 = tpu.vector_load %arg7[%get3A_307, %get3A_308] {strides = array<i32>} : memref<50x32xf32, #tpu.memory_space<vmem>>, vector<1x16xf32>,
      %get3A_310 = vector.shape_cast %get3A_309 : vector<1x16xf32> to vector<16xf32>
      %add3A_311 = arith.addf %add3A_287, %get3A_310 : vector<16xf32>
      %get3A_312 = arith.constant 40 : i32
      %get3A_313 = arith.index_cast %get3A_312 : i32 to index
      %get3A_314 = arith.constant 0 : index
      %get3A_315 = tpu.vector_load %arg7[%get3A_313, %get3A_314] {strides = array<i32>} : memref<50x32xf32, #tpu.memory_space<vmem>>, vector<1x16xf32>,
      %get3A_316 = vector.shape_cast %get3A_315 : vector<1x16xf32> to vector<16xf32>
      %add3A_317 = arith.addf %add3A_293, %get3A_316 : vector<16xf32>
      %get3A_318 = arith.constant 41 : i32
      %get3A_319 = arith.index_cast %get3A_318 : i32 to index
      %get3A_320 = arith.constant 0 : index
      %get3A_321 = tpu.vector_load %arg7[%get3A_319, %get3A_320] {strides = array<i32>} : memref<50x32xf32, #tpu.memory_space<vmem>>, vector<1x16xf32>,
      %get3A_322 = vector.shape_cast %get3A_321 : vector<1x16xf32> to vector<16xf32>
      %add3A_323 = arith.addf %add3A_299, %get3A_322 : vector<16xf32>
      %get3A_324 = arith.constant 42 : i32
      %get3A_325 = arith.index_cast %get3A_324 : i32 to index
      %get3A_326 = arith.constant 0 : index
      %get3A_327 = tpu.vector_load %arg7[%get3A_325, %get3A_326] {strides = array<i32>} : memref<50x32xf32, #tpu.memory_space<vmem>>, vector<1x16xf32>,
      %get3A_328 = vector.shape_cast %get3A_327 : vector<1x16xf32> to vector<16xf32>
      %add3A_329 = arith.addf %add3A_305, %get3A_328 : vector<16xf32>
      %get3A_330 = arith.constant 43 : i32
      %get3A_331 = arith.index_cast %get3A_330 : i32 to index
      %get3A_332 = arith.constant 0 : index
      %get3A_333 = tpu.vector_load %arg7[%get3A_331, %get3A_332] {strides = array<i32>} : memref<50x32xf32, #tpu.memory_space<vmem>>, vector<1x16xf32>,
      %get3A_334 = vector.shape_cast %get3A_333 : vector<1x16xf32> to vector<16xf32>
      %add3A_335 = arith.addf %add3A_311, %get3A_334 : vector<16xf32>
      %get3A_336 = arith.constant 44 : i32
      %get3A_337 = arith.index_cast %get3A_336 : i32 to index
      %get3A_338 = arith.constant 0 : index
      %get3A_339 = tpu.vector_load %arg7[%get3A_337, %get3A_338] {strides = array<i32>} : memref<50x32xf32, #tpu.memory_space<vmem>>, vector<1x16xf32>,
      %get3A_340 = vector.shape_cast %get3A_339 : vector<1x16xf32> to vector<16xf32>
      %add3A_341 = arith.addf %add3A_317, %get3A_340 : vector<16xf32>
      %get3A_342 = arith.constant 45 : i32
      %get3A_343 = arith.index_cast %get3A_342 : i32 to index
      %get3A_344 = arith.constant 0 : index
      %get3A_345 = tpu.vector_load %arg7[%get3A_343, %get3A_344] {strides = array<i32>} : memref<50x32xf32, #tpu.memory_space<vmem>>, vector<1x16xf32>,
      %get3A_346 = vector.shape_cast %get3A_345 : vector<1x16xf32> to vector<16xf32>
      %add3A_347 = arith.addf %add3A_323, %get3A_346 : vector<16xf32>
      %get3A_348 = arith.constant 46 : i32
      %get3A_349 = arith.index_cast %get3A_348 : i32 to index
      %get3A_350 = arith.constant 0 : index
      %get3A_351 = tpu.vector_load %arg7[%get3A_349, %get3A_350] {strides = array<i32>} : memref<50x32xf32, #tpu.memory_space<vmem>>, vector<1x16xf32>,
      %get3A_352 = vector.shape_cast %get3A_351 : vector<1x16xf32> to vector<16xf32>
      %add3A_353 = arith.addf %add3A_329, %get3A_352 : vector<16xf32>
      %get3A_354 = arith.constant 47 : i32
      %get3A_355 = arith.index_cast %get3A_354 : i32 to index
      %get3A_356 = arith.constant 0 : index
      %get3A_357 = tpu.vector_load %arg7[%get3A_355, %get3A_356] {strides = array<i32>} : memref<50x32xf32, #tpu.memory_space<vmem>>, vector<1x16xf32>,
      %get3A_358 = vector.shape_cast %get3A_357 : vector<1x16xf32> to vector<16xf32>
      %add3A_359 = arith.addf %add3A_335, %get3A_358 : vector<16xf32>
      %get3A_360 = arith.constant 48 : i32
      %get3A_361 = arith.index_cast %get3A_360 : i32 to index
      %get3A_362 = arith.constant 0 : index
      %get3A_363 = tpu.vector_load %arg7[%get3A_361, %get3A_362] {strides = array<i32>} : memref<50x32xf32, #tpu.memory_space<vmem>>, vector<1x16xf32>,
      %get3A_364 = vector.shape_cast %get3A_363 : vector<1x16xf32> to vector<16xf32>
      %add3A_365 = arith.addf %add3A_341, %get3A_364 : vector<16xf32>
      %get3A_366 = arith.constant 49 : i32
      %get3A_367 = arith.index_cast %get3A_366 : i32 to index
      %get3A_368 = arith.constant 0 : index
      %get3A_369 = tpu.vector_load %arg7[%get3A_367, %get3A_368] {strides = array<i32>} : memref<50x32xf32, #tpu.memory_space<vmem>>, vector<1x16xf32>,
      %get3A_370 = vector.shape_cast %get3A_369 : vector<1x16xf32> to vector<16xf32>
      %add3A_371 = arith.addf %add3A_347, %get3A_370 : vector<16xf32>
      %add3A_372 = arith.addf %add3A_365, %add3A_371 : vector<16xf32>
      %add3A_373 = arith.addf %add3A_353, %add3A_359 : vector<16xf32>
      %add3A_374 = arith.addf %add3A_372, %add3A_373 : vector<16xf32>
      %get3A_375 = arith.constant 0 : index
      %get3A_376 = tpu.vector_load %arg16[%get3A_375] {strides = array<i32>} : memref<32xf32, #tpu.memory_space<vmem>>, vector<16xf32>,
      %get3A_377 = vector.shape_cast %get3A_376 : vector<16xf32> to vector<16xf32>
      %add3A_378 = arith.addf %add3A_374, %get3A_377 : vector<16xf32>
      %swap3A = arith.index_cast %add3A_76 : i32 to index
      %swap3A_379 = arith.constant 0 : index
      %swap3A_380 = tpu.vector_load %arg15[%swap3A, %swap3A_379] {strides = array<i32>} : memref<512x32xf32, #tpu.memory_space<vmem>>, vector<1x16xf32>,
      %swap3A_381 = vector.shape_cast %swap3A_380 : vector<1x16xf32> to vector<16xf32>
      %swap3A_382 = vector.shape_cast %add3A_378 : vector<16xf32> to vector<1x16xf32>
      tpu.vector_store %arg15[%swap3A, %swap3A_379], %swap3A_382 {strides = array<i32>} : memref<512x32xf32, #tpu.memory_space<vmem>>, vector<1x16xf32>,
      %get3A_383 = arith.constant 0 : i32
      %get3A_384 = arith.index_cast %get3A_383 : i32 to index
      %get3A_385 = arith.constant 16 : index
      %get3A_386 = tpu.vector_load %arg7[%get3A_384, %get3A_385] {strides = array<i32>} : memref<50x32xf32, #tpu.memory_space<vmem>>, vector<1x16xf32>,
      %get3A_387 = vector.shape_cast %get3A_386 : vector<1x16xf32> to vector<16xf32>
      %get3A_388 = arith.constant 1 : i32
      %get3A_389 = arith.index_cast %get3A_388 : i32 to index
      %get3A_390 = arith.constant 16 : index
      %get3A_391 = tpu.vector_load %arg7[%get3A_389, %get3A_390] {strides = array<i32>} : memref<50x32xf32, #tpu.memory_space<vmem>>, vector<1x16xf32>,
      %get3A_392 = vector.shape_cast %get3A_391 : vector<1x16xf32> to vector<16xf32>
      %get3A_393 = arith.constant 2 : i32
      %get3A_394 = arith.index_cast %get3A_393 : i32 to index
      %get3A_395 = arith.constant 16 : index
      %get3A_396 = tpu.vector_load %arg7[%get3A_394, %get3A_395] {strides = array<i32>} : memref<50x32xf32, #tpu.memory_space<vmem>>, vector<1x16xf32>,
      %get3A_397 = vector.shape_cast %get3A_396 : vector<1x16xf32> to vector<16xf32>
      %get3A_398 = arith.constant 3 : i32
      %get3A_399 = arith.index_cast %get3A_398 : i32 to index
      %get3A_400 = arith.constant 16 : index
      %get3A_401 = tpu.vector_load %arg7[%get3A_399, %get3A_400] {strides = array<i32>} : memref<50x32xf32, #tpu.memory_space<vmem>>, vector<1x16xf32>,
      %get3A_402 = vector.shape_cast %get3A_401 : vector<1x16xf32> to vector<16xf32>
      %get3A_403 = arith.constant 4 : i32
      %get3A_404 = arith.index_cast %get3A_403 : i32 to index
      %get3A_405 = arith.constant 16 : index
      %get3A_406 = tpu.vector_load %arg7[%get3A_404, %get3A_405] {strides = array<i32>} : memref<50x32xf32, #tpu.memory_space<vmem>>, vector<1x16xf32>,
      %get3A_407 = vector.shape_cast %get3A_406 : vector<1x16xf32> to vector<16xf32>
      %add3A_408 = arith.addf %get3A_387, %get3A_407 : vector<16xf32>
      %get3A_409 = arith.constant 5 : i32
      %get3A_410 = arith.index_cast %get3A_409 : i32 to index
      %get3A_411 = arith.constant 16 : index
      %get3A_412 = tpu.vector_load %arg7[%get3A_410, %get3A_411] {strides = array<i32>} : memref<50x32xf32, #tpu.memory_space<vmem>>, vector<1x16xf32>,
      %get3A_413 = vector.shape_cast %get3A_412 : vector<1x16xf32> to vector<16xf32>
      %add3A_414 = arith.addf %get3A_392, %get3A_413 : vector<16xf32>
      %get3A_415 = arith.constant 6 : i32
      %get3A_416 = arith.index_cast %get3A_415 : i32 to index
      %get3A_417 = arith.constant 16 : index
      %get3A_418 = tpu.vector_load %arg7[%get3A_416, %get3A_417] {strides = array<i32>} : memref<50x32xf32, #tpu.memory_space<vmem>>, vector<1x16xf32>,
      %get3A_419 = vector.shape_cast %get3A_418 : vector<1x16xf32> to vector<16xf32>
      %add3A_420 = arith.addf %get3A_397, %get3A_419 : vector<16xf32>
      %get3A_421 = arith.constant 7 : i32
      %get3A_422 = arith.index_cast %get3A_421 : i32 to index
      %get3A_423 = arith.constant 16 : index
      %get3A_424 = tpu.vector_load %arg7[%get3A_422, %get3A_423] {strides = array<i32>} : memref<50x32xf32, #tpu.memory_space<vmem>>, vector<1x16xf32>,
      %get3A_425 = vector.shape_cast %get3A_424 : vector<1x16xf32> to vector<16xf32>
      %add3A_426 = arith.addf %get3A_402, %get3A_425 : vector<16xf32>
      %get3A_427 = arith.constant 8 : i32
      %get3A_428 = arith.index_cast %get3A_427 : i32 to index
      %get3A_429 = arith.constant 16 : index
      %get3A_430 = tpu.vector_load %arg7[%get3A_428, %get3A_429] {strides = array<i32>} : memref<50x32xf32, #tpu.memory_space<vmem>>, vector<1x16xf32>,
      %get3A_431 = vector.shape_cast %get3A_430 : vector<1x16xf32> to vector<16xf32>
      %add3A_432 = arith.addf %add3A_408, %get3A_431 : vector<16xf32>
      %get3A_433 = arith.constant 9 : i32
      %get3A_434 = arith.index_cast %get3A_433 : i32 to index
      %get3A_435 = arith.constant 16 : index
      %get3A_436 = tpu.vector_load %arg7[%get3A_434, %get3A_435] {strides = array<i32>} : memref<50x32xf32, #tpu.memory_space<vmem>>, vector<1x16xf32>,
      %get3A_437 = vector.shape_cast %get3A_436 : vector<1x16xf32> to vector<16xf32>
      %add3A_438 = arith.addf %add3A_414, %get3A_437 : vector<16xf32>
      %get3A_439 = arith.constant 10 : i32
      %get3A_440 = arith.index_cast %get3A_439 : i32 to index
      %get3A_441 = arith.constant 16 : index
      %get3A_442 = tpu.vector_load %arg7[%get3A_440, %get3A_441] {strides = array<i32>} : memref<50x32xf32, #tpu.memory_space<vmem>>, vector<1x16xf32>,
      %get3A_443 = vector.shape_cast %get3A_442 : vector<1x16xf32> to vector<16xf32>
      %add3A_444 = arith.addf %add3A_420, %get3A_443 : vector<16xf32>
      %get3A_445 = arith.constant 11 : i32
      %get3A_446 = arith.index_cast %get3A_445 : i32 to index
      %get3A_447 = arith.constant 16 : index
      %get3A_448 = tpu.vector_load %arg7[%get3A_446, %get3A_447] {strides = array<i32>} : memref<50x32xf32, #tpu.memory_space<vmem>>, vector<1x16xf32>,
      %get3A_449 = vector.shape_cast %get3A_448 : vector<1x16xf32> to vector<16xf32>
      %add3A_450 = arith.addf %add3A_426, %get3A_449 : vector<16xf32>
      %get3A_451 = arith.constant 12 : i32
      %get3A_452 = arith.index_cast %get3A_451 : i32 to index
      %get3A_453 = arith.constant 16 : index
      %get3A_454 = tpu.vector_load %arg7[%get3A_452, %get3A_453] {strides = array<i32>} : memref<50x32xf32, #tpu.memory_space<vmem>>, vector<1x16xf32>,
      %get3A_455 = vector.shape_cast %get3A_454 : vector<1x16xf32> to vector<16xf32>
      %add3A_456 = arith.addf %add3A_432, %get3A_455 : vector<16xf32>
      %get3A_457 = arith.constant 13 : i32
      %get3A_458 = arith.index_cast %get3A_457 : i32 to index
      %get3A_459 = arith.constant 16 : index
      %get3A_460 = tpu.vector_load %arg7[%get3A_458, %get3A_459] {strides = array<i32>} : memref<50x32xf32, #tpu.memory_space<vmem>>, vector<1x16xf32>,
      %get3A_461 = vector.shape_cast %get3A_460 : vector<1x16xf32> to vector<16xf32>
      %add3A_462 = arith.addf %add3A_438, %get3A_461 : vector<16xf32>
      %get3A_463 = arith.constant 14 : i32
      %get3A_464 = arith.index_cast %get3A_463 : i32 to index
      %get3A_465 = arith.constant 16 : index
      %get3A_466 = tpu.vector_load %arg7[%get3A_464, %get3A_465] {strides = array<i32>} : memref<50x32xf32, #tpu.memory_space<vmem>>, vector<1x16xf32>,
      %get3A_467 = vector.shape_cast %get3A_466 : vector<1x16xf32> to vector<16xf32>
      %add3A_468 = arith.addf %add3A_444, %get3A_467 : vector<16xf32>
      %get3A_469 = arith.constant 15 : i32
      %get3A_470 = arith.index_cast %get3A_469 : i32 to index
      %get3A_471 = arith.constant 16 : index
      %get3A_472 = tpu.vector_load %arg7[%get3A_470, %get3A_471] {strides = array<i32>} : memref<50x32xf32, #tpu.memory_space<vmem>>, vector<1x16xf32>,
      %get3A_473 = vector.shape_cast %get3A_472 : vector<1x16xf32> to vector<16xf32>
      %add3A_474 = arith.addf %add3A_450, %get3A_473 : vector<16xf32>
      %get3A_475 = arith.constant 16 : i32
      %get3A_476 = arith.index_cast %get3A_475 : i32 to index
      %get3A_477 = arith.constant 16 : index
      %get3A_478 = tpu.vector_load %arg7[%get3A_476, %get3A_477] {strides = array<i32>} : memref<50x32xf32, #tpu.memory_space<vmem>>, vector<1x16xf32>,
      %get3A_479 = vector.shape_cast %get3A_478 : vector<1x16xf32> to vector<16xf32>
      %add3A_480 = arith.addf %add3A_456, %get3A_479 : vector<16xf32>
      %get3A_481 = arith.constant 17 : i32
      %get3A_482 = arith.index_cast %get3A_481 : i32 to index
      %get3A_483 = arith.constant 16 : index
      %get3A_484 = tpu.vector_load %arg7[%get3A_482, %get3A_483] {strides = array<i32>} : memref<50x32xf32, #tpu.memory_space<vmem>>, vector<1x16xf32>,
      %get3A_485 = vector.shape_cast %get3A_484 : vector<1x16xf32> to vector<16xf32>
      %add3A_486 = arith.addf %add3A_462, %get3A_485 : vector<16xf32>
      %get3A_487 = arith.constant 18 : i32
      %get3A_488 = arith.index_cast %get3A_487 : i32 to index
      %get3A_489 = arith.constant 16 : index
      %get3A_490 = tpu.vector_load %arg7[%get3A_488, %get3A_489] {strides = array<i32>} : memref<50x32xf32, #tpu.memory_space<vmem>>, vector<1x16xf32>,
      %get3A_491 = vector.shape_cast %get3A_490 : vector<1x16xf32> to vector<16xf32>
      %add3A_492 = arith.addf %add3A_468, %get3A_491 : vector<16xf32>
      %get3A_493 = arith.constant 19 : i32
      %get3A_494 = arith.index_cast %get3A_493 : i32 to index
      %get3A_495 = arith.constant 16 : index
      %get3A_496 = tpu.vector_load %arg7[%get3A_494, %get3A_495] {strides = array<i32>} : memref<50x32xf32, #tpu.memory_space<vmem>>, vector<1x16xf32>,
      %get3A_497 = vector.shape_cast %get3A_496 : vector<1x16xf32> to vector<16xf32>
      %add3A_498 = arith.addf %add3A_474, %get3A_497 : vector<16xf32>
      %get3A_499 = arith.constant 20 : i32
      %get3A_500 = arith.index_cast %get3A_499 : i32 to index
      %get3A_501 = arith.constant 16 : index
      %get3A_502 = tpu.vector_load %arg7[%get3A_500, %get3A_501] {strides = array<i32>} : memref<50x32xf32, #tpu.memory_space<vmem>>, vector<1x16xf32>,
      %get3A_503 = vector.shape_cast %get3A_502 : vector<1x16xf32> to vector<16xf32>
      %add3A_504 = arith.addf %add3A_480, %get3A_503 : vector<16xf32>
      %get3A_505 = arith.constant 21 : i32
      %get3A_506 = arith.index_cast %get3A_505 : i32 to index
      %get3A_507 = arith.constant 16 : index
      %get3A_508 = tpu.vector_load %arg7[%get3A_506, %get3A_507] {strides = array<i32>} : memref<50x32xf32, #tpu.memory_space<vmem>>, vector<1x16xf32>,
      %get3A_509 = vector.shape_cast %get3A_508 : vector<1x16xf32> to vector<16xf32>
      %add3A_510 = arith.addf %add3A_486, %get3A_509 : vector<16xf32>
      %get3A_511 = arith.constant 22 : i32
      %get3A_512 = arith.index_cast %get3A_511 : i32 to index
      %get3A_513 = arith.constant 16 : index
      %get3A_514 = tpu.vector_load %arg7[%get3A_512, %get3A_513] {strides = array<i32>} : memref<50x32xf32, #tpu.memory_space<vmem>>, vector<1x16xf32>,
      %get3A_515 = vector.shape_cast %get3A_514 : vector<1x16xf32> to vector<16xf32>
      %add3A_516 = arith.addf %add3A_492, %get3A_515 : vector<16xf32>
      %get3A_517 = arith.constant 23 : i32
      %get3A_518 = arith.index_cast %get3A_517 : i32 to index
      %get3A_519 = arith.constant 16 : index
      %get3A_520 = tpu.vector_load %arg7[%get3A_518, %get3A_519] {strides = array<i32>} : memref<50x32xf32, #tpu.memory_space<vmem>>, vector<1x16xf32>,
      %get3A_521 = vector.shape_cast %get3A_520 : vector<1x16xf32> to vector<16xf32>
      %add3A_522 = arith.addf %add3A_498, %get3A_521 : vector<16xf32>
      %get3A_523 = arith.constant 24 : i32
      %get3A_524 = arith.index_cast %get3A_523 : i32 to index
      %get3A_525 = arith.constant 16 : index
      %get3A_526 = tpu.vector_load %arg7[%get3A_524, %get3A_525] {strides = array<i32>} : memref<50x32xf32, #tpu.memory_space<vmem>>, vector<1x16xf32>,
      %get3A_527 = vector.shape_cast %get3A_526 : vector<1x16xf32> to vector<16xf32>
      %add3A_528 = arith.addf %add3A_504, %get3A_527 : vector<16xf32>
      %get3A_529 = arith.constant 25 : i32
      %get3A_530 = arith.index_cast %get3A_529 : i32 to index
      %get3A_531 = arith.constant 16 : index
      %get3A_532 = tpu.vector_load %arg7[%get3A_530, %get3A_531] {strides = array<i32>} : memref<50x32xf32, #tpu.memory_space<vmem>>, vector<1x16xf32>,
      %get3A_533 = vector.shape_cast %get3A_532 : vector<1x16xf32> to vector<16xf32>
      %add3A_534 = arith.addf %add3A_510, %get3A_533 : vector<16xf32>
      %get3A_535 = arith.constant 26 : i32
      %get3A_536 = arith.index_cast %get3A_535 : i32 to index
      %get3A_537 = arith.constant 16 : index
      %get3A_538 = tpu.vector_load %arg7[%get3A_536, %get3A_537] {strides = array<i32>} : memref<50x32xf32, #tpu.memory_space<vmem>>, vector<1x16xf32>,
      %get3A_539 = vector.shape_cast %get3A_538 : vector<1x16xf32> to vector<16xf32>
      %add3A_540 = arith.addf %add3A_516, %get3A_539 : vector<16xf32>
      %get3A_541 = arith.constant 27 : i32
      %get3A_542 = arith.index_cast %get3A_541 : i32 to index
      %get3A_543 = arith.constant 16 : index
      %get3A_544 = tpu.vector_load %arg7[%get3A_542, %get3A_543] {strides = array<i32>} : memref<50x32xf32, #tpu.memory_space<vmem>>, vector<1x16xf32>,
      %get3A_545 = vector.shape_cast %get3A_544 : vector<1x16xf32> to vector<16xf32>
      %add3A_546 = arith.addf %add3A_522, %get3A_545 : vector<16xf32>
      %get3A_547 = arith.constant 28 : i32
      %get3A_548 = arith.index_cast %get3A_547 : i32 to index
      %get3A_549 = arith.constant 16 : index
      %get3A_550 = tpu.vector_load %arg7[%get3A_548, %get3A_549] {strides = array<i32>} : memref<50x32xf32, #tpu.memory_space<vmem>>, vector<1x16xf32>,
      %get3A_551 = vector.shape_cast %get3A_550 : vector<1x16xf32> to vector<16xf32>
      %add3A_552 = arith.addf %add3A_528, %get3A_551 : vector<16xf32>
      %get3A_553 = arith.constant 29 : i32
      %get3A_554 = arith.index_cast %get3A_553 : i32 to index
      %get3A_555 = arith.constant 16 : index
      %get3A_556 = tpu.vector_load %arg7[%get3A_554, %get3A_555] {strides = array<i32>} : memref<50x32xf32, #tpu.memory_space<vmem>>, vector<1x16xf32>,
      %get3A_557 = vector.shape_cast %get3A_556 : vector<1x16xf32> to vector<16xf32>
      %add3A_558 = arith.addf %add3A_534, %get3A_557 : vector<16xf32>
      %get3A_559 = arith.constant 30 : i32
      %get3A_560 = arith.index_cast %get3A_559 : i32 to index
      %get3A_561 = arith.constant 16 : index
      %get3A_562 = tpu.vector_load %arg7[%get3A_560, %get3A_561] {strides = array<i32>} : memref<50x32xf32, #tpu.memory_space<vmem>>, vector<1x16xf32>,
      %get3A_563 = vector.shape_cast %get3A_562 : vector<1x16xf32> to vector<16xf32>
      %add3A_564 = arith.addf %add3A_540, %get3A_563 : vector<16xf32>
      %get3A_565 = arith.constant 31 : i32
      %get3A_566 = arith.index_cast %get3A_565 : i32 to index
      %get3A_567 = arith.constant 16 : index
      %get3A_568 = tpu.vector_load %arg7[%get3A_566, %get3A_567] {strides = array<i32>} : memref<50x32xf32, #tpu.memory_space<vmem>>, vector<1x16xf32>,
      %get3A_569 = vector.shape_cast %get3A_568 : vector<1x16xf32> to vector<16xf32>
      %add3A_570 = arith.addf %add3A_546, %get3A_569 : vector<16xf32>
      %get3A_571 = arith.constant 32 : i32
      %get3A_572 = arith.index_cast %get3A_571 : i32 to index
      %get3A_573 = arith.constant 16 : index
      %get3A_574 = tpu.vector_load %arg7[%get3A_572, %get3A_573] {strides = array<i32>} : memref<50x32xf32, #tpu.memory_space<vmem>>, vector<1x16xf32>,
      %get3A_575 = vector.shape_cast %get3A_574 : vector<1x16xf32> to vector<16xf32>
      %add3A_576 = arith.addf %add3A_552, %get3A_575 : vector<16xf32>
      %get3A_577 = arith.constant 33 : i32
      %get3A_578 = arith.index_cast %get3A_577 : i32 to index
      %get3A_579 = arith.constant 16 : index
      %get3A_580 = tpu.vector_load %arg7[%get3A_578, %get3A_579] {strides = array<i32>} : memref<50x32xf32, #tpu.memory_space<vmem>>, vector<1x16xf32>,
      %get3A_581 = vector.shape_cast %get3A_580 : vector<1x16xf32> to vector<16xf32>
      %add3A_582 = arith.addf %add3A_558, %get3A_581 : vector<16xf32>
      %get3A_583 = arith.constant 34 : i32
      %get3A_584 = arith.index_cast %get3A_583 : i32 to index
      %get3A_585 = arith.constant 16 : index
      %get3A_586 = tpu.vector_load %arg7[%get3A_584, %get3A_585] {strides = array<i32>} : memref<50x32xf32, #tpu.memory_space<vmem>>, vector<1x16xf32>,
      %get3A_587 = vector.shape_cast %get3A_586 : vector<1x16xf32> to vector<16xf32>
      %add3A_588 = arith.addf %add3A_564, %get3A_587 : vector<16xf32>
      %get3A_589 = arith.constant 35 : i32
      %get3A_590 = arith.index_cast %get3A_589 : i32 to index
      %get3A_591 = arith.constant 16 : index
      %get3A_592 = tpu.vector_load %arg7[%get3A_590, %get3A_591] {strides = array<i32>} : memref<50x32xf32, #tpu.memory_space<vmem>>, vector<1x16xf32>,
      %get3A_593 = vector.shape_cast %get3A_592 : vector<1x16xf32> to vector<16xf32>
      %add3A_594 = arith.addf %add3A_570, %get3A_593 : vector<16xf32>
      %get3A_595 = arith.constant 36 : i32
      %get3A_596 = arith.index_cast %get3A_595 : i32 to index
      %get3A_597 = arith.constant 16 : index
      %get3A_598 = tpu.vector_load %arg7[%get3A_596, %get3A_597] {strides = array<i32>} : memref<50x32xf32, #tpu.memory_space<vmem>>, vector<1x16xf32>,
      %get3A_599 = vector.shape_cast %get3A_598 : vector<1x16xf32> to vector<16xf32>
      %add3A_600 = arith.addf %add3A_576, %get3A_599 : vector<16xf32>
      %get3A_601 = arith.constant 37 : i32
      %get3A_602 = arith.index_cast %get3A_601 : i32 to index
      %get3A_603 = arith.constant 16 : index
      %get3A_604 = tpu.vector_load %arg7[%get3A_602, %get3A_603] {strides = array<i32>} : memref<50x32xf32, #tpu.memory_space<vmem>>, vector<1x16xf32>,
      %get3A_605 = vector.shape_cast %get3A_604 : vector<1x16xf32> to vector<16xf32>
      %add3A_606 = arith.addf %add3A_582, %get3A_605 : vector<16xf32>
      %get3A_607 = arith.constant 38 : i32
      %get3A_608 = arith.index_cast %get3A_607 : i32 to index
      %get3A_609 = arith.constant 16 : index
      %get3A_610 = tpu.vector_load %arg7[%get3A_608, %get3A_609] {strides = array<i32>} : memref<50x32xf32, #tpu.memory_space<vmem>>, vector<1x16xf32>,
      %get3A_611 = vector.shape_cast %get3A_610 : vector<1x16xf32> to vector<16xf32>
      %add3A_612 = arith.addf %add3A_588, %get3A_611 : vector<16xf32>
      %get3A_613 = arith.constant 39 : i32
      %get3A_614 = arith.index_cast %get3A_613 : i32 to index
      %get3A_615 = arith.constant 16 : index
      %get3A_616 = tpu.vector_load %arg7[%get3A_614, %get3A_615] {strides = array<i32>} : memref<50x32xf32, #tpu.memory_space<vmem>>, vector<1x16xf32>,
      %get3A_617 = vector.shape_cast %get3A_616 : vector<1x16xf32> to vector<16xf32>
      %add3A_618 = arith.addf %add3A_594, %get3A_617 : vector<16xf32>
      %get3A_619 = arith.constant 40 : i32
      %get3A_620 = arith.index_cast %get3A_619 : i32 to index
      %get3A_621 = arith.constant 16 : index
      %get3A_622 = tpu.vector_load %arg7[%get3A_620, %get3A_621] {strides = array<i32>} : memref<50x32xf32, #tpu.memory_space<vmem>>, vector<1x16xf32>,
      %get3A_623 = vector.shape_cast %get3A_622 : vector<1x16xf32> to vector<16xf32>
      %add3A_624 = arith.addf %add3A_600, %get3A_623 : vector<16xf32>
      %get3A_625 = arith.constant 41 : i32
      %get3A_626 = arith.index_cast %get3A_625 : i32 to index
      %get3A_627 = arith.constant 16 : index
      %get3A_628 = tpu.vector_load %arg7[%get3A_626, %get3A_627] {strides = array<i32>} : memref<50x32xf32, #tpu.memory_space<vmem>>, vector<1x16xf32>,
      %get3A_629 = vector.shape_cast %get3A_628 : vector<1x16xf32> to vector<16xf32>
      %add3A_630 = arith.addf %add3A_606, %get3A_629 : vector<16xf32>
      %get3A_631 = arith.constant 42 : i32
      %get3A_632 = arith.index_cast %get3A_631 : i32 to index
      %get3A_633 = arith.constant 16 : index
      %get3A_634 = tpu.vector_load %arg7[%get3A_632, %get3A_633] {strides = array<i32>} : memref<50x32xf32, #tpu.memory_space<vmem>>, vector<1x16xf32>,
      %get3A_635 = vector.shape_cast %get3A_634 : vector<1x16xf32> to vector<16xf32>
      %add3A_636 = arith.addf %add3A_612, %get3A_635 : vector<16xf32>
      %get3A_637 = arith.constant 43 : i32
      %get3A_638 = arith.index_cast %get3A_637 : i32 to index
      %get3A_639 = arith.constant 16 : index
      %get3A_640 = tpu.vector_load %arg7[%get3A_638, %get3A_639] {strides = array<i32>} : memref<50x32xf32, #tpu.memory_space<vmem>>, vector<1x16xf32>,
      %get3A_641 = vector.shape_cast %get3A_640 : vector<1x16xf32> to vector<16xf32>
      %add3A_642 = arith.addf %add3A_618, %get3A_641 : vector<16xf32>
      %get3A_643 = arith.constant 44 : i32
      %get3A_644 = arith.index_cast %get3A_643 : i32 to index
      %get3A_645 = arith.constant 16 : index
      %get3A_646 = tpu.vector_load %arg7[%get3A_644, %get3A_645] {strides = array<i32>} : memref<50x32xf32, #tpu.memory_space<vmem>>, vector<1x16xf32>,
      %get3A_647 = vector.shape_cast %get3A_646 : vector<1x16xf32> to vector<16xf32>
      %add3A_648 = arith.addf %add3A_624, %get3A_647 : vector<16xf32>
      %get3A_649 = arith.constant 45 : i32
      %get3A_650 = arith.index_cast %get3A_649 : i32 to index
      %get3A_651 = arith.constant 16 : index
      %get3A_652 = tpu.vector_load %arg7[%get3A_650, %get3A_651] {strides = array<i32>} : memref<50x32xf32, #tpu.memory_space<vmem>>, vector<1x16xf32>,
      %get3A_653 = vector.shape_cast %get3A_652 : vector<1x16xf32> to vector<16xf32>
      %add3A_654 = arith.addf %add3A_630, %get3A_653 : vector<16xf32>
      %get3A_655 = arith.constant 46 : i32
      %get3A_656 = arith.index_cast %get3A_655 : i32 to index
      %get3A_657 = arith.constant 16 : index
      %get3A_658 = tpu.vector_load %arg7[%get3A_656, %get3A_657] {strides = array<i32>} : memref<50x32xf32, #tpu.memory_space<vmem>>, vector<1x16xf32>,
      %get3A_659 = vector.shape_cast %get3A_658 : vector<1x16xf32> to vector<16xf32>
      %add3A_660 = arith.addf %add3A_636, %get3A_659 : vector<16xf32>
      %get3A_661 = arith.constant 47 : i32
      %get3A_662 = arith.index_cast %get3A_661 : i32 to index
      %get3A_663 = arith.constant 16 : index
      %get3A_664 = tpu.vector_load %arg7[%get3A_662, %get3A_663] {strides = array<i32>} : memref<50x32xf32, #tpu.memory_space<vmem>>, vector<1x16xf32>,
      %get3A_665 = vector.shape_cast %get3A_664 : vector<1x16xf32> to vector<16xf32>
      %add3A_666 = arith.addf %add3A_642, %get3A_665 : vector<16xf32>
      %get3A_667 = arith.constant 48 : i32
      %get3A_668 = arith.index_cast %get3A_667 : i32 to index
      %get3A_669 = arith.constant 16 : index
      %get3A_670 = tpu.vector_load %arg7[%get3A_668, %get3A_669] {strides = array<i32>} : memref<50x32xf32, #tpu.memory_space<vmem>>, vector<1x16xf32>,
      %get3A_671 = vector.shape_cast %get3A_670 : vector<1x16xf32> to vector<16xf32>
      %add3A_672 = arith.addf %add3A_648, %get3A_671 : vector<16xf32>
      %get3A_673 = arith.constant 49 : i32
      %get3A_674 = arith.index_cast %get3A_673 : i32 to index
      %get3A_675 = arith.constant 16 : index
      %get3A_676 = tpu.vector_load %arg7[%get3A_674, %get3A_675] {strides = array<i32>} : memref<50x32xf32, #tpu.memory_space<vmem>>, vector<1x16xf32>,
      %get3A_677 = vector.shape_cast %get3A_676 : vector<1x16xf32> to vector<16xf32>
      %add3A_678 = arith.addf %add3A_654, %get3A_677 : vector<16xf32>
      %add3A_679 = arith.addf %add3A_672, %add3A_678 : vector<16xf32>
      %add3A_680 = arith.addf %add3A_660, %add3A_666 : vector<16xf32>
      %add3A_681 = arith.addf %add3A_679, %add3A_680 : vector<16xf32>
      %get3A_682 = arith.constant 16 : index
      %get3A_683 = tpu.vector_load %arg16[%get3A_682] {strides = array<i32>} : memref<32xf32, #tpu.memory_space<vmem>>, vector<16xf32>,
      %get3A_684 = vector.shape_cast %get3A_683 : vector<16xf32> to vector<16xf32>
      %add3A_685 = arith.addf %add3A_681, %get3A_684 : vector<16xf32>
      %swap3A_686 = arith.index_cast %add3A_76 : i32 to index
      %swap3A_687 = arith.constant 16 : index
      %swap3A_688 = tpu.vector_load %arg15[%swap3A_686, %swap3A_687] {strides = array<i32>} : memref<512x32xf32, #tpu.memory_space<vmem>>, vector<1x16xf32>,
      %swap3A_689 = vector.shape_cast %swap3A_688 : vector<1x16xf32> to vector<16xf32>
      %swap3A_690 = vector.shape_cast %add3A_685 : vector<16xf32> to vector<1x16xf32>
      tpu.vector_store %arg15[%swap3A_686, %swap3A_687], %swap3A_690 {strides = array<i32>} : memref<512x32xf32, #tpu.memory_space<vmem>>, vector<1x16xf32>,
      %add3A_691 = arith.constant 0 : i32
      %add3A_692 = arith.addi %mul3A_67, %add3A_691 : i32
      %add3A_693 = arith.constant 8 : i32
      %add3A_694 = arith.addi %add3A_692, %add3A_693 : i32
      %lt3A = arith.constant 512 : i32
      %lt3A_695 = arith.cmpi slt, %add3A_694, %lt3A : i32
      %convert_element_type3A = arith.extui %lt3A_695 : i1 to i32
      %cond3A = arith.constant 0 : i32
      %cond3A_696 = arith.cmpi ne, %convert_element_type3A, %cond3A : i32
      scf.if %cond3A_696 {
        %add3A_5142 = arith.constant 0 : i32
        %add3A_5143 = arith.addi %mul3A_67, %add3A_5142 : i32
        %add3A_5144 = arith.constant 8 : i32
        %add3A_5145 = arith.addi %add3A_5143, %add3A_5144 : i32
        %dma_start3A_5146 = arith.constant 0 : i32
        %dma_start3A_5147 = tpu.memref_slice %arg6[%add3A_5145, %dma_start3A_5146] : memref<512x50xi32, #tpu.memory_space<vmem>> -> memref<1x50xi32, #tpu.memory_space<vmem>>
        %dma_start3A_5148 = tpu.memref_squeeze %dma_start3A_5147 : memref<1x50xi32, #tpu.memory_space<vmem>> -> memref<50xi32, #tpu.memory_space<vmem>>
        %dma_start3A_5149 = arith.constant 0 : i32
        %dma_start3A_5150 = arith.constant 0 : i32
        %dma_start3A_5151 = tpu.memref_slice %arg3[%dma_start3A_5149, %dma_start3A_5150] : memref<100000x32xf32, #tpu.memory_space<hbm>> -> memref<100000x32xf32, #tpu.memory_space<hbm>>
        tpu.enqueue_indirect_dma source(%dma_start3A_5151 : memref<100000x32xf32, #tpu.memory_space<hbm>>) target(%arg7 : memref<50x32xf32, #tpu.memory_space<vmem>>) offsets(%dma_start3A_5148 : memref<50xi32, #tpu.memory_space<vmem>>) semaphore(%arg17 : memref<!tpu.dma_semaphore, #tpu.memory_space<semaphore_mem>>)
      } else {
      }
      %add3A_697 = arith.constant 1 : i32
      %add3A_698 = arith.addi %mul3A_67, %add3A_697 : i32
      %dma_wait3A_699 = arith.constant 0 : i32
      %dma_wait3A_700 = tpu.memref_slice %arg6[%add3A_698, %dma_wait3A_699] : memref<512x50xi32, #tpu.memory_space<vmem>> -> memref<1x50xi32, #tpu.memory_space<vmem>>
      %dma_wait3A_701 = tpu.memref_squeeze %dma_wait3A_700 : memref<1x50xi32, #tpu.memory_space<vmem>> -> memref<50xi32, #tpu.memory_space<vmem>>
      %dma_wait3A_702 = arith.constant 0 : i32
      %dma_wait3A_703 = arith.constant 0 : i32
      %dma_wait3A_704 = tpu.memref_slice %arg3[%dma_wait3A_702, %dma_wait3A_703] : memref<100000x32xf32, #tpu.memory_space<hbm>> -> memref<100000x32xf32, #tpu.memory_space<hbm>>
      tpu.wait_indirect_dma semaphore(%arg18 : memref<!tpu.dma_semaphore, #tpu.memory_space<semaphore_mem>>) src(%dma_wait3A_704 : memref<100000x32xf32, #tpu.memory_space<hbm>>) dst(%arg8 : memref<50x32xf32, #tpu.memory_space<vmem>>)
      %add3A_705 = arith.constant 1 : i32
      %add3A_706 = arith.addi %mul3A_67, %add3A_705 : i32
      %get3A_707 = arith.constant 0 : i32
      %get3A_708 = arith.index_cast %get3A_707 : i32 to index
      %get3A_709 = arith.constant 0 : index
      %get3A_710 = tpu.vector_load %arg8[%get3A_708, %get3A_709] {strides = array<i32>} : memref<50x32xf32, #tpu.memory_space<vmem>>, vector<1x16xf32>,
      %get3A_711 = vector.shape_cast %get3A_710 : vector<1x16xf32> to vector<16xf32>
      %get3A_712 = arith.constant 1 : i32
      %get3A_713 = arith.index_cast %get3A_712 : i32 to index
      %get3A_714 = arith.constant 0 : index
      %get3A_715 = tpu.vector_load %arg8[%get3A_713, %get3A_714] {strides = array<i32>} : memref<50x32xf32, #tpu.memory_space<vmem>>, vector<1x16xf32>,
      %get3A_716 = vector.shape_cast %get3A_715 : vector<1x16xf32> to vector<16xf32>
      %get3A_717 = arith.constant 2 : i32
      %get3A_718 = arith.index_cast %get3A_717 : i32 to index
      %get3A_719 = arith.constant 0 : index
      %get3A_720 = tpu.vector_load %arg8[%get3A_718, %get3A_719] {strides = array<i32>} : memref<50x32xf32, #tpu.memory_space<vmem>>, vector<1x16xf32>,
      %get3A_721 = vector.shape_cast %get3A_720 : vector<1x16xf32> to vector<16xf32>
      %get3A_722 = arith.constant 3 : i32
      %get3A_723 = arith.index_cast %get3A_722 : i32 to index
      %get3A_724 = arith.constant 0 : index
      %get3A_725 = tpu.vector_load %arg8[%get3A_723, %get3A_724] {strides = array<i32>} : memref<50x32xf32, #tpu.memory_space<vmem>>, vector<1x16xf32>,
      %get3A_726 = vector.shape_cast %get3A_725 : vector<1x16xf32> to vector<16xf32>
      %get3A_727 = arith.constant 4 : i32
      %get3A_728 = arith.index_cast %get3A_727 : i32 to index
      %get3A_729 = arith.constant 0 : index
      %get3A_730 = tpu.vector_load %arg8[%get3A_728, %get3A_729] {strides = array<i32>} : memref<50x32xf32, #tpu.memory_space<vmem>>, vector<1x16xf32>,
      %get3A_731 = vector.shape_cast %get3A_730 : vector<1x16xf32> to vector<16xf32>
      %add3A_732 = arith.addf %get3A_711, %get3A_731 : vector<16xf32>
      %get3A_733 = arith.constant 5 : i32
      %get3A_734 = arith.index_cast %get3A_733 : i32 to index
      %get3A_735 = arith.constant 0 : index
      %get3A_736 = tpu.vector_load %arg8[%get3A_734, %get3A_735] {strides = array<i32>} : memref<50x32xf32, #tpu.memory_space<vmem>>, vector<1x16xf32>,
      %get3A_737 = vector.shape_cast %get3A_736 : vector<1x16xf32> to vector<16xf32>
      %add3A_738 = arith.addf %get3A_716, %get3A_737 : vector<16xf32>
      %get3A_739 = arith.constant 6 : i32
      %get3A_740 = arith.index_cast %get3A_739 : i32 to index
      %get3A_741 = arith.constant 0 : index
      %get3A_742 = tpu.vector_load %arg8[%get3A_740, %get3A_741] {strides = array<i32>} : memref<50x32xf32, #tpu.memory_space<vmem>>, vector<1x16xf32>,
      %get3A_743 = vector.shape_cast %get3A_742 : vector<1x16xf32> to vector<16xf32>
      %add3A_744 = arith.addf %get3A_721, %get3A_743 : vector<16xf32>
      %get3A_745 = arith.constant 7 : i32
      %get3A_746 = arith.index_cast %get3A_745 : i32 to index
      %get3A_747 = arith.constant 0 : index
      %get3A_748 = tpu.vector_load %arg8[%get3A_746, %get3A_747] {strides = array<i32>} : memref<50x32xf32, #tpu.memory_space<vmem>>, vector<1x16xf32>,
      %get3A_749 = vector.shape_cast %get3A_748 : vector<1x16xf32> to vector<16xf32>
      %add3A_750 = arith.addf %get3A_726, %get3A_749 : vector<16xf32>
      %get3A_751 = arith.constant 8 : i32
      %get3A_752 = arith.index_cast %get3A_751 : i32 to index
      %get3A_753 = arith.constant 0 : index
      %get3A_754 = tpu.vector_load %arg8[%get3A_752, %get3A_753] {strides = array<i32>} : memref<50x32xf32, #tpu.memory_space<vmem>>, vector<1x16xf32>,
      %get3A_755 = vector.shape_cast %get3A_754 : vector<1x16xf32> to vector<16xf32>
      %add3A_756 = arith.addf %add3A_732, %get3A_755 : vector<16xf32>
      %get3A_757 = arith.constant 9 : i32
      %get3A_758 = arith.index_cast %get3A_757 : i32 to index
      %get3A_759 = arith.constant 0 : index
      %get3A_760 = tpu.vector_load %arg8[%get3A_758, %get3A_759] {strides = array<i32>} : memref<50x32xf32, #tpu.memory_space<vmem>>, vector<1x16xf32>,
      %get3A_761 = vector.shape_cast %get3A_760 : vector<1x16xf32> to vector<16xf32>
      %add3A_762 = arith.addf %add3A_738, %get3A_761 : vector<16xf32>
      %get3A_763 = arith.constant 10 : i32
      %get3A_764 = arith.index_cast %get3A_763 : i32 to index
      %get3A_765 = arith.constant 0 : index
      %get3A_766 = tpu.vector_load %arg8[%get3A_764, %get3A_765] {strides = array<i32>} : memref<50x32xf32, #tpu.memory_space<vmem>>, vector<1x16xf32>,
      %get3A_767 = vector.shape_cast %get3A_766 : vector<1x16xf32> to vector<16xf32>
      %add3A_768 = arith.addf %add3A_744, %get3A_767 : vector<16xf32>
      %get3A_769 = arith.constant 11 : i32
      %get3A_770 = arith.index_cast %get3A_769 : i32 to index
      %get3A_771 = arith.constant 0 : index
      %get3A_772 = tpu.vector_load %arg8[%get3A_770, %get3A_771] {strides = array<i32>} : memref<50x32xf32, #tpu.memory_space<vmem>>, vector<1x16xf32>,
      %get3A_773 = vector.shape_cast %get3A_772 : vector<1x16xf32> to vector<16xf32>
      %add3A_774 = arith.addf %add3A_750, %get3A_773 : vector<16xf32>
      %get3A_775 = arith.constant 12 : i32
      %get3A_776 = arith.index_cast %get3A_775 : i32 to index
      %get3A_777 = arith.constant 0 : index
      %get3A_778 = tpu.vector_load %arg8[%get3A_776, %get3A_777] {strides = array<i32>} : memref<50x32xf32, #tpu.memory_space<vmem>>, vector<1x16xf32>,
      %get3A_779 = vector.shape_cast %get3A_778 : vector<1x16xf32> to vector<16xf32>
      %add3A_780 = arith.addf %add3A_756, %get3A_779 : vector<16xf32>
      %get3A_781 = arith.constant 13 : i32
      %get3A_782 = arith.index_cast %get3A_781 : i32 to index
      %get3A_783 = arith.constant 0 : index
      %get3A_784 = tpu.vector_load %arg8[%get3A_782, %get3A_783] {strides = array<i32>} : memref<50x32xf32, #tpu.memory_space<vmem>>, vector<1x16xf32>,
      %get3A_785 = vector.shape_cast %get3A_784 : vector<1x16xf32> to vector<16xf32>
      %add3A_786 = arith.addf %add3A_762, %get3A_785 : vector<16xf32>
      %get3A_787 = arith.constant 14 : i32
      %get3A_788 = arith.index_cast %get3A_787 : i32 to index
      %get3A_789 = arith.constant 0 : index
      %get3A_790 = tpu.vector_load %arg8[%get3A_788, %get3A_789] {strides = array<i32>} : memref<50x32xf32, #tpu.memory_space<vmem>>, vector<1x16xf32>,
      %get3A_791 = vector.shape_cast %get3A_790 : vector<1x16xf32> to vector<16xf32>
      %add3A_792 = arith.addf %add3A_768, %get3A_791 : vector<16xf32>
      %get3A_793 = arith.constant 15 : i32
      %get3A_794 = arith.index_cast %get3A_793 : i32 to index
      %get3A_795 = arith.constant 0 : index
      %get3A_796 = tpu.vector_load %arg8[%get3A_794, %get3A_795] {strides = array<i32>} : memref<50x32xf32, #tpu.memory_space<vmem>>, vector<1x16xf32>,
      %get3A_797 = vector.shape_cast %get3A_796 : vector<1x16xf32> to vector<16xf32>
      %add3A_798 = arith.addf %add3A_774, %get3A_797 : vector<16xf32>
      %get3A_799 = arith.constant 16 : i32
      %get3A_800 = arith.index_cast %get3A_799 : i32 to index
      %get3A_801 = arith.constant 0 : index
      %get3A_802 = tpu.vector_load %arg8[%get3A_800, %get3A_801] {strides = array<i32>} : memref<50x32xf32, #tpu.memory_space<vmem>>, vector<1x16xf32>,
      %get3A_803 = vector.shape_cast %get3A_802 : vector<1x16xf32> to vector<16xf32>
      %add3A_804 = arith.addf %add3A_780, %get3A_803 : vector<16xf32>
      %get3A_805 = arith.constant 17 : i32
      %get3A_806 = arith.index_cast %get3A_805 : i32 to index
      %get3A_807 = arith.constant 0 : index
      %get3A_808 = tpu.vector_load %arg8[%get3A_806, %get3A_807] {strides = array<i32>} : memref<50x32xf32, #tpu.memory_space<vmem>>, vector<1x16xf32>,
      %get3A_809 = vector.shape_cast %get3A_808 : vector<1x16xf32> to vector<16xf32>
      %add3A_810 = arith.addf %add3A_786, %get3A_809 : vector<16xf32>
      %get3A_811 = arith.constant 18 : i32
      %get3A_812 = arith.index_cast %get3A_811 : i32 to index
      %get3A_813 = arith.constant 0 : index
      %get3A_814 = tpu.vector_load %arg8[%get3A_812, %get3A_813] {strides = array<i32>} : memref<50x32xf32, #tpu.memory_space<vmem>>, vector<1x16xf32>,
      %get3A_815 = vector.shape_cast %get3A_814 : vector<1x16xf32> to vector<16xf32>
      %add3A_816 = arith.addf %add3A_792, %get3A_815 : vector<16xf32>
      %get3A_817 = arith.constant 19 : i32
      %get3A_818 = arith.index_cast %get3A_817 : i32 to index
      %get3A_819 = arith.constant 0 : index
      %get3A_820 = tpu.vector_load %arg8[%get3A_818, %get3A_819] {strides = array<i32>} : memref<50x32xf32, #tpu.memory_space<vmem>>, vector<1x16xf32>,
      %get3A_821 = vector.shape_cast %get3A_820 : vector<1x16xf32> to vector<16xf32>
      %add3A_822 = arith.addf %add3A_798, %get3A_821 : vector<16xf32>
      %get3A_823 = arith.constant 20 : i32
      %get3A_824 = arith.index_cast %get3A_823 : i32 to index
      %get3A_825 = arith.constant 0 : index
      %get3A_826 = tpu.vector_load %arg8[%get3A_824, %get3A_825] {strides = array<i32>} : memref<50x32xf32, #tpu.memory_space<vmem>>, vector<1x16xf32>,
      %get3A_827 = vector.shape_cast %get3A_826 : vector<1x16xf32> to vector<16xf32>
      %add3A_828 = arith.addf %add3A_804, %get3A_827 : vector<16xf32>
      %get3A_829 = arith.constant 21 : i32
      %get3A_830 = arith.index_cast %get3A_829 : i32 to index
      %get3A_831 = arith.constant 0 : index
      %get3A_832 = tpu.vector_load %arg8[%get3A_830, %get3A_831] {strides = array<i32>} : memref<50x32xf32, #tpu.memory_space<vmem>>, vector<1x16xf32>,
      %get3A_833 = vector.shape_cast %get3A_832 : vector<1x16xf32> to vector<16xf32>
      %add3A_834 = arith.addf %add3A_810, %get3A_833 : vector<16xf32>
      %get3A_835 = arith.constant 22 : i32
      %get3A_836 = arith.index_cast %get3A_835 : i32 to index
      %get3A_837 = arith.constant 0 : index
      %get3A_838 = tpu.vector_load %arg8[%get3A_836, %get3A_837] {strides = array<i32>} : memref<50x32xf32, #tpu.memory_space<vmem>>, vector<1x16xf32>,
      %get3A_839 = vector.shape_cast %get3A_838 : vector<1x16xf32> to vector<16xf32>
      %add3A_840 = arith.addf %add3A_816, %get3A_839 : vector<16xf32>
      %get3A_841 = arith.constant 23 : i32
      %get3A_842 = arith.index_cast %get3A_841 : i32 to index
      %get3A_843 = arith.constant 0 : index
      %get3A_844 = tpu.vector_load %arg8[%get3A_842, %get3A_843] {strides = array<i32>} : memref<50x32xf32, #tpu.memory_space<vmem>>, vector<1x16xf32>,
      %get3A_845 = vector.shape_cast %get3A_844 : vector<1x16xf32> to vector<16xf32>
      %add3A_846 = arith.addf %add3A_822, %get3A_845 : vector<16xf32>
      %get3A_847 = arith.constant 24 : i32
      %get3A_848 = arith.index_cast %get3A_847 : i32 to index
      %get3A_849 = arith.constant 0 : index
      %get3A_850 = tpu.vector_load %arg8[%get3A_848, %get3A_849] {strides = array<i32>} : memref<50x32xf32, #tpu.memory_space<vmem>>, vector<1x16xf32>,
      %get3A_851 = vector.shape_cast %get3A_850 : vector<1x16xf32> to vector<16xf32>
      %add3A_852 = arith.addf %add3A_828, %get3A_851 : vector<16xf32>
      %get3A_853 = arith.constant 25 : i32
      %get3A_854 = arith.index_cast %get3A_853 : i32 to index
      %get3A_855 = arith.constant 0 : index
      %get3A_856 = tpu.vector_load %arg8[%get3A_854, %get3A_855] {strides = array<i32>} : memref<50x32xf32, #tpu.memory_space<vmem>>, vector<1x16xf32>,
      %get3A_857 = vector.shape_cast %get3A_856 : vector<1x16xf32> to vector<16xf32>
      %add3A_858 = arith.addf %add3A_834, %get3A_857 : vector<16xf32>
      %get3A_859 = arith.constant 26 : i32
      %get3A_860 = arith.index_cast %get3A_859 : i32 to index
      %get3A_861 = arith.constant 0 : index
      %get3A_862 = tpu.vector_load %arg8[%get3A_860, %get3A_861] {strides = array<i32>} : memref<50x32xf32, #tpu.memory_space<vmem>>, vector<1x16xf32>,
      %get3A_863 = vector.shape_cast %get3A_862 : vector<1x16xf32> to vector<16xf32>
      %add3A_864 = arith.addf %add3A_840, %get3A_863 : vector<16xf32>
      %get3A_865 = arith.constant 27 : i32
      %get3A_866 = arith.index_cast %get3A_865 : i32 to index
      %get3A_867 = arith.constant 0 : index
      %get3A_868 = tpu.vector_load %arg8[%get3A_866, %get3A_867] {strides = array<i32>} : memref<50x32xf32, #tpu.memory_space<vmem>>, vector<1x16xf32>,
      %get3A_869 = vector.shape_cast %get3A_868 : vector<1x16xf32> to vector<16xf32>
      %add3A_870 = arith.addf %add3A_846, %get3A_869 : vector<16xf32>
      %get3A_871 = arith.constant 28 : i32
      %get3A_872 = arith.index_cast %get3A_871 : i32 to index
      %get3A_873 = arith.constant 0 : index
      %get3A_874 = tpu.vector_load %arg8[%get3A_872, %get3A_873] {strides = array<i32>} : memref<50x32xf32, #tpu.memory_space<vmem>>, vector<1x16xf32>,
      %get3A_875 = vector.shape_cast %get3A_874 : vector<1x16xf32> to vector<16xf32>
      %add3A_876 = arith.addf %add3A_852, %get3A_875 : vector<16xf32>
      %get3A_877 = arith.constant 29 : i32
      %get3A_878 = arith.index_cast %get3A_877 : i32 to index
      %get3A_879 = arith.constant 0 : index
      %get3A_880 = tpu.vector_load %arg8[%get3A_878, %get3A_879] {strides = array<i32>} : memref<50x32xf32, #tpu.memory_space<vmem>>, vector<1x16xf32>,
      %get3A_881 = vector.shape_cast %get3A_880 : vector<1x16xf32> to vector<16xf32>
      %add3A_882 = arith.addf %add3A_858, %get3A_881 : vector<16xf32>
      %get3A_883 = arith.constant 30 : i32
      %get3A_884 = arith.index_cast %get3A_883 : i32 to index
      %get3A_885 = arith.constant 0 : index
      %get3A_886 = tpu.vector_load %arg8[%get3A_884, %get3A_885] {strides = array<i32>} : memref<50x32xf32, #tpu.memory_space<vmem>>, vector<1x16xf32>,
      %get3A_887 = vector.shape_cast %get3A_886 : vector<1x16xf32> to vector<16xf32>
      %add3A_888 = arith.addf %add3A_864, %get3A_887 : vector<16xf32>
      %get3A_889 = arith.constant 31 : i32
      %get3A_890 = arith.index_cast %get3A_889 : i32 to index
      %get3A_891 = arith.constant 0 : index
      %get3A_892 = tpu.vector_load %arg8[%get3A_890, %get3A_891] {strides = array<i32>} : memref<50x32xf32, #tpu.memory_space<vmem>>, vector<1x16xf32>,
      %get3A_893 = vector.shape_cast %get3A_892 : vector<1x16xf32> to vector<16xf32>
      %add3A_894 = arith.addf %add3A_870, %get3A_893 : vector<16xf32>
      %get3A_895 = arith.constant 32 : i32
      %get3A_896 = arith.index_cast %get3A_895 : i32 to index
      %get3A_897 = arith.constant 0 : index
      %get3A_898 = tpu.vector_load %arg8[%get3A_896, %get3A_897] {strides = array<i32>} : memref<50x32xf32, #tpu.memory_space<vmem>>, vector<1x16xf32>,
      %get3A_899 = vector.shape_cast %get3A_898 : vector<1x16xf32> to vector<16xf32>
      %add3A_900 = arith.addf %add3A_876, %get3A_899 : vector<16xf32>
      %get3A_901 = arith.constant 33 : i32
      %get3A_902 = arith.index_cast %get3A_901 : i32 to index
      %get3A_903 = arith.constant 0 : index
      %get3A_904 = tpu.vector_load %arg8[%get3A_902, %get3A_903] {strides = array<i32>} : memref<50x32xf32, #tpu.memory_space<vmem>>, vector<1x16xf32>,
      %get3A_905 = vector.shape_cast %get3A_904 : vector<1x16xf32> to vector<16xf32>
      %add3A_906 = arith.addf %add3A_882, %get3A_905 : vector<16xf32>
      %get3A_907 = arith.constant 34 : i32
      %get3A_908 = arith.index_cast %get3A_907 : i32 to index
      %get3A_909 = arith.constant 0 : index
      %get3A_910 = tpu.vector_load %arg8[%get3A_908, %get3A_909] {strides = array<i32>} : memref<50x32xf32, #tpu.memory_space<vmem>>, vector<1x16xf32>,
      %get3A_911 = vector.shape_cast %get3A_910 : vector<1x16xf32> to vector<16xf32>
      %add3A_912 = arith.addf %add3A_888, %get3A_911 : vector<16xf32>
      %get3A_913 = arith.constant 35 : i32
      %get3A_914 = arith.index_cast %get3A_913 : i32 to index
      %get3A_915 = arith.constant 0 : index
      %get3A_916 = tpu.vector_load %arg8[%get3A_914, %get3A_915] {strides = array<i32>} : memref<50x32xf32, #tpu.memory_space<vmem>>, vector<1x16xf32>,
      %get3A_917 = vector.shape_cast %get3A_916 : vector<1x16xf32> to vector<16xf32>
      %add3A_918 = arith.addf %add3A_894, %get3A_917 : vector<16xf32>
      %get3A_919 = arith.constant 36 : i32
      %get3A_920 = arith.index_cast %get3A_919 : i32 to index
      %get3A_921 = arith.constant 0 : index
      %get3A_922 = tpu.vector_load %arg8[%get3A_920, %get3A_921] {strides = array<i32>} : memref<50x32xf32, #tpu.memory_space<vmem>>, vector<1x16xf32>,
      %get3A_923 = vector.shape_cast %get3A_922 : vector<1x16xf32> to vector<16xf32>
      %add3A_924 = arith.addf %add3A_900, %get3A_923 : vector<16xf32>
      %get3A_925 = arith.constant 37 : i32
      %get3A_926 = arith.index_cast %get3A_925 : i32 to index
      %get3A_927 = arith.constant 0 : index
      %get3A_928 = tpu.vector_load %arg8[%get3A_926, %get3A_927] {strides = array<i32>} : memref<50x32xf32, #tpu.memory_space<vmem>>, vector<1x16xf32>,
      %get3A_929 = vector.shape_cast %get3A_928 : vector<1x16xf32> to vector<16xf32>
      %add3A_930 = arith.addf %add3A_906, %get3A_929 : vector<16xf32>
      %get3A_931 = arith.constant 38 : i32
      %get3A_932 = arith.index_cast %get3A_931 : i32 to index
      %get3A_933 = arith.constant 0 : index
      %get3A_934 = tpu.vector_load %arg8[%get3A_932, %get3A_933] {strides = array<i32>} : memref<50x32xf32, #tpu.memory_space<vmem>>, vector<1x16xf32>,
      %get3A_935 = vector.shape_cast %get3A_934 : vector<1x16xf32> to vector<16xf32>
      %add3A_936 = arith.addf %add3A_912, %get3A_935 : vector<16xf32>
      %get3A_937 = arith.constant 39 : i32
      %get3A_938 = arith.index_cast %get3A_937 : i32 to index
      %get3A_939 = arith.constant 0 : index
      %get3A_940 = tpu.vector_load %arg8[%get3A_938, %get3A_939] {strides = array<i32>} : memref<50x32xf32, #tpu.memory_space<vmem>>, vector<1x16xf32>,
      %get3A_941 = vector.shape_cast %get3A_940 : vector<1x16xf32> to vector<16xf32>
      %add3A_942 = arith.addf %add3A_918, %get3A_941 : vector<16xf32>
      %get3A_943 = arith.constant 40 : i32
      %get3A_944 = arith.index_cast %get3A_943 : i32 to index
      %get3A_945 = arith.constant 0 : index
      %get3A_946 = tpu.vector_load %arg8[%get3A_944, %get3A_945] {strides = array<i32>} : memref<50x32xf32, #tpu.memory_space<vmem>>, vector<1x16xf32>,
      %get3A_947 = vector.shape_cast %get3A_946 : vector<1x16xf32> to vector<16xf32>
      %add3A_948 = arith.addf %add3A_924, %get3A_947 : vector<16xf32>
      %get3A_949 = arith.constant 41 : i32
      %get3A_950 = arith.index_cast %get3A_949 : i32 to index
      %get3A_951 = arith.constant 0 : index
      %get3A_952 = tpu.vector_load %arg8[%get3A_950, %get3A_951] {strides = array<i32>} : memref<50x32xf32, #tpu.memory_space<vmem>>, vector<1x16xf32>,
      %get3A_953 = vector.shape_cast %get3A_952 : vector<1x16xf32> to vector<16xf32>
      %add3A_954 = arith.addf %add3A_930, %get3A_953 : vector<16xf32>
      %get3A_955 = arith.constant 42 : i32
      %get3A_956 = arith.index_cast %get3A_955 : i32 to index
      %get3A_957 = arith.constant 0 : index
      %get3A_958 = tpu.vector_load %arg8[%get3A_956, %get3A_957] {strides = array<i32>} : memref<50x32xf32, #tpu.memory_space<vmem>>, vector<1x16xf32>,
      %get3A_959 = vector.shape_cast %get3A_958 : vector<1x16xf32> to vector<16xf32>
      %add3A_960 = arith.addf %add3A_936, %get3A_959 : vector<16xf32>
      %get3A_961 = arith.constant 43 : i32
      %get3A_962 = arith.index_cast %get3A_961 : i32 to index
      %get3A_963 = arith.constant 0 : index
      %get3A_964 = tpu.vector_load %arg8[%get3A_962, %get3A_963] {strides = array<i32>} : memref<50x32xf32, #tpu.memory_space<vmem>>, vector<1x16xf32>,
      %get3A_965 = vector.shape_cast %get3A_964 : vector<1x16xf32> to vector<16xf32>
      %add3A_966 = arith.addf %add3A_942, %get3A_965 : vector<16xf32>
      %get3A_967 = arith.constant 44 : i32
      %get3A_968 = arith.index_cast %get3A_967 : i32 to index
      %get3A_969 = arith.constant 0 : index
      %get3A_970 = tpu.vector_load %arg8[%get3A_968, %get3A_969] {strides = array<i32>} : memref<50x32xf32, #tpu.memory_space<vmem>>, vector<1x16xf32>,
      %get3A_971 = vector.shape_cast %get3A_970 : vector<1x16xf32> to vector<16xf32>
      %add3A_972 = arith.addf %add3A_948, %get3A_971 : vector<16xf32>
      %get3A_973 = arith.constant 45 : i32
      %get3A_974 = arith.index_cast %get3A_973 : i32 to index
      %get3A_975 = arith.constant 0 : index
      %get3A_976 = tpu.vector_load %arg8[%get3A_974, %get3A_975] {strides = array<i32>} : memref<50x32xf32, #tpu.memory_space<vmem>>, vector<1x16xf32>,
      %get3A_977 = vector.shape_cast %get3A_976 : vector<1x16xf32> to vector<16xf32>
      %add3A_978 = arith.addf %add3A_954, %get3A_977 : vector<16xf32>
      %get3A_979 = arith.constant 46 : i32
      %get3A_980 = arith.index_cast %get3A_979 : i32 to index
      %get3A_981 = arith.constant 0 : index
      %get3A_982 = tpu.vector_load %arg8[%get3A_980, %get3A_981] {strides = array<i32>} : memref<50x32xf32, #tpu.memory_space<vmem>>, vector<1x16xf32>,
      %get3A_983 = vector.shape_cast %get3A_982 : vector<1x16xf32> to vector<16xf32>
      %add3A_984 = arith.addf %add3A_960, %get3A_983 : vector<16xf32>
      %get3A_985 = arith.constant 47 : i32
      %get3A_986 = arith.index_cast %get3A_985 : i32 to index
      %get3A_987 = arith.constant 0 : index
      %get3A_988 = tpu.vector_load %arg8[%get3A_986, %get3A_987] {strides = array<i32>} : memref<50x32xf32, #tpu.memory_space<vmem>>, vector<1x16xf32>,
      %get3A_989 = vector.shape_cast %get3A_988 : vector<1x16xf32> to vector<16xf32>
      %add3A_990 = arith.addf %add3A_966, %get3A_989 : vector<16xf32>
      %get3A_991 = arith.constant 48 : i32
      %get3A_992 = arith.index_cast %get3A_991 : i32 to index
      %get3A_993 = arith.constant 0 : index
      %get3A_994 = tpu.vector_load %arg8[%get3A_992, %get3A_993] {strides = array<i32>} : memref<50x32xf32, #tpu.memory_space<vmem>>, vector<1x16xf32>,
      %get3A_995 = vector.shape_cast %get3A_994 : vector<1x16xf32> to vector<16xf32>
      %add3A_996 = arith.addf %add3A_972, %get3A_995 : vector<16xf32>
      %get3A_997 = arith.constant 49 : i32
      %get3A_998 = arith.index_cast %get3A_997 : i32 to index
      %get3A_999 = arith.constant 0 : index
      %get3A_1000 = tpu.vector_load %arg8[%get3A_998, %get3A_999] {strides = array<i32>} : memref<50x32xf32, #tpu.memory_space<vmem>>, vector<1x16xf32>,
      %get3A_1001 = vector.shape_cast %get3A_1000 : vector<1x16xf32> to vector<16xf32>
      %add3A_1002 = arith.addf %add3A_978, %get3A_1001 : vector<16xf32>
      %add3A_1003 = arith.addf %add3A_996, %add3A_1002 : vector<16xf32>
      %add3A_1004 = arith.addf %add3A_984, %add3A_990 : vector<16xf32>
      %add3A_1005 = arith.addf %add3A_1003, %add3A_1004 : vector<16xf32>
      %get3A_1006 = arith.constant 0 : index
      %get3A_1007 = tpu.vector_load %arg16[%get3A_1006] {strides = array<i32>} : memref<32xf32, #tpu.memory_space<vmem>>, vector<16xf32>,
      %get3A_1008 = vector.shape_cast %get3A_1007 : vector<16xf32> to vector<16xf32>
      %add3A_1009 = arith.addf %add3A_1005, %get3A_1008 : vector<16xf32>
      %swap3A_1010 = arith.index_cast %add3A_706 : i32 to index
      %swap3A_1011 = arith.constant 0 : index
      %swap3A_1012 = tpu.vector_load %arg15[%swap3A_1010, %swap3A_1011] {strides = array<i32>} : memref<512x32xf32, #tpu.memory_space<vmem>>, vector<1x16xf32>,
      %swap3A_1013 = vector.shape_cast %swap3A_1012 : vector<1x16xf32> to vector<16xf32>
      %swap3A_1014 = vector.shape_cast %add3A_1009 : vector<16xf32> to vector<1x16xf32>
      tpu.vector_store %arg15[%swap3A_1010, %swap3A_1011], %swap3A_1014 {strides = array<i32>} : memref<512x32xf32, #tpu.memory_space<vmem>>, vector<1x16xf32>,
      %get3A_1015 = arith.constant 0 : i32
      %get3A_1016 = arith.index_cast %get3A_1015 : i32 to index
      %get3A_1017 = arith.constant 16 : index
      %get3A_1018 = tpu.vector_load %arg8[%get3A_1016, %get3A_1017] {strides = array<i32>} : memref<50x32xf32, #tpu.memory_space<vmem>>, vector<1x16xf32>,
      %get3A_1019 = vector.shape_cast %get3A_1018 : vector<1x16xf32> to vector<16xf32>
      %get3A_1020 = arith.constant 1 : i32
      %get3A_1021 = arith.index_cast %get3A_1020 : i32 to index
      %get3A_1022 = arith.constant 16 : index
      %get3A_1023 = tpu.vector_load %arg8[%get3A_1021, %get3A_1022] {strides = array<i32>} : memref<50x32xf32, #tpu.memory_space<vmem>>, vector<1x16xf32>,
      %get3A_1024 = vector.shape_cast %get3A_1023 : vector<1x16xf32> to vector<16xf32>
      %get3A_1025 = arith.constant 2 : i32
      %get3A_1026 = arith.index_cast %get3A_1025 : i32 to index
      %get3A_1027 = arith.constant 16 : index
      %get3A_1028 = tpu.vector_load %arg8[%get3A_1026, %get3A_1027] {strides = array<i32>} : memref<50x32xf32, #tpu.memory_space<vmem>>, vector<1x16xf32>,
      %get3A_1029 = vector.shape_cast %get3A_1028 : vector<1x16xf32> to vector<16xf32>
      %get3A_1030 = arith.constant 3 : i32
      %get3A_1031 = arith.index_cast %get3A_1030 : i32 to index
      %get3A_1032 = arith.constant 16 : index
      %get3A_1033 = tpu.vector_load %arg8[%get3A_1031, %get3A_1032] {strides = array<i32>} : memref<50x32xf32, #tpu.memory_space<vmem>>, vector<1x16xf32>,
      %get3A_1034 = vector.shape_cast %get3A_1033 : vector<1x16xf32> to vector<16xf32>
      %get3A_1035 = arith.constant 4 : i32
      %get3A_1036 = arith.index_cast %get3A_1035 : i32 to index
      %get3A_1037 = arith.constant 16 : index
      %get3A_1038 = tpu.vector_load %arg8[%get3A_1036, %get3A_1037] {strides = array<i32>} : memref<50x32xf32, #tpu.memory_space<vmem>>, vector<1x16xf32>,
      %get3A_1039 = vector.shape_cast %get3A_1038 : vector<1x16xf32> to vector<16xf32>
      %add3A_1040 = arith.addf %get3A_1019, %get3A_1039 : vector<16xf32>
      %get3A_1041 = arith.constant 5 : i32
      %get3A_1042 = arith.index_cast %get3A_1041 : i32 to index
      %get3A_1043 = arith.constant 16 : index
      %get3A_1044 = tpu.vector_load %arg8[%get3A_1042, %get3A_1043] {strides = array<i32>} : memref<50x32xf32, #tpu.memory_space<vmem>>, vector<1x16xf32>,
      %get3A_1045 = vector.shape_cast %get3A_1044 : vector<1x16xf32> to vector<16xf32>
      %add3A_1046 = arith.addf %get3A_1024, %get3A_1045 : vector<16xf32>
      %get3A_1047 = arith.constant 6 : i32
      %get3A_1048 = arith.index_cast %get3A_1047 : i32 to index
      %get3A_1049 = arith.constant 16 : index
      %get3A_1050 = tpu.vector_load %arg8[%get3A_1048, %get3A_1049] {strides = array<i32>} : memref<50x32xf32, #tpu.memory_space<vmem>>, vector<1x16xf32>,
      %get3A_1051 = vector.shape_cast %get3A_1050 : vector<1x16xf32> to vector<16xf32>
      %add3A_1052 = arith.addf %get3A_1029, %get3A_1051 : vector<16xf32>
      %get3A_1053 = arith.constant 7 : i32
      %get3A_1054 = arith.index_cast %get3A_1053 : i32 to index
      %get3A_1055 = arith.constant 16 : index
      %get3A_1056 = tpu.vector_load %arg8[%get3A_1054, %get3A_1055] {strides = array<i32>} : memref<50x32xf32, #tpu.memory_space<vmem>>, vector<1x16xf32>,
      %get3A_1057 = vector.shape_cast %get3A_1056 : vector<1x16xf32> to vector<16xf32>
      %add3A_1058 = arith.addf %get3A_1034, %get3A_1057 : vector<16xf32>
      %get3A_1059 = arith.constant 8 : i32
      %get3A_1060 = arith.index_cast %get3A_1059 : i32 to index
      %get3A_1061 = arith.constant 16 : index
      %get3A_1062 = tpu.vector_load %arg8[%get3A_1060, %get3A_1061] {strides = array<i32>} : memref<50x32xf32, #tpu.memory_space<vmem>>, vector<1x16xf32>,
      %get3A_1063 = vector.shape_cast %get3A_1062 : vector<1x16xf32> to vector<16xf32>
      %add3A_1064 = arith.addf %add3A_1040, %get3A_1063 : vector<16xf32>
      %get3A_1065 = arith.constant 9 : i32
      %get3A_1066 = arith.index_cast %get3A_1065 : i32 to index
      %get3A_1067 = arith.constant 16 : index
      %get3A_1068 = tpu.vector_load %arg8[%get3A_1066, %get3A_1067] {strides = array<i32>} : memref<50x32xf32, #tpu.memory_space<vmem>>, vector<1x16xf32>,
      %get3A_1069 = vector.shape_cast %get3A_1068 : vector<1x16xf32> to vector<16xf32>
      %add3A_1070 = arith.addf %add3A_1046, %get3A_1069 : vector<16xf32>
      %get3A_1071 = arith.constant 10 : i32
      %get3A_1072 = arith.index_cast %get3A_1071 : i32 to index
      %get3A_1073 = arith.constant 16 : index
      %get3A_1074 = tpu.vector_load %arg8[%get3A_1072, %get3A_1073] {strides = array<i32>} : memref<50x32xf32, #tpu.memory_space<vmem>>, vector<1x16xf32>,
      %get3A_1075 = vector.shape_cast %get3A_1074 : vector<1x16xf32> to vector<16xf32>
      %add3A_1076 = arith.addf %add3A_1052, %get3A_1075 : vector<16xf32>
      %get3A_1077 = arith.constant 11 : i32
      %get3A_1078 = arith.index_cast %get3A_1077 : i32 to index
      %get3A_1079 = arith.constant 16 : index
      %get3A_1080 = tpu.vector_load %arg8[%get3A_1078, %get3A_1079] {strides = array<i32>} : memref<50x32xf32, #tpu.memory_space<vmem>>, vector<1x16xf32>,
      %get3A_1081 = vector.shape_cast %get3A_1080 : vector<1x16xf32> to vector<16xf32>
      %add3A_1082 = arith.addf %add3A_1058, %get3A_1081 : vector<16xf32>
      %get3A_1083 = arith.constant 12 : i32
      %get3A_1084 = arith.index_cast %get3A_1083 : i32 to index
      %get3A_1085 = arith.constant 16 : index
      %get3A_1086 = tpu.vector_load %arg8[%get3A_1084, %get3A_1085] {strides = array<i32>} : memref<50x32xf32, #tpu.memory_space<vmem>>, vector<1x16xf32>,
      %get3A_1087 = vector.shape_cast %get3A_1086 : vector<1x16xf32> to vector<16xf32>
      %add3A_1088 = arith.addf %add3A_1064, %get3A_1087 : vector<16xf32>
      %get3A_1089 = arith.constant 13 : i32
      %get3A_1090 = arith.index_cast %get3A_1089 : i32 to index
      %get3A_1091 = arith.constant 16 : index
      %get3A_1092 = tpu.vector_load %arg8[%get3A_1090, %get3A_1091] {strides = array<i32>} : memref<50x32xf32, #tpu.memory_space<vmem>>, vector<1x16xf32>,
      %get3A_1093 = vector.shape_cast %get3A_1092 : vector<1x16xf32> to vector<16xf32>
      %add3A_1094 = arith.addf %add3A_1070, %get3A_1093 : vector<16xf32>
      %get3A_1095 = arith.constant 14 : i32
      %get3A_1096 = arith.index_cast %get3A_1095 : i32 to index
      %get3A_1097 = arith.constant 16 : index
      %get3A_1098 = tpu.vector_load %arg8[%get3A_1096, %get3A_1097] {strides = array<i32>} : memref<50x32xf32, #tpu.memory_space<vmem>>, vector<1x16xf32>,
      %get3A_1099 = vector.shape_cast %get3A_1098 : vector<1x16xf32> to vector<16xf32>
      %add3A_1100 = arith.addf %add3A_1076, %get3A_1099 : vector<16xf32>
      %get3A_1101 = arith.constant 15 : i32
      %get3A_1102 = arith.index_cast %get3A_1101 : i32 to index
      %get3A_1103 = arith.constant 16 : index
      %get3A_1104 = tpu.vector_load %arg8[%get3A_1102, %get3A_1103] {strides = array<i32>} : memref<50x32xf32, #tpu.memory_space<vmem>>, vector<1x16xf32>,
      %get3A_1105 = vector.shape_cast %get3A_1104 : vector<1x16xf32> to vector<16xf32>
      %add3A_1106 = arith.addf %add3A_1082, %get3A_1105 : vector<16xf32>
      %get3A_1107 = arith.constant 16 : i32
      %get3A_1108 = arith.index_cast %get3A_1107 : i32 to index
      %get3A_1109 = arith.constant 16 : index
      %get3A_1110 = tpu.vector_load %arg8[%get3A_1108, %get3A_1109] {strides = array<i32>} : memref<50x32xf32, #tpu.memory_space<vmem>>, vector<1x16xf32>,
      %get3A_1111 = vector.shape_cast %get3A_1110 : vector<1x16xf32> to vector<16xf32>
      %add3A_1112 = arith.addf %add3A_1088, %get3A_1111 : vector<16xf32>
      %get3A_1113 = arith.constant 17 : i32
      %get3A_1114 = arith.index_cast %get3A_1113 : i32 to index
      %get3A_1115 = arith.constant 16 : index
      %get3A_1116 = tpu.vector_load %arg8[%get3A_1114, %get3A_1115] {strides = array<i32>} : memref<50x32xf32, #tpu.memory_space<vmem>>, vector<1x16xf32>,
      %get3A_1117 = vector.shape_cast %get3A_1116 : vector<1x16xf32> to vector<16xf32>
      %add3A_1118 = arith.addf %add3A_1094, %get3A_1117 : vector<16xf32>
      %get3A_1119 = arith.constant 18 : i32
      %get3A_1120 = arith.index_cast %get3A_1119 : i32 to index
      %get3A_1121 = arith.constant 16 : index
      %get3A_1122 = tpu.vector_load %arg8[%get3A_1120, %get3A_1121] {strides = array<i32>} : memref<50x32xf32, #tpu.memory_space<vmem>>, vector<1x16xf32>,
      %get3A_1123 = vector.shape_cast %get3A_1122 : vector<1x16xf32> to vector<16xf32>
      %add3A_1124 = arith.addf %add3A_1100, %get3A_1123 : vector<16xf32>
      %get3A_1125 = arith.constant 19 : i32
      %get3A_1126 = arith.index_cast %get3A_1125 : i32 to index
      %get3A_1127 = arith.constant 16 : index
      %get3A_1128 = tpu.vector_load %arg8[%get3A_1126, %get3A_1127] {strides = array<i32>} : memref<50x32xf32, #tpu.memory_space<vmem>>, vector<1x16xf32>,
      %get3A_1129 = vector.shape_cast %get3A_1128 : vector<1x16xf32> to vector<16xf32>
      %add3A_1130 = arith.addf %add3A_1106, %get3A_1129 : vector<16xf32>
      %get3A_1131 = arith.constant 20 : i32
      %get3A_1132 = arith.index_cast %get3A_1131 : i32 to index
      %get3A_1133 = arith.constant 16 : index
      %get3A_1134 = tpu.vector_load %arg8[%get3A_1132, %get3A_1133] {strides = array<i32>} : memref<50x32xf32, #tpu.memory_space<vmem>>, vector<1x16xf32>,
      %get3A_1135 = vector.shape_cast %get3A_1134 : vector<1x16xf32> to vector<16xf32>
      %add3A_1136 = arith.addf %add3A_1112, %get3A_1135 : vector<16xf32>
      %get3A_1137 = arith.constant 21 : i32
      %get3A_1138 = arith.index_cast %get3A_1137 : i32 to index
      %get3A_1139 = arith.constant 16 : index
      %get3A_1140 = tpu.vector_load %arg8[%get3A_1138, %get3A_1139] {strides = array<i32>} : memref<50x32xf32, #tpu.memory_space<vmem>>, vector<1x16xf32>,
      %get3A_1141 = vector.shape_cast %get3A_1140 : vector<1x16xf32> to vector<16xf32>
      %add3A_1142 = arith.addf %add3A_1118, %get3A_1141 : vector<16xf32>
      %get3A_1143 = arith.constant 22 : i32
      %get3A_1144 = arith.index_cast %get3A_1143 : i32 to index
      %get3A_1145 = arith.constant 16 : index
      %get3A_1146 = tpu.vector_load %arg8[%get3A_1144, %get3A_1145] {strides = array<i32>} : memref<50x32xf32, #tpu.memory_space<vmem>>, vector<1x16xf32>,
      %get3A_1147 = vector.shape_cast %get3A_1146 : vector<1x16xf32> to vector<16xf32>
      %add3A_1148 = arith.addf %add3A_1124, %get3A_1147 : vector<16xf32>
      %get3A_1149 = arith.constant 23 : i32
      %get3A_1150 = arith.index_cast %get3A_1149 : i32 to index
      %get3A_1151 = arith.constant 16 : index
      %get3A_1152 = tpu.vector_load %arg8[%get3A_1150, %get3A_1151] {strides = array<i32>} : memref<50x32xf32, #tpu.memory_space<vmem>>, vector<1x16xf32>,
      %get3A_1153 = vector.shape_cast %get3A_1152 : vector<1x16xf32> to vector<16xf32>
      %add3A_1154 = arith.addf %add3A_1130, %get3A_1153 : vector<16xf32>
      %get3A_1155 = arith.constant 24 : i32
      %get3A_1156 = arith.index_cast %get3A_1155 : i32 to index
      %get3A_1157 = arith.constant 16 : index
      %get3A_1158 = tpu.vector_load %arg8[%get3A_1156, %get3A_1157] {strides = array<i32>} : memref<50x32xf32, #tpu.memory_space<vmem>>, vector<1x16xf32>,
      %get3A_1159 = vector.shape_cast %get3A_1158 : vector<1x16xf32> to vector<16xf32>
      %add3A_1160 = arith.addf %add3A_1136, %get3A_1159 : vector<16xf32>
      %get3A_1161 = arith.constant 25 : i32
      %get3A_1162 = arith.index_cast %get3A_1161 : i32 to index
      %get3A_1163 = arith.constant 16 : index
      %get3A_1164 = tpu.vector_load %arg8[%get3A_1162, %get3A_1163] {strides = array<i32>} : memref<50x32xf32, #tpu.memory_space<vmem>>, vector<1x16xf32>,
      %get3A_1165 = vector.shape_cast %get3A_1164 : vector<1x16xf32> to vector<16xf32>
      %add3A_1166 = arith.addf %add3A_1142, %get3A_1165 : vector<16xf32>
      %get3A_1167 = arith.constant 26 : i32
      %get3A_1168 = arith.index_cast %get3A_1167 : i32 to index
      %get3A_1169 = arith.constant 16 : index
      %get3A_1170 = tpu.vector_load %arg8[%get3A_1168, %get3A_1169] {strides = array<i32>} : memref<50x32xf32, #tpu.memory_space<vmem>>, vector<1x16xf32>,
      %get3A_1171 = vector.shape_cast %get3A_1170 : vector<1x16xf32> to vector<16xf32>
      %add3A_1172 = arith.addf %add3A_1148, %get3A_1171 : vector<16xf32>
      %get3A_1173 = arith.constant 27 : i32
      %get3A_1174 = arith.index_cast %get3A_1173 : i32 to index
      %get3A_1175 = arith.constant 16 : index
      %get3A_1176 = tpu.vector_load %arg8[%get3A_1174, %get3A_1175] {strides = array<i32>} : memref<50x32xf32, #tpu.memory_space<vmem>>, vector<1x16xf32>,
      %get3A_1177 = vector.shape_cast %get3A_1176 : vector<1x16xf32> to vector<16xf32>
      %add3A_1178 = arith.addf %add3A_1154, %get3A_1177 : vector<16xf32>
      %get3A_1179 = arith.constant 28 : i32
      %get3A_1180 = arith.index_cast %get3A_1179 : i32 to index
      %get3A_1181 = arith.constant 16 : index
      %get3A_1182 = tpu.vector_load %arg8[%get3A_1180, %get3A_1181] {strides = array<i32>} : memref<50x32xf32, #tpu.memory_space<vmem>>, vector<1x16xf32>,
      %get3A_1183 = vector.shape_cast %get3A_1182 : vector<1x16xf32> to vector<16xf32>
      %add3A_1184 = arith.addf %add3A_1160, %get3A_1183 : vector<16xf32>
      %get3A_1185 = arith.constant 29 : i32
      %get3A_1186 = arith.index_cast %get3A_1185 : i32 to index
      %get3A_1187 = arith.constant 16 : index
      %get3A_1188 = tpu.vector_load %arg8[%get3A_1186, %get3A_1187] {strides = array<i32>} : memref<50x32xf32, #tpu.memory_space<vmem>>, vector<1x16xf32>,
      %get3A_1189 = vector.shape_cast %get3A_1188 : vector<1x16xf32> to vector<16xf32>
      %add3A_1190 = arith.addf %add3A_1166, %get3A_1189 : vector<16xf32>
      %get3A_1191 = arith.constant 30 : i32
      %get3A_1192 = arith.index_cast %get3A_1191 : i32 to index
      %get3A_1193 = arith.constant 16 : index
      %get3A_1194 = tpu.vector_load %arg8[%get3A_1192, %get3A_1193] {strides = array<i32>} : memref<50x32xf32, #tpu.memory_space<vmem>>, vector<1x16xf32>,
      %get3A_1195 = vector.shape_cast %get3A_1194 : vector<1x16xf32> to vector<16xf32>
      %add3A_1196 = arith.addf %add3A_1172, %get3A_1195 : vector<16xf32>
      %get3A_1197 = arith.constant 31 : i32
      %get3A_1198 = arith.index_cast %get3A_1197 : i32 to index
      %get3A_1199 = arith.constant 16 : index
      %get3A_1200 = tpu.vector_load %arg8[%get3A_1198, %get3A_1199] {strides = array<i32>} : memref<50x32xf32, #tpu.memory_space<vmem>>, vector<1x16xf32>,
      %get3A_1201 = vector.shape_cast %get3A_1200 : vector<1x16xf32> to vector<16xf32>
      %add3A_1202 = arith.addf %add3A_1178, %get3A_1201 : vector<16xf32>
      %get3A_1203 = arith.constant 32 : i32
      %get3A_1204 = arith.index_cast %get3A_1203 : i32 to index
      %get3A_1205 = arith.constant 16 : index
      %get3A_1206 = tpu.vector_load %arg8[%get3A_1204, %get3A_1205] {strides = array<i32>} : memref<50x32xf32, #tpu.memory_space<vmem>>, vector<1x16xf32>,
      %get3A_1207 = vector.shape_cast %get3A_1206 : vector<1x16xf32> to vector<16xf32>
      %add3A_1208 = arith.addf %add3A_1184, %get3A_1207 : vector<16xf32>
      %get3A_1209 = arith.constant 33 : i32
      %get3A_1210 = arith.index_cast %get3A_1209 : i32 to index
      %get3A_1211 = arith.constant 16 : index
      %get3A_1212 = tpu.vector_load %arg8[%get3A_1210, %get3A_1211] {strides = array<i32>} : memref<50x32xf32, #tpu.memory_space<vmem>>, vector<1x16xf32>,
      %get3A_1213 = vector.shape_cast %get3A_1212 : vector<1x16xf32> to vector<16xf32>
      %add3A_1214 = arith.addf %add3A_1190, %get3A_1213 : vector<16xf32>
      %get3A_1215 = arith.constant 34 : i32
      %get3A_1216 = arith.index_cast %get3A_1215 : i32 to index
      %get3A_1217 = arith.constant 16 : index
      %get3A_1218 = tpu.vector_load %arg8[%get3A_1216, %get3A_1217] {strides = array<i32>} : memref<50x32xf32, #tpu.memory_space<vmem>>, vector<1x16xf32>,
      %get3A_1219 = vector.shape_cast %get3A_1218 : vector<1x16xf32> to vector<16xf32>
      %add3A_1220 = arith.addf %add3A_1196, %get3A_1219 : vector<16xf32>
      %get3A_1221 = arith.constant 35 : i32
      %get3A_1222 = arith.index_cast %get3A_1221 : i32 to index
      %get3A_1223 = arith.constant 16 : index
      %get3A_1224 = tpu.vector_load %arg8[%get3A_1222, %get3A_1223] {strides = array<i32>} : memref<50x32xf32, #tpu.memory_space<vmem>>, vector<1x16xf32>,
      %get3A_1225 = vector.shape_cast %get3A_1224 : vector<1x16xf32> to vector<16xf32>
      %add3A_1226 = arith.addf %add3A_1202, %get3A_1225 : vector<16xf32>
      %get3A_1227 = arith.constant 36 : i32
      %get3A_1228 = arith.index_cast %get3A_1227 : i32 to index
      %get3A_1229 = arith.constant 16 : index
      %get3A_1230 = tpu.vector_load %arg8[%get3A_1228, %get3A_1229] {strides = array<i32>} : memref<50x32xf32, #tpu.memory_space<vmem>>, vector<1x16xf32>,
      %get3A_1231 = vector.shape_cast %get3A_1230 : vector<1x16xf32> to vector<16xf32>
      %add3A_1232 = arith.addf %add3A_1208, %get3A_1231 : vector<16xf32>
      %get3A_1233 = arith.constant 37 : i32
      %get3A_1234 = arith.index_cast %get3A_1233 : i32 to index
      %get3A_1235 = arith.constant 16 : index
      %get3A_1236 = tpu.vector_load %arg8[%get3A_1234, %get3A_1235] {strides = array<i32>} : memref<50x32xf32, #tpu.memory_space<vmem>>, vector<1x16xf32>,
      %get3A_1237 = vector.shape_cast %get3A_1236 : vector<1x16xf32> to vector<16xf32>
      %add3A_1238 = arith.addf %add3A_1214, %get3A_1237 : vector<16xf32>
      %get3A_1239 = arith.constant 38 : i32
      %get3A_1240 = arith.index_cast %get3A_1239 : i32 to index
      %get3A_1241 = arith.constant 16 : index
      %get3A_1242 = tpu.vector_load %arg8[%get3A_1240, %get3A_1241] {strides = array<i32>} : memref<50x32xf32, #tpu.memory_space<vmem>>, vector<1x16xf32>,
      %get3A_1243 = vector.shape_cast %get3A_1242 : vector<1x16xf32> to vector<16xf32>
      %add3A_1244 = arith.addf %add3A_1220, %get3A_1243 : vector<16xf32>
      %get3A_1245 = arith.constant 39 : i32
      %get3A_1246 = arith.index_cast %get3A_1245 : i32 to index
      %get3A_1247 = arith.constant 16 : index
      %get3A_1248 = tpu.vector_load %arg8[%get3A_1246, %get3A_1247] {strides = array<i32>} : memref<50x32xf32, #tpu.memory_space<vmem>>, vector<1x16xf32>,
      %get3A_1249 = vector.shape_cast %get3A_1248 : vector<1x16xf32> to vector<16xf32>
      %add3A_1250 = arith.addf %add3A_1226, %get3A_1249 : vector<16xf32>
      %get3A_1251 = arith.constant 40 : i32
      %get3A_1252 = arith.index_cast %get3A_1251 : i32 to index
      %get3A_1253 = arith.constant 16 : index
      %get3A_1254 = tpu.vector_load %arg8[%get3A_1252, %get3A_1253] {strides = array<i32>} : memref<50x32xf32, #tpu.memory_space<vmem>>, vector<1x16xf32>,
      %get3A_1255 = vector.shape_cast %get3A_1254 : vector<1x16xf32> to vector<16xf32>
      %add3A_1256 = arith.addf %add3A_1232, %get3A_1255 : vector<16xf32>
      %get3A_1257 = arith.constant 41 : i32
      %get3A_1258 = arith.index_cast %get3A_1257 : i32 to index
      %get3A_1259 = arith.constant 16 : index
      %get3A_1260 = tpu.vector_load %arg8[%get3A_1258, %get3A_1259] {strides = array<i32>} : memref<50x32xf32, #tpu.memory_space<vmem>>, vector<1x16xf32>,
      %get3A_1261 = vector.shape_cast %get3A_1260 : vector<1x16xf32> to vector<16xf32>
      %add3A_1262 = arith.addf %add3A_1238, %get3A_1261 : vector<16xf32>
      %get3A_1263 = arith.constant 42 : i32
      %get3A_1264 = arith.index_cast %get3A_1263 : i32 to index
      %get3A_1265 = arith.constant 16 : index
      %get3A_1266 = tpu.vector_load %arg8[%get3A_1264, %get3A_1265] {strides = array<i32>} : memref<50x32xf32, #tpu.memory_space<vmem>>, vector<1x16xf32>,
      %get3A_1267 = vector.shape_cast %get3A_1266 : vector<1x16xf32> to vector<16xf32>
      %add3A_1268 = arith.addf %add3A_1244, %get3A_1267 : vector<16xf32>
      %get3A_1269 = arith.constant 43 : i32
      %get3A_1270 = arith.index_cast %get3A_1269 : i32 to index
      %get3A_1271 = arith.constant 16 : index
      %get3A_1272 = tpu.vector_load %arg8[%get3A_1270, %get3A_1271] {strides = array<i32>} : memref<50x32xf32, #tpu.memory_space<vmem>>, vector<1x16xf32>,
      %get3A_1273 = vector.shape_cast %get3A_1272 : vector<1x16xf32> to vector<16xf32>
      %add3A_1274 = arith.addf %add3A_1250, %get3A_1273 : vector<16xf32>
      %get3A_1275 = arith.constant 44 : i32
      %get3A_1276 = arith.index_cast %get3A_1275 : i32 to index
      %get3A_1277 = arith.constant 16 : index
      %get3A_1278 = tpu.vector_load %arg8[%get3A_1276, %get3A_1277] {strides = array<i32>} : memref<50x32xf32, #tpu.memory_space<vmem>>, vector<1x16xf32>,
      %get3A_1279 = vector.shape_cast %get3A_1278 : vector<1x16xf32> to vector<16xf32>
      %add3A_1280 = arith.addf %add3A_1256, %get3A_1279 : vector<16xf32>
      %get3A_1281 = arith.constant 45 : i32
      %get3A_1282 = arith.index_cast %get3A_1281 : i32 to index
      %get3A_1283 = arith.constant 16 : index
      %get3A_1284 = tpu.vector_load %arg8[%get3A_1282, %get3A_1283] {strides = array<i32>} : memref<50x32xf32, #tpu.memory_space<vmem>>, vector<1x16xf32>,
      %get3A_1285 = vector.shape_cast %get3A_1284 : vector<1x16xf32> to vector<16xf32>
      %add3A_1286 = arith.addf %add3A_1262, %get3A_1285 : vector<16xf32>
      %get3A_1287 = arith.constant 46 : i32
      %get3A_1288 = arith.index_cast %get3A_1287 : i32 to index
      %get3A_1289 = arith.constant 16 : index
      %get3A_1290 = tpu.vector_load %arg8[%get3A_1288, %get3A_1289] {strides = array<i32>} : memref<50x32xf32, #tpu.memory_space<vmem>>, vector<1x16xf32>,
      %get3A_1291 = vector.shape_cast %get3A_1290 : vector<1x16xf32> to vector<16xf32>
      %add3A_1292 = arith.addf %add3A_1268, %get3A_1291 : vector<16xf32>
      %get3A_1293 = arith.constant 47 : i32
      %get3A_1294 = arith.index_cast %get3A_1293 : i32 to index
      %get3A_1295 = arith.constant 16 : index
      %get3A_1296 = tpu.vector_load %arg8[%get3A_1294, %get3A_1295] {strides = array<i32>} : memref<50x32xf32, #tpu.memory_space<vmem>>, vector<1x16xf32>,
      %get3A_1297 = vector.shape_cast %get3A_1296 : vector<1x16xf32> to vector<16xf32>
      %add3A_1298 = arith.addf %add3A_1274, %get3A_1297 : vector<16xf32>
      %get3A_1299 = arith.constant 48 : i32
      %get3A_1300 = arith.index_cast %get3A_1299 : i32 to index
      %get3A_1301 = arith.constant 16 : index
      %get3A_1302 = tpu.vector_load %arg8[%get3A_1300, %get3A_1301] {strides = array<i32>} : memref<50x32xf32, #tpu.memory_space<vmem>>, vector<1x16xf32>,
      %get3A_1303 = vector.shape_cast %get3A_1302 : vector<1x16xf32> to vector<16xf32>
      %add3A_1304 = arith.addf %add3A_1280, %get3A_1303 : vector<16xf32>
      %get3A_1305 = arith.constant 49 : i32
      %get3A_1306 = arith.index_cast %get3A_1305 : i32 to index
      %get3A_1307 = arith.constant 16 : index
      %get3A_1308 = tpu.vector_load %arg8[%get3A_1306, %get3A_1307] {strides = array<i32>} : memref<50x32xf32, #tpu.memory_space<vmem>>, vector<1x16xf32>,
      %get3A_1309 = vector.shape_cast %get3A_1308 : vector<1x16xf32> to vector<16xf32>
      %add3A_1310 = arith.addf %add3A_1286, %get3A_1309 : vector<16xf32>
      %add3A_1311 = arith.addf %add3A_1304, %add3A_1310 : vector<16xf32>
      %add3A_1312 = arith.addf %add3A_1292, %add3A_1298 : vector<16xf32>
      %add3A_1313 = arith.addf %add3A_1311, %add3A_1312 : vector<16xf32>
      %get3A_1314 = arith.constant 16 : index
      %get3A_1315 = tpu.vector_load %arg16[%get3A_1314] {strides = array<i32>} : memref<32xf32, #tpu.memory_space<vmem>>, vector<16xf32>,
      %get3A_1316 = vector.shape_cast %get3A_1315 : vector<16xf32> to vector<16xf32>
      %add3A_1317 = arith.addf %add3A_1313, %get3A_1316 : vector<16xf32>
      %swap3A_1318 = arith.index_cast %add3A_706 : i32 to index
      %swap3A_1319 = arith.constant 16 : index
      %swap3A_1320 = tpu.vector_load %arg15[%swap3A_1318, %swap3A_1319] {strides = array<i32>} : memref<512x32xf32, #tpu.memory_space<vmem>>, vector<1x16xf32>,
      %swap3A_1321 = vector.shape_cast %swap3A_1320 : vector<1x16xf32> to vector<16xf32>
      %swap3A_1322 = vector.shape_cast %add3A_1317 : vector<16xf32> to vector<1x16xf32>
      tpu.vector_store %arg15[%swap3A_1318, %swap3A_1319], %swap3A_1322 {strides = array<i32>} : memref<512x32xf32, #tpu.memory_space<vmem>>, vector<1x16xf32>,
      %add3A_1323 = arith.constant 1 : i32
      %add3A_1324 = arith.addi %mul3A_67, %add3A_1323 : i32
      %add3A_1325 = arith.constant 8 : i32
      %add3A_1326 = arith.addi %add3A_1324, %add3A_1325 : i32
      %lt3A_1327 = arith.constant 512 : i32
      %lt3A_1328 = arith.cmpi slt, %add3A_1326, %lt3A_1327 : i32
      %convert_element_type3A_1329 = arith.extui %lt3A_1328 : i1 to i32
      %cond3A_1330 = arith.constant 0 : i32
      %cond3A_1331 = arith.cmpi ne, %convert_element_type3A_1329, %cond3A_1330 : i32
      scf.if %cond3A_1331 {
        %add3A_5142 = arith.constant 1 : i32
        %add3A_5143 = arith.addi %mul3A_67, %add3A_5142 : i32
        %add3A_5144 = arith.constant 8 : i32
        %add3A_5145 = arith.addi %add3A_5143, %add3A_5144 : i32
        %dma_start3A_5146 = arith.constant 0 : i32
        %dma_start3A_5147 = tpu.memref_slice %arg6[%add3A_5145, %dma_start3A_5146] : memref<512x50xi32, #tpu.memory_space<vmem>> -> memref<1x50xi32, #tpu.memory_space<vmem>>
        %dma_start3A_5148 = tpu.memref_squeeze %dma_start3A_5147 : memref<1x50xi32, #tpu.memory_space<vmem>> -> memref<50xi32, #tpu.memory_space<vmem>>
        %dma_start3A_5149 = arith.constant 0 : i32
        %dma_start3A_5150 = arith.constant 0 : i32
        %dma_start3A_5151 = tpu.memref_slice %arg3[%dma_start3A_5149, %dma_start3A_5150] : memref<100000x32xf32, #tpu.memory_space<hbm>> -> memref<100000x32xf32, #tpu.memory_space<hbm>>
        tpu.enqueue_indirect_dma source(%dma_start3A_5151 : memref<100000x32xf32, #tpu.memory_space<hbm>>) target(%arg8 : memref<50x32xf32, #tpu.memory_space<vmem>>) offsets(%dma_start3A_5148 : memref<50xi32, #tpu.memory_space<vmem>>) semaphore(%arg18 : memref<!tpu.dma_semaphore, #tpu.memory_space<semaphore_mem>>)
      } else {
      }
      %add3A_1332 = arith.constant 2 : i32
      %add3A_1333 = arith.addi %mul3A_67, %add3A_1332 : i32
      %dma_wait3A_1334 = arith.constant 0 : i32
      %dma_wait3A_1335 = tpu.memref_slice %arg6[%add3A_1333, %dma_wait3A_1334] : memref<512x50xi32, #tpu.memory_space<vmem>> -> memref<1x50xi32, #tpu.memory_space<vmem>>
      %dma_wait3A_1336 = tpu.memref_squeeze %dma_wait3A_1335 : memref<1x50xi32, #tpu.memory_space<vmem>> -> memref<50xi32, #tpu.memory_space<vmem>>
      %dma_wait3A_1337 = arith.constant 0 : i32
      %dma_wait3A_1338 = arith.constant 0 : i32
      %dma_wait3A_1339 = tpu.memref_slice %arg3[%dma_wait3A_1337, %dma_wait3A_1338] : memref<100000x32xf32, #tpu.memory_space<hbm>> -> memref<100000x32xf32, #tpu.memory_space<hbm>>
      tpu.wait_indirect_dma semaphore(%arg19 : memref<!tpu.dma_semaphore, #tpu.memory_space<semaphore_mem>>) src(%dma_wait3A_1339 : memref<100000x32xf32, #tpu.memory_space<hbm>>) dst(%arg9 : memref<50x32xf32, #tpu.memory_space<vmem>>)
      %add3A_1340 = arith.constant 2 : i32
      %add3A_1341 = arith.addi %mul3A_67, %add3A_1340 : i32
      %get3A_1342 = arith.constant 0 : i32
      %get3A_1343 = arith.index_cast %get3A_1342 : i32 to index
      %get3A_1344 = arith.constant 0 : index
      %get3A_1345 = tpu.vector_load %arg9[%get3A_1343, %get3A_1344] {strides = array<i32>} : memref<50x32xf32, #tpu.memory_space<vmem>>, vector<1x16xf32>,
      %get3A_1346 = vector.shape_cast %get3A_1345 : vector<1x16xf32> to vector<16xf32>
      %get3A_1347 = arith.constant 1 : i32
      %get3A_1348 = arith.index_cast %get3A_1347 : i32 to index
      %get3A_1349 = arith.constant 0 : index
      %get3A_1350 = tpu.vector_load %arg9[%get3A_1348, %get3A_1349] {strides = array<i32>} : memref<50x32xf32, #tpu.memory_space<vmem>>, vector<1x16xf32>,
      %get3A_1351 = vector.shape_cast %get3A_1350 : vector<1x16xf32> to vector<16xf32>
      %get3A_1352 = arith.constant 2 : i32
      %get3A_1353 = arith.index_cast %get3A_1352 : i32 to index
      %get3A_1354 = arith.constant 0 : index
      %get3A_1355 = tpu.vector_load %arg9[%get3A_1353, %get3A_1354] {strides = array<i32>} : memref<50x32xf32, #tpu.memory_space<vmem>>, vector<1x16xf32>,
      %get3A_1356 = vector.shape_cast %get3A_1355 : vector<1x16xf32> to vector<16xf32>
      %get3A_1357 = arith.constant 3 : i32
      %get3A_1358 = arith.index_cast %get3A_1357 : i32 to index
      %get3A_1359 = arith.constant 0 : index
      %get3A_1360 = tpu.vector_load %arg9[%get3A_1358, %get3A_1359] {strides = array<i32>} : memref<50x32xf32, #tpu.memory_space<vmem>>, vector<1x16xf32>,
      %get3A_1361 = vector.shape_cast %get3A_1360 : vector<1x16xf32> to vector<16xf32>
      %get3A_1362 = arith.constant 4 : i32
      %get3A_1363 = arith.index_cast %get3A_1362 : i32 to index
      %get3A_1364 = arith.constant 0 : index
      %get3A_1365 = tpu.vector_load %arg9[%get3A_1363, %get3A_1364] {strides = array<i32>} : memref<50x32xf32, #tpu.memory_space<vmem>>, vector<1x16xf32>,
      %get3A_1366 = vector.shape_cast %get3A_1365 : vector<1x16xf32> to vector<16xf32>
      %add3A_1367 = arith.addf %get3A_1346, %get3A_1366 : vector<16xf32>
      %get3A_1368 = arith.constant 5 : i32
      %get3A_1369 = arith.index_cast %get3A_1368 : i32 to index
      %get3A_1370 = arith.constant 0 : index
      %get3A_1371 = tpu.vector_load %arg9[%get3A_1369, %get3A_1370] {strides = array<i32>} : memref<50x32xf32, #tpu.memory_space<vmem>>, vector<1x16xf32>,
      %get3A_1372 = vector.shape_cast %get3A_1371 : vector<1x16xf32> to vector<16xf32>
      %add3A_1373 = arith.addf %get3A_1351, %get3A_1372 : vector<16xf32>
      %get3A_1374 = arith.constant 6 : i32
      %get3A_1375 = arith.index_cast %get3A_1374 : i32 to index
      %get3A_1376 = arith.constant 0 : index
      %get3A_1377 = tpu.vector_load %arg9[%get3A_1375, %get3A_1376] {strides = array<i32>} : memref<50x32xf32, #tpu.memory_space<vmem>>, vector<1x16xf32>,
      %get3A_1378 = vector.shape_cast %get3A_1377 : vector<1x16xf32> to vector<16xf32>
      %add3A_1379 = arith.addf %get3A_1356, %get3A_1378 : vector<16xf32>
      %get3A_1380 = arith.constant 7 : i32
      %get3A_1381 = arith.index_cast %get3A_1380 : i32 to index
      %get3A_1382 = arith.constant 0 : index
      %get3A_1383 = tpu.vector_load %arg9[%get3A_1381, %get3A_1382] {strides = array<i32>} : memref<50x32xf32, #tpu.memory_space<vmem>>, vector<1x16xf32>,
      %get3A_1384 = vector.shape_cast %get3A_1383 : vector<1x16xf32> to vector<16xf32>
      %add3A_1385 = arith.addf %get3A_1361, %get3A_1384 : vector<16xf32>
      %get3A_1386 = arith.constant 8 : i32
      %get3A_1387 = arith.index_cast %get3A_1386 : i32 to index
      %get3A_1388 = arith.constant 0 : index
      %get3A_1389 = tpu.vector_load %arg9[%get3A_1387, %get3A_1388] {strides = array<i32>} : memref<50x32xf32, #tpu.memory_space<vmem>>, vector<1x16xf32>,
      %get3A_1390 = vector.shape_cast %get3A_1389 : vector<1x16xf32> to vector<16xf32>
      %add3A_1391 = arith.addf %add3A_1367, %get3A_1390 : vector<16xf32>
      %get3A_1392 = arith.constant 9 : i32
      %get3A_1393 = arith.index_cast %get3A_1392 : i32 to index
      %get3A_1394 = arith.constant 0 : index
      %get3A_1395 = tpu.vector_load %arg9[%get3A_1393, %get3A_1394] {strides = array<i32>} : memref<50x32xf32, #tpu.memory_space<vmem>>, vector<1x16xf32>,
      %get3A_1396 = vector.shape_cast %get3A_1395 : vector<1x16xf32> to vector<16xf32>
      %add3A_1397 = arith.addf %add3A_1373, %get3A_1396 : vector<16xf32>
      %get3A_1398 = arith.constant 10 : i32
      %get3A_1399 = arith.index_cast %get3A_1398 : i32 to index
      %get3A_1400 = arith.constant 0 : index
      %get3A_1401 = tpu.vector_load %arg9[%get3A_1399, %get3A_1400] {strides = array<i32>} : memref<50x32xf32, #tpu.memory_space<vmem>>, vector<1x16xf32>,
      %get3A_1402 = vector.shape_cast %get3A_1401 : vector<1x16xf32> to vector<16xf32>
      %add3A_1403 = arith.addf %add3A_1379, %get3A_1402 : vector<16xf32>
      %get3A_1404 = arith.constant 11 : i32
      %get3A_1405 = arith.index_cast %get3A_1404 : i32 to index
      %get3A_1406 = arith.constant 0 : index
      %get3A_1407 = tpu.vector_load %arg9[%get3A_1405, %get3A_1406] {strides = array<i32>} : memref<50x32xf32, #tpu.memory_space<vmem>>, vector<1x16xf32>,
      %get3A_1408 = vector.shape_cast %get3A_1407 : vector<1x16xf32> to vector<16xf32>
      %add3A_1409 = arith.addf %add3A_1385, %get3A_1408 : vector<16xf32>
      %get3A_1410 = arith.constant 12 : i32
      %get3A_1411 = arith.index_cast %get3A_1410 : i32 to index
      %get3A_1412 = arith.constant 0 : index
      %get3A_1413 = tpu.vector_load %arg9[%get3A_1411, %get3A_1412] {strides = array<i32>} : memref<50x32xf32, #tpu.memory_space<vmem>>, vector<1x16xf32>,
      %get3A_1414 = vector.shape_cast %get3A_1413 : vector<1x16xf32> to vector<16xf32>
      %add3A_1415 = arith.addf %add3A_1391, %get3A_1414 : vector<16xf32>
      %get3A_1416 = arith.constant 13 : i32
      %get3A_1417 = arith.index_cast %get3A_1416 : i32 to index
      %get3A_1418 = arith.constant 0 : index
      %get3A_1419 = tpu.vector_load %arg9[%get3A_1417, %get3A_1418] {strides = array<i32>} : memref<50x32xf32, #tpu.memory_space<vmem>>, vector<1x16xf32>,
      %get3A_1420 = vector.shape_cast %get3A_1419 : vector<1x16xf32> to vector<16xf32>
      %add3A_1421 = arith.addf %add3A_1397, %get3A_1420 : vector<16xf32>
      %get3A_1422 = arith.constant 14 : i32
      %get3A_1423 = arith.index_cast %get3A_1422 : i32 to index
      %get3A_1424 = arith.constant 0 : index
      %get3A_1425 = tpu.vector_load %arg9[%get3A_1423, %get3A_1424] {strides = array<i32>} : memref<50x32xf32, #tpu.memory_space<vmem>>, vector<1x16xf32>,
      %get3A_1426 = vector.shape_cast %get3A_1425 : vector<1x16xf32> to vector<16xf32>
      %add3A_1427 = arith.addf %add3A_1403, %get3A_1426 : vector<16xf32>
      %get3A_1428 = arith.constant 15 : i32
      %get3A_1429 = arith.index_cast %get3A_1428 : i32 to index
      %get3A_1430 = arith.constant 0 : index
      %get3A_1431 = tpu.vector_load %arg9[%get3A_1429, %get3A_1430] {strides = array<i32>} : memref<50x32xf32, #tpu.memory_space<vmem>>, vector<1x16xf32>,
      %get3A_1432 = vector.shape_cast %get3A_1431 : vector<1x16xf32> to vector<16xf32>
      %add3A_1433 = arith.addf %add3A_1409, %get3A_1432 : vector<16xf32>
      %get3A_1434 = arith.constant 16 : i32
      %get3A_1435 = arith.index_cast %get3A_1434 : i32 to index
      %get3A_1436 = arith.constant 0 : index
      %get3A_1437 = tpu.vector_load %arg9[%get3A_1435, %get3A_1436] {strides = array<i32>} : memref<50x32xf32, #tpu.memory_space<vmem>>, vector<1x16xf32>,
      %get3A_1438 = vector.shape_cast %get3A_1437 : vector<1x16xf32> to vector<16xf32>
      %add3A_1439 = arith.addf %add3A_1415, %get3A_1438 : vector<16xf32>
      %get3A_1440 = arith.constant 17 : i32
      %get3A_1441 = arith.index_cast %get3A_1440 : i32 to index
      %get3A_1442 = arith.constant 0 : index
      %get3A_1443 = tpu.vector_load %arg9[%get3A_1441, %get3A_1442] {strides = array<i32>} : memref<50x32xf32, #tpu.memory_space<vmem>>, vector<1x16xf32>,
      %get3A_1444 = vector.shape_cast %get3A_1443 : vector<1x16xf32> to vector<16xf32>
      %add3A_1445 = arith.addf %add3A_1421, %get3A_1444 : vector<16xf32>
      %get3A_1446 = arith.constant 18 : i32
      %get3A_1447 = arith.index_cast %get3A_1446 : i32 to index
      %get3A_1448 = arith.constant 0 : index
      %get3A_1449 = tpu.vector_load %arg9[%get3A_1447, %get3A_1448] {strides = array<i32>} : memref<50x32xf32, #tpu.memory_space<vmem>>, vector<1x16xf32>,
      %get3A_1450 = vector.shape_cast %get3A_1449 : vector<1x16xf32> to vector<16xf32>
      %add3A_1451 = arith.addf %add3A_1427, %get3A_1450 : vector<16xf32>
      %get3A_1452 = arith.constant 19 : i32
      %get3A_1453 = arith.index_cast %get3A_1452 : i32 to index
      %get3A_1454 = arith.constant 0 : index
      %get3A_1455 = tpu.vector_load %arg9[%get3A_1453, %get3A_1454] {strides = array<i32>} : memref<50x32xf32, #tpu.memory_space<vmem>>, vector<1x16xf32>,
      %get3A_1456 = vector.shape_cast %get3A_1455 : vector<1x16xf32> to vector<16xf32>
      %add3A_1457 = arith.addf %add3A_1433, %get3A_1456 : vector<16xf32>
      %get3A_1458 = arith.constant 20 : i32
      %get3A_1459 = arith.index_cast %get3A_1458 : i32 to index
      %get3A_1460 = arith.constant 0 : index
      %get3A_1461 = tpu.vector_load %arg9[%get3A_1459, %get3A_1460] {strides = array<i32>} : memref<50x32xf32, #tpu.memory_space<vmem>>, vector<1x16xf32>,
      %get3A_1462 = vector.shape_cast %get3A_1461 : vector<1x16xf32> to vector<16xf32>
      %add3A_1463 = arith.addf %add3A_1439, %get3A_1462 : vector<16xf32>
      %get3A_1464 = arith.constant 21 : i32
      %get3A_1465 = arith.index_cast %get3A_1464 : i32 to index
      %get3A_1466 = arith.constant 0 : index
      %get3A_1467 = tpu.vector_load %arg9[%get3A_1465, %get3A_1466] {strides = array<i32>} : memref<50x32xf32, #tpu.memory_space<vmem>>, vector<1x16xf32>,
      %get3A_1468 = vector.shape_cast %get3A_1467 : vector<1x16xf32> to vector<16xf32>
      %add3A_1469 = arith.addf %add3A_1445, %get3A_1468 : vector<16xf32>
      %get3A_1470 = arith.constant 22 : i32
      %get3A_1471 = arith.index_cast %get3A_1470 : i32 to index
      %get3A_1472 = arith.constant 0 : index
      %get3A_1473 = tpu.vector_load %arg9[%get3A_1471, %get3A_1472] {strides = array<i32>} : memref<50x32xf32, #tpu.memory_space<vmem>>, vector<1x16xf32>,
      %get3A_1474 = vector.shape_cast %get3A_1473 : vector<1x16xf32> to vector<16xf32>
      %add3A_1475 = arith.addf %add3A_1451, %get3A_1474 : vector<16xf32>
      %get3A_1476 = arith.constant 23 : i32
      %get3A_1477 = arith.index_cast %get3A_1476 : i32 to index
      %get3A_1478 = arith.constant 0 : index
      %get3A_1479 = tpu.vector_load %arg9[%get3A_1477, %get3A_1478] {strides = array<i32>} : memref<50x32xf32, #tpu.memory_space<vmem>>, vector<1x16xf32>,
      %get3A_1480 = vector.shape_cast %get3A_1479 : vector<1x16xf32> to vector<16xf32>
      %add3A_1481 = arith.addf %add3A_1457, %get3A_1480 : vector<16xf32>
      %get3A_1482 = arith.constant 24 : i32
      %get3A_1483 = arith.index_cast %get3A_1482 : i32 to index
      %get3A_1484 = arith.constant 0 : index
      %get3A_1485 = tpu.vector_load %arg9[%get3A_1483, %get3A_1484] {strides = array<i32>} : memref<50x32xf32, #tpu.memory_space<vmem>>, vector<1x16xf32>,
      %get3A_1486 = vector.shape_cast %get3A_1485 : vector<1x16xf32> to vector<16xf32>
      %add3A_1487 = arith.addf %add3A_1463, %get3A_1486 : vector<16xf32>
      %get3A_1488 = arith.constant 25 : i32
      %get3A_1489 = arith.index_cast %get3A_1488 : i32 to index
      %get3A_1490 = arith.constant 0 : index
      %get3A_1491 = tpu.vector_load %arg9[%get3A_1489, %get3A_1490] {strides = array<i32>} : memref<50x32xf32, #tpu.memory_space<vmem>>, vector<1x16xf32>,
      %get3A_1492 = vector.shape_cast %get3A_1491 : vector<1x16xf32> to vector<16xf32>
      %add3A_1493 = arith.addf %add3A_1469, %get3A_1492 : vector<16xf32>
      %get3A_1494 = arith.constant 26 : i32
      %get3A_1495 = arith.index_cast %get3A_1494 : i32 to index
      %get3A_1496 = arith.constant 0 : index
      %get3A_1497 = tpu.vector_load %arg9[%get3A_1495, %get3A_1496] {strides = array<i32>} : memref<50x32xf32, #tpu.memory_space<vmem>>, vector<1x16xf32>,
      %get3A_1498 = vector.shape_cast %get3A_1497 : vector<1x16xf32> to vector<16xf32>
      %add3A_1499 = arith.addf %add3A_1475, %get3A_1498 : vector<16xf32>
      %get3A_1500 = arith.constant 27 : i32
      %get3A_1501 = arith.index_cast %get3A_1500 : i32 to index
      %get3A_1502 = arith.constant 0 : index
      %get3A_1503 = tpu.vector_load %arg9[%get3A_1501, %get3A_1502] {strides = array<i32>} : memref<50x32xf32, #tpu.memory_space<vmem>>, vector<1x16xf32>,
      %get3A_1504 = vector.shape_cast %get3A_1503 : vector<1x16xf32> to vector<16xf32>
      %add3A_1505 = arith.addf %add3A_1481, %get3A_1504 : vector<16xf32>
      %get3A_1506 = arith.constant 28 : i32
      %get3A_1507 = arith.index_cast %get3A_1506 : i32 to index
      %get3A_1508 = arith.constant 0 : index
      %get3A_1509 = tpu.vector_load %arg9[%get3A_1507, %get3A_1508] {strides = array<i32>} : memref<50x32xf32, #tpu.memory_space<vmem>>, vector<1x16xf32>,
      %get3A_1510 = vector.shape_cast %get3A_1509 : vector<1x16xf32> to vector<16xf32>
      %add3A_1511 = arith.addf %add3A_1487, %get3A_1510 : vector<16xf32>
      %get3A_1512 = arith.constant 29 : i32
      %get3A_1513 = arith.index_cast %get3A_1512 : i32 to index
      %get3A_1514 = arith.constant 0 : index
      %get3A_1515 = tpu.vector_load %arg9[%get3A_1513, %get3A_1514] {strides = array<i32>} : memref<50x32xf32, #tpu.memory_space<vmem>>, vector<1x16xf32>,
      %get3A_1516 = vector.shape_cast %get3A_1515 : vector<1x16xf32> to vector<16xf32>
      %add3A_1517 = arith.addf %add3A_1493, %get3A_1516 : vector<16xf32>
      %get3A_1518 = arith.constant 30 : i32
      %get3A_1519 = arith.index_cast %get3A_1518 : i32 to index
      %get3A_1520 = arith.constant 0 : index
      %get3A_1521 = tpu.vector_load %arg9[%get3A_1519, %get3A_1520] {strides = array<i32>} : memref<50x32xf32, #tpu.memory_space<vmem>>, vector<1x16xf32>,
      %get3A_1522 = vector.shape_cast %get3A_1521 : vector<1x16xf32> to vector<16xf32>
      %add3A_1523 = arith.addf %add3A_1499, %get3A_1522 : vector<16xf32>
      %get3A_1524 = arith.constant 31 : i32
      %get3A_1525 = arith.index_cast %get3A_1524 : i32 to index
      %get3A_1526 = arith.constant 0 : index
      %get3A_1527 = tpu.vector_load %arg9[%get3A_1525, %get3A_1526] {strides = array<i32>} : memref<50x32xf32, #tpu.memory_space<vmem>>, vector<1x16xf32>,
      %get3A_1528 = vector.shape_cast %get3A_1527 : vector<1x16xf32> to vector<16xf32>
      %add3A_1529 = arith.addf %add3A_1505, %get3A_1528 : vector<16xf32>
      %get3A_1530 = arith.constant 32 : i32
      %get3A_1531 = arith.index_cast %get3A_1530 : i32 to index
      %get3A_1532 = arith.constant 0 : index
      %get3A_1533 = tpu.vector_load %arg9[%get3A_1531, %get3A_1532] {strides = array<i32>} : memref<50x32xf32, #tpu.memory_space<vmem>>, vector<1x16xf32>,
      %get3A_1534 = vector.shape_cast %get3A_1533 : vector<1x16xf32> to vector<16xf32>
      %add3A_1535 = arith.addf %add3A_1511, %get3A_1534 : vector<16xf32>
      %get3A_1536 = arith.constant 33 : i32
      %get3A_1537 = arith.index_cast %get3A_1536 : i32 to index
      %get3A_1538 = arith.constant 0 : index
      %get3A_1539 = tpu.vector_load %arg9[%get3A_1537, %get3A_1538] {strides = array<i32>} : memref<50x32xf32, #tpu.memory_space<vmem>>, vector<1x16xf32>,
      %get3A_1540 = vector.shape_cast %get3A_1539 : vector<1x16xf32> to vector<16xf32>
      %add3A_1541 = arith.addf %add3A_1517, %get3A_1540 : vector<16xf32>
      %get3A_1542 = arith.constant 34 : i32
      %get3A_1543 = arith.index_cast %get3A_1542 : i32 to index
      %get3A_1544 = arith.constant 0 : index
      %get3A_1545 = tpu.vector_load %arg9[%get3A_1543, %get3A_1544] {strides = array<i32>} : memref<50x32xf32, #tpu.memory_space<vmem>>, vector<1x16xf32>,
      %get3A_1546 = vector.shape_cast %get3A_1545 : vector<1x16xf32> to vector<16xf32>
      %add3A_1547 = arith.addf %add3A_1523, %get3A_1546 : vector<16xf32>
      %get3A_1548 = arith.constant 35 : i32
      %get3A_1549 = arith.index_cast %get3A_1548 : i32 to index
      %get3A_1550 = arith.constant 0 : index
      %get3A_1551 = tpu.vector_load %arg9[%get3A_1549, %get3A_1550] {strides = array<i32>} : memref<50x32xf32, #tpu.memory_space<vmem>>, vector<1x16xf32>,
      %get3A_1552 = vector.shape_cast %get3A_1551 : vector<1x16xf32> to vector<16xf32>
      %add3A_1553 = arith.addf %add3A_1529, %get3A_1552 : vector<16xf32>
      %get3A_1554 = arith.constant 36 : i32
      %get3A_1555 = arith.index_cast %get3A_1554 : i32 to index
      %get3A_1556 = arith.constant 0 : index
      %get3A_1557 = tpu.vector_load %arg9[%get3A_1555, %get3A_1556] {strides = array<i32>} : memref<50x32xf32, #tpu.memory_space<vmem>>, vector<1x16xf32>,
      %get3A_1558 = vector.shape_cast %get3A_1557 : vector<1x16xf32> to vector<16xf32>
      %add3A_1559 = arith.addf %add3A_1535, %get3A_1558 : vector<16xf32>
      %get3A_1560 = arith.constant 37 : i32
      %get3A_1561 = arith.index_cast %get3A_1560 : i32 to index
      %get3A_1562 = arith.constant 0 : index
      %get3A_1563 = tpu.vector_load %arg9[%get3A_1561, %get3A_1562] {strides = array<i32>} : memref<50x32xf32, #tpu.memory_space<vmem>>, vector<1x16xf32>,
      %get3A_1564 = vector.shape_cast %get3A_1563 : vector<1x16xf32> to vector<16xf32>
      %add3A_1565 = arith.addf %add3A_1541, %get3A_1564 : vector<16xf32>
      %get3A_1566 = arith.constant 38 : i32
      %get3A_1567 = arith.index_cast %get3A_1566 : i32 to index
      %get3A_1568 = arith.constant 0 : index
      %get3A_1569 = tpu.vector_load %arg9[%get3A_1567, %get3A_1568] {strides = array<i32>} : memref<50x32xf32, #tpu.memory_space<vmem>>, vector<1x16xf32>,
      %get3A_1570 = vector.shape_cast %get3A_1569 : vector<1x16xf32> to vector<16xf32>
      %add3A_1571 = arith.addf %add3A_1547, %get3A_1570 : vector<16xf32>
      %get3A_1572 = arith.constant 39 : i32
      %get3A_1573 = arith.index_cast %get3A_1572 : i32 to index
      %get3A_1574 = arith.constant 0 : index
      %get3A_1575 = tpu.vector_load %arg9[%get3A_1573, %get3A_1574] {strides = array<i32>} : memref<50x32xf32, #tpu.memory_space<vmem>>, vector<1x16xf32>,
      %get3A_1576 = vector.shape_cast %get3A_1575 : vector<1x16xf32> to vector<16xf32>
      %add3A_1577 = arith.addf %add3A_1553, %get3A_1576 : vector<16xf32>
      %get3A_1578 = arith.constant 40 : i32
      %get3A_1579 = arith.index_cast %get3A_1578 : i32 to index
      %get3A_1580 = arith.constant 0 : index
      %get3A_1581 = tpu.vector_load %arg9[%get3A_1579, %get3A_1580] {strides = array<i32>} : memref<50x32xf32, #tpu.memory_space<vmem>>, vector<1x16xf32>,
      %get3A_1582 = vector.shape_cast %get3A_1581 : vector<1x16xf32> to vector<16xf32>
      %add3A_1583 = arith.addf %add3A_1559, %get3A_1582 : vector<16xf32>
      %get3A_1584 = arith.constant 41 : i32
      %get3A_1585 = arith.index_cast %get3A_1584 : i32 to index
      %get3A_1586 = arith.constant 0 : index
      %get3A_1587 = tpu.vector_load %arg9[%get3A_1585, %get3A_1586] {strides = array<i32>} : memref<50x32xf32, #tpu.memory_space<vmem>>, vector<1x16xf32>,
      %get3A_1588 = vector.shape_cast %get3A_1587 : vector<1x16xf32> to vector<16xf32>
      %add3A_1589 = arith.addf %add3A_1565, %get3A_1588 : vector<16xf32>
      %get3A_1590 = arith.constant 42 : i32
      %get3A_1591 = arith.index_cast %get3A_1590 : i32 to index
      %get3A_1592 = arith.constant 0 : index
      %get3A_1593 = tpu.vector_load %arg9[%get3A_1591, %get3A_1592] {strides = array<i32>} : memref<50x32xf32, #tpu.memory_space<vmem>>, vector<1x16xf32>,
      %get3A_1594 = vector.shape_cast %get3A_1593 : vector<1x16xf32> to vector<16xf32>
      %add3A_1595 = arith.addf %add3A_1571, %get3A_1594 : vector<16xf32>
      %get3A_1596 = arith.constant 43 : i32
      %get3A_1597 = arith.index_cast %get3A_1596 : i32 to index
      %get3A_1598 = arith.constant 0 : index
      %get3A_1599 = tpu.vector_load %arg9[%get3A_1597, %get3A_1598] {strides = array<i32>} : memref<50x32xf32, #tpu.memory_space<vmem>>, vector<1x16xf32>,
      %get3A_1600 = vector.shape_cast %get3A_1599 : vector<1x16xf32> to vector<16xf32>
      %add3A_1601 = arith.addf %add3A_1577, %get3A_1600 : vector<16xf32>
      %get3A_1602 = arith.constant 44 : i32
      %get3A_1603 = arith.index_cast %get3A_1602 : i32 to index
      %get3A_1604 = arith.constant 0 : index
      %get3A_1605 = tpu.vector_load %arg9[%get3A_1603, %get3A_1604] {strides = array<i32>} : memref<50x32xf32, #tpu.memory_space<vmem>>, vector<1x16xf32>,
      %get3A_1606 = vector.shape_cast %get3A_1605 : vector<1x16xf32> to vector<16xf32>
      %add3A_1607 = arith.addf %add3A_1583, %get3A_1606 : vector<16xf32>
      %get3A_1608 = arith.constant 45 : i32
      %get3A_1609 = arith.index_cast %get3A_1608 : i32 to index
      %get3A_1610 = arith.constant 0 : index
      %get3A_1611 = tpu.vector_load %arg9[%get3A_1609, %get3A_1610] {strides = array<i32>} : memref<50x32xf32, #tpu.memory_space<vmem>>, vector<1x16xf32>,
      %get3A_1612 = vector.shape_cast %get3A_1611 : vector<1x16xf32> to vector<16xf32>
      %add3A_1613 = arith.addf %add3A_1589, %get3A_1612 : vector<16xf32>
      %get3A_1614 = arith.constant 46 : i32
      %get3A_1615 = arith.index_cast %get3A_1614 : i32 to index
      %get3A_1616 = arith.constant 0 : index
      %get3A_1617 = tpu.vector_load %arg9[%get3A_1615, %get3A_1616] {strides = array<i32>} : memref<50x32xf32, #tpu.memory_space<vmem>>, vector<1x16xf32>,
      %get3A_1618 = vector.shape_cast %get3A_1617 : vector<1x16xf32> to vector<16xf32>
      %add3A_1619 = arith.addf %add3A_1595, %get3A_1618 : vector<16xf32>
      %get3A_1620 = arith.constant 47 : i32
      %get3A_1621 = arith.index_cast %get3A_1620 : i32 to index
      %get3A_1622 = arith.constant 0 : index
      %get3A_1623 = tpu.vector_load %arg9[%get3A_1621, %get3A_1622] {strides = array<i32>} : memref<50x32xf32, #tpu.memory_space<vmem>>, vector<1x16xf32>,
      %get3A_1624 = vector.shape_cast %get3A_1623 : vector<1x16xf32> to vector<16xf32>
      %add3A_1625 = arith.addf %add3A_1601, %get3A_1624 : vector<16xf32>
      %get3A_1626 = arith.constant 48 : i32
      %get3A_1627 = arith.index_cast %get3A_1626 : i32 to index
      %get3A_1628 = arith.constant 0 : index
      %get3A_1629 = tpu.vector_load %arg9[%get3A_1627, %get3A_1628] {strides = array<i32>} : memref<50x32xf32, #tpu.memory_space<vmem>>, vector<1x16xf32>,
      %get3A_1630 = vector.shape_cast %get3A_1629 : vector<1x16xf32> to vector<16xf32>
      %add3A_1631 = arith.addf %add3A_1607, %get3A_1630 : vector<16xf32>
      %get3A_1632 = arith.constant 49 : i32
      %get3A_1633 = arith.index_cast %get3A_1632 : i32 to index
      %get3A_1634 = arith.constant 0 : index
      %get3A_1635 = tpu.vector_load %arg9[%get3A_1633, %get3A_1634] {strides = array<i32>} : memref<50x32xf32, #tpu.memory_space<vmem>>, vector<1x16xf32>,
      %get3A_1636 = vector.shape_cast %get3A_1635 : vector<1x16xf32> to vector<16xf32>
      %add3A_1637 = arith.addf %add3A_1613, %get3A_1636 : vector<16xf32>
      %add3A_1638 = arith.addf %add3A_1631, %add3A_1637 : vector<16xf32>
      %add3A_1639 = arith.addf %add3A_1619, %add3A_1625 : vector<16xf32>
      %add3A_1640 = arith.addf %add3A_1638, %add3A_1639 : vector<16xf32>
      %get3A_1641 = arith.constant 0 : index
      %get3A_1642 = tpu.vector_load %arg16[%get3A_1641] {strides = array<i32>} : memref<32xf32, #tpu.memory_space<vmem>>, vector<16xf32>,
      %get3A_1643 = vector.shape_cast %get3A_1642 : vector<16xf32> to vector<16xf32>
      %add3A_1644 = arith.addf %add3A_1640, %get3A_1643 : vector<16xf32>
      %swap3A_1645 = arith.index_cast %add3A_1341 : i32 to index
      %swap3A_1646 = arith.constant 0 : index
      %swap3A_1647 = tpu.vector_load %arg15[%swap3A_1645, %swap3A_1646] {strides = array<i32>} : memref<512x32xf32, #tpu.memory_space<vmem>>, vector<1x16xf32>,
      %swap3A_1648 = vector.shape_cast %swap3A_1647 : vector<1x16xf32> to vector<16xf32>
      %swap3A_1649 = vector.shape_cast %add3A_1644 : vector<16xf32> to vector<1x16xf32>
      tpu.vector_store %arg15[%swap3A_1645, %swap3A_1646], %swap3A_1649 {strides = array<i32>} : memref<512x32xf32, #tpu.memory_space<vmem>>, vector<1x16xf32>,
      %get3A_1650 = arith.constant 0 : i32
      %get3A_1651 = arith.index_cast %get3A_1650 : i32 to index
      %get3A_1652 = arith.constant 16 : index
      %get3A_1653 = tpu.vector_load %arg9[%get3A_1651, %get3A_1652] {strides = array<i32>} : memref<50x32xf32, #tpu.memory_space<vmem>>, vector<1x16xf32>,
      %get3A_1654 = vector.shape_cast %get3A_1653 : vector<1x16xf32> to vector<16xf32>
      %get3A_1655 = arith.constant 1 : i32
      %get3A_1656 = arith.index_cast %get3A_1655 : i32 to index
      %get3A_1657 = arith.constant 16 : index
      %get3A_1658 = tpu.vector_load %arg9[%get3A_1656, %get3A_1657] {strides = array<i32>} : memref<50x32xf32, #tpu.memory_space<vmem>>, vector<1x16xf32>,
      %get3A_1659 = vector.shape_cast %get3A_1658 : vector<1x16xf32> to vector<16xf32>
      %get3A_1660 = arith.constant 2 : i32
      %get3A_1661 = arith.index_cast %get3A_1660 : i32 to index
      %get3A_1662 = arith.constant 16 : index
      %get3A_1663 = tpu.vector_load %arg9[%get3A_1661, %get3A_1662] {strides = array<i32>} : memref<50x32xf32, #tpu.memory_space<vmem>>, vector<1x16xf32>,
      %get3A_1664 = vector.shape_cast %get3A_1663 : vector<1x16xf32> to vector<16xf32>
      %get3A_1665 = arith.constant 3 : i32
      %get3A_1666 = arith.index_cast %get3A_1665 : i32 to index
      %get3A_1667 = arith.constant 16 : index
      %get3A_1668 = tpu.vector_load %arg9[%get3A_1666, %get3A_1667] {strides = array<i32>} : memref<50x32xf32, #tpu.memory_space<vmem>>, vector<1x16xf32>,
      %get3A_1669 = vector.shape_cast %get3A_1668 : vector<1x16xf32> to vector<16xf32>
      %get3A_1670 = arith.constant 4 : i32
      %get3A_1671 = arith.index_cast %get3A_1670 : i32 to index
      %get3A_1672 = arith.constant 16 : index
      %get3A_1673 = tpu.vector_load %arg9[%get3A_1671, %get3A_1672] {strides = array<i32>} : memref<50x32xf32, #tpu.memory_space<vmem>>, vector<1x16xf32>,
      %get3A_1674 = vector.shape_cast %get3A_1673 : vector<1x16xf32> to vector<16xf32>
      %add3A_1675 = arith.addf %get3A_1654, %get3A_1674 : vector<16xf32>
      %get3A_1676 = arith.constant 5 : i32
      %get3A_1677 = arith.index_cast %get3A_1676 : i32 to index
      %get3A_1678 = arith.constant 16 : index
      %get3A_1679 = tpu.vector_load %arg9[%get3A_1677, %get3A_1678] {strides = array<i32>} : memref<50x32xf32, #tpu.memory_space<vmem>>, vector<1x16xf32>,
      %get3A_1680 = vector.shape_cast %get3A_1679 : vector<1x16xf32> to vector<16xf32>
      %add3A_1681 = arith.addf %get3A_1659, %get3A_1680 : vector<16xf32>
      %get3A_1682 = arith.constant 6 : i32
      %get3A_1683 = arith.index_cast %get3A_1682 : i32 to index
      %get3A_1684 = arith.constant 16 : index
      %get3A_1685 = tpu.vector_load %arg9[%get3A_1683, %get3A_1684] {strides = array<i32>} : memref<50x32xf32, #tpu.memory_space<vmem>>, vector<1x16xf32>,
      %get3A_1686 = vector.shape_cast %get3A_1685 : vector<1x16xf32> to vector<16xf32>
      %add3A_1687 = arith.addf %get3A_1664, %get3A_1686 : vector<16xf32>
      %get3A_1688 = arith.constant 7 : i32
      %get3A_1689 = arith.index_cast %get3A_1688 : i32 to index
      %get3A_1690 = arith.constant 16 : index
      %get3A_1691 = tpu.vector_load %arg9[%get3A_1689, %get3A_1690] {strides = array<i32>} : memref<50x32xf32, #tpu.memory_space<vmem>>, vector<1x16xf32>,
      %get3A_1692 = vector.shape_cast %get3A_1691 : vector<1x16xf32> to vector<16xf32>
      %add3A_1693 = arith.addf %get3A_1669, %get3A_1692 : vector<16xf32>
      %get3A_1694 = arith.constant 8 : i32
      %get3A_1695 = arith.index_cast %get3A_1694 : i32 to index
      %get3A_1696 = arith.constant 16 : index
      %get3A_1697 = tpu.vector_load %arg9[%get3A_1695, %get3A_1696] {strides = array<i32>} : memref<50x32xf32, #tpu.memory_space<vmem>>, vector<1x16xf32>,
      %get3A_1698 = vector.shape_cast %get3A_1697 : vector<1x16xf32> to vector<16xf32>
      %add3A_1699 = arith.addf %add3A_1675, %get3A_1698 : vector<16xf32>
      %get3A_1700 = arith.constant 9 : i32
      %get3A_1701 = arith.index_cast %get3A_1700 : i32 to index
      %get3A_1702 = arith.constant 16 : index
      %get3A_1703 = tpu.vector_load %arg9[%get3A_1701, %get3A_1702] {strides = array<i32>} : memref<50x32xf32, #tpu.memory_space<vmem>>, vector<1x16xf32>,
      %get3A_1704 = vector.shape_cast %get3A_1703 : vector<1x16xf32> to vector<16xf32>
      %add3A_1705 = arith.addf %add3A_1681, %get3A_1704 : vector<16xf32>
      %get3A_1706 = arith.constant 10 : i32
      %get3A_1707 = arith.index_cast %get3A_1706 : i32 to index
      %get3A_1708 = arith.constant 16 : index
      %get3A_1709 = tpu.vector_load %arg9[%get3A_1707, %get3A_1708] {strides = array<i32>} : memref<50x32xf32, #tpu.memory_space<vmem>>, vector<1x16xf32>,
      %get3A_1710 = vector.shape_cast %get3A_1709 : vector<1x16xf32> to vector<16xf32>
      %add3A_1711 = arith.addf %add3A_1687, %get3A_1710 : vector<16xf32>
      %get3A_1712 = arith.constant 11 : i32
      %get3A_1713 = arith.index_cast %get3A_1712 : i32 to index
      %get3A_1714 = arith.constant 16 : index
      %get3A_1715 = tpu.vector_load %arg9[%get3A_1713, %get3A_1714] {strides = array<i32>} : memref<50x32xf32, #tpu.memory_space<vmem>>, vector<1x16xf32>,
      %get3A_1716 = vector.shape_cast %get3A_1715 : vector<1x16xf32> to vector<16xf32>
      %add3A_1717 = arith.addf %add3A_1693, %get3A_1716 : vector<16xf32>
      %get3A_1718 = arith.constant 12 : i32
      %get3A_1719 = arith.index_cast %get3A_1718 : i32 to index
      %get3A_1720 = arith.constant 16 : index
      %get3A_1721 = tpu.vector_load %arg9[%get3A_1719, %get3A_1720] {strides = array<i32>} : memref<50x32xf32, #tpu.memory_space<vmem>>, vector<1x16xf32>,
      %get3A_1722 = vector.shape_cast %get3A_1721 : vector<1x16xf32> to vector<16xf32>
      %add3A_1723 = arith.addf %add3A_1699, %get3A_1722 : vector<16xf32>
      %get3A_1724 = arith.constant 13 : i32
      %get3A_1725 = arith.index_cast %get3A_1724 : i32 to index
      %get3A_1726 = arith.constant 16 : index
      %get3A_1727 = tpu.vector_load %arg9[%get3A_1725, %get3A_1726] {strides = array<i32>} : memref<50x32xf32, #tpu.memory_space<vmem>>, vector<1x16xf32>,
      %get3A_1728 = vector.shape_cast %get3A_1727 : vector<1x16xf32> to vector<16xf32>
      %add3A_1729 = arith.addf %add3A_1705, %get3A_1728 : vector<16xf32>
      %get3A_1730 = arith.constant 14 : i32
      %get3A_1731 = arith.index_cast %get3A_1730 : i32 to index
      %get3A_1732 = arith.constant 16 : index
      %get3A_1733 = tpu.vector_load %arg9[%get3A_1731, %get3A_1732] {strides = array<i32>} : memref<50x32xf32, #tpu.memory_space<vmem>>, vector<1x16xf32>,
      %get3A_1734 = vector.shape_cast %get3A_1733 : vector<1x16xf32> to vector<16xf32>
      %add3A_1735 = arith.addf %add3A_1711, %get3A_1734 : vector<16xf32>
      %get3A_1736 = arith.constant 15 : i32
      %get3A_1737 = arith.index_cast %get3A_1736 : i32 to index
      %get3A_1738 = arith.constant 16 : index
      %get3A_1739 = tpu.vector_load %arg9[%get3A_1737, %get3A_1738] {strides = array<i32>} : memref<50x32xf32, #tpu.memory_space<vmem>>, vector<1x16xf32>,
      %get3A_1740 = vector.shape_cast %get3A_1739 : vector<1x16xf32> to vector<16xf32>
      %add3A_1741 = arith.addf %add3A_1717, %get3A_1740 : vector<16xf32>
      %get3A_1742 = arith.constant 16 : i32
      %get3A_1743 = arith.index_cast %get3A_1742 : i32 to index
      %get3A_1744 = arith.constant 16 : index
      %get3A_1745 = tpu.vector_load %arg9[%get3A_1743, %get3A_1744] {strides = array<i32>} : memref<50x32xf32, #tpu.memory_space<vmem>>, vector<1x16xf32>,
      %get3A_1746 = vector.shape_cast %get3A_1745 : vector<1x16xf32> to vector<16xf32>
      %add3A_1747 = arith.addf %add3A_1723, %get3A_1746 : vector<16xf32>
      %get3A_1748 = arith.constant 17 : i32
      %get3A_1749 = arith.index_cast %get3A_1748 : i32 to index
      %get3A_1750 = arith.constant 16 : index
      %get3A_1751 = tpu.vector_load %arg9[%get3A_1749, %get3A_1750] {strides = array<i32>} : memref<50x32xf32, #tpu.memory_space<vmem>>, vector<1x16xf32>,
      %get3A_1752 = vector.shape_cast %get3A_1751 : vector<1x16xf32> to vector<16xf32>
      %add3A_1753 = arith.addf %add3A_1729, %get3A_1752 : vector<16xf32>
      %get3A_1754 = arith.constant 18 : i32
      %get3A_1755 = arith.index_cast %get3A_1754 : i32 to index
      %get3A_1756 = arith.constant 16 : index
      %get3A_1757 = tpu.vector_load %arg9[%get3A_1755, %get3A_1756] {strides = array<i32>} : memref<50x32xf32, #tpu.memory_space<vmem>>, vector<1x16xf32>,
      %get3A_1758 = vector.shape_cast %get3A_1757 : vector<1x16xf32> to vector<16xf32>
      %add3A_1759 = arith.addf %add3A_1735, %get3A_1758 : vector<16xf32>
      %get3A_1760 = arith.constant 19 : i32
      %get3A_1761 = arith.index_cast %get3A_1760 : i32 to index
      %get3A_1762 = arith.constant 16 : index
      %get3A_1763 = tpu.vector_load %arg9[%get3A_1761, %get3A_1762] {strides = array<i32>} : memref<50x32xf32, #tpu.memory_space<vmem>>, vector<1x16xf32>,
      %get3A_1764 = vector.shape_cast %get3A_1763 : vector<1x16xf32> to vector<16xf32>
      %add3A_1765 = arith.addf %add3A_1741, %get3A_1764 : vector<16xf32>
      %get3A_1766 = arith.constant 20 : i32
      %get3A_1767 = arith.index_cast %get3A_1766 : i32 to index
      %get3A_1768 = arith.constant 16 : index
      %get3A_1769 = tpu.vector_load %arg9[%get3A_1767, %get3A_1768] {strides = array<i32>} : memref<50x32xf32, #tpu.memory_space<vmem>>, vector<1x16xf32>,
      %get3A_1770 = vector.shape_cast %get3A_1769 : vector<1x16xf32> to vector<16xf32>
      %add3A_1771 = arith.addf %add3A_1747, %get3A_1770 : vector<16xf32>
      %get3A_1772 = arith.constant 21 : i32
      %get3A_1773 = arith.index_cast %get3A_1772 : i32 to index
      %get3A_1774 = arith.constant 16 : index
      %get3A_1775 = tpu.vector_load %arg9[%get3A_1773, %get3A_1774] {strides = array<i32>} : memref<50x32xf32, #tpu.memory_space<vmem>>, vector<1x16xf32>,
      %get3A_1776 = vector.shape_cast %get3A_1775 : vector<1x16xf32> to vector<16xf32>
      %add3A_1777 = arith.addf %add3A_1753, %get3A_1776 : vector<16xf32>
      %get3A_1778 = arith.constant 22 : i32
      %get3A_1779 = arith.index_cast %get3A_1778 : i32 to index
      %get3A_1780 = arith.constant 16 : index
      %get3A_1781 = tpu.vector_load %arg9[%get3A_1779, %get3A_1780] {strides = array<i32>} : memref<50x32xf32, #tpu.memory_space<vmem>>, vector<1x16xf32>,
      %get3A_1782 = vector.shape_cast %get3A_1781 : vector<1x16xf32> to vector<16xf32>
      %add3A_1783 = arith.addf %add3A_1759, %get3A_1782 : vector<16xf32>
      %get3A_1784 = arith.constant 23 : i32
      %get3A_1785 = arith.index_cast %get3A_1784 : i32 to index
      %get3A_1786 = arith.constant 16 : index
      %get3A_1787 = tpu.vector_load %arg9[%get3A_1785, %get3A_1786] {strides = array<i32>} : memref<50x32xf32, #tpu.memory_space<vmem>>, vector<1x16xf32>,
      %get3A_1788 = vector.shape_cast %get3A_1787 : vector<1x16xf32> to vector<16xf32>
      %add3A_1789 = arith.addf %add3A_1765, %get3A_1788 : vector<16xf32>
      %get3A_1790 = arith.constant 24 : i32
      %get3A_1791 = arith.index_cast %get3A_1790 : i32 to index
      %get3A_1792 = arith.constant 16 : index
      %get3A_1793 = tpu.vector_load %arg9[%get3A_1791, %get3A_1792] {strides = array<i32>} : memref<50x32xf32, #tpu.memory_space<vmem>>, vector<1x16xf32>,
      %get3A_1794 = vector.shape_cast %get3A_1793 : vector<1x16xf32> to vector<16xf32>
      %add3A_1795 = arith.addf %add3A_1771, %get3A_1794 : vector<16xf32>
      %get3A_1796 = arith.constant 25 : i32
      %get3A_1797 = arith.index_cast %get3A_1796 : i32 to index
      %get3A_1798 = arith.constant 16 : index
      %get3A_1799 = tpu.vector_load %arg9[%get3A_1797, %get3A_1798] {strides = array<i32>} : memref<50x32xf32, #tpu.memory_space<vmem>>, vector<1x16xf32>,
      %get3A_1800 = vector.shape_cast %get3A_1799 : vector<1x16xf32> to vector<16xf32>
      %add3A_1801 = arith.addf %add3A_1777, %get3A_1800 : vector<16xf32>
      %get3A_1802 = arith.constant 26 : i32
      %get3A_1803 = arith.index_cast %get3A_1802 : i32 to index
      %get3A_1804 = arith.constant 16 : index
      %get3A_1805 = tpu.vector_load %arg9[%get3A_1803, %get3A_1804] {strides = array<i32>} : memref<50x32xf32, #tpu.memory_space<vmem>>, vector<1x16xf32>,
      %get3A_1806 = vector.shape_cast %get3A_1805 : vector<1x16xf32> to vector<16xf32>
      %add3A_1807 = arith.addf %add3A_1783, %get3A_1806 : vector<16xf32>
      %get3A_1808 = arith.constant 27 : i32
      %get3A_1809 = arith.index_cast %get3A_1808 : i32 to index
      %get3A_1810 = arith.constant 16 : index
      %get3A_1811 = tpu.vector_load %arg9[%get3A_1809, %get3A_1810] {strides = array<i32>} : memref<50x32xf32, #tpu.memory_space<vmem>>, vector<1x16xf32>,
      %get3A_1812 = vector.shape_cast %get3A_1811 : vector<1x16xf32> to vector<16xf32>
      %add3A_1813 = arith.addf %add3A_1789, %get3A_1812 : vector<16xf32>
      %get3A_1814 = arith.constant 28 : i32
      %get3A_1815 = arith.index_cast %get3A_1814 : i32 to index
      %get3A_1816 = arith.constant 16 : index
      %get3A_1817 = tpu.vector_load %arg9[%get3A_1815, %get3A_1816] {strides = array<i32>} : memref<50x32xf32, #tpu.memory_space<vmem>>, vector<1x16xf32>,
      %get3A_1818 = vector.shape_cast %get3A_1817 : vector<1x16xf32> to vector<16xf32>
      %add3A_1819 = arith.addf %add3A_1795, %get3A_1818 : vector<16xf32>
      %get3A_1820 = arith.constant 29 : i32
      %get3A_1821 = arith.index_cast %get3A_1820 : i32 to index
      %get3A_1822 = arith.constant 16 : index
      %get3A_1823 = tpu.vector_load %arg9[%get3A_1821, %get3A_1822] {strides = array<i32>} : memref<50x32xf32, #tpu.memory_space<vmem>>, vector<1x16xf32>,
      %get3A_1824 = vector.shape_cast %get3A_1823 : vector<1x16xf32> to vector<16xf32>
      %add3A_1825 = arith.addf %add3A_1801, %get3A_1824 : vector<16xf32>
      %get3A_1826 = arith.constant 30 : i32
      %get3A_1827 = arith.index_cast %get3A_1826 : i32 to index
      %get3A_1828 = arith.constant 16 : index
      %get3A_1829 = tpu.vector_load %arg9[%get3A_1827, %get3A_1828] {strides = array<i32>} : memref<50x32xf32, #tpu.memory_space<vmem>>, vector<1x16xf32>,
      %get3A_1830 = vector.shape_cast %get3A_1829 : vector<1x16xf32> to vector<16xf32>
      %add3A_1831 = arith.addf %add3A_1807, %get3A_1830 : vector<16xf32>
      %get3A_1832 = arith.constant 31 : i32
      %get3A_1833 = arith.index_cast %get3A_1832 : i32 to index
      %get3A_1834 = arith.constant 16 : index
      %get3A_1835 = tpu.vector_load %arg9[%get3A_1833, %get3A_1834] {strides = array<i32>} : memref<50x32xf32, #tpu.memory_space<vmem>>, vector<1x16xf32>,
      %get3A_1836 = vector.shape_cast %get3A_1835 : vector<1x16xf32> to vector<16xf32>
      %add3A_1837 = arith.addf %add3A_1813, %get3A_1836 : vector<16xf32>
      %get3A_1838 = arith.constant 32 : i32
      %get3A_1839 = arith.index_cast %get3A_1838 : i32 to index
      %get3A_1840 = arith.constant 16 : index
      %get3A_1841 = tpu.vector_load %arg9[%get3A_1839, %get3A_1840] {strides = array<i32>} : memref<50x32xf32, #tpu.memory_space<vmem>>, vector<1x16xf32>,
      %get3A_1842 = vector.shape_cast %get3A_1841 : vector<1x16xf32> to vector<16xf32>
      %add3A_1843 = arith.addf %add3A_1819, %get3A_1842 : vector<16xf32>
      %get3A_1844 = arith.constant 33 : i32
      %get3A_1845 = arith.index_cast %get3A_1844 : i32 to index
      %get3A_1846 = arith.constant 16 : index
      %get3A_1847 = tpu.vector_load %arg9[%get3A_1845, %get3A_1846] {strides = array<i32>} : memref<50x32xf32, #tpu.memory_space<vmem>>, vector<1x16xf32>,
      %get3A_1848 = vector.shape_cast %get3A_1847 : vector<1x16xf32> to vector<16xf32>
      %add3A_1849 = arith.addf %add3A_1825, %get3A_1848 : vector<16xf32>
      %get3A_1850 = arith.constant 34 : i32
      %get3A_1851 = arith.index_cast %get3A_1850 : i32 to index
      %get3A_1852 = arith.constant 16 : index
      %get3A_1853 = tpu.vector_load %arg9[%get3A_1851, %get3A_1852] {strides = array<i32>} : memref<50x32xf32, #tpu.memory_space<vmem>>, vector<1x16xf32>,
      %get3A_1854 = vector.shape_cast %get3A_1853 : vector<1x16xf32> to vector<16xf32>
      %add3A_1855 = arith.addf %add3A_1831, %get3A_1854 : vector<16xf32>
      %get3A_1856 = arith.constant 35 : i32
      %get3A_1857 = arith.index_cast %get3A_1856 : i32 to index
      %get3A_1858 = arith.constant 16 : index
      %get3A_1859 = tpu.vector_load %arg9[%get3A_1857, %get3A_1858] {strides = array<i32>} : memref<50x32xf32, #tpu.memory_space<vmem>>, vector<1x16xf32>,
      %get3A_1860 = vector.shape_cast %get3A_1859 : vector<1x16xf32> to vector<16xf32>
      %add3A_1861 = arith.addf %add3A_1837, %get3A_1860 : vector<16xf32>
      %get3A_1862 = arith.constant 36 : i32
      %get3A_1863 = arith.index_cast %get3A_1862 : i32 to index
      %get3A_1864 = arith.constant 16 : index
      %get3A_1865 = tpu.vector_load %arg9[%get3A_1863, %get3A_1864] {strides = array<i32>} : memref<50x32xf32, #tpu.memory_space<vmem>>, vector<1x16xf32>,
      %get3A_1866 = vector.shape_cast %get3A_1865 : vector<1x16xf32> to vector<16xf32>
      %add3A_1867 = arith.addf %add3A_1843, %get3A_1866 : vector<16xf32>
      %get3A_1868 = arith.constant 37 : i32
      %get3A_1869 = arith.index_cast %get3A_1868 : i32 to index
      %get3A_1870 = arith.constant 16 : index
      %get3A_1871 = tpu.vector_load %arg9[%get3A_1869, %get3A_1870] {strides = array<i32>} : memref<50x32xf32, #tpu.memory_space<vmem>>, vector<1x16xf32>,
      %get3A_1872 = vector.shape_cast %get3A_1871 : vector<1x16xf32> to vector<16xf32>
      %add3A_1873 = arith.addf %add3A_1849, %get3A_1872 : vector<16xf32>
      %get3A_1874 = arith.constant 38 : i32
      %get3A_1875 = arith.index_cast %get3A_1874 : i32 to index
      %get3A_1876 = arith.constant 16 : index
      %get3A_1877 = tpu.vector_load %arg9[%get3A_1875, %get3A_1876] {strides = array<i32>} : memref<50x32xf32, #tpu.memory_space<vmem>>, vector<1x16xf32>,
      %get3A_1878 = vector.shape_cast %get3A_1877 : vector<1x16xf32> to vector<16xf32>
      %add3A_1879 = arith.addf %add3A_1855, %get3A_1878 : vector<16xf32>
      %get3A_1880 = arith.constant 39 : i32
      %get3A_1881 = arith.index_cast %get3A_1880 : i32 to index
      %get3A_1882 = arith.constant 16 : index
      %get3A_1883 = tpu.vector_load %arg9[%get3A_1881, %get3A_1882] {strides = array<i32>} : memref<50x32xf32, #tpu.memory_space<vmem>>, vector<1x16xf32>,
      %get3A_1884 = vector.shape_cast %get3A_1883 : vector<1x16xf32> to vector<16xf32>
      %add3A_1885 = arith.addf %add3A_1861, %get3A_1884 : vector<16xf32>
      %get3A_1886 = arith.constant 40 : i32
      %get3A_1887 = arith.index_cast %get3A_1886 : i32 to index
      %get3A_1888 = arith.constant 16 : index
      %get3A_1889 = tpu.vector_load %arg9[%get3A_1887, %get3A_1888] {strides = array<i32>} : memref<50x32xf32, #tpu.memory_space<vmem>>, vector<1x16xf32>,
      %get3A_1890 = vector.shape_cast %get3A_1889 : vector<1x16xf32> to vector<16xf32>
      %add3A_1891 = arith.addf %add3A_1867, %get3A_1890 : vector<16xf32>
      %get3A_1892 = arith.constant 41 : i32
      %get3A_1893 = arith.index_cast %get3A_1892 : i32 to index
      %get3A_1894 = arith.constant 16 : index
      %get3A_1895 = tpu.vector_load %arg9[%get3A_1893, %get3A_1894] {strides = array<i32>} : memref<50x32xf32, #tpu.memory_space<vmem>>, vector<1x16xf32>,
      %get3A_1896 = vector.shape_cast %get3A_1895 : vector<1x16xf32> to vector<16xf32>
      %add3A_1897 = arith.addf %add3A_1873, %get3A_1896 : vector<16xf32>
      %get3A_1898 = arith.constant 42 : i32
      %get3A_1899 = arith.index_cast %get3A_1898 : i32 to index
      %get3A_1900 = arith.constant 16 : index
      %get3A_1901 = tpu.vector_load %arg9[%get3A_1899, %get3A_1900] {strides = array<i32>} : memref<50x32xf32, #tpu.memory_space<vmem>>, vector<1x16xf32>,
      %get3A_1902 = vector.shape_cast %get3A_1901 : vector<1x16xf32> to vector<16xf32>
      %add3A_1903 = arith.addf %add3A_1879, %get3A_1902 : vector<16xf32>
      %get3A_1904 = arith.constant 43 : i32
      %get3A_1905 = arith.index_cast %get3A_1904 : i32 to index
      %get3A_1906 = arith.constant 16 : index
      %get3A_1907 = tpu.vector_load %arg9[%get3A_1905, %get3A_1906] {strides = array<i32>} : memref<50x32xf32, #tpu.memory_space<vmem>>, vector<1x16xf32>,
      %get3A_1908 = vector.shape_cast %get3A_1907 : vector<1x16xf32> to vector<16xf32>
      %add3A_1909 = arith.addf %add3A_1885, %get3A_1908 : vector<16xf32>
      %get3A_1910 = arith.constant 44 : i32
      %get3A_1911 = arith.index_cast %get3A_1910 : i32 to index
      %get3A_1912 = arith.constant 16 : index
      %get3A_1913 = tpu.vector_load %arg9[%get3A_1911, %get3A_1912] {strides = array<i32>} : memref<50x32xf32, #tpu.memory_space<vmem>>, vector<1x16xf32>,
      %get3A_1914 = vector.shape_cast %get3A_1913 : vector<1x16xf32> to vector<16xf32>
      %add3A_1915 = arith.addf %add3A_1891, %get3A_1914 : vector<16xf32>
      %get3A_1916 = arith.constant 45 : i32
      %get3A_1917 = arith.index_cast %get3A_1916 : i32 to index
      %get3A_1918 = arith.constant 16 : index
      %get3A_1919 = tpu.vector_load %arg9[%get3A_1917, %get3A_1918] {strides = array<i32>} : memref<50x32xf32, #tpu.memory_space<vmem>>, vector<1x16xf32>,
      %get3A_1920 = vector.shape_cast %get3A_1919 : vector<1x16xf32> to vector<16xf32>
      %add3A_1921 = arith.addf %add3A_1897, %get3A_1920 : vector<16xf32>
      %get3A_1922 = arith.constant 46 : i32
      %get3A_1923 = arith.index_cast %get3A_1922 : i32 to index
      %get3A_1924 = arith.constant 16 : index
      %get3A_1925 = tpu.vector_load %arg9[%get3A_1923, %get3A_1924] {strides = array<i32>} : memref<50x32xf32, #tpu.memory_space<vmem>>, vector<1x16xf32>,
      %get3A_1926 = vector.shape_cast %get3A_1925 : vector<1x16xf32> to vector<16xf32>
      %add3A_1927 = arith.addf %add3A_1903, %get3A_1926 : vector<16xf32>
      %get3A_1928 = arith.constant 47 : i32
      %get3A_1929 = arith.index_cast %get3A_1928 : i32 to index
      %get3A_1930 = arith.constant 16 : index
      %get3A_1931 = tpu.vector_load %arg9[%get3A_1929, %get3A_1930] {strides = array<i32>} : memref<50x32xf32, #tpu.memory_space<vmem>>, vector<1x16xf32>,
      %get3A_1932 = vector.shape_cast %get3A_1931 : vector<1x16xf32> to vector<16xf32>
      %add3A_1933 = arith.addf %add3A_1909, %get3A_1932 : vector<16xf32>
      %get3A_1934 = arith.constant 48 : i32
      %get3A_1935 = arith.index_cast %get3A_1934 : i32 to index
      %get3A_1936 = arith.constant 16 : index
      %get3A_1937 = tpu.vector_load %arg9[%get3A_1935, %get3A_1936] {strides = array<i32>} : memref<50x32xf32, #tpu.memory_space<vmem>>, vector<1x16xf32>,
      %get3A_1938 = vector.shape_cast %get3A_1937 : vector<1x16xf32> to vector<16xf32>
      %add3A_1939 = arith.addf %add3A_1915, %get3A_1938 : vector<16xf32>
      %get3A_1940 = arith.constant 49 : i32
      %get3A_1941 = arith.index_cast %get3A_1940 : i32 to index
      %get3A_1942 = arith.constant 16 : index
      %get3A_1943 = tpu.vector_load %arg9[%get3A_1941, %get3A_1942] {strides = array<i32>} : memref<50x32xf32, #tpu.memory_space<vmem>>, vector<1x16xf32>,
      %get3A_1944 = vector.shape_cast %get3A_1943 : vector<1x16xf32> to vector<16xf32>
      %add3A_1945 = arith.addf %add3A_1921, %get3A_1944 : vector<16xf32>
      %add3A_1946 = arith.addf %add3A_1939, %add3A_1945 : vector<16xf32>
      %add3A_1947 = arith.addf %add3A_1927, %add3A_1933 : vector<16xf32>
      %add3A_1948 = arith.addf %add3A_1946, %add3A_1947 : vector<16xf32>
      %get3A_1949 = arith.constant 16 : index
      %get3A_1950 = tpu.vector_load %arg16[%get3A_1949] {strides = array<i32>} : memref<32xf32, #tpu.memory_space<vmem>>, vector<16xf32>,
      %get3A_1951 = vector.shape_cast %get3A_1950 : vector<16xf32> to vector<16xf32>
      %add3A_1952 = arith.addf %add3A_1948, %get3A_1951 : vector<16xf32>
      %swap3A_1953 = arith.index_cast %add3A_1341 : i32 to index
      %swap3A_1954 = arith.constant 16 : index
      %swap3A_1955 = tpu.vector_load %arg15[%swap3A_1953, %swap3A_1954] {strides = array<i32>} : memref<512x32xf32, #tpu.memory_space<vmem>>, vector<1x16xf32>,
      %swap3A_1956 = vector.shape_cast %swap3A_1955 : vector<1x16xf32> to vector<16xf32>
      %swap3A_1957 = vector.shape_cast %add3A_1952 : vector<16xf32> to vector<1x16xf32>
      tpu.vector_store %arg15[%swap3A_1953, %swap3A_1954], %swap3A_1957 {strides = array<i32>} : memref<512x32xf32, #tpu.memory_space<vmem>>, vector<1x16xf32>,
      %add3A_1958 = arith.constant 2 : i32
      %add3A_1959 = arith.addi %mul3A_67, %add3A_1958 : i32
      %add3A_1960 = arith.constant 8 : i32
      %add3A_1961 = arith.addi %add3A_1959, %add3A_1960 : i32
      %lt3A_1962 = arith.constant 512 : i32
      %lt3A_1963 = arith.cmpi slt, %add3A_1961, %lt3A_1962 : i32
      %convert_element_type3A_1964 = arith.extui %lt3A_1963 : i1 to i32
      %cond3A_1965 = arith.constant 0 : i32
      %cond3A_1966 = arith.cmpi ne, %convert_element_type3A_1964, %cond3A_1965 : i32
      scf.if %cond3A_1966 {
        %add3A_5142 = arith.constant 2 : i32
        %add3A_5143 = arith.addi %mul3A_67, %add3A_5142 : i32
        %add3A_5144 = arith.constant 8 : i32
        %add3A_5145 = arith.addi %add3A_5143, %add3A_5144 : i32
        %dma_start3A_5146 = arith.constant 0 : i32
        %dma_start3A_5147 = tpu.memref_slice %arg6[%add3A_5145, %dma_start3A_5146] : memref<512x50xi32, #tpu.memory_space<vmem>> -> memref<1x50xi32, #tpu.memory_space<vmem>>
        %dma_start3A_5148 = tpu.memref_squeeze %dma_start3A_5147 : memref<1x50xi32, #tpu.memory_space<vmem>> -> memref<50xi32, #tpu.memory_space<vmem>>
        %dma_start3A_5149 = arith.constant 0 : i32
        %dma_start3A_5150 = arith.constant 0 : i32
        %dma_start3A_5151 = tpu.memref_slice %arg3[%dma_start3A_5149, %dma_start3A_5150] : memref<100000x32xf32, #tpu.memory_space<hbm>> -> memref<100000x32xf32, #tpu.memory_space<hbm>>
        tpu.enqueue_indirect_dma source(%dma_start3A_5151 : memref<100000x32xf32, #tpu.memory_space<hbm>>) target(%arg9 : memref<50x32xf32, #tpu.memory_space<vmem>>) offsets(%dma_start3A_5148 : memref<50xi32, #tpu.memory_space<vmem>>) semaphore(%arg19 : memref<!tpu.dma_semaphore, #tpu.memory_space<semaphore_mem>>)
      } else {
      }
      %add3A_1967 = arith.constant 3 : i32
      %add3A_1968 = arith.addi %mul3A_67, %add3A_1967 : i32
      %dma_wait3A_1969 = arith.constant 0 : i32
      %dma_wait3A_1970 = tpu.memref_slice %arg6[%add3A_1968, %dma_wait3A_1969] : memref<512x50xi32, #tpu.memory_space<vmem>> -> memref<1x50xi32, #tpu.memory_space<vmem>>
      %dma_wait3A_1971 = tpu.memref_squeeze %dma_wait3A_1970 : memref<1x50xi32, #tpu.memory_space<vmem>> -> memref<50xi32, #tpu.memory_space<vmem>>
      %dma_wait3A_1972 = arith.constant 0 : i32
      %dma_wait3A_1973 = arith.constant 0 : i32
      %dma_wait3A_1974 = tpu.memref_slice %arg3[%dma_wait3A_1972, %dma_wait3A_1973] : memref<100000x32xf32, #tpu.memory_space<hbm>> -> memref<100000x32xf32, #tpu.memory_space<hbm>>
      tpu.wait_indirect_dma semaphore(%arg20 : memref<!tpu.dma_semaphore, #tpu.memory_space<semaphore_mem>>) src(%dma_wait3A_1974 : memref<100000x32xf32, #tpu.memory_space<hbm>>) dst(%arg10 : memref<50x32xf32, #tpu.memory_space<vmem>>)
      %add3A_1975 = arith.constant 3 : i32
      %add3A_1976 = arith.addi %mul3A_67, %add3A_1975 : i32
      %get3A_1977 = arith.constant 0 : i32
      %get3A_1978 = arith.index_cast %get3A_1977 : i32 to index
      %get3A_1979 = arith.constant 0 : index
      %get3A_1980 = tpu.vector_load %arg10[%get3A_1978, %get3A_1979] {strides = array<i32>} : memref<50x32xf32, #tpu.memory_space<vmem>>, vector<1x16xf32>,
      %get3A_1981 = vector.shape_cast %get3A_1980 : vector<1x16xf32> to vector<16xf32>
      %get3A_1982 = arith.constant 1 : i32
      %get3A_1983 = arith.index_cast %get3A_1982 : i32 to index
      %get3A_1984 = arith.constant 0 : index
      %get3A_1985 = tpu.vector_load %arg10[%get3A_1983, %get3A_1984] {strides = array<i32>} : memref<50x32xf32, #tpu.memory_space<vmem>>, vector<1x16xf32>,
      %get3A_1986 = vector.shape_cast %get3A_1985 : vector<1x16xf32> to vector<16xf32>
      %get3A_1987 = arith.constant 2 : i32
      %get3A_1988 = arith.index_cast %get3A_1987 : i32 to index
      %get3A_1989 = arith.constant 0 : index
      %get3A_1990 = tpu.vector_load %arg10[%get3A_1988, %get3A_1989] {strides = array<i32>} : memref<50x32xf32, #tpu.memory_space<vmem>>, vector<1x16xf32>,
      %get3A_1991 = vector.shape_cast %get3A_1990 : vector<1x16xf32> to vector<16xf32>
      %get3A_1992 = arith.constant 3 : i32
      %get3A_1993 = arith.index_cast %get3A_1992 : i32 to index
      %get3A_1994 = arith.constant 0 : index
      %get3A_1995 = tpu.vector_load %arg10[%get3A_1993, %get3A_1994] {strides = array<i32>} : memref<50x32xf32, #tpu.memory_space<vmem>>, vector<1x16xf32>,
      %get3A_1996 = vector.shape_cast %get3A_1995 : vector<1x16xf32> to vector<16xf32>
      %get3A_1997 = arith.constant 4 : i32
      %get3A_1998 = arith.index_cast %get3A_1997 : i32 to index
      %get3A_1999 = arith.constant 0 : index
      %get3A_2000 = tpu.vector_load %arg10[%get3A_1998, %get3A_1999] {strides = array<i32>} : memref<50x32xf32, #tpu.memory_space<vmem>>, vector<1x16xf32>,
      %get3A_2001 = vector.shape_cast %get3A_2000 : vector<1x16xf32> to vector<16xf32>
      %add3A_2002 = arith.addf %get3A_1981, %get3A_2001 : vector<16xf32>
      %get3A_2003 = arith.constant 5 : i32
      %get3A_2004 = arith.index_cast %get3A_2003 : i32 to index
      %get3A_2005 = arith.constant 0 : index
      %get3A_2006 = tpu.vector_load %arg10[%get3A_2004, %get3A_2005] {strides = array<i32>} : memref<50x32xf32, #tpu.memory_space<vmem>>, vector<1x16xf32>,
      %get3A_2007 = vector.shape_cast %get3A_2006 : vector<1x16xf32> to vector<16xf32>
      %add3A_2008 = arith.addf %get3A_1986, %get3A_2007 : vector<16xf32>
      %get3A_2009 = arith.constant 6 : i32
      %get3A_2010 = arith.index_cast %get3A_2009 : i32 to index
      %get3A_2011 = arith.constant 0 : index
      %get3A_2012 = tpu.vector_load %arg10[%get3A_2010, %get3A_2011] {strides = array<i32>} : memref<50x32xf32, #tpu.memory_space<vmem>>, vector<1x16xf32>,
      %get3A_2013 = vector.shape_cast %get3A_2012 : vector<1x16xf32> to vector<16xf32>
      %add3A_2014 = arith.addf %get3A_1991, %get3A_2013 : vector<16xf32>
      %get3A_2015 = arith.constant 7 : i32
      %get3A_2016 = arith.index_cast %get3A_2015 : i32 to index
      %get3A_2017 = arith.constant 0 : index
      %get3A_2018 = tpu.vector_load %arg10[%get3A_2016, %get3A_2017] {strides = array<i32>} : memref<50x32xf32, #tpu.memory_space<vmem>>, vector<1x16xf32>,
      %get3A_2019 = vector.shape_cast %get3A_2018 : vector<1x16xf32> to vector<16xf32>
      %add3A_2020 = arith.addf %get3A_1996, %get3A_2019 : vector<16xf32>
      %get3A_2021 = arith.constant 8 : i32
      %get3A_2022 = arith.index_cast %get3A_2021 : i32 to index
      %get3A_2023 = arith.constant 0 : index
      %get3A_2024 = tpu.vector_load %arg10[%get3A_2022, %get3A_2023] {strides = array<i32>} : memref<50x32xf32, #tpu.memory_space<vmem>>, vector<1x16xf32>,
      %get3A_2025 = vector.shape_cast %get3A_2024 : vector<1x16xf32> to vector<16xf32>
      %add3A_2026 = arith.addf %add3A_2002, %get3A_2025 : vector<16xf32>
      %get3A_2027 = arith.constant 9 : i32
      %get3A_2028 = arith.index_cast %get3A_2027 : i32 to index
      %get3A_2029 = arith.constant 0 : index
      %get3A_2030 = tpu.vector_load %arg10[%get3A_2028, %get3A_2029] {strides = array<i32>} : memref<50x32xf32, #tpu.memory_space<vmem>>, vector<1x16xf32>,
      %get3A_2031 = vector.shape_cast %get3A_2030 : vector<1x16xf32> to vector<16xf32>
      %add3A_2032 = arith.addf %add3A_2008, %get3A_2031 : vector<16xf32>
      %get3A_2033 = arith.constant 10 : i32
      %get3A_2034 = arith.index_cast %get3A_2033 : i32 to index
      %get3A_2035 = arith.constant 0 : index
      %get3A_2036 = tpu.vector_load %arg10[%get3A_2034, %get3A_2035] {strides = array<i32>} : memref<50x32xf32, #tpu.memory_space<vmem>>, vector<1x16xf32>,
      %get3A_2037 = vector.shape_cast %get3A_2036 : vector<1x16xf32> to vector<16xf32>
      %add3A_2038 = arith.addf %add3A_2014, %get3A_2037 : vector<16xf32>
      %get3A_2039 = arith.constant 11 : i32
      %get3A_2040 = arith.index_cast %get3A_2039 : i32 to index
      %get3A_2041 = arith.constant 0 : index
      %get3A_2042 = tpu.vector_load %arg10[%get3A_2040, %get3A_2041] {strides = array<i32>} : memref<50x32xf32, #tpu.memory_space<vmem>>, vector<1x16xf32>,
      %get3A_2043 = vector.shape_cast %get3A_2042 : vector<1x16xf32> to vector<16xf32>
      %add3A_2044 = arith.addf %add3A_2020, %get3A_2043 : vector<16xf32>
      %get3A_2045 = arith.constant 12 : i32
      %get3A_2046 = arith.index_cast %get3A_2045 : i32 to index
      %get3A_2047 = arith.constant 0 : index
      %get3A_2048 = tpu.vector_load %arg10[%get3A_2046, %get3A_2047] {strides = array<i32>} : memref<50x32xf32, #tpu.memory_space<vmem>>, vector<1x16xf32>,
      %get3A_2049 = vector.shape_cast %get3A_2048 : vector<1x16xf32> to vector<16xf32>
      %add3A_2050 = arith.addf %add3A_2026, %get3A_2049 : vector<16xf32>
      %get3A_2051 = arith.constant 13 : i32
      %get3A_2052 = arith.index_cast %get3A_2051 : i32 to index
      %get3A_2053 = arith.constant 0 : index
      %get3A_2054 = tpu.vector_load %arg10[%get3A_2052, %get3A_2053] {strides = array<i32>} : memref<50x32xf32, #tpu.memory_space<vmem>>, vector<1x16xf32>,
      %get3A_2055 = vector.shape_cast %get3A_2054 : vector<1x16xf32> to vector<16xf32>
      %add3A_2056 = arith.addf %add3A_2032, %get3A_2055 : vector<16xf32>
      %get3A_2057 = arith.constant 14 : i32
      %get3A_2058 = arith.index_cast %get3A_2057 : i32 to index
      %get3A_2059 = arith.constant 0 : index
      %get3A_2060 = tpu.vector_load %arg10[%get3A_2058, %get3A_2059] {strides = array<i32>} : memref<50x32xf32, #tpu.memory_space<vmem>>, vector<1x16xf32>,
      %get3A_2061 = vector.shape_cast %get3A_2060 : vector<1x16xf32> to vector<16xf32>
      %add3A_2062 = arith.addf %add3A_2038, %get3A_2061 : vector<16xf32>
      %get3A_2063 = arith.constant 15 : i32
      %get3A_2064 = arith.index_cast %get3A_2063 : i32 to index
      %get3A_2065 = arith.constant 0 : index
      %get3A_2066 = tpu.vector_load %arg10[%get3A_2064, %get3A_2065] {strides = array<i32>} : memref<50x32xf32, #tpu.memory_space<vmem>>, vector<1x16xf32>,
      %get3A_2067 = vector.shape_cast %get3A_2066 : vector<1x16xf32> to vector<16xf32>
      %add3A_2068 = arith.addf %add3A_2044, %get3A_2067 : vector<16xf32>
      %get3A_2069 = arith.constant 16 : i32
      %get3A_2070 = arith.index_cast %get3A_2069 : i32 to index
      %get3A_2071 = arith.constant 0 : index
      %get3A_2072 = tpu.vector_load %arg10[%get3A_2070, %get3A_2071] {strides = array<i32>} : memref<50x32xf32, #tpu.memory_space<vmem>>, vector<1x16xf32>,
      %get3A_2073 = vector.shape_cast %get3A_2072 : vector<1x16xf32> to vector<16xf32>
      %add3A_2074 = arith.addf %add3A_2050, %get3A_2073 : vector<16xf32>
      %get3A_2075 = arith.constant 17 : i32
      %get3A_2076 = arith.index_cast %get3A_2075 : i32 to index
      %get3A_2077 = arith.constant 0 : index
      %get3A_2078 = tpu.vector_load %arg10[%get3A_2076, %get3A_2077] {strides = array<i32>} : memref<50x32xf32, #tpu.memory_space<vmem>>, vector<1x16xf32>,
      %get3A_2079 = vector.shape_cast %get3A_2078 : vector<1x16xf32> to vector<16xf32>
      %add3A_2080 = arith.addf %add3A_2056, %get3A_2079 : vector<16xf32>
      %get3A_2081 = arith.constant 18 : i32
      %get3A_2082 = arith.index_cast %get3A_2081 : i32 to index
      %get3A_2083 = arith.constant 0 : index
      %get3A_2084 = tpu.vector_load %arg10[%get3A_2082, %get3A_2083] {strides = array<i32>} : memref<50x32xf32, #tpu.memory_space<vmem>>, vector<1x16xf32>,
      %get3A_2085 = vector.shape_cast %get3A_2084 : vector<1x16xf32> to vector<16xf32>
      %add3A_2086 = arith.addf %add3A_2062, %get3A_2085 : vector<16xf32>
      %get3A_2087 = arith.constant 19 : i32
      %get3A_2088 = arith.index_cast %get3A_2087 : i32 to index
      %get3A_2089 = arith.constant 0 : index
      %get3A_2090 = tpu.vector_load %arg10[%get3A_2088, %get3A_2089] {strides = array<i32>} : memref<50x32xf32, #tpu.memory_space<vmem>>, vector<1x16xf32>,
      %get3A_2091 = vector.shape_cast %get3A_2090 : vector<1x16xf32> to vector<16xf32>
      %add3A_2092 = arith.addf %add3A_2068, %get3A_2091 : vector<16xf32>
      %get3A_2093 = arith.constant 20 : i32
      %get3A_2094 = arith.index_cast %get3A_2093 : i32 to index
      %get3A_2095 = arith.constant 0 : index
      %get3A_2096 = tpu.vector_load %arg10[%get3A_2094, %get3A_2095] {strides = array<i32>} : memref<50x32xf32, #tpu.memory_space<vmem>>, vector<1x16xf32>,
      %get3A_2097 = vector.shape_cast %get3A_2096 : vector<1x16xf32> to vector<16xf32>
      %add3A_2098 = arith.addf %add3A_2074, %get3A_2097 : vector<16xf32>
      %get3A_2099 = arith.constant 21 : i32
      %get3A_2100 = arith.index_cast %get3A_2099 : i32 to index
      %get3A_2101 = arith.constant 0 : index
      %get3A_2102 = tpu.vector_load %arg10[%get3A_2100, %get3A_2101] {strides = array<i32>} : memref<50x32xf32, #tpu.memory_space<vmem>>, vector<1x16xf32>,
      %get3A_2103 = vector.shape_cast %get3A_2102 : vector<1x16xf32> to vector<16xf32>
      %add3A_2104 = arith.addf %add3A_2080, %get3A_2103 : vector<16xf32>
      %get3A_2105 = arith.constant 22 : i32
      %get3A_2106 = arith.index_cast %get3A_2105 : i32 to index
      %get3A_2107 = arith.constant 0 : index
      %get3A_2108 = tpu.vector_load %arg10[%get3A_2106, %get3A_2107] {strides = array<i32>} : memref<50x32xf32, #tpu.memory_space<vmem>>, vector<1x16xf32>,
      %get3A_2109 = vector.shape_cast %get3A_2108 : vector<1x16xf32> to vector<16xf32>
      %add3A_2110 = arith.addf %add3A_2086, %get3A_2109 : vector<16xf32>
      %get3A_2111 = arith.constant 23 : i32
      %get3A_2112 = arith.index_cast %get3A_2111 : i32 to index
      %get3A_2113 = arith.constant 0 : index
      %get3A_2114 = tpu.vector_load %arg10[%get3A_2112, %get3A_2113] {strides = array<i32>} : memref<50x32xf32, #tpu.memory_space<vmem>>, vector<1x16xf32>,
      %get3A_2115 = vector.shape_cast %get3A_2114 : vector<1x16xf32> to vector<16xf32>
      %add3A_2116 = arith.addf %add3A_2092, %get3A_2115 : vector<16xf32>
      %get3A_2117 = arith.constant 24 : i32
      %get3A_2118 = arith.index_cast %get3A_2117 : i32 to index
      %get3A_2119 = arith.constant 0 : index
      %get3A_2120 = tpu.vector_load %arg10[%get3A_2118, %get3A_2119] {strides = array<i32>} : memref<50x32xf32, #tpu.memory_space<vmem>>, vector<1x16xf32>,
      %get3A_2121 = vector.shape_cast %get3A_2120 : vector<1x16xf32> to vector<16xf32>
      %add3A_2122 = arith.addf %add3A_2098, %get3A_2121 : vector<16xf32>
      %get3A_2123 = arith.constant 25 : i32
      %get3A_2124 = arith.index_cast %get3A_2123 : i32 to index
      %get3A_2125 = arith.constant 0 : index
      %get3A_2126 = tpu.vector_load %arg10[%get3A_2124, %get3A_2125] {strides = array<i32>} : memref<50x32xf32, #tpu.memory_space<vmem>>, vector<1x16xf32>,
      %get3A_2127 = vector.shape_cast %get3A_2126 : vector<1x16xf32> to vector<16xf32>
      %add3A_2128 = arith.addf %add3A_2104, %get3A_2127 : vector<16xf32>
      %get3A_2129 = arith.constant 26 : i32
      %get3A_2130 = arith.index_cast %get3A_2129 : i32 to index
      %get3A_2131 = arith.constant 0 : index
      %get3A_2132 = tpu.vector_load %arg10[%get3A_2130, %get3A_2131] {strides = array<i32>} : memref<50x32xf32, #tpu.memory_space<vmem>>, vector<1x16xf32>,
      %get3A_2133 = vector.shape_cast %get3A_2132 : vector<1x16xf32> to vector<16xf32>
      %add3A_2134 = arith.addf %add3A_2110, %get3A_2133 : vector<16xf32>
      %get3A_2135 = arith.constant 27 : i32
      %get3A_2136 = arith.index_cast %get3A_2135 : i32 to index
      %get3A_2137 = arith.constant 0 : index
      %get3A_2138 = tpu.vector_load %arg10[%get3A_2136, %get3A_2137] {strides = array<i32>} : memref<50x32xf32, #tpu.memory_space<vmem>>, vector<1x16xf32>,
      %get3A_2139 = vector.shape_cast %get3A_2138 : vector<1x16xf32> to vector<16xf32>
      %add3A_2140 = arith.addf %add3A_2116, %get3A_2139 : vector<16xf32>
      %get3A_2141 = arith.constant 28 : i32
      %get3A_2142 = arith.index_cast %get3A_2141 : i32 to index
      %get3A_2143 = arith.constant 0 : index
      %get3A_2144 = tpu.vector_load %arg10[%get3A_2142, %get3A_2143] {strides = array<i32>} : memref<50x32xf32, #tpu.memory_space<vmem>>, vector<1x16xf32>,
      %get3A_2145 = vector.shape_cast %get3A_2144 : vector<1x16xf32> to vector<16xf32>
      %add3A_2146 = arith.addf %add3A_2122, %get3A_2145 : vector<16xf32>
      %get3A_2147 = arith.constant 29 : i32
      %get3A_2148 = arith.index_cast %get3A_2147 : i32 to index
      %get3A_2149 = arith.constant 0 : index
      %get3A_2150 = tpu.vector_load %arg10[%get3A_2148, %get3A_2149] {strides = array<i32>} : memref<50x32xf32, #tpu.memory_space<vmem>>, vector<1x16xf32>,
      %get3A_2151 = vector.shape_cast %get3A_2150 : vector<1x16xf32> to vector<16xf32>
      %add3A_2152 = arith.addf %add3A_2128, %get3A_2151 : vector<16xf32>
      %get3A_2153 = arith.constant 30 : i32
      %get3A_2154 = arith.index_cast %get3A_2153 : i32 to index
      %get3A_2155 = arith.constant 0 : index
      %get3A_2156 = tpu.vector_load %arg10[%get3A_2154, %get3A_2155] {strides = array<i32>} : memref<50x32xf32, #tpu.memory_space<vmem>>, vector<1x16xf32>,
      %get3A_2157 = vector.shape_cast %get3A_2156 : vector<1x16xf32> to vector<16xf32>
      %add3A_2158 = arith.addf %add3A_2134, %get3A_2157 : vector<16xf32>
      %get3A_2159 = arith.constant 31 : i32
      %get3A_2160 = arith.index_cast %get3A_2159 : i32 to index
      %get3A_2161 = arith.constant 0 : index
      %get3A_2162 = tpu.vector_load %arg10[%get3A_2160, %get3A_2161] {strides = array<i32>} : memref<50x32xf32, #tpu.memory_space<vmem>>, vector<1x16xf32>,
      %get3A_2163 = vector.shape_cast %get3A_2162 : vector<1x16xf32> to vector<16xf32>
      %add3A_2164 = arith.addf %add3A_2140, %get3A_2163 : vector<16xf32>
      %get3A_2165 = arith.constant 32 : i32
      %get3A_2166 = arith.index_cast %get3A_2165 : i32 to index
      %get3A_2167 = arith.constant 0 : index
      %get3A_2168 = tpu.vector_load %arg10[%get3A_2166, %get3A_2167] {strides = array<i32>} : memref<50x32xf32, #tpu.memory_space<vmem>>, vector<1x16xf32>,
      %get3A_2169 = vector.shape_cast %get3A_2168 : vector<1x16xf32> to vector<16xf32>
      %add3A_2170 = arith.addf %add3A_2146, %get3A_2169 : vector<16xf32>
      %get3A_2171 = arith.constant 33 : i32
      %get3A_2172 = arith.index_cast %get3A_2171 : i32 to index
      %get3A_2173 = arith.constant 0 : index
      %get3A_2174 = tpu.vector_load %arg10[%get3A_2172, %get3A_2173] {strides = array<i32>} : memref<50x32xf32, #tpu.memory_space<vmem>>, vector<1x16xf32>,
      %get3A_2175 = vector.shape_cast %get3A_2174 : vector<1x16xf32> to vector<16xf32>
      %add3A_2176 = arith.addf %add3A_2152, %get3A_2175 : vector<16xf32>
      %get3A_2177 = arith.constant 34 : i32
      %get3A_2178 = arith.index_cast %get3A_2177 : i32 to index
      %get3A_2179 = arith.constant 0 : index
      %get3A_2180 = tpu.vector_load %arg10[%get3A_2178, %get3A_2179] {strides = array<i32>} : memref<50x32xf32, #tpu.memory_space<vmem>>, vector<1x16xf32>,
      %get3A_2181 = vector.shape_cast %get3A_2180 : vector<1x16xf32> to vector<16xf32>
      %add3A_2182 = arith.addf %add3A_2158, %get3A_2181 : vector<16xf32>
      %get3A_2183 = arith.constant 35 : i32
      %get3A_2184 = arith.index_cast %get3A_2183 : i32 to index
      %get3A_2185 = arith.constant 0 : index
      %get3A_2186 = tpu.vector_load %arg10[%get3A_2184, %get3A_2185] {strides = array<i32>} : memref<50x32xf32, #tpu.memory_space<vmem>>, vector<1x16xf32>,
      %get3A_2187 = vector.shape_cast %get3A_2186 : vector<1x16xf32> to vector<16xf32>
      %add3A_2188 = arith.addf %add3A_2164, %get3A_2187 : vector<16xf32>
      %get3A_2189 = arith.constant 36 : i32
      %get3A_2190 = arith.index_cast %get3A_2189 : i32 to index
      %get3A_2191 = arith.constant 0 : index
      %get3A_2192 = tpu.vector_load %arg10[%get3A_2190, %get3A_2191] {strides = array<i32>} : memref<50x32xf32, #tpu.memory_space<vmem>>, vector<1x16xf32>,
      %get3A_2193 = vector.shape_cast %get3A_2192 : vector<1x16xf32> to vector<16xf32>
      %add3A_2194 = arith.addf %add3A_2170, %get3A_2193 : vector<16xf32>
      %get3A_2195 = arith.constant 37 : i32
      %get3A_2196 = arith.index_cast %get3A_2195 : i32 to index
      %get3A_2197 = arith.constant 0 : index
      %get3A_2198 = tpu.vector_load %arg10[%get3A_2196, %get3A_2197] {strides = array<i32>} : memref<50x32xf32, #tpu.memory_space<vmem>>, vector<1x16xf32>,
      %get3A_2199 = vector.shape_cast %get3A_2198 : vector<1x16xf32> to vector<16xf32>
      %add3A_2200 = arith.addf %add3A_2176, %get3A_2199 : vector<16xf32>
      %get3A_2201 = arith.constant 38 : i32
      %get3A_2202 = arith.index_cast %get3A_2201 : i32 to index
      %get3A_2203 = arith.constant 0 : index
      %get3A_2204 = tpu.vector_load %arg10[%get3A_2202, %get3A_2203] {strides = array<i32>} : memref<50x32xf32, #tpu.memory_space<vmem>>, vector<1x16xf32>,
      %get3A_2205 = vector.shape_cast %get3A_2204 : vector<1x16xf32> to vector<16xf32>
      %add3A_2206 = arith.addf %add3A_2182, %get3A_2205 : vector<16xf32>
      %get3A_2207 = arith.constant 39 : i32
      %get3A_2208 = arith.index_cast %get3A_2207 : i32 to index
      %get3A_2209 = arith.constant 0 : index
      %get3A_2210 = tpu.vector_load %arg10[%get3A_2208, %get3A_2209] {strides = array<i32>} : memref<50x32xf32, #tpu.memory_space<vmem>>, vector<1x16xf32>,
      %get3A_2211 = vector.shape_cast %get3A_2210 : vector<1x16xf32> to vector<16xf32>
      %add3A_2212 = arith.addf %add3A_2188, %get3A_2211 : vector<16xf32>
      %get3A_2213 = arith.constant 40 : i32
      %get3A_2214 = arith.index_cast %get3A_2213 : i32 to index
      %get3A_2215 = arith.constant 0 : index
      %get3A_2216 = tpu.vector_load %arg10[%get3A_2214, %get3A_2215] {strides = array<i32>} : memref<50x32xf32, #tpu.memory_space<vmem>>, vector<1x16xf32>,
      %get3A_2217 = vector.shape_cast %get3A_2216 : vector<1x16xf32> to vector<16xf32>
      %add3A_2218 = arith.addf %add3A_2194, %get3A_2217 : vector<16xf32>
      %get3A_2219 = arith.constant 41 : i32
      %get3A_2220 = arith.index_cast %get3A_2219 : i32 to index
      %get3A_2221 = arith.constant 0 : index
      %get3A_2222 = tpu.vector_load %arg10[%get3A_2220, %get3A_2221] {strides = array<i32>} : memref<50x32xf32, #tpu.memory_space<vmem>>, vector<1x16xf32>,
      %get3A_2223 = vector.shape_cast %get3A_2222 : vector<1x16xf32> to vector<16xf32>
      %add3A_2224 = arith.addf %add3A_2200, %get3A_2223 : vector<16xf32>
      %get3A_2225 = arith.constant 42 : i32
      %get3A_2226 = arith.index_cast %get3A_2225 : i32 to index
      %get3A_2227 = arith.constant 0 : index
      %get3A_2228 = tpu.vector_load %arg10[%get3A_2226, %get3A_2227] {strides = array<i32>} : memref<50x32xf32, #tpu.memory_space<vmem>>, vector<1x16xf32>,
      %get3A_2229 = vector.shape_cast %get3A_2228 : vector<1x16xf32> to vector<16xf32>
      %add3A_2230 = arith.addf %add3A_2206, %get3A_2229 : vector<16xf32>
      %get3A_2231 = arith.constant 43 : i32
      %get3A_2232 = arith.index_cast %get3A_2231 : i32 to index
      %get3A_2233 = arith.constant 0 : index
      %get3A_2234 = tpu.vector_load %arg10[%get3A_2232, %get3A_2233] {strides = array<i32>} : memref<50x32xf32, #tpu.memory_space<vmem>>, vector<1x16xf32>,
      %get3A_2235 = vector.shape_cast %get3A_2234 : vector<1x16xf32> to vector<16xf32>
      %add3A_2236 = arith.addf %add3A_2212, %get3A_2235 : vector<16xf32>
      %get3A_2237 = arith.constant 44 : i32
      %get3A_2238 = arith.index_cast %get3A_2237 : i32 to index
      %get3A_2239 = arith.constant 0 : index
      %get3A_2240 = tpu.vector_load %arg10[%get3A_2238, %get3A_2239] {strides = array<i32>} : memref<50x32xf32, #tpu.memory_space<vmem>>, vector<1x16xf32>,
      %get3A_2241 = vector.shape_cast %get3A_2240 : vector<1x16xf32> to vector<16xf32>
      %add3A_2242 = arith.addf %add3A_2218, %get3A_2241 : vector<16xf32>
      %get3A_2243 = arith.constant 45 : i32
      %get3A_2244 = arith.index_cast %get3A_2243 : i32 to index
      %get3A_2245 = arith.constant 0 : index
      %get3A_2246 = tpu.vector_load %arg10[%get3A_2244, %get3A_2245] {strides = array<i32>} : memref<50x32xf32, #tpu.memory_space<vmem>>, vector<1x16xf32>,
      %get3A_2247 = vector.shape_cast %get3A_2246 : vector<1x16xf32> to vector<16xf32>
      %add3A_2248 = arith.addf %add3A_2224, %get3A_2247 : vector<16xf32>
      %get3A_2249 = arith.constant 46 : i32
      %get3A_2250 = arith.index_cast %get3A_2249 : i32 to index
      %get3A_2251 = arith.constant 0 : index
      %get3A_2252 = tpu.vector_load %arg10[%get3A_2250, %get3A_2251] {strides = array<i32>} : memref<50x32xf32, #tpu.memory_space<vmem>>, vector<1x16xf32>,
      %get3A_2253 = vector.shape_cast %get3A_2252 : vector<1x16xf32> to vector<16xf32>
      %add3A_2254 = arith.addf %add3A_2230, %get3A_2253 : vector<16xf32>
      %get3A_2255 = arith.constant 47 : i32
      %get3A_2256 = arith.index_cast %get3A_2255 : i32 to index
      %get3A_2257 = arith.constant 0 : index
      %get3A_2258 = tpu.vector_load %arg10[%get3A_2256, %get3A_2257] {strides = array<i32>} : memref<50x32xf32, #tpu.memory_space<vmem>>, vector<1x16xf32>,
      %get3A_2259 = vector.shape_cast %get3A_2258 : vector<1x16xf32> to vector<16xf32>
      %add3A_2260 = arith.addf %add3A_2236, %get3A_2259 : vector<16xf32>
      %get3A_2261 = arith.constant 48 : i32
      %get3A_2262 = arith.index_cast %get3A_2261 : i32 to index
      %get3A_2263 = arith.constant 0 : index
      %get3A_2264 = tpu.vector_load %arg10[%get3A_2262, %get3A_2263] {strides = array<i32>} : memref<50x32xf32, #tpu.memory_space<vmem>>, vector<1x16xf32>,
      %get3A_2265 = vector.shape_cast %get3A_2264 : vector<1x16xf32> to vector<16xf32>
      %add3A_2266 = arith.addf %add3A_2242, %get3A_2265 : vector<16xf32>
      %get3A_2267 = arith.constant 49 : i32
      %get3A_2268 = arith.index_cast %get3A_2267 : i32 to index
      %get3A_2269 = arith.constant 0 : index
      %get3A_2270 = tpu.vector_load %arg10[%get3A_2268, %get3A_2269] {strides = array<i32>} : memref<50x32xf32, #tpu.memory_space<vmem>>, vector<1x16xf32>,
      %get3A_2271 = vector.shape_cast %get3A_2270 : vector<1x16xf32> to vector<16xf32>
      %add3A_2272 = arith.addf %add3A_2248, %get3A_2271 : vector<16xf32>
      %add3A_2273 = arith.addf %add3A_2266, %add3A_2272 : vector<16xf32>
      %add3A_2274 = arith.addf %add3A_2254, %add3A_2260 : vector<16xf32>
      %add3A_2275 = arith.addf %add3A_2273, %add3A_2274 : vector<16xf32>
      %get3A_2276 = arith.constant 0 : index
      %get3A_2277 = tpu.vector_load %arg16[%get3A_2276] {strides = array<i32>} : memref<32xf32, #tpu.memory_space<vmem>>, vector<16xf32>,
      %get3A_2278 = vector.shape_cast %get3A_2277 : vector<16xf32> to vector<16xf32>
      %add3A_2279 = arith.addf %add3A_2275, %get3A_2278 : vector<16xf32>
      %swap3A_2280 = arith.index_cast %add3A_1976 : i32 to index
      %swap3A_2281 = arith.constant 0 : index
      %swap3A_2282 = tpu.vector_load %arg15[%swap3A_2280, %swap3A_2281] {strides = array<i32>} : memref<512x32xf32, #tpu.memory_space<vmem>>, vector<1x16xf32>,
      %swap3A_2283 = vector.shape_cast %swap3A_2282 : vector<1x16xf32> to vector<16xf32>
      %swap3A_2284 = vector.shape_cast %add3A_2279 : vector<16xf32> to vector<1x16xf32>
      tpu.vector_store %arg15[%swap3A_2280, %swap3A_2281], %swap3A_2284 {strides = array<i32>} : memref<512x32xf32, #tpu.memory_space<vmem>>, vector<1x16xf32>,
      %get3A_2285 = arith.constant 0 : i32
      %get3A_2286 = arith.index_cast %get3A_2285 : i32 to index
      %get3A_2287 = arith.constant 16 : index
      %get3A_2288 = tpu.vector_load %arg10[%get3A_2286, %get3A_2287] {strides = array<i32>} : memref<50x32xf32, #tpu.memory_space<vmem>>, vector<1x16xf32>,
      %get3A_2289 = vector.shape_cast %get3A_2288 : vector<1x16xf32> to vector<16xf32>
      %get3A_2290 = arith.constant 1 : i32
      %get3A_2291 = arith.index_cast %get3A_2290 : i32 to index
      %get3A_2292 = arith.constant 16 : index
      %get3A_2293 = tpu.vector_load %arg10[%get3A_2291, %get3A_2292] {strides = array<i32>} : memref<50x32xf32, #tpu.memory_space<vmem>>, vector<1x16xf32>,
      %get3A_2294 = vector.shape_cast %get3A_2293 : vector<1x16xf32> to vector<16xf32>
      %get3A_2295 = arith.constant 2 : i32
      %get3A_2296 = arith.index_cast %get3A_2295 : i32 to index
      %get3A_2297 = arith.constant 16 : index
      %get3A_2298 = tpu.vector_load %arg10[%get3A_2296, %get3A_2297] {strides = array<i32>} : memref<50x32xf32, #tpu.memory_space<vmem>>, vector<1x16xf32>,
      %get3A_2299 = vector.shape_cast %get3A_2298 : vector<1x16xf32> to vector<16xf32>
      %get3A_2300 = arith.constant 3 : i32
      %get3A_2301 = arith.index_cast %get3A_2300 : i32 to index
      %get3A_2302 = arith.constant 16 : index
      %get3A_2303 = tpu.vector_load %arg10[%get3A_2301, %get3A_2302] {strides = array<i32>} : memref<50x32xf32, #tpu.memory_space<vmem>>, vector<1x16xf32>,
      %get3A_2304 = vector.shape_cast %get3A_2303 : vector<1x16xf32> to vector<16xf32>
      %get3A_2305 = arith.constant 4 : i32
      %get3A_2306 = arith.index_cast %get3A_2305 : i32 to index
      %get3A_2307 = arith.constant 16 : index
      %get3A_2308 = tpu.vector_load %arg10[%get3A_2306, %get3A_2307] {strides = array<i32>} : memref<50x32xf32, #tpu.memory_space<vmem>>, vector<1x16xf32>,
      %get3A_2309 = vector.shape_cast %get3A_2308 : vector<1x16xf32> to vector<16xf32>
      %add3A_2310 = arith.addf %get3A_2289, %get3A_2309 : vector<16xf32>
      %get3A_2311 = arith.constant 5 : i32
      %get3A_2312 = arith.index_cast %get3A_2311 : i32 to index
      %get3A_2313 = arith.constant 16 : index
      %get3A_2314 = tpu.vector_load %arg10[%get3A_2312, %get3A_2313] {strides = array<i32>} : memref<50x32xf32, #tpu.memory_space<vmem>>, vector<1x16xf32>,
      %get3A_2315 = vector.shape_cast %get3A_2314 : vector<1x16xf32> to vector<16xf32>
      %add3A_2316 = arith.addf %get3A_2294, %get3A_2315 : vector<16xf32>
      %get3A_2317 = arith.constant 6 : i32
      %get3A_2318 = arith.index_cast %get3A_2317 : i32 to index
      %get3A_2319 = arith.constant 16 : index
      %get3A_2320 = tpu.vector_load %arg10[%get3A_2318, %get3A_2319] {strides = array<i32>} : memref<50x32xf32, #tpu.memory_space<vmem>>, vector<1x16xf32>,
      %get3A_2321 = vector.shape_cast %get3A_2320 : vector<1x16xf32> to vector<16xf32>
      %add3A_2322 = arith.addf %get3A_2299, %get3A_2321 : vector<16xf32>
      %get3A_2323 = arith.constant 7 : i32
      %get3A_2324 = arith.index_cast %get3A_2323 : i32 to index
      %get3A_2325 = arith.constant 16 : index
      %get3A_2326 = tpu.vector_load %arg10[%get3A_2324, %get3A_2325] {strides = array<i32>} : memref<50x32xf32, #tpu.memory_space<vmem>>, vector<1x16xf32>,
      %get3A_2327 = vector.shape_cast %get3A_2326 : vector<1x16xf32> to vector<16xf32>
      %add3A_2328 = arith.addf %get3A_2304, %get3A_2327 : vector<16xf32>
      %get3A_2329 = arith.constant 8 : i32
      %get3A_2330 = arith.index_cast %get3A_2329 : i32 to index
      %get3A_2331 = arith.constant 16 : index
      %get3A_2332 = tpu.vector_load %arg10[%get3A_2330, %get3A_2331] {strides = array<i32>} : memref<50x32xf32, #tpu.memory_space<vmem>>, vector<1x16xf32>,
      %get3A_2333 = vector.shape_cast %get3A_2332 : vector<1x16xf32> to vector<16xf32>
      %add3A_2334 = arith.addf %add3A_2310, %get3A_2333 : vector<16xf32>
      %get3A_2335 = arith.constant 9 : i32
      %get3A_2336 = arith.index_cast %get3A_2335 : i32 to index
      %get3A_2337 = arith.constant 16 : index
      %get3A_2338 = tpu.vector_load %arg10[%get3A_2336, %get3A_2337] {strides = array<i32>} : memref<50x32xf32, #tpu.memory_space<vmem>>, vector<1x16xf32>,
      %get3A_2339 = vector.shape_cast %get3A_2338 : vector<1x16xf32> to vector<16xf32>
      %add3A_2340 = arith.addf %add3A_2316, %get3A_2339 : vector<16xf32>
      %get3A_2341 = arith.constant 10 : i32
      %get3A_2342 = arith.index_cast %get3A_2341 : i32 to index
      %get3A_2343 = arith.constant 16 : index
      %get3A_2344 = tpu.vector_load %arg10[%get3A_2342, %get3A_2343] {strides = array<i32>} : memref<50x32xf32, #tpu.memory_space<vmem>>, vector<1x16xf32>,
      %get3A_2345 = vector.shape_cast %get3A_2344 : vector<1x16xf32> to vector<16xf32>
      %add3A_2346 = arith.addf %add3A_2322, %get3A_2345 : vector<16xf32>
      %get3A_2347 = arith.constant 11 : i32
      %get3A_2348 = arith.index_cast %get3A_2347 : i32 to index
      %get3A_2349 = arith.constant 16 : index
      %get3A_2350 = tpu.vector_load %arg10[%get3A_2348, %get3A_2349] {strides = array<i32>} : memref<50x32xf32, #tpu.memory_space<vmem>>, vector<1x16xf32>,
      %get3A_2351 = vector.shape_cast %get3A_2350 : vector<1x16xf32> to vector<16xf32>
      %add3A_2352 = arith.addf %add3A_2328, %get3A_2351 : vector<16xf32>
      %get3A_2353 = arith.constant 12 : i32
      %get3A_2354 = arith.index_cast %get3A_2353 : i32 to index
      %get3A_2355 = arith.constant 16 : index
      %get3A_2356 = tpu.vector_load %arg10[%get3A_2354, %get3A_2355] {strides = array<i32>} : memref<50x32xf32, #tpu.memory_space<vmem>>, vector<1x16xf32>,
      %get3A_2357 = vector.shape_cast %get3A_2356 : vector<1x16xf32> to vector<16xf32>
      %add3A_2358 = arith.addf %add3A_2334, %get3A_2357 : vector<16xf32>
      %get3A_2359 = arith.constant 13 : i32
      %get3A_2360 = arith.index_cast %get3A_2359 : i32 to index
      %get3A_2361 = arith.constant 16 : index
      %get3A_2362 = tpu.vector_load %arg10[%get3A_2360, %get3A_2361] {strides = array<i32>} : memref<50x32xf32, #tpu.memory_space<vmem>>, vector<1x16xf32>,
      %get3A_2363 = vector.shape_cast %get3A_2362 : vector<1x16xf32> to vector<16xf32>
      %add3A_2364 = arith.addf %add3A_2340, %get3A_2363 : vector<16xf32>
      %get3A_2365 = arith.constant 14 : i32
      %get3A_2366 = arith.index_cast %get3A_2365 : i32 to index
      %get3A_2367 = arith.constant 16 : index
      %get3A_2368 = tpu.vector_load %arg10[%get3A_2366, %get3A_2367] {strides = array<i32>} : memref<50x32xf32, #tpu.memory_space<vmem>>, vector<1x16xf32>,
      %get3A_2369 = vector.shape_cast %get3A_2368 : vector<1x16xf32> to vector<16xf32>
      %add3A_2370 = arith.addf %add3A_2346, %get3A_2369 : vector<16xf32>
      %get3A_2371 = arith.constant 15 : i32
      %get3A_2372 = arith.index_cast %get3A_2371 : i32 to index
      %get3A_2373 = arith.constant 16 : index
      %get3A_2374 = tpu.vector_load %arg10[%get3A_2372, %get3A_2373] {strides = array<i32>} : memref<50x32xf32, #tpu.memory_space<vmem>>, vector<1x16xf32>,
      %get3A_2375 = vector.shape_cast %get3A_2374 : vector<1x16xf32> to vector<16xf32>
      %add3A_2376 = arith.addf %add3A_2352, %get3A_2375 : vector<16xf32>
      %get3A_2377 = arith.constant 16 : i32
      %get3A_2378 = arith.index_cast %get3A_2377 : i32 to index
      %get3A_2379 = arith.constant 16 : index
      %get3A_2380 = tpu.vector_load %arg10[%get3A_2378, %get3A_2379] {strides = array<i32>} : memref<50x32xf32, #tpu.memory_space<vmem>>, vector<1x16xf32>,
      %get3A_2381 = vector.shape_cast %get3A_2380 : vector<1x16xf32> to vector<16xf32>
      %add3A_2382 = arith.addf %add3A_2358, %get3A_2381 : vector<16xf32>
      %get3A_2383 = arith.constant 17 : i32
      %get3A_2384 = arith.index_cast %get3A_2383 : i32 to index
      %get3A_2385 = arith.constant 16 : index
      %get3A_2386 = tpu.vector_load %arg10[%get3A_2384, %get3A_2385] {strides = array<i32>} : memref<50x32xf32, #tpu.memory_space<vmem>>, vector<1x16xf32>,
      %get3A_2387 = vector.shape_cast %get3A_2386 : vector<1x16xf32> to vector<16xf32>
      %add3A_2388 = arith.addf %add3A_2364, %get3A_2387 : vector<16xf32>
      %get3A_2389 = arith.constant 18 : i32
      %get3A_2390 = arith.index_cast %get3A_2389 : i32 to index
      %get3A_2391 = arith.constant 16 : index
      %get3A_2392 = tpu.vector_load %arg10[%get3A_2390, %get3A_2391] {strides = array<i32>} : memref<50x32xf32, #tpu.memory_space<vmem>>, vector<1x16xf32>,
      %get3A_2393 = vector.shape_cast %get3A_2392 : vector<1x16xf32> to vector<16xf32>
      %add3A_2394 = arith.addf %add3A_2370, %get3A_2393 : vector<16xf32>
      %get3A_2395 = arith.constant 19 : i32
      %get3A_2396 = arith.index_cast %get3A_2395 : i32 to index
      %get3A_2397 = arith.constant 16 : index
      %get3A_2398 = tpu.vector_load %arg10[%get3A_2396, %get3A_2397] {strides = array<i32>} : memref<50x32xf32, #tpu.memory_space<vmem>>, vector<1x16xf32>,
      %get3A_2399 = vector.shape_cast %get3A_2398 : vector<1x16xf32> to vector<16xf32>
      %add3A_2400 = arith.addf %add3A_2376, %get3A_2399 : vector<16xf32>
      %get3A_2401 = arith.constant 20 : i32
      %get3A_2402 = arith.index_cast %get3A_2401 : i32 to index
      %get3A_2403 = arith.constant 16 : index
      %get3A_2404 = tpu.vector_load %arg10[%get3A_2402, %get3A_2403] {strides = array<i32>} : memref<50x32xf32, #tpu.memory_space<vmem>>, vector<1x16xf32>,
      %get3A_2405 = vector.shape_cast %get3A_2404 : vector<1x16xf32> to vector<16xf32>
      %add3A_2406 = arith.addf %add3A_2382, %get3A_2405 : vector<16xf32>
      %get3A_2407 = arith.constant 21 : i32
      %get3A_2408 = arith.index_cast %get3A_2407 : i32 to index
      %get3A_2409 = arith.constant 16 : index
      %get3A_2410 = tpu.vector_load %arg10[%get3A_2408, %get3A_2409] {strides = array<i32>} : memref<50x32xf32, #tpu.memory_space<vmem>>, vector<1x16xf32>,
      %get3A_2411 = vector.shape_cast %get3A_2410 : vector<1x16xf32> to vector<16xf32>
      %add3A_2412 = arith.addf %add3A_2388, %get3A_2411 : vector<16xf32>
      %get3A_2413 = arith.constant 22 : i32
      %get3A_2414 = arith.index_cast %get3A_2413 : i32 to index
      %get3A_2415 = arith.constant 16 : index
      %get3A_2416 = tpu.vector_load %arg10[%get3A_2414, %get3A_2415] {strides = array<i32>} : memref<50x32xf32, #tpu.memory_space<vmem>>, vector<1x16xf32>,
      %get3A_2417 = vector.shape_cast %get3A_2416 : vector<1x16xf32> to vector<16xf32>
      %add3A_2418 = arith.addf %add3A_2394, %get3A_2417 : vector<16xf32>
      %get3A_2419 = arith.constant 23 : i32
      %get3A_2420 = arith.index_cast %get3A_2419 : i32 to index
      %get3A_2421 = arith.constant 16 : index
      %get3A_2422 = tpu.vector_load %arg10[%get3A_2420, %get3A_2421] {strides = array<i32>} : memref<50x32xf32, #tpu.memory_space<vmem>>, vector<1x16xf32>,
      %get3A_2423 = vector.shape_cast %get3A_2422 : vector<1x16xf32> to vector<16xf32>
      %add3A_2424 = arith.addf %add3A_2400, %get3A_2423 : vector<16xf32>
      %get3A_2425 = arith.constant 24 : i32
      %get3A_2426 = arith.index_cast %get3A_2425 : i32 to index
      %get3A_2427 = arith.constant 16 : index
      %get3A_2428 = tpu.vector_load %arg10[%get3A_2426, %get3A_2427] {strides = array<i32>} : memref<50x32xf32, #tpu.memory_space<vmem>>, vector<1x16xf32>,
      %get3A_2429 = vector.shape_cast %get3A_2428 : vector<1x16xf32> to vector<16xf32>
      %add3A_2430 = arith.addf %add3A_2406, %get3A_2429 : vector<16xf32>
      %get3A_2431 = arith.constant 25 : i32
      %get3A_2432 = arith.index_cast %get3A_2431 : i32 to index
      %get3A_2433 = arith.constant 16 : index
      %get3A_2434 = tpu.vector_load %arg10[%get3A_2432, %get3A_2433] {strides = array<i32>} : memref<50x32xf32, #tpu.memory_space<vmem>>, vector<1x16xf32>,
      %get3A_2435 = vector.shape_cast %get3A_2434 : vector<1x16xf32> to vector<16xf32>
      %add3A_2436 = arith.addf %add3A_2412, %get3A_2435 : vector<16xf32>
      %get3A_2437 = arith.constant 26 : i32
      %get3A_2438 = arith.index_cast %get3A_2437 : i32 to index
      %get3A_2439 = arith.constant 16 : index
      %get3A_2440 = tpu.vector_load %arg10[%get3A_2438, %get3A_2439] {strides = array<i32>} : memref<50x32xf32, #tpu.memory_space<vmem>>, vector<1x16xf32>,
      %get3A_2441 = vector.shape_cast %get3A_2440 : vector<1x16xf32> to vector<16xf32>
      %add3A_2442 = arith.addf %add3A_2418, %get3A_2441 : vector<16xf32>
      %get3A_2443 = arith.constant 27 : i32
      %get3A_2444 = arith.index_cast %get3A_2443 : i32 to index
      %get3A_2445 = arith.constant 16 : index
      %get3A_2446 = tpu.vector_load %arg10[%get3A_2444, %get3A_2445] {strides = array<i32>} : memref<50x32xf32, #tpu.memory_space<vmem>>, vector<1x16xf32>,
      %get3A_2447 = vector.shape_cast %get3A_2446 : vector<1x16xf32> to vector<16xf32>
      %add3A_2448 = arith.addf %add3A_2424, %get3A_2447 : vector<16xf32>
      %get3A_2449 = arith.constant 28 : i32
      %get3A_2450 = arith.index_cast %get3A_2449 : i32 to index
      %get3A_2451 = arith.constant 16 : index
      %get3A_2452 = tpu.vector_load %arg10[%get3A_2450, %get3A_2451] {strides = array<i32>} : memref<50x32xf32, #tpu.memory_space<vmem>>, vector<1x16xf32>,
      %get3A_2453 = vector.shape_cast %get3A_2452 : vector<1x16xf32> to vector<16xf32>
      %add3A_2454 = arith.addf %add3A_2430, %get3A_2453 : vector<16xf32>
      %get3A_2455 = arith.constant 29 : i32
      %get3A_2456 = arith.index_cast %get3A_2455 : i32 to index
      %get3A_2457 = arith.constant 16 : index
      %get3A_2458 = tpu.vector_load %arg10[%get3A_2456, %get3A_2457] {strides = array<i32>} : memref<50x32xf32, #tpu.memory_space<vmem>>, vector<1x16xf32>,
      %get3A_2459 = vector.shape_cast %get3A_2458 : vector<1x16xf32> to vector<16xf32>
      %add3A_2460 = arith.addf %add3A_2436, %get3A_2459 : vector<16xf32>
      %get3A_2461 = arith.constant 30 : i32
      %get3A_2462 = arith.index_cast %get3A_2461 : i32 to index
      %get3A_2463 = arith.constant 16 : index
      %get3A_2464 = tpu.vector_load %arg10[%get3A_2462, %get3A_2463] {strides = array<i32>} : memref<50x32xf32, #tpu.memory_space<vmem>>, vector<1x16xf32>,
      %get3A_2465 = vector.shape_cast %get3A_2464 : vector<1x16xf32> to vector<16xf32>
      %add3A_2466 = arith.addf %add3A_2442, %get3A_2465 : vector<16xf32>
      %get3A_2467 = arith.constant 31 : i32
      %get3A_2468 = arith.index_cast %get3A_2467 : i32 to index
      %get3A_2469 = arith.constant 16 : index
      %get3A_2470 = tpu.vector_load %arg10[%get3A_2468, %get3A_2469] {strides = array<i32>} : memref<50x32xf32, #tpu.memory_space<vmem>>, vector<1x16xf32>,
      %get3A_2471 = vector.shape_cast %get3A_2470 : vector<1x16xf32> to vector<16xf32>
      %add3A_2472 = arith.addf %add3A_2448, %get3A_2471 : vector<16xf32>
      %get3A_2473 = arith.constant 32 : i32
      %get3A_2474 = arith.index_cast %get3A_2473 : i32 to index
      %get3A_2475 = arith.constant 16 : index
      %get3A_2476 = tpu.vector_load %arg10[%get3A_2474, %get3A_2475] {strides = array<i32>} : memref<50x32xf32, #tpu.memory_space<vmem>>, vector<1x16xf32>,
      %get3A_2477 = vector.shape_cast %get3A_2476 : vector<1x16xf32> to vector<16xf32>
      %add3A_2478 = arith.addf %add3A_2454, %get3A_2477 : vector<16xf32>
      %get3A_2479 = arith.constant 33 : i32
      %get3A_2480 = arith.index_cast %get3A_2479 : i32 to index
      %get3A_2481 = arith.constant 16 : index
      %get3A_2482 = tpu.vector_load %arg10[%get3A_2480, %get3A_2481] {strides = array<i32>} : memref<50x32xf32, #tpu.memory_space<vmem>>, vector<1x16xf32>,
      %get3A_2483 = vector.shape_cast %get3A_2482 : vector<1x16xf32> to vector<16xf32>
      %add3A_2484 = arith.addf %add3A_2460, %get3A_2483 : vector<16xf32>
      %get3A_2485 = arith.constant 34 : i32
      %get3A_2486 = arith.index_cast %get3A_2485 : i32 to index
      %get3A_2487 = arith.constant 16 : index
      %get3A_2488 = tpu.vector_load %arg10[%get3A_2486, %get3A_2487] {strides = array<i32>} : memref<50x32xf32, #tpu.memory_space<vmem>>, vector<1x16xf32>,
      %get3A_2489 = vector.shape_cast %get3A_2488 : vector<1x16xf32> to vector<16xf32>
      %add3A_2490 = arith.addf %add3A_2466, %get3A_2489 : vector<16xf32>
      %get3A_2491 = arith.constant 35 : i32
      %get3A_2492 = arith.index_cast %get3A_2491 : i32 to index
      %get3A_2493 = arith.constant 16 : index
      %get3A_2494 = tpu.vector_load %arg10[%get3A_2492, %get3A_2493] {strides = array<i32>} : memref<50x32xf32, #tpu.memory_space<vmem>>, vector<1x16xf32>,
      %get3A_2495 = vector.shape_cast %get3A_2494 : vector<1x16xf32> to vector<16xf32>
      %add3A_2496 = arith.addf %add3A_2472, %get3A_2495 : vector<16xf32>
      %get3A_2497 = arith.constant 36 : i32
      %get3A_2498 = arith.index_cast %get3A_2497 : i32 to index
      %get3A_2499 = arith.constant 16 : index
      %get3A_2500 = tpu.vector_load %arg10[%get3A_2498, %get3A_2499] {strides = array<i32>} : memref<50x32xf32, #tpu.memory_space<vmem>>, vector<1x16xf32>,
      %get3A_2501 = vector.shape_cast %get3A_2500 : vector<1x16xf32> to vector<16xf32>
      %add3A_2502 = arith.addf %add3A_2478, %get3A_2501 : vector<16xf32>
      %get3A_2503 = arith.constant 37 : i32
      %get3A_2504 = arith.index_cast %get3A_2503 : i32 to index
      %get3A_2505 = arith.constant 16 : index
      %get3A_2506 = tpu.vector_load %arg10[%get3A_2504, %get3A_2505] {strides = array<i32>} : memref<50x32xf32, #tpu.memory_space<vmem>>, vector<1x16xf32>,
      %get3A_2507 = vector.shape_cast %get3A_2506 : vector<1x16xf32> to vector<16xf32>
      %add3A_2508 = arith.addf %add3A_2484, %get3A_2507 : vector<16xf32>
      %get3A_2509 = arith.constant 38 : i32
      %get3A_2510 = arith.index_cast %get3A_2509 : i32 to index
      %get3A_2511 = arith.constant 16 : index
      %get3A_2512 = tpu.vector_load %arg10[%get3A_2510, %get3A_2511] {strides = array<i32>} : memref<50x32xf32, #tpu.memory_space<vmem>>, vector<1x16xf32>,
      %get3A_2513 = vector.shape_cast %get3A_2512 : vector<1x16xf32> to vector<16xf32>
      %add3A_2514 = arith.addf %add3A_2490, %get3A_2513 : vector<16xf32>
      %get3A_2515 = arith.constant 39 : i32
      %get3A_2516 = arith.index_cast %get3A_2515 : i32 to index
      %get3A_2517 = arith.constant 16 : index
      %get3A_2518 = tpu.vector_load %arg10[%get3A_2516, %get3A_2517] {strides = array<i32>} : memref<50x32xf32, #tpu.memory_space<vmem>>, vector<1x16xf32>,
      %get3A_2519 = vector.shape_cast %get3A_2518 : vector<1x16xf32> to vector<16xf32>
      %add3A_2520 = arith.addf %add3A_2496, %get3A_2519 : vector<16xf32>
      %get3A_2521 = arith.constant 40 : i32
      %get3A_2522 = arith.index_cast %get3A_2521 : i32 to index
      %get3A_2523 = arith.constant 16 : index
      %get3A_2524 = tpu.vector_load %arg10[%get3A_2522, %get3A_2523] {strides = array<i32>} : memref<50x32xf32, #tpu.memory_space<vmem>>, vector<1x16xf32>,
      %get3A_2525 = vector.shape_cast %get3A_2524 : vector<1x16xf32> to vector<16xf32>
      %add3A_2526 = arith.addf %add3A_2502, %get3A_2525 : vector<16xf32>
      %get3A_2527 = arith.constant 41 : i32
      %get3A_2528 = arith.index_cast %get3A_2527 : i32 to index
      %get3A_2529 = arith.constant 16 : index
      %get3A_2530 = tpu.vector_load %arg10[%get3A_2528, %get3A_2529] {strides = array<i32>} : memref<50x32xf32, #tpu.memory_space<vmem>>, vector<1x16xf32>,
      %get3A_2531 = vector.shape_cast %get3A_2530 : vector<1x16xf32> to vector<16xf32>
      %add3A_2532 = arith.addf %add3A_2508, %get3A_2531 : vector<16xf32>
      %get3A_2533 = arith.constant 42 : i32
      %get3A_2534 = arith.index_cast %get3A_2533 : i32 to index
      %get3A_2535 = arith.constant 16 : index
      %get3A_2536 = tpu.vector_load %arg10[%get3A_2534, %get3A_2535] {strides = array<i32>} : memref<50x32xf32, #tpu.memory_space<vmem>>, vector<1x16xf32>,
      %get3A_2537 = vector.shape_cast %get3A_2536 : vector<1x16xf32> to vector<16xf32>
      %add3A_2538 = arith.addf %add3A_2514, %get3A_2537 : vector<16xf32>
      %get3A_2539 = arith.constant 43 : i32
      %get3A_2540 = arith.index_cast %get3A_2539 : i32 to index
      %get3A_2541 = arith.constant 16 : index
      %get3A_2542 = tpu.vector_load %arg10[%get3A_2540, %get3A_2541] {strides = array<i32>} : memref<50x32xf32, #tpu.memory_space<vmem>>, vector<1x16xf32>,
      %get3A_2543 = vector.shape_cast %get3A_2542 : vector<1x16xf32> to vector<16xf32>
      %add3A_2544 = arith.addf %add3A_2520, %get3A_2543 : vector<16xf32>
      %get3A_2545 = arith.constant 44 : i32
      %get3A_2546 = arith.index_cast %get3A_2545 : i32 to index
      %get3A_2547 = arith.constant 16 : index
      %get3A_2548 = tpu.vector_load %arg10[%get3A_2546, %get3A_2547] {strides = array<i32>} : memref<50x32xf32, #tpu.memory_space<vmem>>, vector<1x16xf32>,
      %get3A_2549 = vector.shape_cast %get3A_2548 : vector<1x16xf32> to vector<16xf32>
      %add3A_2550 = arith.addf %add3A_2526, %get3A_2549 : vector<16xf32>
      %get3A_2551 = arith.constant 45 : i32
      %get3A_2552 = arith.index_cast %get3A_2551 : i32 to index
      %get3A_2553 = arith.constant 16 : index
      %get3A_2554 = tpu.vector_load %arg10[%get3A_2552, %get3A_2553] {strides = array<i32>} : memref<50x32xf32, #tpu.memory_space<vmem>>, vector<1x16xf32>,
      %get3A_2555 = vector.shape_cast %get3A_2554 : vector<1x16xf32> to vector<16xf32>
      %add3A_2556 = arith.addf %add3A_2532, %get3A_2555 : vector<16xf32>
      %get3A_2557 = arith.constant 46 : i32
      %get3A_2558 = arith.index_cast %get3A_2557 : i32 to index
      %get3A_2559 = arith.constant 16 : index
      %get3A_2560 = tpu.vector_load %arg10[%get3A_2558, %get3A_2559] {strides = array<i32>} : memref<50x32xf32, #tpu.memory_space<vmem>>, vector<1x16xf32>,
      %get3A_2561 = vector.shape_cast %get3A_2560 : vector<1x16xf32> to vector<16xf32>
      %add3A_2562 = arith.addf %add3A_2538, %get3A_2561 : vector<16xf32>
      %get3A_2563 = arith.constant 47 : i32
      %get3A_2564 = arith.index_cast %get3A_2563 : i32 to index
      %get3A_2565 = arith.constant 16 : index
      %get3A_2566 = tpu.vector_load %arg10[%get3A_2564, %get3A_2565] {strides = array<i32>} : memref<50x32xf32, #tpu.memory_space<vmem>>, vector<1x16xf32>,
      %get3A_2567 = vector.shape_cast %get3A_2566 : vector<1x16xf32> to vector<16xf32>
      %add3A_2568 = arith.addf %add3A_2544, %get3A_2567 : vector<16xf32>
      %get3A_2569 = arith.constant 48 : i32
      %get3A_2570 = arith.index_cast %get3A_2569 : i32 to index
      %get3A_2571 = arith.constant 16 : index
      %get3A_2572 = tpu.vector_load %arg10[%get3A_2570, %get3A_2571] {strides = array<i32>} : memref<50x32xf32, #tpu.memory_space<vmem>>, vector<1x16xf32>,
      %get3A_2573 = vector.shape_cast %get3A_2572 : vector<1x16xf32> to vector<16xf32>
      %add3A_2574 = arith.addf %add3A_2550, %get3A_2573 : vector<16xf32>
      %get3A_2575 = arith.constant 49 : i32
      %get3A_2576 = arith.index_cast %get3A_2575 : i32 to index
      %get3A_2577 = arith.constant 16 : index
      %get3A_2578 = tpu.vector_load %arg10[%get3A_2576, %get3A_2577] {strides = array<i32>} : memref<50x32xf32, #tpu.memory_space<vmem>>, vector<1x16xf32>,
      %get3A_2579 = vector.shape_cast %get3A_2578 : vector<1x16xf32> to vector<16xf32>
      %add3A_2580 = arith.addf %add3A_2556, %get3A_2579 : vector<16xf32>
      %add3A_2581 = arith.addf %add3A_2574, %add3A_2580 : vector<16xf32>
      %add3A_2582 = arith.addf %add3A_2562, %add3A_2568 : vector<16xf32>
      %add3A_2583 = arith.addf %add3A_2581, %add3A_2582 : vector<16xf32>
      %get3A_2584 = arith.constant 16 : index
      %get3A_2585 = tpu.vector_load %arg16[%get3A_2584] {strides = array<i32>} : memref<32xf32, #tpu.memory_space<vmem>>, vector<16xf32>,
      %get3A_2586 = vector.shape_cast %get3A_2585 : vector<16xf32> to vector<16xf32>
      %add3A_2587 = arith.addf %add3A_2583, %get3A_2586 : vector<16xf32>
      %swap3A_2588 = arith.index_cast %add3A_1976 : i32 to index
      %swap3A_2589 = arith.constant 16 : index
      %swap3A_2590 = tpu.vector_load %arg15[%swap3A_2588, %swap3A_2589] {strides = array<i32>} : memref<512x32xf32, #tpu.memory_space<vmem>>, vector<1x16xf32>,
      %swap3A_2591 = vector.shape_cast %swap3A_2590 : vector<1x16xf32> to vector<16xf32>
      %swap3A_2592 = vector.shape_cast %add3A_2587 : vector<16xf32> to vector<1x16xf32>
      tpu.vector_store %arg15[%swap3A_2588, %swap3A_2589], %swap3A_2592 {strides = array<i32>} : memref<512x32xf32, #tpu.memory_space<vmem>>, vector<1x16xf32>,
      %add3A_2593 = arith.constant 3 : i32
      %add3A_2594 = arith.addi %mul3A_67, %add3A_2593 : i32
      %add3A_2595 = arith.constant 8 : i32
      %add3A_2596 = arith.addi %add3A_2594, %add3A_2595 : i32
      %lt3A_2597 = arith.constant 512 : i32
      %lt3A_2598 = arith.cmpi slt, %add3A_2596, %lt3A_2597 : i32
      %convert_element_type3A_2599 = arith.extui %lt3A_2598 : i1 to i32
      %cond3A_2600 = arith.constant 0 : i32
      %cond3A_2601 = arith.cmpi ne, %convert_element_type3A_2599, %cond3A_2600 : i32
      scf.if %cond3A_2601 {
        %add3A_5142 = arith.constant 3 : i32
        %add3A_5143 = arith.addi %mul3A_67, %add3A_5142 : i32
        %add3A_5144 = arith.constant 8 : i32
        %add3A_5145 = arith.addi %add3A_5143, %add3A_5144 : i32
        %dma_start3A_5146 = arith.constant 0 : i32
        %dma_start3A_5147 = tpu.memref_slice %arg6[%add3A_5145, %dma_start3A_5146] : memref<512x50xi32, #tpu.memory_space<vmem>> -> memref<1x50xi32, #tpu.memory_space<vmem>>
        %dma_start3A_5148 = tpu.memref_squeeze %dma_start3A_5147 : memref<1x50xi32, #tpu.memory_space<vmem>> -> memref<50xi32, #tpu.memory_space<vmem>>
        %dma_start3A_5149 = arith.constant 0 : i32
        %dma_start3A_5150 = arith.constant 0 : i32
        %dma_start3A_5151 = tpu.memref_slice %arg3[%dma_start3A_5149, %dma_start3A_5150] : memref<100000x32xf32, #tpu.memory_space<hbm>> -> memref<100000x32xf32, #tpu.memory_space<hbm>>
        tpu.enqueue_indirect_dma source(%dma_start3A_5151 : memref<100000x32xf32, #tpu.memory_space<hbm>>) target(%arg10 : memref<50x32xf32, #tpu.memory_space<vmem>>) offsets(%dma_start3A_5148 : memref<50xi32, #tpu.memory_space<vmem>>) semaphore(%arg20 : memref<!tpu.dma_semaphore, #tpu.memory_space<semaphore_mem>>)
      } else {
      }
      %add3A_2602 = arith.constant 4 : i32
      %add3A_2603 = arith.addi %mul3A_67, %add3A_2602 : i32
      %dma_wait3A_2604 = arith.constant 0 : i32
      %dma_wait3A_2605 = tpu.memref_slice %arg6[%add3A_2603, %dma_wait3A_2604] : memref<512x50xi32, #tpu.memory_space<vmem>> -> memref<1x50xi32, #tpu.memory_space<vmem>>
      %dma_wait3A_2606 = tpu.memref_squeeze %dma_wait3A_2605 : memref<1x50xi32, #tpu.memory_space<vmem>> -> memref<50xi32, #tpu.memory_space<vmem>>
      %dma_wait3A_2607 = arith.constant 0 : i32
      %dma_wait3A_2608 = arith.constant 0 : i32
      %dma_wait3A_2609 = tpu.memref_slice %arg3[%dma_wait3A_2607, %dma_wait3A_2608] : memref<100000x32xf32, #tpu.memory_space<hbm>> -> memref<100000x32xf32, #tpu.memory_space<hbm>>
      tpu.wait_indirect_dma semaphore(%arg21 : memref<!tpu.dma_semaphore, #tpu.memory_space<semaphore_mem>>) src(%dma_wait3A_2609 : memref<100000x32xf32, #tpu.memory_space<hbm>>) dst(%arg11 : memref<50x32xf32, #tpu.memory_space<vmem>>)
      %add3A_2610 = arith.constant 4 : i32
      %add3A_2611 = arith.addi %mul3A_67, %add3A_2610 : i32
      %get3A_2612 = arith.constant 0 : i32
      %get3A_2613 = arith.index_cast %get3A_2612 : i32 to index
      %get3A_2614 = arith.constant 0 : index
      %get3A_2615 = tpu.vector_load %arg11[%get3A_2613, %get3A_2614] {strides = array<i32>} : memref<50x32xf32, #tpu.memory_space<vmem>>, vector<1x16xf32>,
      %get3A_2616 = vector.shape_cast %get3A_2615 : vector<1x16xf32> to vector<16xf32>
      %get3A_2617 = arith.constant 1 : i32
      %get3A_2618 = arith.index_cast %get3A_2617 : i32 to index
      %get3A_2619 = arith.constant 0 : index
      %get3A_2620 = tpu.vector_load %arg11[%get3A_2618, %get3A_2619] {strides = array<i32>} : memref<50x32xf32, #tpu.memory_space<vmem>>, vector<1x16xf32>,
      %get3A_2621 = vector.shape_cast %get3A_2620 : vector<1x16xf32> to vector<16xf32>
      %get3A_2622 = arith.constant 2 : i32
      %get3A_2623 = arith.index_cast %get3A_2622 : i32 to index
      %get3A_2624 = arith.constant 0 : index
      %get3A_2625 = tpu.vector_load %arg11[%get3A_2623, %get3A_2624] {strides = array<i32>} : memref<50x32xf32, #tpu.memory_space<vmem>>, vector<1x16xf32>,
      %get3A_2626 = vector.shape_cast %get3A_2625 : vector<1x16xf32> to vector<16xf32>
      %get3A_2627 = arith.constant 3 : i32
      %get3A_2628 = arith.index_cast %get3A_2627 : i32 to index
      %get3A_2629 = arith.constant 0 : index
      %get3A_2630 = tpu.vector_load %arg11[%get3A_2628, %get3A_2629] {strides = array<i32>} : memref<50x32xf32, #tpu.memory_space<vmem>>, vector<1x16xf32>,
      %get3A_2631 = vector.shape_cast %get3A_2630 : vector<1x16xf32> to vector<16xf32>
      %get3A_2632 = arith.constant 4 : i32
      %get3A_2633 = arith.index_cast %get3A_2632 : i32 to index
      %get3A_2634 = arith.constant 0 : index
      %get3A_2635 = tpu.vector_load %arg11[%get3A_2633, %get3A_2634] {strides = array<i32>} : memref<50x32xf32, #tpu.memory_space<vmem>>, vector<1x16xf32>,
      %get3A_2636 = vector.shape_cast %get3A_2635 : vector<1x16xf32> to vector<16xf32>
      %add3A_2637 = arith.addf %get3A_2616, %get3A_2636 : vector<16xf32>
      %get3A_2638 = arith.constant 5 : i32
      %get3A_2639 = arith.index_cast %get3A_2638 : i32 to index
      %get3A_2640 = arith.constant 0 : index
      %get3A_2641 = tpu.vector_load %arg11[%get3A_2639, %get3A_2640] {strides = array<i32>} : memref<50x32xf32, #tpu.memory_space<vmem>>, vector<1x16xf32>,
      %get3A_2642 = vector.shape_cast %get3A_2641 : vector<1x16xf32> to vector<16xf32>
      %add3A_2643 = arith.addf %get3A_2621, %get3A_2642 : vector<16xf32>
      %get3A_2644 = arith.constant 6 : i32
      %get3A_2645 = arith.index_cast %get3A_2644 : i32 to index
      %get3A_2646 = arith.constant 0 : index
      %get3A_2647 = tpu.vector_load %arg11[%get3A_2645, %get3A_2646] {strides = array<i32>} : memref<50x32xf32, #tpu.memory_space<vmem>>, vector<1x16xf32>,
      %get3A_2648 = vector.shape_cast %get3A_2647 : vector<1x16xf32> to vector<16xf32>
      %add3A_2649 = arith.addf %get3A_2626, %get3A_2648 : vector<16xf32>
      %get3A_2650 = arith.constant 7 : i32
      %get3A_2651 = arith.index_cast %get3A_2650 : i32 to index
      %get3A_2652 = arith.constant 0 : index
      %get3A_2653 = tpu.vector_load %arg11[%get3A_2651, %get3A_2652] {strides = array<i32>} : memref<50x32xf32, #tpu.memory_space<vmem>>, vector<1x16xf32>,
      %get3A_2654 = vector.shape_cast %get3A_2653 : vector<1x16xf32> to vector<16xf32>
      %add3A_2655 = arith.addf %get3A_2631, %get3A_2654 : vector<16xf32>
      %get3A_2656 = arith.constant 8 : i32
      %get3A_2657 = arith.index_cast %get3A_2656 : i32 to index
      %get3A_2658 = arith.constant 0 : index
      %get3A_2659 = tpu.vector_load %arg11[%get3A_2657, %get3A_2658] {strides = array<i32>} : memref<50x32xf32, #tpu.memory_space<vmem>>, vector<1x16xf32>,
      %get3A_2660 = vector.shape_cast %get3A_2659 : vector<1x16xf32> to vector<16xf32>
      %add3A_2661 = arith.addf %add3A_2637, %get3A_2660 : vector<16xf32>
      %get3A_2662 = arith.constant 9 : i32
      %get3A_2663 = arith.index_cast %get3A_2662 : i32 to index
      %get3A_2664 = arith.constant 0 : index
      %get3A_2665 = tpu.vector_load %arg11[%get3A_2663, %get3A_2664] {strides = array<i32>} : memref<50x32xf32, #tpu.memory_space<vmem>>, vector<1x16xf32>,
      %get3A_2666 = vector.shape_cast %get3A_2665 : vector<1x16xf32> to vector<16xf32>
      %add3A_2667 = arith.addf %add3A_2643, %get3A_2666 : vector<16xf32>
      %get3A_2668 = arith.constant 10 : i32
      %get3A_2669 = arith.index_cast %get3A_2668 : i32 to index
      %get3A_2670 = arith.constant 0 : index
      %get3A_2671 = tpu.vector_load %arg11[%get3A_2669, %get3A_2670] {strides = array<i32>} : memref<50x32xf32, #tpu.memory_space<vmem>>, vector<1x16xf32>,
      %get3A_2672 = vector.shape_cast %get3A_2671 : vector<1x16xf32> to vector<16xf32>
      %add3A_2673 = arith.addf %add3A_2649, %get3A_2672 : vector<16xf32>
      %get3A_2674 = arith.constant 11 : i32
      %get3A_2675 = arith.index_cast %get3A_2674 : i32 to index
      %get3A_2676 = arith.constant 0 : index
      %get3A_2677 = tpu.vector_load %arg11[%get3A_2675, %get3A_2676] {strides = array<i32>} : memref<50x32xf32, #tpu.memory_space<vmem>>, vector<1x16xf32>,
      %get3A_2678 = vector.shape_cast %get3A_2677 : vector<1x16xf32> to vector<16xf32>
      %add3A_2679 = arith.addf %add3A_2655, %get3A_2678 : vector<16xf32>
      %get3A_2680 = arith.constant 12 : i32
      %get3A_2681 = arith.index_cast %get3A_2680 : i32 to index
      %get3A_2682 = arith.constant 0 : index
      %get3A_2683 = tpu.vector_load %arg11[%get3A_2681, %get3A_2682] {strides = array<i32>} : memref<50x32xf32, #tpu.memory_space<vmem>>, vector<1x16xf32>,
      %get3A_2684 = vector.shape_cast %get3A_2683 : vector<1x16xf32> to vector<16xf32>
      %add3A_2685 = arith.addf %add3A_2661, %get3A_2684 : vector<16xf32>
      %get3A_2686 = arith.constant 13 : i32
      %get3A_2687 = arith.index_cast %get3A_2686 : i32 to index
      %get3A_2688 = arith.constant 0 : index
      %get3A_2689 = tpu.vector_load %arg11[%get3A_2687, %get3A_2688] {strides = array<i32>} : memref<50x32xf32, #tpu.memory_space<vmem>>, vector<1x16xf32>,
      %get3A_2690 = vector.shape_cast %get3A_2689 : vector<1x16xf32> to vector<16xf32>
      %add3A_2691 = arith.addf %add3A_2667, %get3A_2690 : vector<16xf32>
      %get3A_2692 = arith.constant 14 : i32
      %get3A_2693 = arith.index_cast %get3A_2692 : i32 to index
      %get3A_2694 = arith.constant 0 : index
      %get3A_2695 = tpu.vector_load %arg11[%get3A_2693, %get3A_2694] {strides = array<i32>} : memref<50x32xf32, #tpu.memory_space<vmem>>, vector<1x16xf32>,
      %get3A_2696 = vector.shape_cast %get3A_2695 : vector<1x16xf32> to vector<16xf32>
      %add3A_2697 = arith.addf %add3A_2673, %get3A_2696 : vector<16xf32>
      %get3A_2698 = arith.constant 15 : i32
      %get3A_2699 = arith.index_cast %get3A_2698 : i32 to index
      %get3A_2700 = arith.constant 0 : index
      %get3A_2701 = tpu.vector_load %arg11[%get3A_2699, %get3A_2700] {strides = array<i32>} : memref<50x32xf32, #tpu.memory_space<vmem>>, vector<1x16xf32>,
      %get3A_2702 = vector.shape_cast %get3A_2701 : vector<1x16xf32> to vector<16xf32>
      %add3A_2703 = arith.addf %add3A_2679, %get3A_2702 : vector<16xf32>
      %get3A_2704 = arith.constant 16 : i32
      %get3A_2705 = arith.index_cast %get3A_2704 : i32 to index
      %get3A_2706 = arith.constant 0 : index
      %get3A_2707 = tpu.vector_load %arg11[%get3A_2705, %get3A_2706] {strides = array<i32>} : memref<50x32xf32, #tpu.memory_space<vmem>>, vector<1x16xf32>,
      %get3A_2708 = vector.shape_cast %get3A_2707 : vector<1x16xf32> to vector<16xf32>
      %add3A_2709 = arith.addf %add3A_2685, %get3A_2708 : vector<16xf32>
      %get3A_2710 = arith.constant 17 : i32
      %get3A_2711 = arith.index_cast %get3A_2710 : i32 to index
      %get3A_2712 = arith.constant 0 : index
      %get3A_2713 = tpu.vector_load %arg11[%get3A_2711, %get3A_2712] {strides = array<i32>} : memref<50x32xf32, #tpu.memory_space<vmem>>, vector<1x16xf32>,
      %get3A_2714 = vector.shape_cast %get3A_2713 : vector<1x16xf32> to vector<16xf32>
      %add3A_2715 = arith.addf %add3A_2691, %get3A_2714 : vector<16xf32>
      %get3A_2716 = arith.constant 18 : i32
      %get3A_2717 = arith.index_cast %get3A_2716 : i32 to index
      %get3A_2718 = arith.constant 0 : index
      %get3A_2719 = tpu.vector_load %arg11[%get3A_2717, %get3A_2718] {strides = array<i32>} : memref<50x32xf32, #tpu.memory_space<vmem>>, vector<1x16xf32>,
      %get3A_2720 = vector.shape_cast %get3A_2719 : vector<1x16xf32> to vector<16xf32>
      %add3A_2721 = arith.addf %add3A_2697, %get3A_2720 : vector<16xf32>
      %get3A_2722 = arith.constant 19 : i32
      %get3A_2723 = arith.index_cast %get3A_2722 : i32 to index
      %get3A_2724 = arith.constant 0 : index
      %get3A_2725 = tpu.vector_load %arg11[%get3A_2723, %get3A_2724] {strides = array<i32>} : memref<50x32xf32, #tpu.memory_space<vmem>>, vector<1x16xf32>,
      %get3A_2726 = vector.shape_cast %get3A_2725 : vector<1x16xf32> to vector<16xf32>
      %add3A_2727 = arith.addf %add3A_2703, %get3A_2726 : vector<16xf32>
      %get3A_2728 = arith.constant 20 : i32
      %get3A_2729 = arith.index_cast %get3A_2728 : i32 to index
      %get3A_2730 = arith.constant 0 : index
      %get3A_2731 = tpu.vector_load %arg11[%get3A_2729, %get3A_2730] {strides = array<i32>} : memref<50x32xf32, #tpu.memory_space<vmem>>, vector<1x16xf32>,
      %get3A_2732 = vector.shape_cast %get3A_2731 : vector<1x16xf32> to vector<16xf32>
      %add3A_2733 = arith.addf %add3A_2709, %get3A_2732 : vector<16xf32>
      %get3A_2734 = arith.constant 21 : i32
      %get3A_2735 = arith.index_cast %get3A_2734 : i32 to index
      %get3A_2736 = arith.constant 0 : index
      %get3A_2737 = tpu.vector_load %arg11[%get3A_2735, %get3A_2736] {strides = array<i32>} : memref<50x32xf32, #tpu.memory_space<vmem>>, vector<1x16xf32>,
      %get3A_2738 = vector.shape_cast %get3A_2737 : vector<1x16xf32> to vector<16xf32>
      %add3A_2739 = arith.addf %add3A_2715, %get3A_2738 : vector<16xf32>
      %get3A_2740 = arith.constant 22 : i32
      %get3A_2741 = arith.index_cast %get3A_2740 : i32 to index
      %get3A_2742 = arith.constant 0 : index
      %get3A_2743 = tpu.vector_load %arg11[%get3A_2741, %get3A_2742] {strides = array<i32>} : memref<50x32xf32, #tpu.memory_space<vmem>>, vector<1x16xf32>,
      %get3A_2744 = vector.shape_cast %get3A_2743 : vector<1x16xf32> to vector<16xf32>
      %add3A_2745 = arith.addf %add3A_2721, %get3A_2744 : vector<16xf32>
      %get3A_2746 = arith.constant 23 : i32
      %get3A_2747 = arith.index_cast %get3A_2746 : i32 to index
      %get3A_2748 = arith.constant 0 : index
      %get3A_2749 = tpu.vector_load %arg11[%get3A_2747, %get3A_2748] {strides = array<i32>} : memref<50x32xf32, #tpu.memory_space<vmem>>, vector<1x16xf32>,
      %get3A_2750 = vector.shape_cast %get3A_2749 : vector<1x16xf32> to vector<16xf32>
      %add3A_2751 = arith.addf %add3A_2727, %get3A_2750 : vector<16xf32>
      %get3A_2752 = arith.constant 24 : i32
      %get3A_2753 = arith.index_cast %get3A_2752 : i32 to index
      %get3A_2754 = arith.constant 0 : index
      %get3A_2755 = tpu.vector_load %arg11[%get3A_2753, %get3A_2754] {strides = array<i32>} : memref<50x32xf32, #tpu.memory_space<vmem>>, vector<1x16xf32>,
      %get3A_2756 = vector.shape_cast %get3A_2755 : vector<1x16xf32> to vector<16xf32>
      %add3A_2757 = arith.addf %add3A_2733, %get3A_2756 : vector<16xf32>
      %get3A_2758 = arith.constant 25 : i32
      %get3A_2759 = arith.index_cast %get3A_2758 : i32 to index
      %get3A_2760 = arith.constant 0 : index
      %get3A_2761 = tpu.vector_load %arg11[%get3A_2759, %get3A_2760] {strides = array<i32>} : memref<50x32xf32, #tpu.memory_space<vmem>>, vector<1x16xf32>,
      %get3A_2762 = vector.shape_cast %get3A_2761 : vector<1x16xf32> to vector<16xf32>
      %add3A_2763 = arith.addf %add3A_2739, %get3A_2762 : vector<16xf32>
      %get3A_2764 = arith.constant 26 : i32
      %get3A_2765 = arith.index_cast %get3A_2764 : i32 to index
      %get3A_2766 = arith.constant 0 : index
      %get3A_2767 = tpu.vector_load %arg11[%get3A_2765, %get3A_2766] {strides = array<i32>} : memref<50x32xf32, #tpu.memory_space<vmem>>, vector<1x16xf32>,
      %get3A_2768 = vector.shape_cast %get3A_2767 : vector<1x16xf32> to vector<16xf32>
      %add3A_2769 = arith.addf %add3A_2745, %get3A_2768 : vector<16xf32>
      %get3A_2770 = arith.constant 27 : i32
      %get3A_2771 = arith.index_cast %get3A_2770 : i32 to index
      %get3A_2772 = arith.constant 0 : index
      %get3A_2773 = tpu.vector_load %arg11[%get3A_2771, %get3A_2772] {strides = array<i32>} : memref<50x32xf32, #tpu.memory_space<vmem>>, vector<1x16xf32>,
      %get3A_2774 = vector.shape_cast %get3A_2773 : vector<1x16xf32> to vector<16xf32>
      %add3A_2775 = arith.addf %add3A_2751, %get3A_2774 : vector<16xf32>
      %get3A_2776 = arith.constant 28 : i32
      %get3A_2777 = arith.index_cast %get3A_2776 : i32 to index
      %get3A_2778 = arith.constant 0 : index
      %get3A_2779 = tpu.vector_load %arg11[%get3A_2777, %get3A_2778] {strides = array<i32>} : memref<50x32xf32, #tpu.memory_space<vmem>>, vector<1x16xf32>,
      %get3A_2780 = vector.shape_cast %get3A_2779 : vector<1x16xf32> to vector<16xf32>
      %add3A_2781 = arith.addf %add3A_2757, %get3A_2780 : vector<16xf32>
      %get3A_2782 = arith.constant 29 : i32
      %get3A_2783 = arith.index_cast %get3A_2782 : i32 to index
      %get3A_2784 = arith.constant 0 : index
      %get3A_2785 = tpu.vector_load %arg11[%get3A_2783, %get3A_2784] {strides = array<i32>} : memref<50x32xf32, #tpu.memory_space<vmem>>, vector<1x16xf32>,
      %get3A_2786 = vector.shape_cast %get3A_2785 : vector<1x16xf32> to vector<16xf32>
      %add3A_2787 = arith.addf %add3A_2763, %get3A_2786 : vector<16xf32>
      %get3A_2788 = arith.constant 30 : i32
      %get3A_2789 = arith.index_cast %get3A_2788 : i32 to index
      %get3A_2790 = arith.constant 0 : index
      %get3A_2791 = tpu.vector_load %arg11[%get3A_2789, %get3A_2790] {strides = array<i32>} : memref<50x32xf32, #tpu.memory_space<vmem>>, vector<1x16xf32>,
      %get3A_2792 = vector.shape_cast %get3A_2791 : vector<1x16xf32> to vector<16xf32>
      %add3A_2793 = arith.addf %add3A_2769, %get3A_2792 : vector<16xf32>
      %get3A_2794 = arith.constant 31 : i32
      %get3A_2795 = arith.index_cast %get3A_2794 : i32 to index
      %get3A_2796 = arith.constant 0 : index
      %get3A_2797 = tpu.vector_load %arg11[%get3A_2795, %get3A_2796] {strides = array<i32>} : memref<50x32xf32, #tpu.memory_space<vmem>>, vector<1x16xf32>,
      %get3A_2798 = vector.shape_cast %get3A_2797 : vector<1x16xf32> to vector<16xf32>
      %add3A_2799 = arith.addf %add3A_2775, %get3A_2798 : vector<16xf32>
      %get3A_2800 = arith.constant 32 : i32
      %get3A_2801 = arith.index_cast %get3A_2800 : i32 to index
      %get3A_2802 = arith.constant 0 : index
      %get3A_2803 = tpu.vector_load %arg11[%get3A_2801, %get3A_2802] {strides = array<i32>} : memref<50x32xf32, #tpu.memory_space<vmem>>, vector<1x16xf32>,
      %get3A_2804 = vector.shape_cast %get3A_2803 : vector<1x16xf32> to vector<16xf32>
      %add3A_2805 = arith.addf %add3A_2781, %get3A_2804 : vector<16xf32>
      %get3A_2806 = arith.constant 33 : i32
      %get3A_2807 = arith.index_cast %get3A_2806 : i32 to index
      %get3A_2808 = arith.constant 0 : index
      %get3A_2809 = tpu.vector_load %arg11[%get3A_2807, %get3A_2808] {strides = array<i32>} : memref<50x32xf32, #tpu.memory_space<vmem>>, vector<1x16xf32>,
      %get3A_2810 = vector.shape_cast %get3A_2809 : vector<1x16xf32> to vector<16xf32>
      %add3A_2811 = arith.addf %add3A_2787, %get3A_2810 : vector<16xf32>
      %get3A_2812 = arith.constant 34 : i32
      %get3A_2813 = arith.index_cast %get3A_2812 : i32 to index
      %get3A_2814 = arith.constant 0 : index
      %get3A_2815 = tpu.vector_load %arg11[%get3A_2813, %get3A_2814] {strides = array<i32>} : memref<50x32xf32, #tpu.memory_space<vmem>>, vector<1x16xf32>,
      %get3A_2816 = vector.shape_cast %get3A_2815 : vector<1x16xf32> to vector<16xf32>
      %add3A_2817 = arith.addf %add3A_2793, %get3A_2816 : vector<16xf32>
      %get3A_2818 = arith.constant 35 : i32
      %get3A_2819 = arith.index_cast %get3A_2818 : i32 to index
      %get3A_2820 = arith.constant 0 : index
      %get3A_2821 = tpu.vector_load %arg11[%get3A_2819, %get3A_2820] {strides = array<i32>} : memref<50x32xf32, #tpu.memory_space<vmem>>, vector<1x16xf32>,
      %get3A_2822 = vector.shape_cast %get3A_2821 : vector<1x16xf32> to vector<16xf32>
      %add3A_2823 = arith.addf %add3A_2799, %get3A_2822 : vector<16xf32>
      %get3A_2824 = arith.constant 36 : i32
      %get3A_2825 = arith.index_cast %get3A_2824 : i32 to index
      %get3A_2826 = arith.constant 0 : index
      %get3A_2827 = tpu.vector_load %arg11[%get3A_2825, %get3A_2826] {strides = array<i32>} : memref<50x32xf32, #tpu.memory_space<vmem>>, vector<1x16xf32>,
      %get3A_2828 = vector.shape_cast %get3A_2827 : vector<1x16xf32> to vector<16xf32>
      %add3A_2829 = arith.addf %add3A_2805, %get3A_2828 : vector<16xf32>
      %get3A_2830 = arith.constant 37 : i32
      %get3A_2831 = arith.index_cast %get3A_2830 : i32 to index
      %get3A_2832 = arith.constant 0 : index
      %get3A_2833 = tpu.vector_load %arg11[%get3A_2831, %get3A_2832] {strides = array<i32>} : memref<50x32xf32, #tpu.memory_space<vmem>>, vector<1x16xf32>,
      %get3A_2834 = vector.shape_cast %get3A_2833 : vector<1x16xf32> to vector<16xf32>
      %add3A_2835 = arith.addf %add3A_2811, %get3A_2834 : vector<16xf32>
      %get3A_2836 = arith.constant 38 : i32
      %get3A_2837 = arith.index_cast %get3A_2836 : i32 to index
      %get3A_2838 = arith.constant 0 : index
      %get3A_2839 = tpu.vector_load %arg11[%get3A_2837, %get3A_2838] {strides = array<i32>} : memref<50x32xf32, #tpu.memory_space<vmem>>, vector<1x16xf32>,
      %get3A_2840 = vector.shape_cast %get3A_2839 : vector<1x16xf32> to vector<16xf32>
      %add3A_2841 = arith.addf %add3A_2817, %get3A_2840 : vector<16xf32>
      %get3A_2842 = arith.constant 39 : i32
      %get3A_2843 = arith.index_cast %get3A_2842 : i32 to index
      %get3A_2844 = arith.constant 0 : index
      %get3A_2845 = tpu.vector_load %arg11[%get3A_2843, %get3A_2844] {strides = array<i32>} : memref<50x32xf32, #tpu.memory_space<vmem>>, vector<1x16xf32>,
      %get3A_2846 = vector.shape_cast %get3A_2845 : vector<1x16xf32> to vector<16xf32>
      %add3A_2847 = arith.addf %add3A_2823, %get3A_2846 : vector<16xf32>
      %get3A_2848 = arith.constant 40 : i32
      %get3A_2849 = arith.index_cast %get3A_2848 : i32 to index
      %get3A_2850 = arith.constant 0 : index
      %get3A_2851 = tpu.vector_load %arg11[%get3A_2849, %get3A_2850] {strides = array<i32>} : memref<50x32xf32, #tpu.memory_space<vmem>>, vector<1x16xf32>,
      %get3A_2852 = vector.shape_cast %get3A_2851 : vector<1x16xf32> to vector<16xf32>
      %add3A_2853 = arith.addf %add3A_2829, %get3A_2852 : vector<16xf32>
      %get3A_2854 = arith.constant 41 : i32
      %get3A_2855 = arith.index_cast %get3A_2854 : i32 to index
      %get3A_2856 = arith.constant 0 : index
      %get3A_2857 = tpu.vector_load %arg11[%get3A_2855, %get3A_2856] {strides = array<i32>} : memref<50x32xf32, #tpu.memory_space<vmem>>, vector<1x16xf32>,
      %get3A_2858 = vector.shape_cast %get3A_2857 : vector<1x16xf32> to vector<16xf32>
      %add3A_2859 = arith.addf %add3A_2835, %get3A_2858 : vector<16xf32>
      %get3A_2860 = arith.constant 42 : i32
      %get3A_2861 = arith.index_cast %get3A_2860 : i32 to index
      %get3A_2862 = arith.constant 0 : index
      %get3A_2863 = tpu.vector_load %arg11[%get3A_2861, %get3A_2862] {strides = array<i32>} : memref<50x32xf32, #tpu.memory_space<vmem>>, vector<1x16xf32>,
      %get3A_2864 = vector.shape_cast %get3A_2863 : vector<1x16xf32> to vector<16xf32>
      %add3A_2865 = arith.addf %add3A_2841, %get3A_2864 : vector<16xf32>
      %get3A_2866 = arith.constant 43 : i32
      %get3A_2867 = arith.index_cast %get3A_2866 : i32 to index
      %get3A_2868 = arith.constant 0 : index
      %get3A_2869 = tpu.vector_load %arg11[%get3A_2867, %get3A_2868] {strides = array<i32>} : memref<50x32xf32, #tpu.memory_space<vmem>>, vector<1x16xf32>,
      %get3A_2870 = vector.shape_cast %get3A_2869 : vector<1x16xf32> to vector<16xf32>
      %add3A_2871 = arith.addf %add3A_2847, %get3A_2870 : vector<16xf32>
      %get3A_2872 = arith.constant 44 : i32
      %get3A_2873 = arith.index_cast %get3A_2872 : i32 to index
      %get3A_2874 = arith.constant 0 : index
      %get3A_2875 = tpu.vector_load %arg11[%get3A_2873, %get3A_2874] {strides = array<i32>} : memref<50x32xf32, #tpu.memory_space<vmem>>, vector<1x16xf32>,
      %get3A_2876 = vector.shape_cast %get3A_2875 : vector<1x16xf32> to vector<16xf32>
      %add3A_2877 = arith.addf %add3A_2853, %get3A_2876 : vector<16xf32>
      %get3A_2878 = arith.constant 45 : i32
      %get3A_2879 = arith.index_cast %get3A_2878 : i32 to index
      %get3A_2880 = arith.constant 0 : index
      %get3A_2881 = tpu.vector_load %arg11[%get3A_2879, %get3A_2880] {strides = array<i32>} : memref<50x32xf32, #tpu.memory_space<vmem>>, vector<1x16xf32>,
      %get3A_2882 = vector.shape_cast %get3A_2881 : vector<1x16xf32> to vector<16xf32>
      %add3A_2883 = arith.addf %add3A_2859, %get3A_2882 : vector<16xf32>
      %get3A_2884 = arith.constant 46 : i32
      %get3A_2885 = arith.index_cast %get3A_2884 : i32 to index
      %get3A_2886 = arith.constant 0 : index
      %get3A_2887 = tpu.vector_load %arg11[%get3A_2885, %get3A_2886] {strides = array<i32>} : memref<50x32xf32, #tpu.memory_space<vmem>>, vector<1x16xf32>,
      %get3A_2888 = vector.shape_cast %get3A_2887 : vector<1x16xf32> to vector<16xf32>
      %add3A_2889 = arith.addf %add3A_2865, %get3A_2888 : vector<16xf32>
      %get3A_2890 = arith.constant 47 : i32
      %get3A_2891 = arith.index_cast %get3A_2890 : i32 to index
      %get3A_2892 = arith.constant 0 : index
      %get3A_2893 = tpu.vector_load %arg11[%get3A_2891, %get3A_2892] {strides = array<i32>} : memref<50x32xf32, #tpu.memory_space<vmem>>, vector<1x16xf32>,
      %get3A_2894 = vector.shape_cast %get3A_2893 : vector<1x16xf32> to vector<16xf32>
      %add3A_2895 = arith.addf %add3A_2871, %get3A_2894 : vector<16xf32>
      %get3A_2896 = arith.constant 48 : i32
      %get3A_2897 = arith.index_cast %get3A_2896 : i32 to index
      %get3A_2898 = arith.constant 0 : index
      %get3A_2899 = tpu.vector_load %arg11[%get3A_2897, %get3A_2898] {strides = array<i32>} : memref<50x32xf32, #tpu.memory_space<vmem>>, vector<1x16xf32>,
      %get3A_2900 = vector.shape_cast %get3A_2899 : vector<1x16xf32> to vector<16xf32>
      %add3A_2901 = arith.addf %add3A_2877, %get3A_2900 : vector<16xf32>
      %get3A_2902 = arith.constant 49 : i32
      %get3A_2903 = arith.index_cast %get3A_2902 : i32 to index
      %get3A_2904 = arith.constant 0 : index
      %get3A_2905 = tpu.vector_load %arg11[%get3A_2903, %get3A_2904] {strides = array<i32>} : memref<50x32xf32, #tpu.memory_space<vmem>>, vector<1x16xf32>,
      %get3A_2906 = vector.shape_cast %get3A_2905 : vector<1x16xf32> to vector<16xf32>
      %add3A_2907 = arith.addf %add3A_2883, %get3A_2906 : vector<16xf32>
      %add3A_2908 = arith.addf %add3A_2901, %add3A_2907 : vector<16xf32>
      %add3A_2909 = arith.addf %add3A_2889, %add3A_2895 : vector<16xf32>
      %add3A_2910 = arith.addf %add3A_2908, %add3A_2909 : vector<16xf32>
      %get3A_2911 = arith.constant 0 : index
      %get3A_2912 = tpu.vector_load %arg16[%get3A_2911] {strides = array<i32>} : memref<32xf32, #tpu.memory_space<vmem>>, vector<16xf32>,
      %get3A_2913 = vector.shape_cast %get3A_2912 : vector<16xf32> to vector<16xf32>
      %add3A_2914 = arith.addf %add3A_2910, %get3A_2913 : vector<16xf32>
      %swap3A_2915 = arith.index_cast %add3A_2611 : i32 to index
      %swap3A_2916 = arith.constant 0 : index
      %swap3A_2917 = tpu.vector_load %arg15[%swap3A_2915, %swap3A_2916] {strides = array<i32>} : memref<512x32xf32, #tpu.memory_space<vmem>>, vector<1x16xf32>,
      %swap3A_2918 = vector.shape_cast %swap3A_2917 : vector<1x16xf32> to vector<16xf32>
      %swap3A_2919 = vector.shape_cast %add3A_2914 : vector<16xf32> to vector<1x16xf32>
      tpu.vector_store %arg15[%swap3A_2915, %swap3A_2916], %swap3A_2919 {strides = array<i32>} : memref<512x32xf32, #tpu.memory_space<vmem>>, vector<1x16xf32>,
      %get3A_2920 = arith.constant 0 : i32
      %get3A_2921 = arith.index_cast %get3A_2920 : i32 to index
      %get3A_2922 = arith.constant 16 : index
      %get3A_2923 = tpu.vector_load %arg11[%get3A_2921, %get3A_2922] {strides = array<i32>} : memref<50x32xf32, #tpu.memory_space<vmem>>, vector<1x16xf32>,
      %get3A_2924 = vector.shape_cast %get3A_2923 : vector<1x16xf32> to vector<16xf32>
      %get3A_2925 = arith.constant 1 : i32
      %get3A_2926 = arith.index_cast %get3A_2925 : i32 to index
      %get3A_2927 = arith.constant 16 : index
      %get3A_2928 = tpu.vector_load %arg11[%get3A_2926, %get3A_2927] {strides = array<i32>} : memref<50x32xf32, #tpu.memory_space<vmem>>, vector<1x16xf32>,
      %get3A_2929 = vector.shape_cast %get3A_2928 : vector<1x16xf32> to vector<16xf32>
      %get3A_2930 = arith.constant 2 : i32
      %get3A_2931 = arith.index_cast %get3A_2930 : i32 to index
      %get3A_2932 = arith.constant 16 : index
      %get3A_2933 = tpu.vector_load %arg11[%get3A_2931, %get3A_2932] {strides = array<i32>} : memref<50x32xf32, #tpu.memory_space<vmem>>, vector<1x16xf32>,
      %get3A_2934 = vector.shape_cast %get3A_2933 : vector<1x16xf32> to vector<16xf32>
      %get3A_2935 = arith.constant 3 : i32
      %get3A_2936 = arith.index_cast %get3A_2935 : i32 to index
      %get3A_2937 = arith.constant 16 : index
      %get3A_2938 = tpu.vector_load %arg11[%get3A_2936, %get3A_2937] {strides = array<i32>} : memref<50x32xf32, #tpu.memory_space<vmem>>, vector<1x16xf32>,
      %get3A_2939 = vector.shape_cast %get3A_2938 : vector<1x16xf32> to vector<16xf32>
      %get3A_2940 = arith.constant 4 : i32
      %get3A_2941 = arith.index_cast %get3A_2940 : i32 to index
      %get3A_2942 = arith.constant 16 : index
      %get3A_2943 = tpu.vector_load %arg11[%get3A_2941, %get3A_2942] {strides = array<i32>} : memref<50x32xf32, #tpu.memory_space<vmem>>, vector<1x16xf32>,
      %get3A_2944 = vector.shape_cast %get3A_2943 : vector<1x16xf32> to vector<16xf32>
      %add3A_2945 = arith.addf %get3A_2924, %get3A_2944 : vector<16xf32>
      %get3A_2946 = arith.constant 5 : i32
      %get3A_2947 = arith.index_cast %get3A_2946 : i32 to index
      %get3A_2948 = arith.constant 16 : index
      %get3A_2949 = tpu.vector_load %arg11[%get3A_2947, %get3A_2948] {strides = array<i32>} : memref<50x32xf32, #tpu.memory_space<vmem>>, vector<1x16xf32>,
      %get3A_2950 = vector.shape_cast %get3A_2949 : vector<1x16xf32> to vector<16xf32>
      %add3A_2951 = arith.addf %get3A_2929, %get3A_2950 : vector<16xf32>
      %get3A_2952 = arith.constant 6 : i32
      %get3A_2953 = arith.index_cast %get3A_2952 : i32 to index
      %get3A_2954 = arith.constant 16 : index
      %get3A_2955 = tpu.vector_load %arg11[%get3A_2953, %get3A_2954] {strides = array<i32>} : memref<50x32xf32, #tpu.memory_space<vmem>>, vector<1x16xf32>,
      %get3A_2956 = vector.shape_cast %get3A_2955 : vector<1x16xf32> to vector<16xf32>
      %add3A_2957 = arith.addf %get3A_2934, %get3A_2956 : vector<16xf32>
      %get3A_2958 = arith.constant 7 : i32
      %get3A_2959 = arith.index_cast %get3A_2958 : i32 to index
      %get3A_2960 = arith.constant 16 : index
      %get3A_2961 = tpu.vector_load %arg11[%get3A_2959, %get3A_2960] {strides = array<i32>} : memref<50x32xf32, #tpu.memory_space<vmem>>, vector<1x16xf32>,
      %get3A_2962 = vector.shape_cast %get3A_2961 : vector<1x16xf32> to vector<16xf32>
      %add3A_2963 = arith.addf %get3A_2939, %get3A_2962 : vector<16xf32>
      %get3A_2964 = arith.constant 8 : i32
      %get3A_2965 = arith.index_cast %get3A_2964 : i32 to index
      %get3A_2966 = arith.constant 16 : index
      %get3A_2967 = tpu.vector_load %arg11[%get3A_2965, %get3A_2966] {strides = array<i32>} : memref<50x32xf32, #tpu.memory_space<vmem>>, vector<1x16xf32>,
      %get3A_2968 = vector.shape_cast %get3A_2967 : vector<1x16xf32> to vector<16xf32>
      %add3A_2969 = arith.addf %add3A_2945, %get3A_2968 : vector<16xf32>
      %get3A_2970 = arith.constant 9 : i32
      %get3A_2971 = arith.index_cast %get3A_2970 : i32 to index
      %get3A_2972 = arith.constant 16 : index
      %get3A_2973 = tpu.vector_load %arg11[%get3A_2971, %get3A_2972] {strides = array<i32>} : memref<50x32xf32, #tpu.memory_space<vmem>>, vector<1x16xf32>,
      %get3A_2974 = vector.shape_cast %get3A_2973 : vector<1x16xf32> to vector<16xf32>
      %add3A_2975 = arith.addf %add3A_2951, %get3A_2974 : vector<16xf32>
      %get3A_2976 = arith.constant 10 : i32
      %get3A_2977 = arith.index_cast %get3A_2976 : i32 to index
      %get3A_2978 = arith.constant 16 : index
      %get3A_2979 = tpu.vector_load %arg11[%get3A_2977, %get3A_2978] {strides = array<i32>} : memref<50x32xf32, #tpu.memory_space<vmem>>, vector<1x16xf32>,
      %get3A_2980 = vector.shape_cast %get3A_2979 : vector<1x16xf32> to vector<16xf32>
      %add3A_2981 = arith.addf %add3A_2957, %get3A_2980 : vector<16xf32>
      %get3A_2982 = arith.constant 11 : i32
      %get3A_2983 = arith.index_cast %get3A_2982 : i32 to index
      %get3A_2984 = arith.constant 16 : index
      %get3A_2985 = tpu.vector_load %arg11[%get3A_2983, %get3A_2984] {strides = array<i32>} : memref<50x32xf32, #tpu.memory_space<vmem>>, vector<1x16xf32>,
      %get3A_2986 = vector.shape_cast %get3A_2985 : vector<1x16xf32> to vector<16xf32>
      %add3A_2987 = arith.addf %add3A_2963, %get3A_2986 : vector<16xf32>
      %get3A_2988 = arith.constant 12 : i32
      %get3A_2989 = arith.index_cast %get3A_2988 : i32 to index
      %get3A_2990 = arith.constant 16 : index
      %get3A_2991 = tpu.vector_load %arg11[%get3A_2989, %get3A_2990] {strides = array<i32>} : memref<50x32xf32, #tpu.memory_space<vmem>>, vector<1x16xf32>,
      %get3A_2992 = vector.shape_cast %get3A_2991 : vector<1x16xf32> to vector<16xf32>
      %add3A_2993 = arith.addf %add3A_2969, %get3A_2992 : vector<16xf32>
      %get3A_2994 = arith.constant 13 : i32
      %get3A_2995 = arith.index_cast %get3A_2994 : i32 to index
      %get3A_2996 = arith.constant 16 : index
      %get3A_2997 = tpu.vector_load %arg11[%get3A_2995, %get3A_2996] {strides = array<i32>} : memref<50x32xf32, #tpu.memory_space<vmem>>, vector<1x16xf32>,
      %get3A_2998 = vector.shape_cast %get3A_2997 : vector<1x16xf32> to vector<16xf32>
      %add3A_2999 = arith.addf %add3A_2975, %get3A_2998 : vector<16xf32>
      %get3A_3000 = arith.constant 14 : i32
      %get3A_3001 = arith.index_cast %get3A_3000 : i32 to index
      %get3A_3002 = arith.constant 16 : index
      %get3A_3003 = tpu.vector_load %arg11[%get3A_3001, %get3A_3002] {strides = array<i32>} : memref<50x32xf32, #tpu.memory_space<vmem>>, vector<1x16xf32>,
      %get3A_3004 = vector.shape_cast %get3A_3003 : vector<1x16xf32> to vector<16xf32>
      %add3A_3005 = arith.addf %add3A_2981, %get3A_3004 : vector<16xf32>
      %get3A_3006 = arith.constant 15 : i32
      %get3A_3007 = arith.index_cast %get3A_3006 : i32 to index
      %get3A_3008 = arith.constant 16 : index
      %get3A_3009 = tpu.vector_load %arg11[%get3A_3007, %get3A_3008] {strides = array<i32>} : memref<50x32xf32, #tpu.memory_space<vmem>>, vector<1x16xf32>,
      %get3A_3010 = vector.shape_cast %get3A_3009 : vector<1x16xf32> to vector<16xf32>
      %add3A_3011 = arith.addf %add3A_2987, %get3A_3010 : vector<16xf32>
      %get3A_3012 = arith.constant 16 : i32
      %get3A_3013 = arith.index_cast %get3A_3012 : i32 to index
      %get3A_3014 = arith.constant 16 : index
      %get3A_3015 = tpu.vector_load %arg11[%get3A_3013, %get3A_3014] {strides = array<i32>} : memref<50x32xf32, #tpu.memory_space<vmem>>, vector<1x16xf32>,
      %get3A_3016 = vector.shape_cast %get3A_3015 : vector<1x16xf32> to vector<16xf32>
      %add3A_3017 = arith.addf %add3A_2993, %get3A_3016 : vector<16xf32>
      %get3A_3018 = arith.constant 17 : i32
      %get3A_3019 = arith.index_cast %get3A_3018 : i32 to index
      %get3A_3020 = arith.constant 16 : index
      %get3A_3021 = tpu.vector_load %arg11[%get3A_3019, %get3A_3020] {strides = array<i32>} : memref<50x32xf32, #tpu.memory_space<vmem>>, vector<1x16xf32>,
      %get3A_3022 = vector.shape_cast %get3A_3021 : vector<1x16xf32> to vector<16xf32>
      %add3A_3023 = arith.addf %add3A_2999, %get3A_3022 : vector<16xf32>
      %get3A_3024 = arith.constant 18 : i32
      %get3A_3025 = arith.index_cast %get3A_3024 : i32 to index
      %get3A_3026 = arith.constant 16 : index
      %get3A_3027 = tpu.vector_load %arg11[%get3A_3025, %get3A_3026] {strides = array<i32>} : memref<50x32xf32, #tpu.memory_space<vmem>>, vector<1x16xf32>,
      %get3A_3028 = vector.shape_cast %get3A_3027 : vector<1x16xf32> to vector<16xf32>
      %add3A_3029 = arith.addf %add3A_3005, %get3A_3028 : vector<16xf32>
      %get3A_3030 = arith.constant 19 : i32
      %get3A_3031 = arith.index_cast %get3A_3030 : i32 to index
      %get3A_3032 = arith.constant 16 : index
      %get3A_3033 = tpu.vector_load %arg11[%get3A_3031, %get3A_3032] {strides = array<i32>} : memref<50x32xf32, #tpu.memory_space<vmem>>, vector<1x16xf32>,
      %get3A_3034 = vector.shape_cast %get3A_3033 : vector<1x16xf32> to vector<16xf32>
      %add3A_3035 = arith.addf %add3A_3011, %get3A_3034 : vector<16xf32>
      %get3A_3036 = arith.constant 20 : i32
      %get3A_3037 = arith.index_cast %get3A_3036 : i32 to index
      %get3A_3038 = arith.constant 16 : index
      %get3A_3039 = tpu.vector_load %arg11[%get3A_3037, %get3A_3038] {strides = array<i32>} : memref<50x32xf32, #tpu.memory_space<vmem>>, vector<1x16xf32>,
      %get3A_3040 = vector.shape_cast %get3A_3039 : vector<1x16xf32> to vector<16xf32>
      %add3A_3041 = arith.addf %add3A_3017, %get3A_3040 : vector<16xf32>
      %get3A_3042 = arith.constant 21 : i32
      %get3A_3043 = arith.index_cast %get3A_3042 : i32 to index
      %get3A_3044 = arith.constant 16 : index
      %get3A_3045 = tpu.vector_load %arg11[%get3A_3043, %get3A_3044] {strides = array<i32>} : memref<50x32xf32, #tpu.memory_space<vmem>>, vector<1x16xf32>,
      %get3A_3046 = vector.shape_cast %get3A_3045 : vector<1x16xf32> to vector<16xf32>
      %add3A_3047 = arith.addf %add3A_3023, %get3A_3046 : vector<16xf32>
      %get3A_3048 = arith.constant 22 : i32
      %get3A_3049 = arith.index_cast %get3A_3048 : i32 to index
      %get3A_3050 = arith.constant 16 : index
      %get3A_3051 = tpu.vector_load %arg11[%get3A_3049, %get3A_3050] {strides = array<i32>} : memref<50x32xf32, #tpu.memory_space<vmem>>, vector<1x16xf32>,
      %get3A_3052 = vector.shape_cast %get3A_3051 : vector<1x16xf32> to vector<16xf32>
      %add3A_3053 = arith.addf %add3A_3029, %get3A_3052 : vector<16xf32>
      %get3A_3054 = arith.constant 23 : i32
      %get3A_3055 = arith.index_cast %get3A_3054 : i32 to index
      %get3A_3056 = arith.constant 16 : index
      %get3A_3057 = tpu.vector_load %arg11[%get3A_3055, %get3A_3056] {strides = array<i32>} : memref<50x32xf32, #tpu.memory_space<vmem>>, vector<1x16xf32>,
      %get3A_3058 = vector.shape_cast %get3A_3057 : vector<1x16xf32> to vector<16xf32>
      %add3A_3059 = arith.addf %add3A_3035, %get3A_3058 : vector<16xf32>
      %get3A_3060 = arith.constant 24 : i32
      %get3A_3061 = arith.index_cast %get3A_3060 : i32 to index
      %get3A_3062 = arith.constant 16 : index
      %get3A_3063 = tpu.vector_load %arg11[%get3A_3061, %get3A_3062] {strides = array<i32>} : memref<50x32xf32, #tpu.memory_space<vmem>>, vector<1x16xf32>,
      %get3A_3064 = vector.shape_cast %get3A_3063 : vector<1x16xf32> to vector<16xf32>
      %add3A_3065 = arith.addf %add3A_3041, %get3A_3064 : vector<16xf32>
      %get3A_3066 = arith.constant 25 : i32
      %get3A_3067 = arith.index_cast %get3A_3066 : i32 to index
      %get3A_3068 = arith.constant 16 : index
      %get3A_3069 = tpu.vector_load %arg11[%get3A_3067, %get3A_3068] {strides = array<i32>} : memref<50x32xf32, #tpu.memory_space<vmem>>, vector<1x16xf32>,
      %get3A_3070 = vector.shape_cast %get3A_3069 : vector<1x16xf32> to vector<16xf32>
      %add3A_3071 = arith.addf %add3A_3047, %get3A_3070 : vector<16xf32>
      %get3A_3072 = arith.constant 26 : i32
      %get3A_3073 = arith.index_cast %get3A_3072 : i32 to index
      %get3A_3074 = arith.constant 16 : index
      %get3A_3075 = tpu.vector_load %arg11[%get3A_3073, %get3A_3074] {strides = array<i32>} : memref<50x32xf32, #tpu.memory_space<vmem>>, vector<1x16xf32>,
      %get3A_3076 = vector.shape_cast %get3A_3075 : vector<1x16xf32> to vector<16xf32>
      %add3A_3077 = arith.addf %add3A_3053, %get3A_3076 : vector<16xf32>
      %get3A_3078 = arith.constant 27 : i32
      %get3A_3079 = arith.index_cast %get3A_3078 : i32 to index
      %get3A_3080 = arith.constant 16 : index
      %get3A_3081 = tpu.vector_load %arg11[%get3A_3079, %get3A_3080] {strides = array<i32>} : memref<50x32xf32, #tpu.memory_space<vmem>>, vector<1x16xf32>,
      %get3A_3082 = vector.shape_cast %get3A_3081 : vector<1x16xf32> to vector<16xf32>
      %add3A_3083 = arith.addf %add3A_3059, %get3A_3082 : vector<16xf32>
      %get3A_3084 = arith.constant 28 : i32
      %get3A_3085 = arith.index_cast %get3A_3084 : i32 to index
      %get3A_3086 = arith.constant 16 : index
      %get3A_3087 = tpu.vector_load %arg11[%get3A_3085, %get3A_3086] {strides = array<i32>} : memref<50x32xf32, #tpu.memory_space<vmem>>, vector<1x16xf32>,
      %get3A_3088 = vector.shape_cast %get3A_3087 : vector<1x16xf32> to vector<16xf32>
      %add3A_3089 = arith.addf %add3A_3065, %get3A_3088 : vector<16xf32>
      %get3A_3090 = arith.constant 29 : i32
      %get3A_3091 = arith.index_cast %get3A_3090 : i32 to index
      %get3A_3092 = arith.constant 16 : index
      %get3A_3093 = tpu.vector_load %arg11[%get3A_3091, %get3A_3092] {strides = array<i32>} : memref<50x32xf32, #tpu.memory_space<vmem>>, vector<1x16xf32>,
      %get3A_3094 = vector.shape_cast %get3A_3093 : vector<1x16xf32> to vector<16xf32>
      %add3A_3095 = arith.addf %add3A_3071, %get3A_3094 : vector<16xf32>
      %get3A_3096 = arith.constant 30 : i32
      %get3A_3097 = arith.index_cast %get3A_3096 : i32 to index
      %get3A_3098 = arith.constant 16 : index
      %get3A_3099 = tpu.vector_load %arg11[%get3A_3097, %get3A_3098] {strides = array<i32>} : memref<50x32xf32, #tpu.memory_space<vmem>>, vector<1x16xf32>,
      %get3A_3100 = vector.shape_cast %get3A_3099 : vector<1x16xf32> to vector<16xf32>
      %add3A_3101 = arith.addf %add3A_3077, %get3A_3100 : vector<16xf32>
      %get3A_3102 = arith.constant 31 : i32
      %get3A_3103 = arith.index_cast %get3A_3102 : i32 to index
      %get3A_3104 = arith.constant 16 : index
      %get3A_3105 = tpu.vector_load %arg11[%get3A_3103, %get3A_3104] {strides = array<i32>} : memref<50x32xf32, #tpu.memory_space<vmem>>, vector<1x16xf32>,
      %get3A_3106 = vector.shape_cast %get3A_3105 : vector<1x16xf32> to vector<16xf32>
      %add3A_3107 = arith.addf %add3A_3083, %get3A_3106 : vector<16xf32>
      %get3A_3108 = arith.constant 32 : i32
      %get3A_3109 = arith.index_cast %get3A_3108 : i32 to index
      %get3A_3110 = arith.constant 16 : index
      %get3A_3111 = tpu.vector_load %arg11[%get3A_3109, %get3A_3110] {strides = array<i32>} : memref<50x32xf32, #tpu.memory_space<vmem>>, vector<1x16xf32>,
      %get3A_3112 = vector.shape_cast %get3A_3111 : vector<1x16xf32> to vector<16xf32>
      %add3A_3113 = arith.addf %add3A_3089, %get3A_3112 : vector<16xf32>
      %get3A_3114 = arith.constant 33 : i32
      %get3A_3115 = arith.index_cast %get3A_3114 : i32 to index
      %get3A_3116 = arith.constant 16 : index
      %get3A_3117 = tpu.vector_load %arg11[%get3A_3115, %get3A_3116] {strides = array<i32>} : memref<50x32xf32, #tpu.memory_space<vmem>>, vector<1x16xf32>,
      %get3A_3118 = vector.shape_cast %get3A_3117 : vector<1x16xf32> to vector<16xf32>
      %add3A_3119 = arith.addf %add3A_3095, %get3A_3118 : vector<16xf32>
      %get3A_3120 = arith.constant 34 : i32
      %get3A_3121 = arith.index_cast %get3A_3120 : i32 to index
      %get3A_3122 = arith.constant 16 : index
      %get3A_3123 = tpu.vector_load %arg11[%get3A_3121, %get3A_3122] {strides = array<i32>} : memref<50x32xf32, #tpu.memory_space<vmem>>, vector<1x16xf32>,
      %get3A_3124 = vector.shape_cast %get3A_3123 : vector<1x16xf32> to vector<16xf32>
      %add3A_3125 = arith.addf %add3A_3101, %get3A_3124 : vector<16xf32>
      %get3A_3126 = arith.constant 35 : i32
      %get3A_3127 = arith.index_cast %get3A_3126 : i32 to index
      %get3A_3128 = arith.constant 16 : index
      %get3A_3129 = tpu.vector_load %arg11[%get3A_3127, %get3A_3128] {strides = array<i32>} : memref<50x32xf32, #tpu.memory_space<vmem>>, vector<1x16xf32>,
      %get3A_3130 = vector.shape_cast %get3A_3129 : vector<1x16xf32> to vector<16xf32>
      %add3A_3131 = arith.addf %add3A_3107, %get3A_3130 : vector<16xf32>
      %get3A_3132 = arith.constant 36 : i32
      %get3A_3133 = arith.index_cast %get3A_3132 : i32 to index
      %get3A_3134 = arith.constant 16 : index
      %get3A_3135 = tpu.vector_load %arg11[%get3A_3133, %get3A_3134] {strides = array<i32>} : memref<50x32xf32, #tpu.memory_space<vmem>>, vector<1x16xf32>,
      %get3A_3136 = vector.shape_cast %get3A_3135 : vector<1x16xf32> to vector<16xf32>
      %add3A_3137 = arith.addf %add3A_3113, %get3A_3136 : vector<16xf32>
      %get3A_3138 = arith.constant 37 : i32
      %get3A_3139 = arith.index_cast %get3A_3138 : i32 to index
      %get3A_3140 = arith.constant 16 : index
      %get3A_3141 = tpu.vector_load %arg11[%get3A_3139, %get3A_3140] {strides = array<i32>} : memref<50x32xf32, #tpu.memory_space<vmem>>, vector<1x16xf32>,
      %get3A_3142 = vector.shape_cast %get3A_3141 : vector<1x16xf32> to vector<16xf32>
      %add3A_3143 = arith.addf %add3A_3119, %get3A_3142 : vector<16xf32>
      %get3A_3144 = arith.constant 38 : i32
      %get3A_3145 = arith.index_cast %get3A_3144 : i32 to index
      %get3A_3146 = arith.constant 16 : index
      %get3A_3147 = tpu.vector_load %arg11[%get3A_3145, %get3A_3146] {strides = array<i32>} : memref<50x32xf32, #tpu.memory_space<vmem>>, vector<1x16xf32>,
      %get3A_3148 = vector.shape_cast %get3A_3147 : vector<1x16xf32> to vector<16xf32>
      %add3A_3149 = arith.addf %add3A_3125, %get3A_3148 : vector<16xf32>
      %get3A_3150 = arith.constant 39 : i32
      %get3A_3151 = arith.index_cast %get3A_3150 : i32 to index
      %get3A_3152 = arith.constant 16 : index
      %get3A_3153 = tpu.vector_load %arg11[%get3A_3151, %get3A_3152] {strides = array<i32>} : memref<50x32xf32, #tpu.memory_space<vmem>>, vector<1x16xf32>,
      %get3A_3154 = vector.shape_cast %get3A_3153 : vector<1x16xf32> to vector<16xf32>
      %add3A_3155 = arith.addf %add3A_3131, %get3A_3154 : vector<16xf32>
      %get3A_3156 = arith.constant 40 : i32
      %get3A_3157 = arith.index_cast %get3A_3156 : i32 to index
      %get3A_3158 = arith.constant 16 : index
      %get3A_3159 = tpu.vector_load %arg11[%get3A_3157, %get3A_3158] {strides = array<i32>} : memref<50x32xf32, #tpu.memory_space<vmem>>, vector<1x16xf32>,
      %get3A_3160 = vector.shape_cast %get3A_3159 : vector<1x16xf32> to vector<16xf32>
      %add3A_3161 = arith.addf %add3A_3137, %get3A_3160 : vector<16xf32>
      %get3A_3162 = arith.constant 41 : i32
      %get3A_3163 = arith.index_cast %get3A_3162 : i32 to index
      %get3A_3164 = arith.constant 16 : index
      %get3A_3165 = tpu.vector_load %arg11[%get3A_3163, %get3A_3164] {strides = array<i32>} : memref<50x32xf32, #tpu.memory_space<vmem>>, vector<1x16xf32>,
      %get3A_3166 = vector.shape_cast %get3A_3165 : vector<1x16xf32> to vector<16xf32>
      %add3A_3167 = arith.addf %add3A_3143, %get3A_3166 : vector<16xf32>
      %get3A_3168 = arith.constant 42 : i32
      %get3A_3169 = arith.index_cast %get3A_3168 : i32 to index
      %get3A_3170 = arith.constant 16 : index
      %get3A_3171 = tpu.vector_load %arg11[%get3A_3169, %get3A_3170] {strides = array<i32>} : memref<50x32xf32, #tpu.memory_space<vmem>>, vector<1x16xf32>,
      %get3A_3172 = vector.shape_cast %get3A_3171 : vector<1x16xf32> to vector<16xf32>
      %add3A_3173 = arith.addf %add3A_3149, %get3A_3172 : vector<16xf32>
      %get3A_3174 = arith.constant 43 : i32
      %get3A_3175 = arith.index_cast %get3A_3174 : i32 to index
      %get3A_3176 = arith.constant 16 : index
      %get3A_3177 = tpu.vector_load %arg11[%get3A_3175, %get3A_3176] {strides = array<i32>} : memref<50x32xf32, #tpu.memory_space<vmem>>, vector<1x16xf32>,
      %get3A_3178 = vector.shape_cast %get3A_3177 : vector<1x16xf32> to vector<16xf32>
      %add3A_3179 = arith.addf %add3A_3155, %get3A_3178 : vector<16xf32>
      %get3A_3180 = arith.constant 44 : i32
      %get3A_3181 = arith.index_cast %get3A_3180 : i32 to index
      %get3A_3182 = arith.constant 16 : index
      %get3A_3183 = tpu.vector_load %arg11[%get3A_3181, %get3A_3182] {strides = array<i32>} : memref<50x32xf32, #tpu.memory_space<vmem>>, vector<1x16xf32>,
      %get3A_3184 = vector.shape_cast %get3A_3183 : vector<1x16xf32> to vector<16xf32>
      %add3A_3185 = arith.addf %add3A_3161, %get3A_3184 : vector<16xf32>
      %get3A_3186 = arith.constant 45 : i32
      %get3A_3187 = arith.index_cast %get3A_3186 : i32 to index
      %get3A_3188 = arith.constant 16 : index
      %get3A_3189 = tpu.vector_load %arg11[%get3A_3187, %get3A_3188] {strides = array<i32>} : memref<50x32xf32, #tpu.memory_space<vmem>>, vector<1x16xf32>,
      %get3A_3190 = vector.shape_cast %get3A_3189 : vector<1x16xf32> to vector<16xf32>
      %add3A_3191 = arith.addf %add3A_3167, %get3A_3190 : vector<16xf32>
      %get3A_3192 = arith.constant 46 : i32
      %get3A_3193 = arith.index_cast %get3A_3192 : i32 to index
      %get3A_3194 = arith.constant 16 : index
      %get3A_3195 = tpu.vector_load %arg11[%get3A_3193, %get3A_3194] {strides = array<i32>} : memref<50x32xf32, #tpu.memory_space<vmem>>, vector<1x16xf32>,
      %get3A_3196 = vector.shape_cast %get3A_3195 : vector<1x16xf32> to vector<16xf32>
      %add3A_3197 = arith.addf %add3A_3173, %get3A_3196 : vector<16xf32>
      %get3A_3198 = arith.constant 47 : i32
      %get3A_3199 = arith.index_cast %get3A_3198 : i32 to index
      %get3A_3200 = arith.constant 16 : index
      %get3A_3201 = tpu.vector_load %arg11[%get3A_3199, %get3A_3200] {strides = array<i32>} : memref<50x32xf32, #tpu.memory_space<vmem>>, vector<1x16xf32>,
      %get3A_3202 = vector.shape_cast %get3A_3201 : vector<1x16xf32> to vector<16xf32>
      %add3A_3203 = arith.addf %add3A_3179, %get3A_3202 : vector<16xf32>
      %get3A_3204 = arith.constant 48 : i32
      %get3A_3205 = arith.index_cast %get3A_3204 : i32 to index
      %get3A_3206 = arith.constant 16 : index
      %get3A_3207 = tpu.vector_load %arg11[%get3A_3205, %get3A_3206] {strides = array<i32>} : memref<50x32xf32, #tpu.memory_space<vmem>>, vector<1x16xf32>,
      %get3A_3208 = vector.shape_cast %get3A_3207 : vector<1x16xf32> to vector<16xf32>
      %add3A_3209 = arith.addf %add3A_3185, %get3A_3208 : vector<16xf32>
      %get3A_3210 = arith.constant 49 : i32
      %get3A_3211 = arith.index_cast %get3A_3210 : i32 to index
      %get3A_3212 = arith.constant 16 : index
      %get3A_3213 = tpu.vector_load %arg11[%get3A_3211, %get3A_3212] {strides = array<i32>} : memref<50x32xf32, #tpu.memory_space<vmem>>, vector<1x16xf32>,
      %get3A_3214 = vector.shape_cast %get3A_3213 : vector<1x16xf32> to vector<16xf32>
      %add3A_3215 = arith.addf %add3A_3191, %get3A_3214 : vector<16xf32>
      %add3A_3216 = arith.addf %add3A_3209, %add3A_3215 : vector<16xf32>
      %add3A_3217 = arith.addf %add3A_3197, %add3A_3203 : vector<16xf32>
      %add3A_3218 = arith.addf %add3A_3216, %add3A_3217 : vector<16xf32>
      %get3A_3219 = arith.constant 16 : index
      %get3A_3220 = tpu.vector_load %arg16[%get3A_3219] {strides = array<i32>} : memref<32xf32, #tpu.memory_space<vmem>>, vector<16xf32>,
      %get3A_3221 = vector.shape_cast %get3A_3220 : vector<16xf32> to vector<16xf32>
      %add3A_3222 = arith.addf %add3A_3218, %get3A_3221 : vector<16xf32>
      %swap3A_3223 = arith.index_cast %add3A_2611 : i32 to index
      %swap3A_3224 = arith.constant 16 : index
      %swap3A_3225 = tpu.vector_load %arg15[%swap3A_3223, %swap3A_3224] {strides = array<i32>} : memref<512x32xf32, #tpu.memory_space<vmem>>, vector<1x16xf32>,
      %swap3A_3226 = vector.shape_cast %swap3A_3225 : vector<1x16xf32> to vector<16xf32>
      %swap3A_3227 = vector.shape_cast %add3A_3222 : vector<16xf32> to vector<1x16xf32>
      tpu.vector_store %arg15[%swap3A_3223, %swap3A_3224], %swap3A_3227 {strides = array<i32>} : memref<512x32xf32, #tpu.memory_space<vmem>>, vector<1x16xf32>,
      %add3A_3228 = arith.constant 4 : i32
      %add3A_3229 = arith.addi %mul3A_67, %add3A_3228 : i32
      %add3A_3230 = arith.constant 8 : i32
      %add3A_3231 = arith.addi %add3A_3229, %add3A_3230 : i32
      %lt3A_3232 = arith.constant 512 : i32
      %lt3A_3233 = arith.cmpi slt, %add3A_3231, %lt3A_3232 : i32
      %convert_element_type3A_3234 = arith.extui %lt3A_3233 : i1 to i32
      %cond3A_3235 = arith.constant 0 : i32
      %cond3A_3236 = arith.cmpi ne, %convert_element_type3A_3234, %cond3A_3235 : i32
      scf.if %cond3A_3236 {
        %add3A_5142 = arith.constant 4 : i32
        %add3A_5143 = arith.addi %mul3A_67, %add3A_5142 : i32
        %add3A_5144 = arith.constant 8 : i32
        %add3A_5145 = arith.addi %add3A_5143, %add3A_5144 : i32
        %dma_start3A_5146 = arith.constant 0 : i32
        %dma_start3A_5147 = tpu.memref_slice %arg6[%add3A_5145, %dma_start3A_5146] : memref<512x50xi32, #tpu.memory_space<vmem>> -> memref<1x50xi32, #tpu.memory_space<vmem>>
        %dma_start3A_5148 = tpu.memref_squeeze %dma_start3A_5147 : memref<1x50xi32, #tpu.memory_space<vmem>> -> memref<50xi32, #tpu.memory_space<vmem>>
        %dma_start3A_5149 = arith.constant 0 : i32
        %dma_start3A_5150 = arith.constant 0 : i32
        %dma_start3A_5151 = tpu.memref_slice %arg3[%dma_start3A_5149, %dma_start3A_5150] : memref<100000x32xf32, #tpu.memory_space<hbm>> -> memref<100000x32xf32, #tpu.memory_space<hbm>>
        tpu.enqueue_indirect_dma source(%dma_start3A_5151 : memref<100000x32xf32, #tpu.memory_space<hbm>>) target(%arg11 : memref<50x32xf32, #tpu.memory_space<vmem>>) offsets(%dma_start3A_5148 : memref<50xi32, #tpu.memory_space<vmem>>) semaphore(%arg21 : memref<!tpu.dma_semaphore, #tpu.memory_space<semaphore_mem>>)
      } else {
      }
      %add3A_3237 = arith.constant 5 : i32
      %add3A_3238 = arith.addi %mul3A_67, %add3A_3237 : i32
      %dma_wait3A_3239 = arith.constant 0 : i32
      %dma_wait3A_3240 = tpu.memref_slice %arg6[%add3A_3238, %dma_wait3A_3239] : memref<512x50xi32, #tpu.memory_space<vmem>> -> memref<1x50xi32, #tpu.memory_space<vmem>>
      %dma_wait3A_3241 = tpu.memref_squeeze %dma_wait3A_3240 : memref<1x50xi32, #tpu.memory_space<vmem>> -> memref<50xi32, #tpu.memory_space<vmem>>
      %dma_wait3A_3242 = arith.constant 0 : i32
      %dma_wait3A_3243 = arith.constant 0 : i32
      %dma_wait3A_3244 = tpu.memref_slice %arg3[%dma_wait3A_3242, %dma_wait3A_3243] : memref<100000x32xf32, #tpu.memory_space<hbm>> -> memref<100000x32xf32, #tpu.memory_space<hbm>>
      tpu.wait_indirect_dma semaphore(%arg22 : memref<!tpu.dma_semaphore, #tpu.memory_space<semaphore_mem>>) src(%dma_wait3A_3244 : memref<100000x32xf32, #tpu.memory_space<hbm>>) dst(%arg12 : memref<50x32xf32, #tpu.memory_space<vmem>>)
      %add3A_3245 = arith.constant 5 : i32
      %add3A_3246 = arith.addi %mul3A_67, %add3A_3245 : i32
      %get3A_3247 = arith.constant 0 : i32
      %get3A_3248 = arith.index_cast %get3A_3247 : i32 to index
      %get3A_3249 = arith.constant 0 : index
      %get3A_3250 = tpu.vector_load %arg12[%get3A_3248, %get3A_3249] {strides = array<i32>} : memref<50x32xf32, #tpu.memory_space<vmem>>, vector<1x16xf32>,
      %get3A_3251 = vector.shape_cast %get3A_3250 : vector<1x16xf32> to vector<16xf32>
      %get3A_3252 = arith.constant 1 : i32
      %get3A_3253 = arith.index_cast %get3A_3252 : i32 to index
      %get3A_3254 = arith.constant 0 : index
      %get3A_3255 = tpu.vector_load %arg12[%get3A_3253, %get3A_3254] {strides = array<i32>} : memref<50x32xf32, #tpu.memory_space<vmem>>, vector<1x16xf32>,
      %get3A_3256 = vector.shape_cast %get3A_3255 : vector<1x16xf32> to vector<16xf32>
      %get3A_3257 = arith.constant 2 : i32
      %get3A_3258 = arith.index_cast %get3A_3257 : i32 to index
      %get3A_3259 = arith.constant 0 : index
      %get3A_3260 = tpu.vector_load %arg12[%get3A_3258, %get3A_3259] {strides = array<i32>} : memref<50x32xf32, #tpu.memory_space<vmem>>, vector<1x16xf32>,
      %get3A_3261 = vector.shape_cast %get3A_3260 : vector<1x16xf32> to vector<16xf32>
      %get3A_3262 = arith.constant 3 : i32
      %get3A_3263 = arith.index_cast %get3A_3262 : i32 to index
      %get3A_3264 = arith.constant 0 : index
      %get3A_3265 = tpu.vector_load %arg12[%get3A_3263, %get3A_3264] {strides = array<i32>} : memref<50x32xf32, #tpu.memory_space<vmem>>, vector<1x16xf32>,
      %get3A_3266 = vector.shape_cast %get3A_3265 : vector<1x16xf32> to vector<16xf32>
      %get3A_3267 = arith.constant 4 : i32
      %get3A_3268 = arith.index_cast %get3A_3267 : i32 to index
      %get3A_3269 = arith.constant 0 : index
      %get3A_3270 = tpu.vector_load %arg12[%get3A_3268, %get3A_3269] {strides = array<i32>} : memref<50x32xf32, #tpu.memory_space<vmem>>, vector<1x16xf32>,
      %get3A_3271 = vector.shape_cast %get3A_3270 : vector<1x16xf32> to vector<16xf32>
      %add3A_3272 = arith.addf %get3A_3251, %get3A_3271 : vector<16xf32>
      %get3A_3273 = arith.constant 5 : i32
      %get3A_3274 = arith.index_cast %get3A_3273 : i32 to index
      %get3A_3275 = arith.constant 0 : index
      %get3A_3276 = tpu.vector_load %arg12[%get3A_3274, %get3A_3275] {strides = array<i32>} : memref<50x32xf32, #tpu.memory_space<vmem>>, vector<1x16xf32>,
      %get3A_3277 = vector.shape_cast %get3A_3276 : vector<1x16xf32> to vector<16xf32>
      %add3A_3278 = arith.addf %get3A_3256, %get3A_3277 : vector<16xf32>
      %get3A_3279 = arith.constant 6 : i32
      %get3A_3280 = arith.index_cast %get3A_3279 : i32 to index
      %get3A_3281 = arith.constant 0 : index
      %get3A_3282 = tpu.vector_load %arg12[%get3A_3280, %get3A_3281] {strides = array<i32>} : memref<50x32xf32, #tpu.memory_space<vmem>>, vector<1x16xf32>,
      %get3A_3283 = vector.shape_cast %get3A_3282 : vector<1x16xf32> to vector<16xf32>
      %add3A_3284 = arith.addf %get3A_3261, %get3A_3283 : vector<16xf32>
      %get3A_3285 = arith.constant 7 : i32
      %get3A_3286 = arith.index_cast %get3A_3285 : i32 to index
      %get3A_3287 = arith.constant 0 : index
      %get3A_3288 = tpu.vector_load %arg12[%get3A_3286, %get3A_3287] {strides = array<i32>} : memref<50x32xf32, #tpu.memory_space<vmem>>, vector<1x16xf32>,
      %get3A_3289 = vector.shape_cast %get3A_3288 : vector<1x16xf32> to vector<16xf32>
      %add3A_3290 = arith.addf %get3A_3266, %get3A_3289 : vector<16xf32>
      %get3A_3291 = arith.constant 8 : i32
      %get3A_3292 = arith.index_cast %get3A_3291 : i32 to index
      %get3A_3293 = arith.constant 0 : index
      %get3A_3294 = tpu.vector_load %arg12[%get3A_3292, %get3A_3293] {strides = array<i32>} : memref<50x32xf32, #tpu.memory_space<vmem>>, vector<1x16xf32>,
      %get3A_3295 = vector.shape_cast %get3A_3294 : vector<1x16xf32> to vector<16xf32>
      %add3A_3296 = arith.addf %add3A_3272, %get3A_3295 : vector<16xf32>
      %get3A_3297 = arith.constant 9 : i32
      %get3A_3298 = arith.index_cast %get3A_3297 : i32 to index
      %get3A_3299 = arith.constant 0 : index
      %get3A_3300 = tpu.vector_load %arg12[%get3A_3298, %get3A_3299] {strides = array<i32>} : memref<50x32xf32, #tpu.memory_space<vmem>>, vector<1x16xf32>,
      %get3A_3301 = vector.shape_cast %get3A_3300 : vector<1x16xf32> to vector<16xf32>
      %add3A_3302 = arith.addf %add3A_3278, %get3A_3301 : vector<16xf32>
      %get3A_3303 = arith.constant 10 : i32
      %get3A_3304 = arith.index_cast %get3A_3303 : i32 to index
      %get3A_3305 = arith.constant 0 : index
      %get3A_3306 = tpu.vector_load %arg12[%get3A_3304, %get3A_3305] {strides = array<i32>} : memref<50x32xf32, #tpu.memory_space<vmem>>, vector<1x16xf32>,
      %get3A_3307 = vector.shape_cast %get3A_3306 : vector<1x16xf32> to vector<16xf32>
      %add3A_3308 = arith.addf %add3A_3284, %get3A_3307 : vector<16xf32>
      %get3A_3309 = arith.constant 11 : i32
      %get3A_3310 = arith.index_cast %get3A_3309 : i32 to index
      %get3A_3311 = arith.constant 0 : index
      %get3A_3312 = tpu.vector_load %arg12[%get3A_3310, %get3A_3311] {strides = array<i32>} : memref<50x32xf32, #tpu.memory_space<vmem>>, vector<1x16xf32>,
      %get3A_3313 = vector.shape_cast %get3A_3312 : vector<1x16xf32> to vector<16xf32>
      %add3A_3314 = arith.addf %add3A_3290, %get3A_3313 : vector<16xf32>
      %get3A_3315 = arith.constant 12 : i32
      %get3A_3316 = arith.index_cast %get3A_3315 : i32 to index
      %get3A_3317 = arith.constant 0 : index
      %get3A_3318 = tpu.vector_load %arg12[%get3A_3316, %get3A_3317] {strides = array<i32>} : memref<50x32xf32, #tpu.memory_space<vmem>>, vector<1x16xf32>,
      %get3A_3319 = vector.shape_cast %get3A_3318 : vector<1x16xf32> to vector<16xf32>
      %add3A_3320 = arith.addf %add3A_3296, %get3A_3319 : vector<16xf32>
      %get3A_3321 = arith.constant 13 : i32
      %get3A_3322 = arith.index_cast %get3A_3321 : i32 to index
      %get3A_3323 = arith.constant 0 : index
      %get3A_3324 = tpu.vector_load %arg12[%get3A_3322, %get3A_3323] {strides = array<i32>} : memref<50x32xf32, #tpu.memory_space<vmem>>, vector<1x16xf32>,
      %get3A_3325 = vector.shape_cast %get3A_3324 : vector<1x16xf32> to vector<16xf32>
      %add3A_3326 = arith.addf %add3A_3302, %get3A_3325 : vector<16xf32>
      %get3A_3327 = arith.constant 14 : i32
      %get3A_3328 = arith.index_cast %get3A_3327 : i32 to index
      %get3A_3329 = arith.constant 0 : index
      %get3A_3330 = tpu.vector_load %arg12[%get3A_3328, %get3A_3329] {strides = array<i32>} : memref<50x32xf32, #tpu.memory_space<vmem>>, vector<1x16xf32>,
      %get3A_3331 = vector.shape_cast %get3A_3330 : vector<1x16xf32> to vector<16xf32>
      %add3A_3332 = arith.addf %add3A_3308, %get3A_3331 : vector<16xf32>
      %get3A_3333 = arith.constant 15 : i32
      %get3A_3334 = arith.index_cast %get3A_3333 : i32 to index
      %get3A_3335 = arith.constant 0 : index
      %get3A_3336 = tpu.vector_load %arg12[%get3A_3334, %get3A_3335] {strides = array<i32>} : memref<50x32xf32, #tpu.memory_space<vmem>>, vector<1x16xf32>,
      %get3A_3337 = vector.shape_cast %get3A_3336 : vector<1x16xf32> to vector<16xf32>
      %add3A_3338 = arith.addf %add3A_3314, %get3A_3337 : vector<16xf32>
      %get3A_3339 = arith.constant 16 : i32
      %get3A_3340 = arith.index_cast %get3A_3339 : i32 to index
      %get3A_3341 = arith.constant 0 : index
      %get3A_3342 = tpu.vector_load %arg12[%get3A_3340, %get3A_3341] {strides = array<i32>} : memref<50x32xf32, #tpu.memory_space<vmem>>, vector<1x16xf32>,
      %get3A_3343 = vector.shape_cast %get3A_3342 : vector<1x16xf32> to vector<16xf32>
      %add3A_3344 = arith.addf %add3A_3320, %get3A_3343 : vector<16xf32>
      %get3A_3345 = arith.constant 17 : i32
      %get3A_3346 = arith.index_cast %get3A_3345 : i32 to index
      %get3A_3347 = arith.constant 0 : index
      %get3A_3348 = tpu.vector_load %arg12[%get3A_3346, %get3A_3347] {strides = array<i32>} : memref<50x32xf32, #tpu.memory_space<vmem>>, vector<1x16xf32>,
      %get3A_3349 = vector.shape_cast %get3A_3348 : vector<1x16xf32> to vector<16xf32>
      %add3A_3350 = arith.addf %add3A_3326, %get3A_3349 : vector<16xf32>
      %get3A_3351 = arith.constant 18 : i32
      %get3A_3352 = arith.index_cast %get3A_3351 : i32 to index
      %get3A_3353 = arith.constant 0 : index
      %get3A_3354 = tpu.vector_load %arg12[%get3A_3352, %get3A_3353] {strides = array<i32>} : memref<50x32xf32, #tpu.memory_space<vmem>>, vector<1x16xf32>,
      %get3A_3355 = vector.shape_cast %get3A_3354 : vector<1x16xf32> to vector<16xf32>
      %add3A_3356 = arith.addf %add3A_3332, %get3A_3355 : vector<16xf32>
      %get3A_3357 = arith.constant 19 : i32
      %get3A_3358 = arith.index_cast %get3A_3357 : i32 to index
      %get3A_3359 = arith.constant 0 : index
      %get3A_3360 = tpu.vector_load %arg12[%get3A_3358, %get3A_3359] {strides = array<i32>} : memref<50x32xf32, #tpu.memory_space<vmem>>, vector<1x16xf32>,
      %get3A_3361 = vector.shape_cast %get3A_3360 : vector<1x16xf32> to vector<16xf32>
      %add3A_3362 = arith.addf %add3A_3338, %get3A_3361 : vector<16xf32>
      %get3A_3363 = arith.constant 20 : i32
      %get3A_3364 = arith.index_cast %get3A_3363 : i32 to index
      %get3A_3365 = arith.constant 0 : index
      %get3A_3366 = tpu.vector_load %arg12[%get3A_3364, %get3A_3365] {strides = array<i32>} : memref<50x32xf32, #tpu.memory_space<vmem>>, vector<1x16xf32>,
      %get3A_3367 = vector.shape_cast %get3A_3366 : vector<1x16xf32> to vector<16xf32>
      %add3A_3368 = arith.addf %add3A_3344, %get3A_3367 : vector<16xf32>
      %get3A_3369 = arith.constant 21 : i32
      %get3A_3370 = arith.index_cast %get3A_3369 : i32 to index
      %get3A_3371 = arith.constant 0 : index
      %get3A_3372 = tpu.vector_load %arg12[%get3A_3370, %get3A_3371] {strides = array<i32>} : memref<50x32xf32, #tpu.memory_space<vmem>>, vector<1x16xf32>,
      %get3A_3373 = vector.shape_cast %get3A_3372 : vector<1x16xf32> to vector<16xf32>
      %add3A_3374 = arith.addf %add3A_3350, %get3A_3373 : vector<16xf32>
      %get3A_3375 = arith.constant 22 : i32
      %get3A_3376 = arith.index_cast %get3A_3375 : i32 to index
      %get3A_3377 = arith.constant 0 : index
      %get3A_3378 = tpu.vector_load %arg12[%get3A_3376, %get3A_3377] {strides = array<i32>} : memref<50x32xf32, #tpu.memory_space<vmem>>, vector<1x16xf32>,
      %get3A_3379 = vector.shape_cast %get3A_3378 : vector<1x16xf32> to vector<16xf32>
      %add3A_3380 = arith.addf %add3A_3356, %get3A_3379 : vector<16xf32>
      %get3A_3381 = arith.constant 23 : i32
      %get3A_3382 = arith.index_cast %get3A_3381 : i32 to index
      %get3A_3383 = arith.constant 0 : index
      %get3A_3384 = tpu.vector_load %arg12[%get3A_3382, %get3A_3383] {strides = array<i32>} : memref<50x32xf32, #tpu.memory_space<vmem>>, vector<1x16xf32>,
      %get3A_3385 = vector.shape_cast %get3A_3384 : vector<1x16xf32> to vector<16xf32>
      %add3A_3386 = arith.addf %add3A_3362, %get3A_3385 : vector<16xf32>
      %get3A_3387 = arith.constant 24 : i32
      %get3A_3388 = arith.index_cast %get3A_3387 : i32 to index
      %get3A_3389 = arith.constant 0 : index
      %get3A_3390 = tpu.vector_load %arg12[%get3A_3388, %get3A_3389] {strides = array<i32>} : memref<50x32xf32, #tpu.memory_space<vmem>>, vector<1x16xf32>,
      %get3A_3391 = vector.shape_cast %get3A_3390 : vector<1x16xf32> to vector<16xf32>
      %add3A_3392 = arith.addf %add3A_3368, %get3A_3391 : vector<16xf32>
      %get3A_3393 = arith.constant 25 : i32
      %get3A_3394 = arith.index_cast %get3A_3393 : i32 to index
      %get3A_3395 = arith.constant 0 : index
      %get3A_3396 = tpu.vector_load %arg12[%get3A_3394, %get3A_3395] {strides = array<i32>} : memref<50x32xf32, #tpu.memory_space<vmem>>, vector<1x16xf32>,
      %get3A_3397 = vector.shape_cast %get3A_3396 : vector<1x16xf32> to vector<16xf32>
      %add3A_3398 = arith.addf %add3A_3374, %get3A_3397 : vector<16xf32>
      %get3A_3399 = arith.constant 26 : i32
      %get3A_3400 = arith.index_cast %get3A_3399 : i32 to index
      %get3A_3401 = arith.constant 0 : index
      %get3A_3402 = tpu.vector_load %arg12[%get3A_3400, %get3A_3401] {strides = array<i32>} : memref<50x32xf32, #tpu.memory_space<vmem>>, vector<1x16xf32>,
      %get3A_3403 = vector.shape_cast %get3A_3402 : vector<1x16xf32> to vector<16xf32>
      %add3A_3404 = arith.addf %add3A_3380, %get3A_3403 : vector<16xf32>
      %get3A_3405 = arith.constant 27 : i32
      %get3A_3406 = arith.index_cast %get3A_3405 : i32 to index
      %get3A_3407 = arith.constant 0 : index
      %get3A_3408 = tpu.vector_load %arg12[%get3A_3406, %get3A_3407] {strides = array<i32>} : memref<50x32xf32, #tpu.memory_space<vmem>>, vector<1x16xf32>,
      %get3A_3409 = vector.shape_cast %get3A_3408 : vector<1x16xf32> to vector<16xf32>
      %add3A_3410 = arith.addf %add3A_3386, %get3A_3409 : vector<16xf32>
      %get3A_3411 = arith.constant 28 : i32
      %get3A_3412 = arith.index_cast %get3A_3411 : i32 to index
      %get3A_3413 = arith.constant 0 : index
      %get3A_3414 = tpu.vector_load %arg12[%get3A_3412, %get3A_3413] {strides = array<i32>} : memref<50x32xf32, #tpu.memory_space<vmem>>, vector<1x16xf32>,
      %get3A_3415 = vector.shape_cast %get3A_3414 : vector<1x16xf32> to vector<16xf32>
      %add3A_3416 = arith.addf %add3A_3392, %get3A_3415 : vector<16xf32>
      %get3A_3417 = arith.constant 29 : i32
      %get3A_3418 = arith.index_cast %get3A_3417 : i32 to index
      %get3A_3419 = arith.constant 0 : index
      %get3A_3420 = tpu.vector_load %arg12[%get3A_3418, %get3A_3419] {strides = array<i32>} : memref<50x32xf32, #tpu.memory_space<vmem>>, vector<1x16xf32>,
      %get3A_3421 = vector.shape_cast %get3A_3420 : vector<1x16xf32> to vector<16xf32>
      %add3A_3422 = arith.addf %add3A_3398, %get3A_3421 : vector<16xf32>
      %get3A_3423 = arith.constant 30 : i32
      %get3A_3424 = arith.index_cast %get3A_3423 : i32 to index
      %get3A_3425 = arith.constant 0 : index
      %get3A_3426 = tpu.vector_load %arg12[%get3A_3424, %get3A_3425] {strides = array<i32>} : memref<50x32xf32, #tpu.memory_space<vmem>>, vector<1x16xf32>,
      %get3A_3427 = vector.shape_cast %get3A_3426 : vector<1x16xf32> to vector<16xf32>
      %add3A_3428 = arith.addf %add3A_3404, %get3A_3427 : vector<16xf32>
      %get3A_3429 = arith.constant 31 : i32
      %get3A_3430 = arith.index_cast %get3A_3429 : i32 to index
      %get3A_3431 = arith.constant 0 : index
      %get3A_3432 = tpu.vector_load %arg12[%get3A_3430, %get3A_3431] {strides = array<i32>} : memref<50x32xf32, #tpu.memory_space<vmem>>, vector<1x16xf32>,
      %get3A_3433 = vector.shape_cast %get3A_3432 : vector<1x16xf32> to vector<16xf32>
      %add3A_3434 = arith.addf %add3A_3410, %get3A_3433 : vector<16xf32>
      %get3A_3435 = arith.constant 32 : i32
      %get3A_3436 = arith.index_cast %get3A_3435 : i32 to index
      %get3A_3437 = arith.constant 0 : index
      %get3A_3438 = tpu.vector_load %arg12[%get3A_3436, %get3A_3437] {strides = array<i32>} : memref<50x32xf32, #tpu.memory_space<vmem>>, vector<1x16xf32>,
      %get3A_3439 = vector.shape_cast %get3A_3438 : vector<1x16xf32> to vector<16xf32>
      %add3A_3440 = arith.addf %add3A_3416, %get3A_3439 : vector<16xf32>
      %get3A_3441 = arith.constant 33 : i32
      %get3A_3442 = arith.index_cast %get3A_3441 : i32 to index
      %get3A_3443 = arith.constant 0 : index
      %get3A_3444 = tpu.vector_load %arg12[%get3A_3442, %get3A_3443] {strides = array<i32>} : memref<50x32xf32, #tpu.memory_space<vmem>>, vector<1x16xf32>,
      %get3A_3445 = vector.shape_cast %get3A_3444 : vector<1x16xf32> to vector<16xf32>
      %add3A_3446 = arith.addf %add3A_3422, %get3A_3445 : vector<16xf32>
      %get3A_3447 = arith.constant 34 : i32
      %get3A_3448 = arith.index_cast %get3A_3447 : i32 to index
      %get3A_3449 = arith.constant 0 : index
      %get3A_3450 = tpu.vector_load %arg12[%get3A_3448, %get3A_3449] {strides = array<i32>} : memref<50x32xf32, #tpu.memory_space<vmem>>, vector<1x16xf32>,
      %get3A_3451 = vector.shape_cast %get3A_3450 : vector<1x16xf32> to vector<16xf32>
      %add3A_3452 = arith.addf %add3A_3428, %get3A_3451 : vector<16xf32>
      %get3A_3453 = arith.constant 35 : i32
      %get3A_3454 = arith.index_cast %get3A_3453 : i32 to index
      %get3A_3455 = arith.constant 0 : index
      %get3A_3456 = tpu.vector_load %arg12[%get3A_3454, %get3A_3455] {strides = array<i32>} : memref<50x32xf32, #tpu.memory_space<vmem>>, vector<1x16xf32>,
      %get3A_3457 = vector.shape_cast %get3A_3456 : vector<1x16xf32> to vector<16xf32>
      %add3A_3458 = arith.addf %add3A_3434, %get3A_3457 : vector<16xf32>
      %get3A_3459 = arith.constant 36 : i32
      %get3A_3460 = arith.index_cast %get3A_3459 : i32 to index
      %get3A_3461 = arith.constant 0 : index
      %get3A_3462 = tpu.vector_load %arg12[%get3A_3460, %get3A_3461] {strides = array<i32>} : memref<50x32xf32, #tpu.memory_space<vmem>>, vector<1x16xf32>,
      %get3A_3463 = vector.shape_cast %get3A_3462 : vector<1x16xf32> to vector<16xf32>
      %add3A_3464 = arith.addf %add3A_3440, %get3A_3463 : vector<16xf32>
      %get3A_3465 = arith.constant 37 : i32
      %get3A_3466 = arith.index_cast %get3A_3465 : i32 to index
      %get3A_3467 = arith.constant 0 : index
      %get3A_3468 = tpu.vector_load %arg12[%get3A_3466, %get3A_3467] {strides = array<i32>} : memref<50x32xf32, #tpu.memory_space<vmem>>, vector<1x16xf32>,
      %get3A_3469 = vector.shape_cast %get3A_3468 : vector<1x16xf32> to vector<16xf32>
      %add3A_3470 = arith.addf %add3A_3446, %get3A_3469 : vector<16xf32>
      %get3A_3471 = arith.constant 38 : i32
      %get3A_3472 = arith.index_cast %get3A_3471 : i32 to index
      %get3A_3473 = arith.constant 0 : index
      %get3A_3474 = tpu.vector_load %arg12[%get3A_3472, %get3A_3473] {strides = array<i32>} : memref<50x32xf32, #tpu.memory_space<vmem>>, vector<1x16xf32>,
      %get3A_3475 = vector.shape_cast %get3A_3474 : vector<1x16xf32> to vector<16xf32>
      %add3A_3476 = arith.addf %add3A_3452, %get3A_3475 : vector<16xf32>
      %get3A_3477 = arith.constant 39 : i32
      %get3A_3478 = arith.index_cast %get3A_3477 : i32 to index
      %get3A_3479 = arith.constant 0 : index
      %get3A_3480 = tpu.vector_load %arg12[%get3A_3478, %get3A_3479] {strides = array<i32>} : memref<50x32xf32, #tpu.memory_space<vmem>>, vector<1x16xf32>,
      %get3A_3481 = vector.shape_cast %get3A_3480 : vector<1x16xf32> to vector<16xf32>
      %add3A_3482 = arith.addf %add3A_3458, %get3A_3481 : vector<16xf32>
      %get3A_3483 = arith.constant 40 : i32
      %get3A_3484 = arith.index_cast %get3A_3483 : i32 to index
      %get3A_3485 = arith.constant 0 : index
      %get3A_3486 = tpu.vector_load %arg12[%get3A_3484, %get3A_3485] {strides = array<i32>} : memref<50x32xf32, #tpu.memory_space<vmem>>, vector<1x16xf32>,
      %get3A_3487 = vector.shape_cast %get3A_3486 : vector<1x16xf32> to vector<16xf32>
      %add3A_3488 = arith.addf %add3A_3464, %get3A_3487 : vector<16xf32>
      %get3A_3489 = arith.constant 41 : i32
      %get3A_3490 = arith.index_cast %get3A_3489 : i32 to index
      %get3A_3491 = arith.constant 0 : index
      %get3A_3492 = tpu.vector_load %arg12[%get3A_3490, %get3A_3491] {strides = array<i32>} : memref<50x32xf32, #tpu.memory_space<vmem>>, vector<1x16xf32>,
      %get3A_3493 = vector.shape_cast %get3A_3492 : vector<1x16xf32> to vector<16xf32>
      %add3A_3494 = arith.addf %add3A_3470, %get3A_3493 : vector<16xf32>
      %get3A_3495 = arith.constant 42 : i32
      %get3A_3496 = arith.index_cast %get3A_3495 : i32 to index
      %get3A_3497 = arith.constant 0 : index
      %get3A_3498 = tpu.vector_load %arg12[%get3A_3496, %get3A_3497] {strides = array<i32>} : memref<50x32xf32, #tpu.memory_space<vmem>>, vector<1x16xf32>,
      %get3A_3499 = vector.shape_cast %get3A_3498 : vector<1x16xf32> to vector<16xf32>
      %add3A_3500 = arith.addf %add3A_3476, %get3A_3499 : vector<16xf32>
      %get3A_3501 = arith.constant 43 : i32
      %get3A_3502 = arith.index_cast %get3A_3501 : i32 to index
      %get3A_3503 = arith.constant 0 : index
      %get3A_3504 = tpu.vector_load %arg12[%get3A_3502, %get3A_3503] {strides = array<i32>} : memref<50x32xf32, #tpu.memory_space<vmem>>, vector<1x16xf32>,
      %get3A_3505 = vector.shape_cast %get3A_3504 : vector<1x16xf32> to vector<16xf32>
      %add3A_3506 = arith.addf %add3A_3482, %get3A_3505 : vector<16xf32>
      %get3A_3507 = arith.constant 44 : i32
      %get3A_3508 = arith.index_cast %get3A_3507 : i32 to index
      %get3A_3509 = arith.constant 0 : index
      %get3A_3510 = tpu.vector_load %arg12[%get3A_3508, %get3A_3509] {strides = array<i32>} : memref<50x32xf32, #tpu.memory_space<vmem>>, vector<1x16xf32>,
      %get3A_3511 = vector.shape_cast %get3A_3510 : vector<1x16xf32> to vector<16xf32>
      %add3A_3512 = arith.addf %add3A_3488, %get3A_3511 : vector<16xf32>
      %get3A_3513 = arith.constant 45 : i32
      %get3A_3514 = arith.index_cast %get3A_3513 : i32 to index
      %get3A_3515 = arith.constant 0 : index
      %get3A_3516 = tpu.vector_load %arg12[%get3A_3514, %get3A_3515] {strides = array<i32>} : memref<50x32xf32, #tpu.memory_space<vmem>>, vector<1x16xf32>,
      %get3A_3517 = vector.shape_cast %get3A_3516 : vector<1x16xf32> to vector<16xf32>
      %add3A_3518 = arith.addf %add3A_3494, %get3A_3517 : vector<16xf32>
      %get3A_3519 = arith.constant 46 : i32
      %get3A_3520 = arith.index_cast %get3A_3519 : i32 to index
      %get3A_3521 = arith.constant 0 : index
      %get3A_3522 = tpu.vector_load %arg12[%get3A_3520, %get3A_3521] {strides = array<i32>} : memref<50x32xf32, #tpu.memory_space<vmem>>, vector<1x16xf32>,
      %get3A_3523 = vector.shape_cast %get3A_3522 : vector<1x16xf32> to vector<16xf32>
      %add3A_3524 = arith.addf %add3A_3500, %get3A_3523 : vector<16xf32>
      %get3A_3525 = arith.constant 47 : i32
      %get3A_3526 = arith.index_cast %get3A_3525 : i32 to index
      %get3A_3527 = arith.constant 0 : index
      %get3A_3528 = tpu.vector_load %arg12[%get3A_3526, %get3A_3527] {strides = array<i32>} : memref<50x32xf32, #tpu.memory_space<vmem>>, vector<1x16xf32>,
      %get3A_3529 = vector.shape_cast %get3A_3528 : vector<1x16xf32> to vector<16xf32>
      %add3A_3530 = arith.addf %add3A_3506, %get3A_3529 : vector<16xf32>
      %get3A_3531 = arith.constant 48 : i32
      %get3A_3532 = arith.index_cast %get3A_3531 : i32 to index
      %get3A_3533 = arith.constant 0 : index
      %get3A_3534 = tpu.vector_load %arg12[%get3A_3532, %get3A_3533] {strides = array<i32>} : memref<50x32xf32, #tpu.memory_space<vmem>>, vector<1x16xf32>,
      %get3A_3535 = vector.shape_cast %get3A_3534 : vector<1x16xf32> to vector<16xf32>
      %add3A_3536 = arith.addf %add3A_3512, %get3A_3535 : vector<16xf32>
      %get3A_3537 = arith.constant 49 : i32
      %get3A_3538 = arith.index_cast %get3A_3537 : i32 to index
      %get3A_3539 = arith.constant 0 : index
      %get3A_3540 = tpu.vector_load %arg12[%get3A_3538, %get3A_3539] {strides = array<i32>} : memref<50x32xf32, #tpu.memory_space<vmem>>, vector<1x16xf32>,
      %get3A_3541 = vector.shape_cast %get3A_3540 : vector<1x16xf32> to vector<16xf32>
      %add3A_3542 = arith.addf %add3A_3518, %get3A_3541 : vector<16xf32>
      %add3A_3543 = arith.addf %add3A_3536, %add3A_3542 : vector<16xf32>
      %add3A_3544 = arith.addf %add3A_3524, %add3A_3530 : vector<16xf32>
      %add3A_3545 = arith.addf %add3A_3543, %add3A_3544 : vector<16xf32>
      %get3A_3546 = arith.constant 0 : index
      %get3A_3547 = tpu.vector_load %arg16[%get3A_3546] {strides = array<i32>} : memref<32xf32, #tpu.memory_space<vmem>>, vector<16xf32>,
      %get3A_3548 = vector.shape_cast %get3A_3547 : vector<16xf32> to vector<16xf32>
      %add3A_3549 = arith.addf %add3A_3545, %get3A_3548 : vector<16xf32>
      %swap3A_3550 = arith.index_cast %add3A_3246 : i32 to index
      %swap3A_3551 = arith.constant 0 : index
      %swap3A_3552 = tpu.vector_load %arg15[%swap3A_3550, %swap3A_3551] {strides = array<i32>} : memref<512x32xf32, #tpu.memory_space<vmem>>, vector<1x16xf32>,
      %swap3A_3553 = vector.shape_cast %swap3A_3552 : vector<1x16xf32> to vector<16xf32>
      %swap3A_3554 = vector.shape_cast %add3A_3549 : vector<16xf32> to vector<1x16xf32>
      tpu.vector_store %arg15[%swap3A_3550, %swap3A_3551], %swap3A_3554 {strides = array<i32>} : memref<512x32xf32, #tpu.memory_space<vmem>>, vector<1x16xf32>,
      %get3A_3555 = arith.constant 0 : i32
      %get3A_3556 = arith.index_cast %get3A_3555 : i32 to index
      %get3A_3557 = arith.constant 16 : index
      %get3A_3558 = tpu.vector_load %arg12[%get3A_3556, %get3A_3557] {strides = array<i32>} : memref<50x32xf32, #tpu.memory_space<vmem>>, vector<1x16xf32>,
      %get3A_3559 = vector.shape_cast %get3A_3558 : vector<1x16xf32> to vector<16xf32>
      %get3A_3560 = arith.constant 1 : i32
      %get3A_3561 = arith.index_cast %get3A_3560 : i32 to index
      %get3A_3562 = arith.constant 16 : index
      %get3A_3563 = tpu.vector_load %arg12[%get3A_3561, %get3A_3562] {strides = array<i32>} : memref<50x32xf32, #tpu.memory_space<vmem>>, vector<1x16xf32>,
      %get3A_3564 = vector.shape_cast %get3A_3563 : vector<1x16xf32> to vector<16xf32>
      %get3A_3565 = arith.constant 2 : i32
      %get3A_3566 = arith.index_cast %get3A_3565 : i32 to index
      %get3A_3567 = arith.constant 16 : index
      %get3A_3568 = tpu.vector_load %arg12[%get3A_3566, %get3A_3567] {strides = array<i32>} : memref<50x32xf32, #tpu.memory_space<vmem>>, vector<1x16xf32>,
      %get3A_3569 = vector.shape_cast %get3A_3568 : vector<1x16xf32> to vector<16xf32>
      %get3A_3570 = arith.constant 3 : i32
      %get3A_3571 = arith.index_cast %get3A_3570 : i32 to index
      %get3A_3572 = arith.constant 16 : index
      %get3A_3573 = tpu.vector_load %arg12[%get3A_3571, %get3A_3572] {strides = array<i32>} : memref<50x32xf32, #tpu.memory_space<vmem>>, vector<1x16xf32>,
      %get3A_3574 = vector.shape_cast %get3A_3573 : vector<1x16xf32> to vector<16xf32>
      %get3A_3575 = arith.constant 4 : i32
      %get3A_3576 = arith.index_cast %get3A_3575 : i32 to index
      %get3A_3577 = arith.constant 16 : index
      %get3A_3578 = tpu.vector_load %arg12[%get3A_3576, %get3A_3577] {strides = array<i32>} : memref<50x32xf32, #tpu.memory_space<vmem>>, vector<1x16xf32>,
      %get3A_3579 = vector.shape_cast %get3A_3578 : vector<1x16xf32> to vector<16xf32>
      %add3A_3580 = arith.addf %get3A_3559, %get3A_3579 : vector<16xf32>
      %get3A_3581 = arith.constant 5 : i32
      %get3A_3582 = arith.index_cast %get3A_3581 : i32 to index
      %get3A_3583 = arith.constant 16 : index
      %get3A_3584 = tpu.vector_load %arg12[%get3A_3582, %get3A_3583] {strides = array<i32>} : memref<50x32xf32, #tpu.memory_space<vmem>>, vector<1x16xf32>,
      %get3A_3585 = vector.shape_cast %get3A_3584 : vector<1x16xf32> to vector<16xf32>
      %add3A_3586 = arith.addf %get3A_3564, %get3A_3585 : vector<16xf32>
      %get3A_3587 = arith.constant 6 : i32
      %get3A_3588 = arith.index_cast %get3A_3587 : i32 to index
      %get3A_3589 = arith.constant 16 : index
      %get3A_3590 = tpu.vector_load %arg12[%get3A_3588, %get3A_3589] {strides = array<i32>} : memref<50x32xf32, #tpu.memory_space<vmem>>, vector<1x16xf32>,
      %get3A_3591 = vector.shape_cast %get3A_3590 : vector<1x16xf32> to vector<16xf32>
      %add3A_3592 = arith.addf %get3A_3569, %get3A_3591 : vector<16xf32>
      %get3A_3593 = arith.constant 7 : i32
      %get3A_3594 = arith.index_cast %get3A_3593 : i32 to index
      %get3A_3595 = arith.constant 16 : index
      %get3A_3596 = tpu.vector_load %arg12[%get3A_3594, %get3A_3595] {strides = array<i32>} : memref<50x32xf32, #tpu.memory_space<vmem>>, vector<1x16xf32>,
      %get3A_3597 = vector.shape_cast %get3A_3596 : vector<1x16xf32> to vector<16xf32>
      %add3A_3598 = arith.addf %get3A_3574, %get3A_3597 : vector<16xf32>
      %get3A_3599 = arith.constant 8 : i32
      %get3A_3600 = arith.index_cast %get3A_3599 : i32 to index
      %get3A_3601 = arith.constant 16 : index
      %get3A_3602 = tpu.vector_load %arg12[%get3A_3600, %get3A_3601] {strides = array<i32>} : memref<50x32xf32, #tpu.memory_space<vmem>>, vector<1x16xf32>,
      %get3A_3603 = vector.shape_cast %get3A_3602 : vector<1x16xf32> to vector<16xf32>
      %add3A_3604 = arith.addf %add3A_3580, %get3A_3603 : vector<16xf32>
      %get3A_3605 = arith.constant 9 : i32
      %get3A_3606 = arith.index_cast %get3A_3605 : i32 to index
      %get3A_3607 = arith.constant 16 : index
      %get3A_3608 = tpu.vector_load %arg12[%get3A_3606, %get3A_3607] {strides = array<i32>} : memref<50x32xf32, #tpu.memory_space<vmem>>, vector<1x16xf32>,
      %get3A_3609 = vector.shape_cast %get3A_3608 : vector<1x16xf32> to vector<16xf32>
      %add3A_3610 = arith.addf %add3A_3586, %get3A_3609 : vector<16xf32>
      %get3A_3611 = arith.constant 10 : i32
      %get3A_3612 = arith.index_cast %get3A_3611 : i32 to index
      %get3A_3613 = arith.constant 16 : index
      %get3A_3614 = tpu.vector_load %arg12[%get3A_3612, %get3A_3613] {strides = array<i32>} : memref<50x32xf32, #tpu.memory_space<vmem>>, vector<1x16xf32>,
      %get3A_3615 = vector.shape_cast %get3A_3614 : vector<1x16xf32> to vector<16xf32>
      %add3A_3616 = arith.addf %add3A_3592, %get3A_3615 : vector<16xf32>
      %get3A_3617 = arith.constant 11 : i32
      %get3A_3618 = arith.index_cast %get3A_3617 : i32 to index
      %get3A_3619 = arith.constant 16 : index
      %get3A_3620 = tpu.vector_load %arg12[%get3A_3618, %get3A_3619] {strides = array<i32>} : memref<50x32xf32, #tpu.memory_space<vmem>>, vector<1x16xf32>,
      %get3A_3621 = vector.shape_cast %get3A_3620 : vector<1x16xf32> to vector<16xf32>
      %add3A_3622 = arith.addf %add3A_3598, %get3A_3621 : vector<16xf32>
      %get3A_3623 = arith.constant 12 : i32
      %get3A_3624 = arith.index_cast %get3A_3623 : i32 to index
      %get3A_3625 = arith.constant 16 : index
      %get3A_3626 = tpu.vector_load %arg12[%get3A_3624, %get3A_3625] {strides = array<i32>} : memref<50x32xf32, #tpu.memory_space<vmem>>, vector<1x16xf32>,
      %get3A_3627 = vector.shape_cast %get3A_3626 : vector<1x16xf32> to vector<16xf32>
      %add3A_3628 = arith.addf %add3A_3604, %get3A_3627 : vector<16xf32>
      %get3A_3629 = arith.constant 13 : i32
      %get3A_3630 = arith.index_cast %get3A_3629 : i32 to index
      %get3A_3631 = arith.constant 16 : index
      %get3A_3632 = tpu.vector_load %arg12[%get3A_3630, %get3A_3631] {strides = array<i32>} : memref<50x32xf32, #tpu.memory_space<vmem>>, vector<1x16xf32>,
      %get3A_3633 = vector.shape_cast %get3A_3632 : vector<1x16xf32> to vector<16xf32>
      %add3A_3634 = arith.addf %add3A_3610, %get3A_3633 : vector<16xf32>
      %get3A_3635 = arith.constant 14 : i32
      %get3A_3636 = arith.index_cast %get3A_3635 : i32 to index
      %get3A_3637 = arith.constant 16 : index
      %get3A_3638 = tpu.vector_load %arg12[%get3A_3636, %get3A_3637] {strides = array<i32>} : memref<50x32xf32, #tpu.memory_space<vmem>>, vector<1x16xf32>,
      %get3A_3639 = vector.shape_cast %get3A_3638 : vector<1x16xf32> to vector<16xf32>
      %add3A_3640 = arith.addf %add3A_3616, %get3A_3639 : vector<16xf32>
      %get3A_3641 = arith.constant 15 : i32
      %get3A_3642 = arith.index_cast %get3A_3641 : i32 to index
      %get3A_3643 = arith.constant 16 : index
      %get3A_3644 = tpu.vector_load %arg12[%get3A_3642, %get3A_3643] {strides = array<i32>} : memref<50x32xf32, #tpu.memory_space<vmem>>, vector<1x16xf32>,
      %get3A_3645 = vector.shape_cast %get3A_3644 : vector<1x16xf32> to vector<16xf32>
      %add3A_3646 = arith.addf %add3A_3622, %get3A_3645 : vector<16xf32>
      %get3A_3647 = arith.constant 16 : i32
      %get3A_3648 = arith.index_cast %get3A_3647 : i32 to index
      %get3A_3649 = arith.constant 16 : index
      %get3A_3650 = tpu.vector_load %arg12[%get3A_3648, %get3A_3649] {strides = array<i32>} : memref<50x32xf32, #tpu.memory_space<vmem>>, vector<1x16xf32>,
      %get3A_3651 = vector.shape_cast %get3A_3650 : vector<1x16xf32> to vector<16xf32>
      %add3A_3652 = arith.addf %add3A_3628, %get3A_3651 : vector<16xf32>
      %get3A_3653 = arith.constant 17 : i32
      %get3A_3654 = arith.index_cast %get3A_3653 : i32 to index
      %get3A_3655 = arith.constant 16 : index
      %get3A_3656 = tpu.vector_load %arg12[%get3A_3654, %get3A_3655] {strides = array<i32>} : memref<50x32xf32, #tpu.memory_space<vmem>>, vector<1x16xf32>,
      %get3A_3657 = vector.shape_cast %get3A_3656 : vector<1x16xf32> to vector<16xf32>
      %add3A_3658 = arith.addf %add3A_3634, %get3A_3657 : vector<16xf32>
      %get3A_3659 = arith.constant 18 : i32
      %get3A_3660 = arith.index_cast %get3A_3659 : i32 to index
      %get3A_3661 = arith.constant 16 : index
      %get3A_3662 = tpu.vector_load %arg12[%get3A_3660, %get3A_3661] {strides = array<i32>} : memref<50x32xf32, #tpu.memory_space<vmem>>, vector<1x16xf32>,
      %get3A_3663 = vector.shape_cast %get3A_3662 : vector<1x16xf32> to vector<16xf32>
      %add3A_3664 = arith.addf %add3A_3640, %get3A_3663 : vector<16xf32>
      %get3A_3665 = arith.constant 19 : i32
      %get3A_3666 = arith.index_cast %get3A_3665 : i32 to index
      %get3A_3667 = arith.constant 16 : index
      %get3A_3668 = tpu.vector_load %arg12[%get3A_3666, %get3A_3667] {strides = array<i32>} : memref<50x32xf32, #tpu.memory_space<vmem>>, vector<1x16xf32>,
      %get3A_3669 = vector.shape_cast %get3A_3668 : vector<1x16xf32> to vector<16xf32>
      %add3A_3670 = arith.addf %add3A_3646, %get3A_3669 : vector<16xf32>
      %get3A_3671 = arith.constant 20 : i32
      %get3A_3672 = arith.index_cast %get3A_3671 : i32 to index
      %get3A_3673 = arith.constant 16 : index
      %get3A_3674 = tpu.vector_load %arg12[%get3A_3672, %get3A_3673] {strides = array<i32>} : memref<50x32xf32, #tpu.memory_space<vmem>>, vector<1x16xf32>,
      %get3A_3675 = vector.shape_cast %get3A_3674 : vector<1x16xf32> to vector<16xf32>
      %add3A_3676 = arith.addf %add3A_3652, %get3A_3675 : vector<16xf32>
      %get3A_3677 = arith.constant 21 : i32
      %get3A_3678 = arith.index_cast %get3A_3677 : i32 to index
      %get3A_3679 = arith.constant 16 : index
      %get3A_3680 = tpu.vector_load %arg12[%get3A_3678, %get3A_3679] {strides = array<i32>} : memref<50x32xf32, #tpu.memory_space<vmem>>, vector<1x16xf32>,
      %get3A_3681 = vector.shape_cast %get3A_3680 : vector<1x16xf32> to vector<16xf32>
      %add3A_3682 = arith.addf %add3A_3658, %get3A_3681 : vector<16xf32>
      %get3A_3683 = arith.constant 22 : i32
      %get3A_3684 = arith.index_cast %get3A_3683 : i32 to index
      %get3A_3685 = arith.constant 16 : index
      %get3A_3686 = tpu.vector_load %arg12[%get3A_3684, %get3A_3685] {strides = array<i32>} : memref<50x32xf32, #tpu.memory_space<vmem>>, vector<1x16xf32>,
      %get3A_3687 = vector.shape_cast %get3A_3686 : vector<1x16xf32> to vector<16xf32>
      %add3A_3688 = arith.addf %add3A_3664, %get3A_3687 : vector<16xf32>
      %get3A_3689 = arith.constant 23 : i32
      %get3A_3690 = arith.index_cast %get3A_3689 : i32 to index
      %get3A_3691 = arith.constant 16 : index
      %get3A_3692 = tpu.vector_load %arg12[%get3A_3690, %get3A_3691] {strides = array<i32>} : memref<50x32xf32, #tpu.memory_space<vmem>>, vector<1x16xf32>,
      %get3A_3693 = vector.shape_cast %get3A_3692 : vector<1x16xf32> to vector<16xf32>
      %add3A_3694 = arith.addf %add3A_3670, %get3A_3693 : vector<16xf32>
      %get3A_3695 = arith.constant 24 : i32
      %get3A_3696 = arith.index_cast %get3A_3695 : i32 to index
      %get3A_3697 = arith.constant 16 : index
      %get3A_3698 = tpu.vector_load %arg12[%get3A_3696, %get3A_3697] {strides = array<i32>} : memref<50x32xf32, #tpu.memory_space<vmem>>, vector<1x16xf32>,
      %get3A_3699 = vector.shape_cast %get3A_3698 : vector<1x16xf32> to vector<16xf32>
      %add3A_3700 = arith.addf %add3A_3676, %get3A_3699 : vector<16xf32>
      %get3A_3701 = arith.constant 25 : i32
      %get3A_3702 = arith.index_cast %get3A_3701 : i32 to index
      %get3A_3703 = arith.constant 16 : index
      %get3A_3704 = tpu.vector_load %arg12[%get3A_3702, %get3A_3703] {strides = array<i32>} : memref<50x32xf32, #tpu.memory_space<vmem>>, vector<1x16xf32>,
      %get3A_3705 = vector.shape_cast %get3A_3704 : vector<1x16xf32> to vector<16xf32>
      %add3A_3706 = arith.addf %add3A_3682, %get3A_3705 : vector<16xf32>
      %get3A_3707 = arith.constant 26 : i32
      %get3A_3708 = arith.index_cast %get3A_3707 : i32 to index
      %get3A_3709 = arith.constant 16 : index
      %get3A_3710 = tpu.vector_load %arg12[%get3A_3708, %get3A_3709] {strides = array<i32>} : memref<50x32xf32, #tpu.memory_space<vmem>>, vector<1x16xf32>,
      %get3A_3711 = vector.shape_cast %get3A_3710 : vector<1x16xf32> to vector<16xf32>
      %add3A_3712 = arith.addf %add3A_3688, %get3A_3711 : vector<16xf32>
      %get3A_3713 = arith.constant 27 : i32
      %get3A_3714 = arith.index_cast %get3A_3713 : i32 to index
      %get3A_3715 = arith.constant 16 : index
      %get3A_3716 = tpu.vector_load %arg12[%get3A_3714, %get3A_3715] {strides = array<i32>} : memref<50x32xf32, #tpu.memory_space<vmem>>, vector<1x16xf32>,
      %get3A_3717 = vector.shape_cast %get3A_3716 : vector<1x16xf32> to vector<16xf32>
      %add3A_3718 = arith.addf %add3A_3694, %get3A_3717 : vector<16xf32>
      %get3A_3719 = arith.constant 28 : i32
      %get3A_3720 = arith.index_cast %get3A_3719 : i32 to index
      %get3A_3721 = arith.constant 16 : index
      %get3A_3722 = tpu.vector_load %arg12[%get3A_3720, %get3A_3721] {strides = array<i32>} : memref<50x32xf32, #tpu.memory_space<vmem>>, vector<1x16xf32>,
      %get3A_3723 = vector.shape_cast %get3A_3722 : vector<1x16xf32> to vector<16xf32>
      %add3A_3724 = arith.addf %add3A_3700, %get3A_3723 : vector<16xf32>
      %get3A_3725 = arith.constant 29 : i32
      %get3A_3726 = arith.index_cast %get3A_3725 : i32 to index
      %get3A_3727 = arith.constant 16 : index
      %get3A_3728 = tpu.vector_load %arg12[%get3A_3726, %get3A_3727] {strides = array<i32>} : memref<50x32xf32, #tpu.memory_space<vmem>>, vector<1x16xf32>,
      %get3A_3729 = vector.shape_cast %get3A_3728 : vector<1x16xf32> to vector<16xf32>
      %add3A_3730 = arith.addf %add3A_3706, %get3A_3729 : vector<16xf32>
      %get3A_3731 = arith.constant 30 : i32
      %get3A_3732 = arith.index_cast %get3A_3731 : i32 to index
      %get3A_3733 = arith.constant 16 : index
      %get3A_3734 = tpu.vector_load %arg12[%get3A_3732, %get3A_3733] {strides = array<i32>} : memref<50x32xf32, #tpu.memory_space<vmem>>, vector<1x16xf32>,
      %get3A_3735 = vector.shape_cast %get3A_3734 : vector<1x16xf32> to vector<16xf32>
      %add3A_3736 = arith.addf %add3A_3712, %get3A_3735 : vector<16xf32>
      %get3A_3737 = arith.constant 31 : i32
      %get3A_3738 = arith.index_cast %get3A_3737 : i32 to index
      %get3A_3739 = arith.constant 16 : index
      %get3A_3740 = tpu.vector_load %arg12[%get3A_3738, %get3A_3739] {strides = array<i32>} : memref<50x32xf32, #tpu.memory_space<vmem>>, vector<1x16xf32>,
      %get3A_3741 = vector.shape_cast %get3A_3740 : vector<1x16xf32> to vector<16xf32>
      %add3A_3742 = arith.addf %add3A_3718, %get3A_3741 : vector<16xf32>
      %get3A_3743 = arith.constant 32 : i32
      %get3A_3744 = arith.index_cast %get3A_3743 : i32 to index
      %get3A_3745 = arith.constant 16 : index
      %get3A_3746 = tpu.vector_load %arg12[%get3A_3744, %get3A_3745] {strides = array<i32>} : memref<50x32xf32, #tpu.memory_space<vmem>>, vector<1x16xf32>,
      %get3A_3747 = vector.shape_cast %get3A_3746 : vector<1x16xf32> to vector<16xf32>
      %add3A_3748 = arith.addf %add3A_3724, %get3A_3747 : vector<16xf32>
      %get3A_3749 = arith.constant 33 : i32
      %get3A_3750 = arith.index_cast %get3A_3749 : i32 to index
      %get3A_3751 = arith.constant 16 : index
      %get3A_3752 = tpu.vector_load %arg12[%get3A_3750, %get3A_3751] {strides = array<i32>} : memref<50x32xf32, #tpu.memory_space<vmem>>, vector<1x16xf32>,
      %get3A_3753 = vector.shape_cast %get3A_3752 : vector<1x16xf32> to vector<16xf32>
      %add3A_3754 = arith.addf %add3A_3730, %get3A_3753 : vector<16xf32>
      %get3A_3755 = arith.constant 34 : i32
      %get3A_3756 = arith.index_cast %get3A_3755 : i32 to index
      %get3A_3757 = arith.constant 16 : index
      %get3A_3758 = tpu.vector_load %arg12[%get3A_3756, %get3A_3757] {strides = array<i32>} : memref<50x32xf32, #tpu.memory_space<vmem>>, vector<1x16xf32>,
      %get3A_3759 = vector.shape_cast %get3A_3758 : vector<1x16xf32> to vector<16xf32>
      %add3A_3760 = arith.addf %add3A_3736, %get3A_3759 : vector<16xf32>
      %get3A_3761 = arith.constant 35 : i32
      %get3A_3762 = arith.index_cast %get3A_3761 : i32 to index
      %get3A_3763 = arith.constant 16 : index
      %get3A_3764 = tpu.vector_load %arg12[%get3A_3762, %get3A_3763] {strides = array<i32>} : memref<50x32xf32, #tpu.memory_space<vmem>>, vector<1x16xf32>,
      %get3A_3765 = vector.shape_cast %get3A_3764 : vector<1x16xf32> to vector<16xf32>
      %add3A_3766 = arith.addf %add3A_3742, %get3A_3765 : vector<16xf32>
      %get3A_3767 = arith.constant 36 : i32
      %get3A_3768 = arith.index_cast %get3A_3767 : i32 to index
      %get3A_3769 = arith.constant 16 : index
      %get3A_3770 = tpu.vector_load %arg12[%get3A_3768, %get3A_3769] {strides = array<i32>} : memref<50x32xf32, #tpu.memory_space<vmem>>, vector<1x16xf32>,
      %get3A_3771 = vector.shape_cast %get3A_3770 : vector<1x16xf32> to vector<16xf32>
      %add3A_3772 = arith.addf %add3A_3748, %get3A_3771 : vector<16xf32>
      %get3A_3773 = arith.constant 37 : i32
      %get3A_3774 = arith.index_cast %get3A_3773 : i32 to index
      %get3A_3775 = arith.constant 16 : index
      %get3A_3776 = tpu.vector_load %arg12[%get3A_3774, %get3A_3775] {strides = array<i32>} : memref<50x32xf32, #tpu.memory_space<vmem>>, vector<1x16xf32>,
      %get3A_3777 = vector.shape_cast %get3A_3776 : vector<1x16xf32> to vector<16xf32>
      %add3A_3778 = arith.addf %add3A_3754, %get3A_3777 : vector<16xf32>
      %get3A_3779 = arith.constant 38 : i32
      %get3A_3780 = arith.index_cast %get3A_3779 : i32 to index
      %get3A_3781 = arith.constant 16 : index
      %get3A_3782 = tpu.vector_load %arg12[%get3A_3780, %get3A_3781] {strides = array<i32>} : memref<50x32xf32, #tpu.memory_space<vmem>>, vector<1x16xf32>,
      %get3A_3783 = vector.shape_cast %get3A_3782 : vector<1x16xf32> to vector<16xf32>
      %add3A_3784 = arith.addf %add3A_3760, %get3A_3783 : vector<16xf32>
      %get3A_3785 = arith.constant 39 : i32
      %get3A_3786 = arith.index_cast %get3A_3785 : i32 to index
      %get3A_3787 = arith.constant 16 : index
      %get3A_3788 = tpu.vector_load %arg12[%get3A_3786, %get3A_3787] {strides = array<i32>} : memref<50x32xf32, #tpu.memory_space<vmem>>, vector<1x16xf32>,
      %get3A_3789 = vector.shape_cast %get3A_3788 : vector<1x16xf32> to vector<16xf32>
      %add3A_3790 = arith.addf %add3A_3766, %get3A_3789 : vector<16xf32>
      %get3A_3791 = arith.constant 40 : i32
      %get3A_3792 = arith.index_cast %get3A_3791 : i32 to index
      %get3A_3793 = arith.constant 16 : index
      %get3A_3794 = tpu.vector_load %arg12[%get3A_3792, %get3A_3793] {strides = array<i32>} : memref<50x32xf32, #tpu.memory_space<vmem>>, vector<1x16xf32>,
      %get3A_3795 = vector.shape_cast %get3A_3794 : vector<1x16xf32> to vector<16xf32>
      %add3A_3796 = arith.addf %add3A_3772, %get3A_3795 : vector<16xf32>
      %get3A_3797 = arith.constant 41 : i32
      %get3A_3798 = arith.index_cast %get3A_3797 : i32 to index
      %get3A_3799 = arith.constant 16 : index
      %get3A_3800 = tpu.vector_load %arg12[%get3A_3798, %get3A_3799] {strides = array<i32>} : memref<50x32xf32, #tpu.memory_space<vmem>>, vector<1x16xf32>,
      %get3A_3801 = vector.shape_cast %get3A_3800 : vector<1x16xf32> to vector<16xf32>
      %add3A_3802 = arith.addf %add3A_3778, %get3A_3801 : vector<16xf32>
      %get3A_3803 = arith.constant 42 : i32
      %get3A_3804 = arith.index_cast %get3A_3803 : i32 to index
      %get3A_3805 = arith.constant 16 : index
      %get3A_3806 = tpu.vector_load %arg12[%get3A_3804, %get3A_3805] {strides = array<i32>} : memref<50x32xf32, #tpu.memory_space<vmem>>, vector<1x16xf32>,
      %get3A_3807 = vector.shape_cast %get3A_3806 : vector<1x16xf32> to vector<16xf32>
      %add3A_3808 = arith.addf %add3A_3784, %get3A_3807 : vector<16xf32>
      %get3A_3809 = arith.constant 43 : i32
      %get3A_3810 = arith.index_cast %get3A_3809 : i32 to index
      %get3A_3811 = arith.constant 16 : index
      %get3A_3812 = tpu.vector_load %arg12[%get3A_3810, %get3A_3811] {strides = array<i32>} : memref<50x32xf32, #tpu.memory_space<vmem>>, vector<1x16xf32>,
      %get3A_3813 = vector.shape_cast %get3A_3812 : vector<1x16xf32> to vector<16xf32>
      %add3A_3814 = arith.addf %add3A_3790, %get3A_3813 : vector<16xf32>
      %get3A_3815 = arith.constant 44 : i32
      %get3A_3816 = arith.index_cast %get3A_3815 : i32 to index
      %get3A_3817 = arith.constant 16 : index
      %get3A_3818 = tpu.vector_load %arg12[%get3A_3816, %get3A_3817] {strides = array<i32>} : memref<50x32xf32, #tpu.memory_space<vmem>>, vector<1x16xf32>,
      %get3A_3819 = vector.shape_cast %get3A_3818 : vector<1x16xf32> to vector<16xf32>
      %add3A_3820 = arith.addf %add3A_3796, %get3A_3819 : vector<16xf32>
      %get3A_3821 = arith.constant 45 : i32
      %get3A_3822 = arith.index_cast %get3A_3821 : i32 to index
      %get3A_3823 = arith.constant 16 : index
      %get3A_3824 = tpu.vector_load %arg12[%get3A_3822, %get3A_3823] {strides = array<i32>} : memref<50x32xf32, #tpu.memory_space<vmem>>, vector<1x16xf32>,
      %get3A_3825 = vector.shape_cast %get3A_3824 : vector<1x16xf32> to vector<16xf32>
      %add3A_3826 = arith.addf %add3A_3802, %get3A_3825 : vector<16xf32>
      %get3A_3827 = arith.constant 46 : i32
      %get3A_3828 = arith.index_cast %get3A_3827 : i32 to index
      %get3A_3829 = arith.constant 16 : index
      %get3A_3830 = tpu.vector_load %arg12[%get3A_3828, %get3A_3829] {strides = array<i32>} : memref<50x32xf32, #tpu.memory_space<vmem>>, vector<1x16xf32>,
      %get3A_3831 = vector.shape_cast %get3A_3830 : vector<1x16xf32> to vector<16xf32>
      %add3A_3832 = arith.addf %add3A_3808, %get3A_3831 : vector<16xf32>
      %get3A_3833 = arith.constant 47 : i32
      %get3A_3834 = arith.index_cast %get3A_3833 : i32 to index
      %get3A_3835 = arith.constant 16 : index
      %get3A_3836 = tpu.vector_load %arg12[%get3A_3834, %get3A_3835] {strides = array<i32>} : memref<50x32xf32, #tpu.memory_space<vmem>>, vector<1x16xf32>,
      %get3A_3837 = vector.shape_cast %get3A_3836 : vector<1x16xf32> to vector<16xf32>
      %add3A_3838 = arith.addf %add3A_3814, %get3A_3837 : vector<16xf32>
      %get3A_3839 = arith.constant 48 : i32
      %get3A_3840 = arith.index_cast %get3A_3839 : i32 to index
      %get3A_3841 = arith.constant 16 : index
      %get3A_3842 = tpu.vector_load %arg12[%get3A_3840, %get3A_3841] {strides = array<i32>} : memref<50x32xf32, #tpu.memory_space<vmem>>, vector<1x16xf32>,
      %get3A_3843 = vector.shape_cast %get3A_3842 : vector<1x16xf32> to vector<16xf32>
      %add3A_3844 = arith.addf %add3A_3820, %get3A_3843 : vector<16xf32>
      %get3A_3845 = arith.constant 49 : i32
      %get3A_3846 = arith.index_cast %get3A_3845 : i32 to index
      %get3A_3847 = arith.constant 16 : index
      %get3A_3848 = tpu.vector_load %arg12[%get3A_3846, %get3A_3847] {strides = array<i32>} : memref<50x32xf32, #tpu.memory_space<vmem>>, vector<1x16xf32>,
      %get3A_3849 = vector.shape_cast %get3A_3848 : vector<1x16xf32> to vector<16xf32>
      %add3A_3850 = arith.addf %add3A_3826, %get3A_3849 : vector<16xf32>
      %add3A_3851 = arith.addf %add3A_3844, %add3A_3850 : vector<16xf32>
      %add3A_3852 = arith.addf %add3A_3832, %add3A_3838 : vector<16xf32>
      %add3A_3853 = arith.addf %add3A_3851, %add3A_3852 : vector<16xf32>
      %get3A_3854 = arith.constant 16 : index
      %get3A_3855 = tpu.vector_load %arg16[%get3A_3854] {strides = array<i32>} : memref<32xf32, #tpu.memory_space<vmem>>, vector<16xf32>,
      %get3A_3856 = vector.shape_cast %get3A_3855 : vector<16xf32> to vector<16xf32>
      %add3A_3857 = arith.addf %add3A_3853, %get3A_3856 : vector<16xf32>
      %swap3A_3858 = arith.index_cast %add3A_3246 : i32 to index
      %swap3A_3859 = arith.constant 16 : index
      %swap3A_3860 = tpu.vector_load %arg15[%swap3A_3858, %swap3A_3859] {strides = array<i32>} : memref<512x32xf32, #tpu.memory_space<vmem>>, vector<1x16xf32>,
      %swap3A_3861 = vector.shape_cast %swap3A_3860 : vector<1x16xf32> to vector<16xf32>
      %swap3A_3862 = vector.shape_cast %add3A_3857 : vector<16xf32> to vector<1x16xf32>
      tpu.vector_store %arg15[%swap3A_3858, %swap3A_3859], %swap3A_3862 {strides = array<i32>} : memref<512x32xf32, #tpu.memory_space<vmem>>, vector<1x16xf32>,
      %add3A_3863 = arith.constant 5 : i32
      %add3A_3864 = arith.addi %mul3A_67, %add3A_3863 : i32
      %add3A_3865 = arith.constant 8 : i32
      %add3A_3866 = arith.addi %add3A_3864, %add3A_3865 : i32
      %lt3A_3867 = arith.constant 512 : i32
      %lt3A_3868 = arith.cmpi slt, %add3A_3866, %lt3A_3867 : i32
      %convert_element_type3A_3869 = arith.extui %lt3A_3868 : i1 to i32
      %cond3A_3870 = arith.constant 0 : i32
      %cond3A_3871 = arith.cmpi ne, %convert_element_type3A_3869, %cond3A_3870 : i32
      scf.if %cond3A_3871 {
        %add3A_5142 = arith.constant 5 : i32
        %add3A_5143 = arith.addi %mul3A_67, %add3A_5142 : i32
        %add3A_5144 = arith.constant 8 : i32
        %add3A_5145 = arith.addi %add3A_5143, %add3A_5144 : i32
        %dma_start3A_5146 = arith.constant 0 : i32
        %dma_start3A_5147 = tpu.memref_slice %arg6[%add3A_5145, %dma_start3A_5146] : memref<512x50xi32, #tpu.memory_space<vmem>> -> memref<1x50xi32, #tpu.memory_space<vmem>>
        %dma_start3A_5148 = tpu.memref_squeeze %dma_start3A_5147 : memref<1x50xi32, #tpu.memory_space<vmem>> -> memref<50xi32, #tpu.memory_space<vmem>>
        %dma_start3A_5149 = arith.constant 0 : i32
        %dma_start3A_5150 = arith.constant 0 : i32
        %dma_start3A_5151 = tpu.memref_slice %arg3[%dma_start3A_5149, %dma_start3A_5150] : memref<100000x32xf32, #tpu.memory_space<hbm>> -> memref<100000x32xf32, #tpu.memory_space<hbm>>
        tpu.enqueue_indirect_dma source(%dma_start3A_5151 : memref<100000x32xf32, #tpu.memory_space<hbm>>) target(%arg12 : memref<50x32xf32, #tpu.memory_space<vmem>>) offsets(%dma_start3A_5148 : memref<50xi32, #tpu.memory_space<vmem>>) semaphore(%arg22 : memref<!tpu.dma_semaphore, #tpu.memory_space<semaphore_mem>>)
      } else {
      }
      %add3A_3872 = arith.constant 6 : i32
      %add3A_3873 = arith.addi %mul3A_67, %add3A_3872 : i32
      %dma_wait3A_3874 = arith.constant 0 : i32
      %dma_wait3A_3875 = tpu.memref_slice %arg6[%add3A_3873, %dma_wait3A_3874] : memref<512x50xi32, #tpu.memory_space<vmem>> -> memref<1x50xi32, #tpu.memory_space<vmem>>
      %dma_wait3A_3876 = tpu.memref_squeeze %dma_wait3A_3875 : memref<1x50xi32, #tpu.memory_space<vmem>> -> memref<50xi32, #tpu.memory_space<vmem>>
      %dma_wait3A_3877 = arith.constant 0 : i32
      %dma_wait3A_3878 = arith.constant 0 : i32
      %dma_wait3A_3879 = tpu.memref_slice %arg3[%dma_wait3A_3877, %dma_wait3A_3878] : memref<100000x32xf32, #tpu.memory_space<hbm>> -> memref<100000x32xf32, #tpu.memory_space<hbm>>
      tpu.wait_indirect_dma semaphore(%arg23 : memref<!tpu.dma_semaphore, #tpu.memory_space<semaphore_mem>>) src(%dma_wait3A_3879 : memref<100000x32xf32, #tpu.memory_space<hbm>>) dst(%arg13 : memref<50x32xf32, #tpu.memory_space<vmem>>)
      %add3A_3880 = arith.constant 6 : i32
      %add3A_3881 = arith.addi %mul3A_67, %add3A_3880 : i32
      %get3A_3882 = arith.constant 0 : i32
      %get3A_3883 = arith.index_cast %get3A_3882 : i32 to index
      %get3A_3884 = arith.constant 0 : index
      %get3A_3885 = tpu.vector_load %arg13[%get3A_3883, %get3A_3884] {strides = array<i32>} : memref<50x32xf32, #tpu.memory_space<vmem>>, vector<1x16xf32>,
      %get3A_3886 = vector.shape_cast %get3A_3885 : vector<1x16xf32> to vector<16xf32>
      %get3A_3887 = arith.constant 1 : i32
      %get3A_3888 = arith.index_cast %get3A_3887 : i32 to index
      %get3A_3889 = arith.constant 0 : index
      %get3A_3890 = tpu.vector_load %arg13[%get3A_3888, %get3A_3889] {strides = array<i32>} : memref<50x32xf32, #tpu.memory_space<vmem>>, vector<1x16xf32>,
      %get3A_3891 = vector.shape_cast %get3A_3890 : vector<1x16xf32> to vector<16xf32>
      %get3A_3892 = arith.constant 2 : i32
      %get3A_3893 = arith.index_cast %get3A_3892 : i32 to index
      %get3A_3894 = arith.constant 0 : index
      %get3A_3895 = tpu.vector_load %arg13[%get3A_3893, %get3A_3894] {strides = array<i32>} : memref<50x32xf32, #tpu.memory_space<vmem>>, vector<1x16xf32>,
      %get3A_3896 = vector.shape_cast %get3A_3895 : vector<1x16xf32> to vector<16xf32>
      %get3A_3897 = arith.constant 3 : i32
      %get3A_3898 = arith.index_cast %get3A_3897 : i32 to index
      %get3A_3899 = arith.constant 0 : index
      %get3A_3900 = tpu.vector_load %arg13[%get3A_3898, %get3A_3899] {strides = array<i32>} : memref<50x32xf32, #tpu.memory_space<vmem>>, vector<1x16xf32>,
      %get3A_3901 = vector.shape_cast %get3A_3900 : vector<1x16xf32> to vector<16xf32>
      %get3A_3902 = arith.constant 4 : i32
      %get3A_3903 = arith.index_cast %get3A_3902 : i32 to index
      %get3A_3904 = arith.constant 0 : index
      %get3A_3905 = tpu.vector_load %arg13[%get3A_3903, %get3A_3904] {strides = array<i32>} : memref<50x32xf32, #tpu.memory_space<vmem>>, vector<1x16xf32>,
      %get3A_3906 = vector.shape_cast %get3A_3905 : vector<1x16xf32> to vector<16xf32>
      %add3A_3907 = arith.addf %get3A_3886, %get3A_3906 : vector<16xf32>
      %get3A_3908 = arith.constant 5 : i32
      %get3A_3909 = arith.index_cast %get3A_3908 : i32 to index
      %get3A_3910 = arith.constant 0 : index
      %get3A_3911 = tpu.vector_load %arg13[%get3A_3909, %get3A_3910] {strides = array<i32>} : memref<50x32xf32, #tpu.memory_space<vmem>>, vector<1x16xf32>,
      %get3A_3912 = vector.shape_cast %get3A_3911 : vector<1x16xf32> to vector<16xf32>
      %add3A_3913 = arith.addf %get3A_3891, %get3A_3912 : vector<16xf32>
      %get3A_3914 = arith.constant 6 : i32
      %get3A_3915 = arith.index_cast %get3A_3914 : i32 to index
      %get3A_3916 = arith.constant 0 : index
      %get3A_3917 = tpu.vector_load %arg13[%get3A_3915, %get3A_3916] {strides = array<i32>} : memref<50x32xf32, #tpu.memory_space<vmem>>, vector<1x16xf32>,
      %get3A_3918 = vector.shape_cast %get3A_3917 : vector<1x16xf32> to vector<16xf32>
      %add3A_3919 = arith.addf %get3A_3896, %get3A_3918 : vector<16xf32>
      %get3A_3920 = arith.constant 7 : i32
      %get3A_3921 = arith.index_cast %get3A_3920 : i32 to index
      %get3A_3922 = arith.constant 0 : index
      %get3A_3923 = tpu.vector_load %arg13[%get3A_3921, %get3A_3922] {strides = array<i32>} : memref<50x32xf32, #tpu.memory_space<vmem>>, vector<1x16xf32>,
      %get3A_3924 = vector.shape_cast %get3A_3923 : vector<1x16xf32> to vector<16xf32>
      %add3A_3925 = arith.addf %get3A_3901, %get3A_3924 : vector<16xf32>
      %get3A_3926 = arith.constant 8 : i32
      %get3A_3927 = arith.index_cast %get3A_3926 : i32 to index
      %get3A_3928 = arith.constant 0 : index
      %get3A_3929 = tpu.vector_load %arg13[%get3A_3927, %get3A_3928] {strides = array<i32>} : memref<50x32xf32, #tpu.memory_space<vmem>>, vector<1x16xf32>,
      %get3A_3930 = vector.shape_cast %get3A_3929 : vector<1x16xf32> to vector<16xf32>
      %add3A_3931 = arith.addf %add3A_3907, %get3A_3930 : vector<16xf32>
      %get3A_3932 = arith.constant 9 : i32
      %get3A_3933 = arith.index_cast %get3A_3932 : i32 to index
      %get3A_3934 = arith.constant 0 : index
      %get3A_3935 = tpu.vector_load %arg13[%get3A_3933, %get3A_3934] {strides = array<i32>} : memref<50x32xf32, #tpu.memory_space<vmem>>, vector<1x16xf32>,
      %get3A_3936 = vector.shape_cast %get3A_3935 : vector<1x16xf32> to vector<16xf32>
      %add3A_3937 = arith.addf %add3A_3913, %get3A_3936 : vector<16xf32>
      %get3A_3938 = arith.constant 10 : i32
      %get3A_3939 = arith.index_cast %get3A_3938 : i32 to index
      %get3A_3940 = arith.constant 0 : index
      %get3A_3941 = tpu.vector_load %arg13[%get3A_3939, %get3A_3940] {strides = array<i32>} : memref<50x32xf32, #tpu.memory_space<vmem>>, vector<1x16xf32>,
      %get3A_3942 = vector.shape_cast %get3A_3941 : vector<1x16xf32> to vector<16xf32>
      %add3A_3943 = arith.addf %add3A_3919, %get3A_3942 : vector<16xf32>
      %get3A_3944 = arith.constant 11 : i32
      %get3A_3945 = arith.index_cast %get3A_3944 : i32 to index
      %get3A_3946 = arith.constant 0 : index
      %get3A_3947 = tpu.vector_load %arg13[%get3A_3945, %get3A_3946] {strides = array<i32>} : memref<50x32xf32, #tpu.memory_space<vmem>>, vector<1x16xf32>,
      %get3A_3948 = vector.shape_cast %get3A_3947 : vector<1x16xf32> to vector<16xf32>
      %add3A_3949 = arith.addf %add3A_3925, %get3A_3948 : vector<16xf32>
      %get3A_3950 = arith.constant 12 : i32
      %get3A_3951 = arith.index_cast %get3A_3950 : i32 to index
      %get3A_3952 = arith.constant 0 : index
      %get3A_3953 = tpu.vector_load %arg13[%get3A_3951, %get3A_3952] {strides = array<i32>} : memref<50x32xf32, #tpu.memory_space<vmem>>, vector<1x16xf32>,
      %get3A_3954 = vector.shape_cast %get3A_3953 : vector<1x16xf32> to vector<16xf32>
      %add3A_3955 = arith.addf %add3A_3931, %get3A_3954 : vector<16xf32>
      %get3A_3956 = arith.constant 13 : i32
      %get3A_3957 = arith.index_cast %get3A_3956 : i32 to index
      %get3A_3958 = arith.constant 0 : index
      %get3A_3959 = tpu.vector_load %arg13[%get3A_3957, %get3A_3958] {strides = array<i32>} : memref<50x32xf32, #tpu.memory_space<vmem>>, vector<1x16xf32>,
      %get3A_3960 = vector.shape_cast %get3A_3959 : vector<1x16xf32> to vector<16xf32>
      %add3A_3961 = arith.addf %add3A_3937, %get3A_3960 : vector<16xf32>
      %get3A_3962 = arith.constant 14 : i32
      %get3A_3963 = arith.index_cast %get3A_3962 : i32 to index
      %get3A_3964 = arith.constant 0 : index
      %get3A_3965 = tpu.vector_load %arg13[%get3A_3963, %get3A_3964] {strides = array<i32>} : memref<50x32xf32, #tpu.memory_space<vmem>>, vector<1x16xf32>,
      %get3A_3966 = vector.shape_cast %get3A_3965 : vector<1x16xf32> to vector<16xf32>
      %add3A_3967 = arith.addf %add3A_3943, %get3A_3966 : vector<16xf32>
      %get3A_3968 = arith.constant 15 : i32
      %get3A_3969 = arith.index_cast %get3A_3968 : i32 to index
      %get3A_3970 = arith.constant 0 : index
      %get3A_3971 = tpu.vector_load %arg13[%get3A_3969, %get3A_3970] {strides = array<i32>} : memref<50x32xf32, #tpu.memory_space<vmem>>, vector<1x16xf32>,
      %get3A_3972 = vector.shape_cast %get3A_3971 : vector<1x16xf32> to vector<16xf32>
      %add3A_3973 = arith.addf %add3A_3949, %get3A_3972 : vector<16xf32>
      %get3A_3974 = arith.constant 16 : i32
      %get3A_3975 = arith.index_cast %get3A_3974 : i32 to index
      %get3A_3976 = arith.constant 0 : index
      %get3A_3977 = tpu.vector_load %arg13[%get3A_3975, %get3A_3976] {strides = array<i32>} : memref<50x32xf32, #tpu.memory_space<vmem>>, vector<1x16xf32>,
      %get3A_3978 = vector.shape_cast %get3A_3977 : vector<1x16xf32> to vector<16xf32>
      %add3A_3979 = arith.addf %add3A_3955, %get3A_3978 : vector<16xf32>
      %get3A_3980 = arith.constant 17 : i32
      %get3A_3981 = arith.index_cast %get3A_3980 : i32 to index
      %get3A_3982 = arith.constant 0 : index
      %get3A_3983 = tpu.vector_load %arg13[%get3A_3981, %get3A_3982] {strides = array<i32>} : memref<50x32xf32, #tpu.memory_space<vmem>>, vector<1x16xf32>,
      %get3A_3984 = vector.shape_cast %get3A_3983 : vector<1x16xf32> to vector<16xf32>
      %add3A_3985 = arith.addf %add3A_3961, %get3A_3984 : vector<16xf32>
      %get3A_3986 = arith.constant 18 : i32
      %get3A_3987 = arith.index_cast %get3A_3986 : i32 to index
      %get3A_3988 = arith.constant 0 : index
      %get3A_3989 = tpu.vector_load %arg13[%get3A_3987, %get3A_3988] {strides = array<i32>} : memref<50x32xf32, #tpu.memory_space<vmem>>, vector<1x16xf32>,
      %get3A_3990 = vector.shape_cast %get3A_3989 : vector<1x16xf32> to vector<16xf32>
      %add3A_3991 = arith.addf %add3A_3967, %get3A_3990 : vector<16xf32>
      %get3A_3992 = arith.constant 19 : i32
      %get3A_3993 = arith.index_cast %get3A_3992 : i32 to index
      %get3A_3994 = arith.constant 0 : index
      %get3A_3995 = tpu.vector_load %arg13[%get3A_3993, %get3A_3994] {strides = array<i32>} : memref<50x32xf32, #tpu.memory_space<vmem>>, vector<1x16xf32>,
      %get3A_3996 = vector.shape_cast %get3A_3995 : vector<1x16xf32> to vector<16xf32>
      %add3A_3997 = arith.addf %add3A_3973, %get3A_3996 : vector<16xf32>
      %get3A_3998 = arith.constant 20 : i32
      %get3A_3999 = arith.index_cast %get3A_3998 : i32 to index
      %get3A_4000 = arith.constant 0 : index
      %get3A_4001 = tpu.vector_load %arg13[%get3A_3999, %get3A_4000] {strides = array<i32>} : memref<50x32xf32, #tpu.memory_space<vmem>>, vector<1x16xf32>,
      %get3A_4002 = vector.shape_cast %get3A_4001 : vector<1x16xf32> to vector<16xf32>
      %add3A_4003 = arith.addf %add3A_3979, %get3A_4002 : vector<16xf32>
      %get3A_4004 = arith.constant 21 : i32
      %get3A_4005 = arith.index_cast %get3A_4004 : i32 to index
      %get3A_4006 = arith.constant 0 : index
      %get3A_4007 = tpu.vector_load %arg13[%get3A_4005, %get3A_4006] {strides = array<i32>} : memref<50x32xf32, #tpu.memory_space<vmem>>, vector<1x16xf32>,
      %get3A_4008 = vector.shape_cast %get3A_4007 : vector<1x16xf32> to vector<16xf32>
      %add3A_4009 = arith.addf %add3A_3985, %get3A_4008 : vector<16xf32>
      %get3A_4010 = arith.constant 22 : i32
      %get3A_4011 = arith.index_cast %get3A_4010 : i32 to index
      %get3A_4012 = arith.constant 0 : index
      %get3A_4013 = tpu.vector_load %arg13[%get3A_4011, %get3A_4012] {strides = array<i32>} : memref<50x32xf32, #tpu.memory_space<vmem>>, vector<1x16xf32>,
      %get3A_4014 = vector.shape_cast %get3A_4013 : vector<1x16xf32> to vector<16xf32>
      %add3A_4015 = arith.addf %add3A_3991, %get3A_4014 : vector<16xf32>
      %get3A_4016 = arith.constant 23 : i32
      %get3A_4017 = arith.index_cast %get3A_4016 : i32 to index
      %get3A_4018 = arith.constant 0 : index
      %get3A_4019 = tpu.vector_load %arg13[%get3A_4017, %get3A_4018] {strides = array<i32>} : memref<50x32xf32, #tpu.memory_space<vmem>>, vector<1x16xf32>,
      %get3A_4020 = vector.shape_cast %get3A_4019 : vector<1x16xf32> to vector<16xf32>
      %add3A_4021 = arith.addf %add3A_3997, %get3A_4020 : vector<16xf32>
      %get3A_4022 = arith.constant 24 : i32
      %get3A_4023 = arith.index_cast %get3A_4022 : i32 to index
      %get3A_4024 = arith.constant 0 : index
      %get3A_4025 = tpu.vector_load %arg13[%get3A_4023, %get3A_4024] {strides = array<i32>} : memref<50x32xf32, #tpu.memory_space<vmem>>, vector<1x16xf32>,
      %get3A_4026 = vector.shape_cast %get3A_4025 : vector<1x16xf32> to vector<16xf32>
      %add3A_4027 = arith.addf %add3A_4003, %get3A_4026 : vector<16xf32>
      %get3A_4028 = arith.constant 25 : i32
      %get3A_4029 = arith.index_cast %get3A_4028 : i32 to index
      %get3A_4030 = arith.constant 0 : index
      %get3A_4031 = tpu.vector_load %arg13[%get3A_4029, %get3A_4030] {strides = array<i32>} : memref<50x32xf32, #tpu.memory_space<vmem>>, vector<1x16xf32>,
      %get3A_4032 = vector.shape_cast %get3A_4031 : vector<1x16xf32> to vector<16xf32>
      %add3A_4033 = arith.addf %add3A_4009, %get3A_4032 : vector<16xf32>
      %get3A_4034 = arith.constant 26 : i32
      %get3A_4035 = arith.index_cast %get3A_4034 : i32 to index
      %get3A_4036 = arith.constant 0 : index
      %get3A_4037 = tpu.vector_load %arg13[%get3A_4035, %get3A_4036] {strides = array<i32>} : memref<50x32xf32, #tpu.memory_space<vmem>>, vector<1x16xf32>,
      %get3A_4038 = vector.shape_cast %get3A_4037 : vector<1x16xf32> to vector<16xf32>
      %add3A_4039 = arith.addf %add3A_4015, %get3A_4038 : vector<16xf32>
      %get3A_4040 = arith.constant 27 : i32
      %get3A_4041 = arith.index_cast %get3A_4040 : i32 to index
      %get3A_4042 = arith.constant 0 : index
      %get3A_4043 = tpu.vector_load %arg13[%get3A_4041, %get3A_4042] {strides = array<i32>} : memref<50x32xf32, #tpu.memory_space<vmem>>, vector<1x16xf32>,
      %get3A_4044 = vector.shape_cast %get3A_4043 : vector<1x16xf32> to vector<16xf32>
      %add3A_4045 = arith.addf %add3A_4021, %get3A_4044 : vector<16xf32>
      %get3A_4046 = arith.constant 28 : i32
      %get3A_4047 = arith.index_cast %get3A_4046 : i32 to index
      %get3A_4048 = arith.constant 0 : index
      %get3A_4049 = tpu.vector_load %arg13[%get3A_4047, %get3A_4048] {strides = array<i32>} : memref<50x32xf32, #tpu.memory_space<vmem>>, vector<1x16xf32>,
      %get3A_4050 = vector.shape_cast %get3A_4049 : vector<1x16xf32> to vector<16xf32>
      %add3A_4051 = arith.addf %add3A_4027, %get3A_4050 : vector<16xf32>
      %get3A_4052 = arith.constant 29 : i32
      %get3A_4053 = arith.index_cast %get3A_4052 : i32 to index
      %get3A_4054 = arith.constant 0 : index
      %get3A_4055 = tpu.vector_load %arg13[%get3A_4053, %get3A_4054] {strides = array<i32>} : memref<50x32xf32, #tpu.memory_space<vmem>>, vector<1x16xf32>,
      %get3A_4056 = vector.shape_cast %get3A_4055 : vector<1x16xf32> to vector<16xf32>
      %add3A_4057 = arith.addf %add3A_4033, %get3A_4056 : vector<16xf32>
      %get3A_4058 = arith.constant 30 : i32
      %get3A_4059 = arith.index_cast %get3A_4058 : i32 to index
      %get3A_4060 = arith.constant 0 : index
      %get3A_4061 = tpu.vector_load %arg13[%get3A_4059, %get3A_4060] {strides = array<i32>} : memref<50x32xf32, #tpu.memory_space<vmem>>, vector<1x16xf32>,
      %get3A_4062 = vector.shape_cast %get3A_4061 : vector<1x16xf32> to vector<16xf32>
      %add3A_4063 = arith.addf %add3A_4039, %get3A_4062 : vector<16xf32>
      %get3A_4064 = arith.constant 31 : i32
      %get3A_4065 = arith.index_cast %get3A_4064 : i32 to index
      %get3A_4066 = arith.constant 0 : index
      %get3A_4067 = tpu.vector_load %arg13[%get3A_4065, %get3A_4066] {strides = array<i32>} : memref<50x32xf32, #tpu.memory_space<vmem>>, vector<1x16xf32>,
      %get3A_4068 = vector.shape_cast %get3A_4067 : vector<1x16xf32> to vector<16xf32>
      %add3A_4069 = arith.addf %add3A_4045, %get3A_4068 : vector<16xf32>
      %get3A_4070 = arith.constant 32 : i32
      %get3A_4071 = arith.index_cast %get3A_4070 : i32 to index
      %get3A_4072 = arith.constant 0 : index
      %get3A_4073 = tpu.vector_load %arg13[%get3A_4071, %get3A_4072] {strides = array<i32>} : memref<50x32xf32, #tpu.memory_space<vmem>>, vector<1x16xf32>,
      %get3A_4074 = vector.shape_cast %get3A_4073 : vector<1x16xf32> to vector<16xf32>
      %add3A_4075 = arith.addf %add3A_4051, %get3A_4074 : vector<16xf32>
      %get3A_4076 = arith.constant 33 : i32
      %get3A_4077 = arith.index_cast %get3A_4076 : i32 to index
      %get3A_4078 = arith.constant 0 : index
      %get3A_4079 = tpu.vector_load %arg13[%get3A_4077, %get3A_4078] {strides = array<i32>} : memref<50x32xf32, #tpu.memory_space<vmem>>, vector<1x16xf32>,
      %get3A_4080 = vector.shape_cast %get3A_4079 : vector<1x16xf32> to vector<16xf32>
      %add3A_4081 = arith.addf %add3A_4057, %get3A_4080 : vector<16xf32>
      %get3A_4082 = arith.constant 34 : i32
      %get3A_4083 = arith.index_cast %get3A_4082 : i32 to index
      %get3A_4084 = arith.constant 0 : index
      %get3A_4085 = tpu.vector_load %arg13[%get3A_4083, %get3A_4084] {strides = array<i32>} : memref<50x32xf32, #tpu.memory_space<vmem>>, vector<1x16xf32>,
      %get3A_4086 = vector.shape_cast %get3A_4085 : vector<1x16xf32> to vector<16xf32>
      %add3A_4087 = arith.addf %add3A_4063, %get3A_4086 : vector<16xf32>
      %get3A_4088 = arith.constant 35 : i32
      %get3A_4089 = arith.index_cast %get3A_4088 : i32 to index
      %get3A_4090 = arith.constant 0 : index
      %get3A_4091 = tpu.vector_load %arg13[%get3A_4089, %get3A_4090] {strides = array<i32>} : memref<50x32xf32, #tpu.memory_space<vmem>>, vector<1x16xf32>,
      %get3A_4092 = vector.shape_cast %get3A_4091 : vector<1x16xf32> to vector<16xf32>
      %add3A_4093 = arith.addf %add3A_4069, %get3A_4092 : vector<16xf32>
      %get3A_4094 = arith.constant 36 : i32
      %get3A_4095 = arith.index_cast %get3A_4094 : i32 to index
      %get3A_4096 = arith.constant 0 : index
      %get3A_4097 = tpu.vector_load %arg13[%get3A_4095, %get3A_4096] {strides = array<i32>} : memref<50x32xf32, #tpu.memory_space<vmem>>, vector<1x16xf32>,
      %get3A_4098 = vector.shape_cast %get3A_4097 : vector<1x16xf32> to vector<16xf32>
      %add3A_4099 = arith.addf %add3A_4075, %get3A_4098 : vector<16xf32>
      %get3A_4100 = arith.constant 37 : i32
      %get3A_4101 = arith.index_cast %get3A_4100 : i32 to index
      %get3A_4102 = arith.constant 0 : index
      %get3A_4103 = tpu.vector_load %arg13[%get3A_4101, %get3A_4102] {strides = array<i32>} : memref<50x32xf32, #tpu.memory_space<vmem>>, vector<1x16xf32>,
      %get3A_4104 = vector.shape_cast %get3A_4103 : vector<1x16xf32> to vector<16xf32>
      %add3A_4105 = arith.addf %add3A_4081, %get3A_4104 : vector<16xf32>
      %get3A_4106 = arith.constant 38 : i32
      %get3A_4107 = arith.index_cast %get3A_4106 : i32 to index
      %get3A_4108 = arith.constant 0 : index
      %get3A_4109 = tpu.vector_load %arg13[%get3A_4107, %get3A_4108] {strides = array<i32>} : memref<50x32xf32, #tpu.memory_space<vmem>>, vector<1x16xf32>,
      %get3A_4110 = vector.shape_cast %get3A_4109 : vector<1x16xf32> to vector<16xf32>
      %add3A_4111 = arith.addf %add3A_4087, %get3A_4110 : vector<16xf32>
      %get3A_4112 = arith.constant 39 : i32
      %get3A_4113 = arith.index_cast %get3A_4112 : i32 to index
      %get3A_4114 = arith.constant 0 : index
      %get3A_4115 = tpu.vector_load %arg13[%get3A_4113, %get3A_4114] {strides = array<i32>} : memref<50x32xf32, #tpu.memory_space<vmem>>, vector<1x16xf32>,
      %get3A_4116 = vector.shape_cast %get3A_4115 : vector<1x16xf32> to vector<16xf32>
      %add3A_4117 = arith.addf %add3A_4093, %get3A_4116 : vector<16xf32>
      %get3A_4118 = arith.constant 40 : i32
      %get3A_4119 = arith.index_cast %get3A_4118 : i32 to index
      %get3A_4120 = arith.constant 0 : index
      %get3A_4121 = tpu.vector_load %arg13[%get3A_4119, %get3A_4120] {strides = array<i32>} : memref<50x32xf32, #tpu.memory_space<vmem>>, vector<1x16xf32>,
      %get3A_4122 = vector.shape_cast %get3A_4121 : vector<1x16xf32> to vector<16xf32>
      %add3A_4123 = arith.addf %add3A_4099, %get3A_4122 : vector<16xf32>
      %get3A_4124 = arith.constant 41 : i32
      %get3A_4125 = arith.index_cast %get3A_4124 : i32 to index
      %get3A_4126 = arith.constant 0 : index
      %get3A_4127 = tpu.vector_load %arg13[%get3A_4125, %get3A_4126] {strides = array<i32>} : memref<50x32xf32, #tpu.memory_space<vmem>>, vector<1x16xf32>,
      %get3A_4128 = vector.shape_cast %get3A_4127 : vector<1x16xf32> to vector<16xf32>
      %add3A_4129 = arith.addf %add3A_4105, %get3A_4128 : vector<16xf32>
      %get3A_4130 = arith.constant 42 : i32
      %get3A_4131 = arith.index_cast %get3A_4130 : i32 to index
      %get3A_4132 = arith.constant 0 : index
      %get3A_4133 = tpu.vector_load %arg13[%get3A_4131, %get3A_4132] {strides = array<i32>} : memref<50x32xf32, #tpu.memory_space<vmem>>, vector<1x16xf32>,
      %get3A_4134 = vector.shape_cast %get3A_4133 : vector<1x16xf32> to vector<16xf32>
      %add3A_4135 = arith.addf %add3A_4111, %get3A_4134 : vector<16xf32>
      %get3A_4136 = arith.constant 43 : i32
      %get3A_4137 = arith.index_cast %get3A_4136 : i32 to index
      %get3A_4138 = arith.constant 0 : index
      %get3A_4139 = tpu.vector_load %arg13[%get3A_4137, %get3A_4138] {strides = array<i32>} : memref<50x32xf32, #tpu.memory_space<vmem>>, vector<1x16xf32>,
      %get3A_4140 = vector.shape_cast %get3A_4139 : vector<1x16xf32> to vector<16xf32>
      %add3A_4141 = arith.addf %add3A_4117, %get3A_4140 : vector<16xf32>
      %get3A_4142 = arith.constant 44 : i32
      %get3A_4143 = arith.index_cast %get3A_4142 : i32 to index
      %get3A_4144 = arith.constant 0 : index
      %get3A_4145 = tpu.vector_load %arg13[%get3A_4143, %get3A_4144] {strides = array<i32>} : memref<50x32xf32, #tpu.memory_space<vmem>>, vector<1x16xf32>,
      %get3A_4146 = vector.shape_cast %get3A_4145 : vector<1x16xf32> to vector<16xf32>
      %add3A_4147 = arith.addf %add3A_4123, %get3A_4146 : vector<16xf32>
      %get3A_4148 = arith.constant 45 : i32
      %get3A_4149 = arith.index_cast %get3A_4148 : i32 to index
      %get3A_4150 = arith.constant 0 : index
      %get3A_4151 = tpu.vector_load %arg13[%get3A_4149, %get3A_4150] {strides = array<i32>} : memref<50x32xf32, #tpu.memory_space<vmem>>, vector<1x16xf32>,
      %get3A_4152 = vector.shape_cast %get3A_4151 : vector<1x16xf32> to vector<16xf32>
      %add3A_4153 = arith.addf %add3A_4129, %get3A_4152 : vector<16xf32>
      %get3A_4154 = arith.constant 46 : i32
      %get3A_4155 = arith.index_cast %get3A_4154 : i32 to index
      %get3A_4156 = arith.constant 0 : index
      %get3A_4157 = tpu.vector_load %arg13[%get3A_4155, %get3A_4156] {strides = array<i32>} : memref<50x32xf32, #tpu.memory_space<vmem>>, vector<1x16xf32>,
      %get3A_4158 = vector.shape_cast %get3A_4157 : vector<1x16xf32> to vector<16xf32>
      %add3A_4159 = arith.addf %add3A_4135, %get3A_4158 : vector<16xf32>
      %get3A_4160 = arith.constant 47 : i32
      %get3A_4161 = arith.index_cast %get3A_4160 : i32 to index
      %get3A_4162 = arith.constant 0 : index
      %get3A_4163 = tpu.vector_load %arg13[%get3A_4161, %get3A_4162] {strides = array<i32>} : memref<50x32xf32, #tpu.memory_space<vmem>>, vector<1x16xf32>,
      %get3A_4164 = vector.shape_cast %get3A_4163 : vector<1x16xf32> to vector<16xf32>
      %add3A_4165 = arith.addf %add3A_4141, %get3A_4164 : vector<16xf32>
      %get3A_4166 = arith.constant 48 : i32
      %get3A_4167 = arith.index_cast %get3A_4166 : i32 to index
      %get3A_4168 = arith.constant 0 : index
      %get3A_4169 = tpu.vector_load %arg13[%get3A_4167, %get3A_4168] {strides = array<i32>} : memref<50x32xf32, #tpu.memory_space<vmem>>, vector<1x16xf32>,
      %get3A_4170 = vector.shape_cast %get3A_4169 : vector<1x16xf32> to vector<16xf32>
      %add3A_4171 = arith.addf %add3A_4147, %get3A_4170 : vector<16xf32>
      %get3A_4172 = arith.constant 49 : i32
      %get3A_4173 = arith.index_cast %get3A_4172 : i32 to index
      %get3A_4174 = arith.constant 0 : index
      %get3A_4175 = tpu.vector_load %arg13[%get3A_4173, %get3A_4174] {strides = array<i32>} : memref<50x32xf32, #tpu.memory_space<vmem>>, vector<1x16xf32>,
      %get3A_4176 = vector.shape_cast %get3A_4175 : vector<1x16xf32> to vector<16xf32>
      %add3A_4177 = arith.addf %add3A_4153, %get3A_4176 : vector<16xf32>
      %add3A_4178 = arith.addf %add3A_4171, %add3A_4177 : vector<16xf32>
      %add3A_4179 = arith.addf %add3A_4159, %add3A_4165 : vector<16xf32>
      %add3A_4180 = arith.addf %add3A_4178, %add3A_4179 : vector<16xf32>
      %get3A_4181 = arith.constant 0 : index
      %get3A_4182 = tpu.vector_load %arg16[%get3A_4181] {strides = array<i32>} : memref<32xf32, #tpu.memory_space<vmem>>, vector<16xf32>,
      %get3A_4183 = vector.shape_cast %get3A_4182 : vector<16xf32> to vector<16xf32>
      %add3A_4184 = arith.addf %add3A_4180, %get3A_4183 : vector<16xf32>
      %swap3A_4185 = arith.index_cast %add3A_3881 : i32 to index
      %swap3A_4186 = arith.constant 0 : index
      %swap3A_4187 = tpu.vector_load %arg15[%swap3A_4185, %swap3A_4186] {strides = array<i32>} : memref<512x32xf32, #tpu.memory_space<vmem>>, vector<1x16xf32>,
      %swap3A_4188 = vector.shape_cast %swap3A_4187 : vector<1x16xf32> to vector<16xf32>
      %swap3A_4189 = vector.shape_cast %add3A_4184 : vector<16xf32> to vector<1x16xf32>
      tpu.vector_store %arg15[%swap3A_4185, %swap3A_4186], %swap3A_4189 {strides = array<i32>} : memref<512x32xf32, #tpu.memory_space<vmem>>, vector<1x16xf32>,
      %get3A_4190 = arith.constant 0 : i32
      %get3A_4191 = arith.index_cast %get3A_4190 : i32 to index
      %get3A_4192 = arith.constant 16 : index
      %get3A_4193 = tpu.vector_load %arg13[%get3A_4191, %get3A_4192] {strides = array<i32>} : memref<50x32xf32, #tpu.memory_space<vmem>>, vector<1x16xf32>,
      %get3A_4194 = vector.shape_cast %get3A_4193 : vector<1x16xf32> to vector<16xf32>
      %get3A_4195 = arith.constant 1 : i32
      %get3A_4196 = arith.index_cast %get3A_4195 : i32 to index
      %get3A_4197 = arith.constant 16 : index
      %get3A_4198 = tpu.vector_load %arg13[%get3A_4196, %get3A_4197] {strides = array<i32>} : memref<50x32xf32, #tpu.memory_space<vmem>>, vector<1x16xf32>,
      %get3A_4199 = vector.shape_cast %get3A_4198 : vector<1x16xf32> to vector<16xf32>
      %get3A_4200 = arith.constant 2 : i32
      %get3A_4201 = arith.index_cast %get3A_4200 : i32 to index
      %get3A_4202 = arith.constant 16 : index
      %get3A_4203 = tpu.vector_load %arg13[%get3A_4201, %get3A_4202] {strides = array<i32>} : memref<50x32xf32, #tpu.memory_space<vmem>>, vector<1x16xf32>,
      %get3A_4204 = vector.shape_cast %get3A_4203 : vector<1x16xf32> to vector<16xf32>
      %get3A_4205 = arith.constant 3 : i32
      %get3A_4206 = arith.index_cast %get3A_4205 : i32 to index
      %get3A_4207 = arith.constant 16 : index
      %get3A_4208 = tpu.vector_load %arg13[%get3A_4206, %get3A_4207] {strides = array<i32>} : memref<50x32xf32, #tpu.memory_space<vmem>>, vector<1x16xf32>,
      %get3A_4209 = vector.shape_cast %get3A_4208 : vector<1x16xf32> to vector<16xf32>
      %get3A_4210 = arith.constant 4 : i32
      %get3A_4211 = arith.index_cast %get3A_4210 : i32 to index
      %get3A_4212 = arith.constant 16 : index
      %get3A_4213 = tpu.vector_load %arg13[%get3A_4211, %get3A_4212] {strides = array<i32>} : memref<50x32xf32, #tpu.memory_space<vmem>>, vector<1x16xf32>,
      %get3A_4214 = vector.shape_cast %get3A_4213 : vector<1x16xf32> to vector<16xf32>
      %add3A_4215 = arith.addf %get3A_4194, %get3A_4214 : vector<16xf32>
      %get3A_4216 = arith.constant 5 : i32
      %get3A_4217 = arith.index_cast %get3A_4216 : i32 to index
      %get3A_4218 = arith.constant 16 : index
      %get3A_4219 = tpu.vector_load %arg13[%get3A_4217, %get3A_4218] {strides = array<i32>} : memref<50x32xf32, #tpu.memory_space<vmem>>, vector<1x16xf32>,
      %get3A_4220 = vector.shape_cast %get3A_4219 : vector<1x16xf32> to vector<16xf32>
      %add3A_4221 = arith.addf %get3A_4199, %get3A_4220 : vector<16xf32>
      %get3A_4222 = arith.constant 6 : i32
      %get3A_4223 = arith.index_cast %get3A_4222 : i32 to index
      %get3A_4224 = arith.constant 16 : index
      %get3A_4225 = tpu.vector_load %arg13[%get3A_4223, %get3A_4224] {strides = array<i32>} : memref<50x32xf32, #tpu.memory_space<vmem>>, vector<1x16xf32>,
      %get3A_4226 = vector.shape_cast %get3A_4225 : vector<1x16xf32> to vector<16xf32>
      %add3A_4227 = arith.addf %get3A_4204, %get3A_4226 : vector<16xf32>
      %get3A_4228 = arith.constant 7 : i32
      %get3A_4229 = arith.index_cast %get3A_4228 : i32 to index
      %get3A_4230 = arith.constant 16 : index
      %get3A_4231 = tpu.vector_load %arg13[%get3A_4229, %get3A_4230] {strides = array<i32>} : memref<50x32xf32, #tpu.memory_space<vmem>>, vector<1x16xf32>,
      %get3A_4232 = vector.shape_cast %get3A_4231 : vector<1x16xf32> to vector<16xf32>
      %add3A_4233 = arith.addf %get3A_4209, %get3A_4232 : vector<16xf32>
      %get3A_4234 = arith.constant 8 : i32
      %get3A_4235 = arith.index_cast %get3A_4234 : i32 to index
      %get3A_4236 = arith.constant 16 : index
      %get3A_4237 = tpu.vector_load %arg13[%get3A_4235, %get3A_4236] {strides = array<i32>} : memref<50x32xf32, #tpu.memory_space<vmem>>, vector<1x16xf32>,
      %get3A_4238 = vector.shape_cast %get3A_4237 : vector<1x16xf32> to vector<16xf32>
      %add3A_4239 = arith.addf %add3A_4215, %get3A_4238 : vector<16xf32>
      %get3A_4240 = arith.constant 9 : i32
      %get3A_4241 = arith.index_cast %get3A_4240 : i32 to index
      %get3A_4242 = arith.constant 16 : index
      %get3A_4243 = tpu.vector_load %arg13[%get3A_4241, %get3A_4242] {strides = array<i32>} : memref<50x32xf32, #tpu.memory_space<vmem>>, vector<1x16xf32>,
      %get3A_4244 = vector.shape_cast %get3A_4243 : vector<1x16xf32> to vector<16xf32>
      %add3A_4245 = arith.addf %add3A_4221, %get3A_4244 : vector<16xf32>
      %get3A_4246 = arith.constant 10 : i32
      %get3A_4247 = arith.index_cast %get3A_4246 : i32 to index
      %get3A_4248 = arith.constant 16 : index
      %get3A_4249 = tpu.vector_load %arg13[%get3A_4247, %get3A_4248] {strides = array<i32>} : memref<50x32xf32, #tpu.memory_space<vmem>>, vector<1x16xf32>,
      %get3A_4250 = vector.shape_cast %get3A_4249 : vector<1x16xf32> to vector<16xf32>
      %add3A_4251 = arith.addf %add3A_4227, %get3A_4250 : vector<16xf32>
      %get3A_4252 = arith.constant 11 : i32
      %get3A_4253 = arith.index_cast %get3A_4252 : i32 to index
      %get3A_4254 = arith.constant 16 : index
      %get3A_4255 = tpu.vector_load %arg13[%get3A_4253, %get3A_4254] {strides = array<i32>} : memref<50x32xf32, #tpu.memory_space<vmem>>, vector<1x16xf32>,
      %get3A_4256 = vector.shape_cast %get3A_4255 : vector<1x16xf32> to vector<16xf32>
      %add3A_4257 = arith.addf %add3A_4233, %get3A_4256 : vector<16xf32>
      %get3A_4258 = arith.constant 12 : i32
      %get3A_4259 = arith.index_cast %get3A_4258 : i32 to index
      %get3A_4260 = arith.constant 16 : index
      %get3A_4261 = tpu.vector_load %arg13[%get3A_4259, %get3A_4260] {strides = array<i32>} : memref<50x32xf32, #tpu.memory_space<vmem>>, vector<1x16xf32>,
      %get3A_4262 = vector.shape_cast %get3A_4261 : vector<1x16xf32> to vector<16xf32>
      %add3A_4263 = arith.addf %add3A_4239, %get3A_4262 : vector<16xf32>
      %get3A_4264 = arith.constant 13 : i32
      %get3A_4265 = arith.index_cast %get3A_4264 : i32 to index
      %get3A_4266 = arith.constant 16 : index
      %get3A_4267 = tpu.vector_load %arg13[%get3A_4265, %get3A_4266] {strides = array<i32>} : memref<50x32xf32, #tpu.memory_space<vmem>>, vector<1x16xf32>,
      %get3A_4268 = vector.shape_cast %get3A_4267 : vector<1x16xf32> to vector<16xf32>
      %add3A_4269 = arith.addf %add3A_4245, %get3A_4268 : vector<16xf32>
      %get3A_4270 = arith.constant 14 : i32
      %get3A_4271 = arith.index_cast %get3A_4270 : i32 to index
      %get3A_4272 = arith.constant 16 : index
      %get3A_4273 = tpu.vector_load %arg13[%get3A_4271, %get3A_4272] {strides = array<i32>} : memref<50x32xf32, #tpu.memory_space<vmem>>, vector<1x16xf32>,
      %get3A_4274 = vector.shape_cast %get3A_4273 : vector<1x16xf32> to vector<16xf32>
      %add3A_4275 = arith.addf %add3A_4251, %get3A_4274 : vector<16xf32>
      %get3A_4276 = arith.constant 15 : i32
      %get3A_4277 = arith.index_cast %get3A_4276 : i32 to index
      %get3A_4278 = arith.constant 16 : index
      %get3A_4279 = tpu.vector_load %arg13[%get3A_4277, %get3A_4278] {strides = array<i32>} : memref<50x32xf32, #tpu.memory_space<vmem>>, vector<1x16xf32>,
      %get3A_4280 = vector.shape_cast %get3A_4279 : vector<1x16xf32> to vector<16xf32>
      %add3A_4281 = arith.addf %add3A_4257, %get3A_4280 : vector<16xf32>
      %get3A_4282 = arith.constant 16 : i32
      %get3A_4283 = arith.index_cast %get3A_4282 : i32 to index
      %get3A_4284 = arith.constant 16 : index
      %get3A_4285 = tpu.vector_load %arg13[%get3A_4283, %get3A_4284] {strides = array<i32>} : memref<50x32xf32, #tpu.memory_space<vmem>>, vector<1x16xf32>,
      %get3A_4286 = vector.shape_cast %get3A_4285 : vector<1x16xf32> to vector<16xf32>
      %add3A_4287 = arith.addf %add3A_4263, %get3A_4286 : vector<16xf32>
      %get3A_4288 = arith.constant 17 : i32
      %get3A_4289 = arith.index_cast %get3A_4288 : i32 to index
      %get3A_4290 = arith.constant 16 : index
      %get3A_4291 = tpu.vector_load %arg13[%get3A_4289, %get3A_4290] {strides = array<i32>} : memref<50x32xf32, #tpu.memory_space<vmem>>, vector<1x16xf32>,
      %get3A_4292 = vector.shape_cast %get3A_4291 : vector<1x16xf32> to vector<16xf32>
      %add3A_4293 = arith.addf %add3A_4269, %get3A_4292 : vector<16xf32>
      %get3A_4294 = arith.constant 18 : i32
      %get3A_4295 = arith.index_cast %get3A_4294 : i32 to index
      %get3A_4296 = arith.constant 16 : index
      %get3A_4297 = tpu.vector_load %arg13[%get3A_4295, %get3A_4296] {strides = array<i32>} : memref<50x32xf32, #tpu.memory_space<vmem>>, vector<1x16xf32>,
      %get3A_4298 = vector.shape_cast %get3A_4297 : vector<1x16xf32> to vector<16xf32>
      %add3A_4299 = arith.addf %add3A_4275, %get3A_4298 : vector<16xf32>
      %get3A_4300 = arith.constant 19 : i32
      %get3A_4301 = arith.index_cast %get3A_4300 : i32 to index
      %get3A_4302 = arith.constant 16 : index
      %get3A_4303 = tpu.vector_load %arg13[%get3A_4301, %get3A_4302] {strides = array<i32>} : memref<50x32xf32, #tpu.memory_space<vmem>>, vector<1x16xf32>,
      %get3A_4304 = vector.shape_cast %get3A_4303 : vector<1x16xf32> to vector<16xf32>
      %add3A_4305 = arith.addf %add3A_4281, %get3A_4304 : vector<16xf32>
      %get3A_4306 = arith.constant 20 : i32
      %get3A_4307 = arith.index_cast %get3A_4306 : i32 to index
      %get3A_4308 = arith.constant 16 : index
      %get3A_4309 = tpu.vector_load %arg13[%get3A_4307, %get3A_4308] {strides = array<i32>} : memref<50x32xf32, #tpu.memory_space<vmem>>, vector<1x16xf32>,
      %get3A_4310 = vector.shape_cast %get3A_4309 : vector<1x16xf32> to vector<16xf32>
      %add3A_4311 = arith.addf %add3A_4287, %get3A_4310 : vector<16xf32>
      %get3A_4312 = arith.constant 21 : i32
      %get3A_4313 = arith.index_cast %get3A_4312 : i32 to index
      %get3A_4314 = arith.constant 16 : index
      %get3A_4315 = tpu.vector_load %arg13[%get3A_4313, %get3A_4314] {strides = array<i32>} : memref<50x32xf32, #tpu.memory_space<vmem>>, vector<1x16xf32>,
      %get3A_4316 = vector.shape_cast %get3A_4315 : vector<1x16xf32> to vector<16xf32>
      %add3A_4317 = arith.addf %add3A_4293, %get3A_4316 : vector<16xf32>
      %get3A_4318 = arith.constant 22 : i32
      %get3A_4319 = arith.index_cast %get3A_4318 : i32 to index
      %get3A_4320 = arith.constant 16 : index
      %get3A_4321 = tpu.vector_load %arg13[%get3A_4319, %get3A_4320] {strides = array<i32>} : memref<50x32xf32, #tpu.memory_space<vmem>>, vector<1x16xf32>,
      %get3A_4322 = vector.shape_cast %get3A_4321 : vector<1x16xf32> to vector<16xf32>
      %add3A_4323 = arith.addf %add3A_4299, %get3A_4322 : vector<16xf32>
      %get3A_4324 = arith.constant 23 : i32
      %get3A_4325 = arith.index_cast %get3A_4324 : i32 to index
      %get3A_4326 = arith.constant 16 : index
      %get3A_4327 = tpu.vector_load %arg13[%get3A_4325, %get3A_4326] {strides = array<i32>} : memref<50x32xf32, #tpu.memory_space<vmem>>, vector<1x16xf32>,
      %get3A_4328 = vector.shape_cast %get3A_4327 : vector<1x16xf32> to vector<16xf32>
      %add3A_4329 = arith.addf %add3A_4305, %get3A_4328 : vector<16xf32>
      %get3A_4330 = arith.constant 24 : i32
      %get3A_4331 = arith.index_cast %get3A_4330 : i32 to index
      %get3A_4332 = arith.constant 16 : index
      %get3A_4333 = tpu.vector_load %arg13[%get3A_4331, %get3A_4332] {strides = array<i32>} : memref<50x32xf32, #tpu.memory_space<vmem>>, vector<1x16xf32>,
      %get3A_4334 = vector.shape_cast %get3A_4333 : vector<1x16xf32> to vector<16xf32>
      %add3A_4335 = arith.addf %add3A_4311, %get3A_4334 : vector<16xf32>
      %get3A_4336 = arith.constant 25 : i32
      %get3A_4337 = arith.index_cast %get3A_4336 : i32 to index
      %get3A_4338 = arith.constant 16 : index
      %get3A_4339 = tpu.vector_load %arg13[%get3A_4337, %get3A_4338] {strides = array<i32>} : memref<50x32xf32, #tpu.memory_space<vmem>>, vector<1x16xf32>,
      %get3A_4340 = vector.shape_cast %get3A_4339 : vector<1x16xf32> to vector<16xf32>
      %add3A_4341 = arith.addf %add3A_4317, %get3A_4340 : vector<16xf32>
      %get3A_4342 = arith.constant 26 : i32
      %get3A_4343 = arith.index_cast %get3A_4342 : i32 to index
      %get3A_4344 = arith.constant 16 : index
      %get3A_4345 = tpu.vector_load %arg13[%get3A_4343, %get3A_4344] {strides = array<i32>} : memref<50x32xf32, #tpu.memory_space<vmem>>, vector<1x16xf32>,
      %get3A_4346 = vector.shape_cast %get3A_4345 : vector<1x16xf32> to vector<16xf32>
      %add3A_4347 = arith.addf %add3A_4323, %get3A_4346 : vector<16xf32>
      %get3A_4348 = arith.constant 27 : i32
      %get3A_4349 = arith.index_cast %get3A_4348 : i32 to index
      %get3A_4350 = arith.constant 16 : index
      %get3A_4351 = tpu.vector_load %arg13[%get3A_4349, %get3A_4350] {strides = array<i32>} : memref<50x32xf32, #tpu.memory_space<vmem>>, vector<1x16xf32>,
      %get3A_4352 = vector.shape_cast %get3A_4351 : vector<1x16xf32> to vector<16xf32>
      %add3A_4353 = arith.addf %add3A_4329, %get3A_4352 : vector<16xf32>
      %get3A_4354 = arith.constant 28 : i32
      %get3A_4355 = arith.index_cast %get3A_4354 : i32 to index
      %get3A_4356 = arith.constant 16 : index
      %get3A_4357 = tpu.vector_load %arg13[%get3A_4355, %get3A_4356] {strides = array<i32>} : memref<50x32xf32, #tpu.memory_space<vmem>>, vector<1x16xf32>,
      %get3A_4358 = vector.shape_cast %get3A_4357 : vector<1x16xf32> to vector<16xf32>
      %add3A_4359 = arith.addf %add3A_4335, %get3A_4358 : vector<16xf32>
      %get3A_4360 = arith.constant 29 : i32
      %get3A_4361 = arith.index_cast %get3A_4360 : i32 to index
      %get3A_4362 = arith.constant 16 : index
      %get3A_4363 = tpu.vector_load %arg13[%get3A_4361, %get3A_4362] {strides = array<i32>} : memref<50x32xf32, #tpu.memory_space<vmem>>, vector<1x16xf32>,
      %get3A_4364 = vector.shape_cast %get3A_4363 : vector<1x16xf32> to vector<16xf32>
      %add3A_4365 = arith.addf %add3A_4341, %get3A_4364 : vector<16xf32>
      %get3A_4366 = arith.constant 30 : i32
      %get3A_4367 = arith.index_cast %get3A_4366 : i32 to index
      %get3A_4368 = arith.constant 16 : index
      %get3A_4369 = tpu.vector_load %arg13[%get3A_4367, %get3A_4368] {strides = array<i32>} : memref<50x32xf32, #tpu.memory_space<vmem>>, vector<1x16xf32>,
      %get3A_4370 = vector.shape_cast %get3A_4369 : vector<1x16xf32> to vector<16xf32>
      %add3A_4371 = arith.addf %add3A_4347, %get3A_4370 : vector<16xf32>
      %get3A_4372 = arith.constant 31 : i32
      %get3A_4373 = arith.index_cast %get3A_4372 : i32 to index
      %get3A_4374 = arith.constant 16 : index
      %get3A_4375 = tpu.vector_load %arg13[%get3A_4373, %get3A_4374] {strides = array<i32>} : memref<50x32xf32, #tpu.memory_space<vmem>>, vector<1x16xf32>,
      %get3A_4376 = vector.shape_cast %get3A_4375 : vector<1x16xf32> to vector<16xf32>
      %add3A_4377 = arith.addf %add3A_4353, %get3A_4376 : vector<16xf32>
      %get3A_4378 = arith.constant 32 : i32
      %get3A_4379 = arith.index_cast %get3A_4378 : i32 to index
      %get3A_4380 = arith.constant 16 : index
      %get3A_4381 = tpu.vector_load %arg13[%get3A_4379, %get3A_4380] {strides = array<i32>} : memref<50x32xf32, #tpu.memory_space<vmem>>, vector<1x16xf32>,
      %get3A_4382 = vector.shape_cast %get3A_4381 : vector<1x16xf32> to vector<16xf32>
      %add3A_4383 = arith.addf %add3A_4359, %get3A_4382 : vector<16xf32>
      %get3A_4384 = arith.constant 33 : i32
      %get3A_4385 = arith.index_cast %get3A_4384 : i32 to index
      %get3A_4386 = arith.constant 16 : index
      %get3A_4387 = tpu.vector_load %arg13[%get3A_4385, %get3A_4386] {strides = array<i32>} : memref<50x32xf32, #tpu.memory_space<vmem>>, vector<1x16xf32>,
      %get3A_4388 = vector.shape_cast %get3A_4387 : vector<1x16xf32> to vector<16xf32>
      %add3A_4389 = arith.addf %add3A_4365, %get3A_4388 : vector<16xf32>
      %get3A_4390 = arith.constant 34 : i32
      %get3A_4391 = arith.index_cast %get3A_4390 : i32 to index
      %get3A_4392 = arith.constant 16 : index
      %get3A_4393 = tpu.vector_load %arg13[%get3A_4391, %get3A_4392] {strides = array<i32>} : memref<50x32xf32, #tpu.memory_space<vmem>>, vector<1x16xf32>,
      %get3A_4394 = vector.shape_cast %get3A_4393 : vector<1x16xf32> to vector<16xf32>
      %add3A_4395 = arith.addf %add3A_4371, %get3A_4394 : vector<16xf32>
      %get3A_4396 = arith.constant 35 : i32
      %get3A_4397 = arith.index_cast %get3A_4396 : i32 to index
      %get3A_4398 = arith.constant 16 : index
      %get3A_4399 = tpu.vector_load %arg13[%get3A_4397, %get3A_4398] {strides = array<i32>} : memref<50x32xf32, #tpu.memory_space<vmem>>, vector<1x16xf32>,
      %get3A_4400 = vector.shape_cast %get3A_4399 : vector<1x16xf32> to vector<16xf32>
      %add3A_4401 = arith.addf %add3A_4377, %get3A_4400 : vector<16xf32>
      %get3A_4402 = arith.constant 36 : i32
      %get3A_4403 = arith.index_cast %get3A_4402 : i32 to index
      %get3A_4404 = arith.constant 16 : index
      %get3A_4405 = tpu.vector_load %arg13[%get3A_4403, %get3A_4404] {strides = array<i32>} : memref<50x32xf32, #tpu.memory_space<vmem>>, vector<1x16xf32>,
      %get3A_4406 = vector.shape_cast %get3A_4405 : vector<1x16xf32> to vector<16xf32>
      %add3A_4407 = arith.addf %add3A_4383, %get3A_4406 : vector<16xf32>
      %get3A_4408 = arith.constant 37 : i32
      %get3A_4409 = arith.index_cast %get3A_4408 : i32 to index
      %get3A_4410 = arith.constant 16 : index
      %get3A_4411 = tpu.vector_load %arg13[%get3A_4409, %get3A_4410] {strides = array<i32>} : memref<50x32xf32, #tpu.memory_space<vmem>>, vector<1x16xf32>,
      %get3A_4412 = vector.shape_cast %get3A_4411 : vector<1x16xf32> to vector<16xf32>
      %add3A_4413 = arith.addf %add3A_4389, %get3A_4412 : vector<16xf32>
      %get3A_4414 = arith.constant 38 : i32
      %get3A_4415 = arith.index_cast %get3A_4414 : i32 to index
      %get3A_4416 = arith.constant 16 : index
      %get3A_4417 = tpu.vector_load %arg13[%get3A_4415, %get3A_4416] {strides = array<i32>} : memref<50x32xf32, #tpu.memory_space<vmem>>, vector<1x16xf32>,
      %get3A_4418 = vector.shape_cast %get3A_4417 : vector<1x16xf32> to vector<16xf32>
      %add3A_4419 = arith.addf %add3A_4395, %get3A_4418 : vector<16xf32>
      %get3A_4420 = arith.constant 39 : i32
      %get3A_4421 = arith.index_cast %get3A_4420 : i32 to index
      %get3A_4422 = arith.constant 16 : index
      %get3A_4423 = tpu.vector_load %arg13[%get3A_4421, %get3A_4422] {strides = array<i32>} : memref<50x32xf32, #tpu.memory_space<vmem>>, vector<1x16xf32>,
      %get3A_4424 = vector.shape_cast %get3A_4423 : vector<1x16xf32> to vector<16xf32>
      %add3A_4425 = arith.addf %add3A_4401, %get3A_4424 : vector<16xf32>
      %get3A_4426 = arith.constant 40 : i32
      %get3A_4427 = arith.index_cast %get3A_4426 : i32 to index
      %get3A_4428 = arith.constant 16 : index
      %get3A_4429 = tpu.vector_load %arg13[%get3A_4427, %get3A_4428] {strides = array<i32>} : memref<50x32xf32, #tpu.memory_space<vmem>>, vector<1x16xf32>,
      %get3A_4430 = vector.shape_cast %get3A_4429 : vector<1x16xf32> to vector<16xf32>
      %add3A_4431 = arith.addf %add3A_4407, %get3A_4430 : vector<16xf32>
      %get3A_4432 = arith.constant 41 : i32
      %get3A_4433 = arith.index_cast %get3A_4432 : i32 to index
      %get3A_4434 = arith.constant 16 : index
      %get3A_4435 = tpu.vector_load %arg13[%get3A_4433, %get3A_4434] {strides = array<i32>} : memref<50x32xf32, #tpu.memory_space<vmem>>, vector<1x16xf32>,
      %get3A_4436 = vector.shape_cast %get3A_4435 : vector<1x16xf32> to vector<16xf32>
      %add3A_4437 = arith.addf %add3A_4413, %get3A_4436 : vector<16xf32>
      %get3A_4438 = arith.constant 42 : i32
      %get3A_4439 = arith.index_cast %get3A_4438 : i32 to index
      %get3A_4440 = arith.constant 16 : index
      %get3A_4441 = tpu.vector_load %arg13[%get3A_4439, %get3A_4440] {strides = array<i32>} : memref<50x32xf32, #tpu.memory_space<vmem>>, vector<1x16xf32>,
      %get3A_4442 = vector.shape_cast %get3A_4441 : vector<1x16xf32> to vector<16xf32>
      %add3A_4443 = arith.addf %add3A_4419, %get3A_4442 : vector<16xf32>
      %get3A_4444 = arith.constant 43 : i32
      %get3A_4445 = arith.index_cast %get3A_4444 : i32 to index
      %get3A_4446 = arith.constant 16 : index
      %get3A_4447 = tpu.vector_load %arg13[%get3A_4445, %get3A_4446] {strides = array<i32>} : memref<50x32xf32, #tpu.memory_space<vmem>>, vector<1x16xf32>,
      %get3A_4448 = vector.shape_cast %get3A_4447 : vector<1x16xf32> to vector<16xf32>
      %add3A_4449 = arith.addf %add3A_4425, %get3A_4448 : vector<16xf32>
      %get3A_4450 = arith.constant 44 : i32
      %get3A_4451 = arith.index_cast %get3A_4450 : i32 to index
      %get3A_4452 = arith.constant 16 : index
      %get3A_4453 = tpu.vector_load %arg13[%get3A_4451, %get3A_4452] {strides = array<i32>} : memref<50x32xf32, #tpu.memory_space<vmem>>, vector<1x16xf32>,
      %get3A_4454 = vector.shape_cast %get3A_4453 : vector<1x16xf32> to vector<16xf32>
      %add3A_4455 = arith.addf %add3A_4431, %get3A_4454 : vector<16xf32>
      %get3A_4456 = arith.constant 45 : i32
      %get3A_4457 = arith.index_cast %get3A_4456 : i32 to index
      %get3A_4458 = arith.constant 16 : index
      %get3A_4459 = tpu.vector_load %arg13[%get3A_4457, %get3A_4458] {strides = array<i32>} : memref<50x32xf32, #tpu.memory_space<vmem>>, vector<1x16xf32>,
      %get3A_4460 = vector.shape_cast %get3A_4459 : vector<1x16xf32> to vector<16xf32>
      %add3A_4461 = arith.addf %add3A_4437, %get3A_4460 : vector<16xf32>
      %get3A_4462 = arith.constant 46 : i32
      %get3A_4463 = arith.index_cast %get3A_4462 : i32 to index
      %get3A_4464 = arith.constant 16 : index
      %get3A_4465 = tpu.vector_load %arg13[%get3A_4463, %get3A_4464] {strides = array<i32>} : memref<50x32xf32, #tpu.memory_space<vmem>>, vector<1x16xf32>,
      %get3A_4466 = vector.shape_cast %get3A_4465 : vector<1x16xf32> to vector<16xf32>
      %add3A_4467 = arith.addf %add3A_4443, %get3A_4466 : vector<16xf32>
      %get3A_4468 = arith.constant 47 : i32
      %get3A_4469 = arith.index_cast %get3A_4468 : i32 to index
      %get3A_4470 = arith.constant 16 : index
      %get3A_4471 = tpu.vector_load %arg13[%get3A_4469, %get3A_4470] {strides = array<i32>} : memref<50x32xf32, #tpu.memory_space<vmem>>, vector<1x16xf32>,
      %get3A_4472 = vector.shape_cast %get3A_4471 : vector<1x16xf32> to vector<16xf32>
      %add3A_4473 = arith.addf %add3A_4449, %get3A_4472 : vector<16xf32>
      %get3A_4474 = arith.constant 48 : i32
      %get3A_4475 = arith.index_cast %get3A_4474 : i32 to index
      %get3A_4476 = arith.constant 16 : index
      %get3A_4477 = tpu.vector_load %arg13[%get3A_4475, %get3A_4476] {strides = array<i32>} : memref<50x32xf32, #tpu.memory_space<vmem>>, vector<1x16xf32>,
      %get3A_4478 = vector.shape_cast %get3A_4477 : vector<1x16xf32> to vector<16xf32>
      %add3A_4479 = arith.addf %add3A_4455, %get3A_4478 : vector<16xf32>
      %get3A_4480 = arith.constant 49 : i32
      %get3A_4481 = arith.index_cast %get3A_4480 : i32 to index
      %get3A_4482 = arith.constant 16 : index
      %get3A_4483 = tpu.vector_load %arg13[%get3A_4481, %get3A_4482] {strides = array<i32>} : memref<50x32xf32, #tpu.memory_space<vmem>>, vector<1x16xf32>,
      %get3A_4484 = vector.shape_cast %get3A_4483 : vector<1x16xf32> to vector<16xf32>
      %add3A_4485 = arith.addf %add3A_4461, %get3A_4484 : vector<16xf32>
      %add3A_4486 = arith.addf %add3A_4479, %add3A_4485 : vector<16xf32>
      %add3A_4487 = arith.addf %add3A_4467, %add3A_4473 : vector<16xf32>
      %add3A_4488 = arith.addf %add3A_4486, %add3A_4487 : vector<16xf32>
      %get3A_4489 = arith.constant 16 : index
      %get3A_4490 = tpu.vector_load %arg16[%get3A_4489] {strides = array<i32>} : memref<32xf32, #tpu.memory_space<vmem>>, vector<16xf32>,
      %get3A_4491 = vector.shape_cast %get3A_4490 : vector<16xf32> to vector<16xf32>
      %add3A_4492 = arith.addf %add3A_4488, %get3A_4491 : vector<16xf32>
      %swap3A_4493 = arith.index_cast %add3A_3881 : i32 to index
      %swap3A_4494 = arith.constant 16 : index
      %swap3A_4495 = tpu.vector_load %arg15[%swap3A_4493, %swap3A_4494] {strides = array<i32>} : memref<512x32xf32, #tpu.memory_space<vmem>>, vector<1x16xf32>,
      %swap3A_4496 = vector.shape_cast %swap3A_4495 : vector<1x16xf32> to vector<16xf32>
      %swap3A_4497 = vector.shape_cast %add3A_4492 : vector<16xf32> to vector<1x16xf32>
      tpu.vector_store %arg15[%swap3A_4493, %swap3A_4494], %swap3A_4497 {strides = array<i32>} : memref<512x32xf32, #tpu.memory_space<vmem>>, vector<1x16xf32>,
      %add3A_4498 = arith.constant 6 : i32
      %add3A_4499 = arith.addi %mul3A_67, %add3A_4498 : i32
      %add3A_4500 = arith.constant 8 : i32
      %add3A_4501 = arith.addi %add3A_4499, %add3A_4500 : i32
      %lt3A_4502 = arith.constant 512 : i32
      %lt3A_4503 = arith.cmpi slt, %add3A_4501, %lt3A_4502 : i32
      %convert_element_type3A_4504 = arith.extui %lt3A_4503 : i1 to i32
      %cond3A_4505 = arith.constant 0 : i32
      %cond3A_4506 = arith.cmpi ne, %convert_element_type3A_4504, %cond3A_4505 : i32
      scf.if %cond3A_4506 {
        %add3A_5142 = arith.constant 6 : i32
        %add3A_5143 = arith.addi %mul3A_67, %add3A_5142 : i32
        %add3A_5144 = arith.constant 8 : i32
        %add3A_5145 = arith.addi %add3A_5143, %add3A_5144 : i32
        %dma_start3A_5146 = arith.constant 0 : i32
        %dma_start3A_5147 = tpu.memref_slice %arg6[%add3A_5145, %dma_start3A_5146] : memref<512x50xi32, #tpu.memory_space<vmem>> -> memref<1x50xi32, #tpu.memory_space<vmem>>
        %dma_start3A_5148 = tpu.memref_squeeze %dma_start3A_5147 : memref<1x50xi32, #tpu.memory_space<vmem>> -> memref<50xi32, #tpu.memory_space<vmem>>
        %dma_start3A_5149 = arith.constant 0 : i32
        %dma_start3A_5150 = arith.constant 0 : i32
        %dma_start3A_5151 = tpu.memref_slice %arg3[%dma_start3A_5149, %dma_start3A_5150] : memref<100000x32xf32, #tpu.memory_space<hbm>> -> memref<100000x32xf32, #tpu.memory_space<hbm>>
        tpu.enqueue_indirect_dma source(%dma_start3A_5151 : memref<100000x32xf32, #tpu.memory_space<hbm>>) target(%arg13 : memref<50x32xf32, #tpu.memory_space<vmem>>) offsets(%dma_start3A_5148 : memref<50xi32, #tpu.memory_space<vmem>>) semaphore(%arg23 : memref<!tpu.dma_semaphore, #tpu.memory_space<semaphore_mem>>)
      } else {
      }
      %add3A_4507 = arith.constant 7 : i32
      %add3A_4508 = arith.addi %mul3A_67, %add3A_4507 : i32
      %dma_wait3A_4509 = arith.constant 0 : i32
      %dma_wait3A_4510 = tpu.memref_slice %arg6[%add3A_4508, %dma_wait3A_4509] : memref<512x50xi32, #tpu.memory_space<vmem>> -> memref<1x50xi32, #tpu.memory_space<vmem>>
      %dma_wait3A_4511 = tpu.memref_squeeze %dma_wait3A_4510 : memref<1x50xi32, #tpu.memory_space<vmem>> -> memref<50xi32, #tpu.memory_space<vmem>>
      %dma_wait3A_4512 = arith.constant 0 : i32
      %dma_wait3A_4513 = arith.constant 0 : i32
      %dma_wait3A_4514 = tpu.memref_slice %arg3[%dma_wait3A_4512, %dma_wait3A_4513] : memref<100000x32xf32, #tpu.memory_space<hbm>> -> memref<100000x32xf32, #tpu.memory_space<hbm>>
      tpu.wait_indirect_dma semaphore(%arg24 : memref<!tpu.dma_semaphore, #tpu.memory_space<semaphore_mem>>) src(%dma_wait3A_4514 : memref<100000x32xf32, #tpu.memory_space<hbm>>) dst(%arg14 : memref<50x32xf32, #tpu.memory_space<vmem>>)
      %add3A_4515 = arith.constant 7 : i32
      %add3A_4516 = arith.addi %mul3A_67, %add3A_4515 : i32
      %get3A_4517 = arith.constant 0 : i32
      %get3A_4518 = arith.index_cast %get3A_4517 : i32 to index
      %get3A_4519 = arith.constant 0 : index
      %get3A_4520 = tpu.vector_load %arg14[%get3A_4518, %get3A_4519] {strides = array<i32>} : memref<50x32xf32, #tpu.memory_space<vmem>>, vector<1x16xf32>,
      %get3A_4521 = vector.shape_cast %get3A_4520 : vector<1x16xf32> to vector<16xf32>
      %get3A_4522 = arith.constant 1 : i32
      %get3A_4523 = arith.index_cast %get3A_4522 : i32 to index
      %get3A_4524 = arith.constant 0 : index
      %get3A_4525 = tpu.vector_load %arg14[%get3A_4523, %get3A_4524] {strides = array<i32>} : memref<50x32xf32, #tpu.memory_space<vmem>>, vector<1x16xf32>,
      %get3A_4526 = vector.shape_cast %get3A_4525 : vector<1x16xf32> to vector<16xf32>
      %get3A_4527 = arith.constant 2 : i32
      %get3A_4528 = arith.index_cast %get3A_4527 : i32 to index
      %get3A_4529 = arith.constant 0 : index
      %get3A_4530 = tpu.vector_load %arg14[%get3A_4528, %get3A_4529] {strides = array<i32>} : memref<50x32xf32, #tpu.memory_space<vmem>>, vector<1x16xf32>,
      %get3A_4531 = vector.shape_cast %get3A_4530 : vector<1x16xf32> to vector<16xf32>
      %get3A_4532 = arith.constant 3 : i32
      %get3A_4533 = arith.index_cast %get3A_4532 : i32 to index
      %get3A_4534 = arith.constant 0 : index
      %get3A_4535 = tpu.vector_load %arg14[%get3A_4533, %get3A_4534] {strides = array<i32>} : memref<50x32xf32, #tpu.memory_space<vmem>>, vector<1x16xf32>,
      %get3A_4536 = vector.shape_cast %get3A_4535 : vector<1x16xf32> to vector<16xf32>
      %get3A_4537 = arith.constant 4 : i32
      %get3A_4538 = arith.index_cast %get3A_4537 : i32 to index
      %get3A_4539 = arith.constant 0 : index
      %get3A_4540 = tpu.vector_load %arg14[%get3A_4538, %get3A_4539] {strides = array<i32>} : memref<50x32xf32, #tpu.memory_space<vmem>>, vector<1x16xf32>,
      %get3A_4541 = vector.shape_cast %get3A_4540 : vector<1x16xf32> to vector<16xf32>
      %add3A_4542 = arith.addf %get3A_4521, %get3A_4541 : vector<16xf32>
      %get3A_4543 = arith.constant 5 : i32
      %get3A_4544 = arith.index_cast %get3A_4543 : i32 to index
      %get3A_4545 = arith.constant 0 : index
      %get3A_4546 = tpu.vector_load %arg14[%get3A_4544, %get3A_4545] {strides = array<i32>} : memref<50x32xf32, #tpu.memory_space<vmem>>, vector<1x16xf32>,
      %get3A_4547 = vector.shape_cast %get3A_4546 : vector<1x16xf32> to vector<16xf32>
      %add3A_4548 = arith.addf %get3A_4526, %get3A_4547 : vector<16xf32>
      %get3A_4549 = arith.constant 6 : i32
      %get3A_4550 = arith.index_cast %get3A_4549 : i32 to index
      %get3A_4551 = arith.constant 0 : index
      %get3A_4552 = tpu.vector_load %arg14[%get3A_4550, %get3A_4551] {strides = array<i32>} : memref<50x32xf32, #tpu.memory_space<vmem>>, vector<1x16xf32>,
      %get3A_4553 = vector.shape_cast %get3A_4552 : vector<1x16xf32> to vector<16xf32>
      %add3A_4554 = arith.addf %get3A_4531, %get3A_4553 : vector<16xf32>
      %get3A_4555 = arith.constant 7 : i32
      %get3A_4556 = arith.index_cast %get3A_4555 : i32 to index
      %get3A_4557 = arith.constant 0 : index
      %get3A_4558 = tpu.vector_load %arg14[%get3A_4556, %get3A_4557] {strides = array<i32>} : memref<50x32xf32, #tpu.memory_space<vmem>>, vector<1x16xf32>,
      %get3A_4559 = vector.shape_cast %get3A_4558 : vector<1x16xf32> to vector<16xf32>
      %add3A_4560 = arith.addf %get3A_4536, %get3A_4559 : vector<16xf32>
      %get3A_4561 = arith.constant 8 : i32
      %get3A_4562 = arith.index_cast %get3A_4561 : i32 to index
      %get3A_4563 = arith.constant 0 : index
      %get3A_4564 = tpu.vector_load %arg14[%get3A_4562, %get3A_4563] {strides = array<i32>} : memref<50x32xf32, #tpu.memory_space<vmem>>, vector<1x16xf32>,
      %get3A_4565 = vector.shape_cast %get3A_4564 : vector<1x16xf32> to vector<16xf32>
      %add3A_4566 = arith.addf %add3A_4542, %get3A_4565 : vector<16xf32>
      %get3A_4567 = arith.constant 9 : i32
      %get3A_4568 = arith.index_cast %get3A_4567 : i32 to index
      %get3A_4569 = arith.constant 0 : index
      %get3A_4570 = tpu.vector_load %arg14[%get3A_4568, %get3A_4569] {strides = array<i32>} : memref<50x32xf32, #tpu.memory_space<vmem>>, vector<1x16xf32>,
      %get3A_4571 = vector.shape_cast %get3A_4570 : vector<1x16xf32> to vector<16xf32>
      %add3A_4572 = arith.addf %add3A_4548, %get3A_4571 : vector<16xf32>
      %get3A_4573 = arith.constant 10 : i32
      %get3A_4574 = arith.index_cast %get3A_4573 : i32 to index
      %get3A_4575 = arith.constant 0 : index
      %get3A_4576 = tpu.vector_load %arg14[%get3A_4574, %get3A_4575] {strides = array<i32>} : memref<50x32xf32, #tpu.memory_space<vmem>>, vector<1x16xf32>,
      %get3A_4577 = vector.shape_cast %get3A_4576 : vector<1x16xf32> to vector<16xf32>
      %add3A_4578 = arith.addf %add3A_4554, %get3A_4577 : vector<16xf32>
      %get3A_4579 = arith.constant 11 : i32
      %get3A_4580 = arith.index_cast %get3A_4579 : i32 to index
      %get3A_4581 = arith.constant 0 : index
      %get3A_4582 = tpu.vector_load %arg14[%get3A_4580, %get3A_4581] {strides = array<i32>} : memref<50x32xf32, #tpu.memory_space<vmem>>, vector<1x16xf32>,
      %get3A_4583 = vector.shape_cast %get3A_4582 : vector<1x16xf32> to vector<16xf32>
      %add3A_4584 = arith.addf %add3A_4560, %get3A_4583 : vector<16xf32>
      %get3A_4585 = arith.constant 12 : i32
      %get3A_4586 = arith.index_cast %get3A_4585 : i32 to index
      %get3A_4587 = arith.constant 0 : index
      %get3A_4588 = tpu.vector_load %arg14[%get3A_4586, %get3A_4587] {strides = array<i32>} : memref<50x32xf32, #tpu.memory_space<vmem>>, vector<1x16xf32>,
      %get3A_4589 = vector.shape_cast %get3A_4588 : vector<1x16xf32> to vector<16xf32>
      %add3A_4590 = arith.addf %add3A_4566, %get3A_4589 : vector<16xf32>
      %get3A_4591 = arith.constant 13 : i32
      %get3A_4592 = arith.index_cast %get3A_4591 : i32 to index
      %get3A_4593 = arith.constant 0 : index
      %get3A_4594 = tpu.vector_load %arg14[%get3A_4592, %get3A_4593] {strides = array<i32>} : memref<50x32xf32, #tpu.memory_space<vmem>>, vector<1x16xf32>,
      %get3A_4595 = vector.shape_cast %get3A_4594 : vector<1x16xf32> to vector<16xf32>
      %add3A_4596 = arith.addf %add3A_4572, %get3A_4595 : vector<16xf32>
      %get3A_4597 = arith.constant 14 : i32
      %get3A_4598 = arith.index_cast %get3A_4597 : i32 to index
      %get3A_4599 = arith.constant 0 : index
      %get3A_4600 = tpu.vector_load %arg14[%get3A_4598, %get3A_4599] {strides = array<i32>} : memref<50x32xf32, #tpu.memory_space<vmem>>, vector<1x16xf32>,
      %get3A_4601 = vector.shape_cast %get3A_4600 : vector<1x16xf32> to vector<16xf32>
      %add3A_4602 = arith.addf %add3A_4578, %get3A_4601 : vector<16xf32>
      %get3A_4603 = arith.constant 15 : i32
      %get3A_4604 = arith.index_cast %get3A_4603 : i32 to index
      %get3A_4605 = arith.constant 0 : index
      %get3A_4606 = tpu.vector_load %arg14[%get3A_4604, %get3A_4605] {strides = array<i32>} : memref<50x32xf32, #tpu.memory_space<vmem>>, vector<1x16xf32>,
      %get3A_4607 = vector.shape_cast %get3A_4606 : vector<1x16xf32> to vector<16xf32>
      %add3A_4608 = arith.addf %add3A_4584, %get3A_4607 : vector<16xf32>
      %get3A_4609 = arith.constant 16 : i32
      %get3A_4610 = arith.index_cast %get3A_4609 : i32 to index
      %get3A_4611 = arith.constant 0 : index
      %get3A_4612 = tpu.vector_load %arg14[%get3A_4610, %get3A_4611] {strides = array<i32>} : memref<50x32xf32, #tpu.memory_space<vmem>>, vector<1x16xf32>,
      %get3A_4613 = vector.shape_cast %get3A_4612 : vector<1x16xf32> to vector<16xf32>
      %add3A_4614 = arith.addf %add3A_4590, %get3A_4613 : vector<16xf32>
      %get3A_4615 = arith.constant 17 : i32
      %get3A_4616 = arith.index_cast %get3A_4615 : i32 to index
      %get3A_4617 = arith.constant 0 : index
      %get3A_4618 = tpu.vector_load %arg14[%get3A_4616, %get3A_4617] {strides = array<i32>} : memref<50x32xf32, #tpu.memory_space<vmem>>, vector<1x16xf32>,
      %get3A_4619 = vector.shape_cast %get3A_4618 : vector<1x16xf32> to vector<16xf32>
      %add3A_4620 = arith.addf %add3A_4596, %get3A_4619 : vector<16xf32>
      %get3A_4621 = arith.constant 18 : i32
      %get3A_4622 = arith.index_cast %get3A_4621 : i32 to index
      %get3A_4623 = arith.constant 0 : index
      %get3A_4624 = tpu.vector_load %arg14[%get3A_4622, %get3A_4623] {strides = array<i32>} : memref<50x32xf32, #tpu.memory_space<vmem>>, vector<1x16xf32>,
      %get3A_4625 = vector.shape_cast %get3A_4624 : vector<1x16xf32> to vector<16xf32>
      %add3A_4626 = arith.addf %add3A_4602, %get3A_4625 : vector<16xf32>
      %get3A_4627 = arith.constant 19 : i32
      %get3A_4628 = arith.index_cast %get3A_4627 : i32 to index
      %get3A_4629 = arith.constant 0 : index
      %get3A_4630 = tpu.vector_load %arg14[%get3A_4628, %get3A_4629] {strides = array<i32>} : memref<50x32xf32, #tpu.memory_space<vmem>>, vector<1x16xf32>,
      %get3A_4631 = vector.shape_cast %get3A_4630 : vector<1x16xf32> to vector<16xf32>
      %add3A_4632 = arith.addf %add3A_4608, %get3A_4631 : vector<16xf32>
      %get3A_4633 = arith.constant 20 : i32
      %get3A_4634 = arith.index_cast %get3A_4633 : i32 to index
      %get3A_4635 = arith.constant 0 : index
      %get3A_4636 = tpu.vector_load %arg14[%get3A_4634, %get3A_4635] {strides = array<i32>} : memref<50x32xf32, #tpu.memory_space<vmem>>, vector<1x16xf32>,
      %get3A_4637 = vector.shape_cast %get3A_4636 : vector<1x16xf32> to vector<16xf32>
      %add3A_4638 = arith.addf %add3A_4614, %get3A_4637 : vector<16xf32>
      %get3A_4639 = arith.constant 21 : i32
      %get3A_4640 = arith.index_cast %get3A_4639 : i32 to index
      %get3A_4641 = arith.constant 0 : index
      %get3A_4642 = tpu.vector_load %arg14[%get3A_4640, %get3A_4641] {strides = array<i32>} : memref<50x32xf32, #tpu.memory_space<vmem>>, vector<1x16xf32>,
      %get3A_4643 = vector.shape_cast %get3A_4642 : vector<1x16xf32> to vector<16xf32>
      %add3A_4644 = arith.addf %add3A_4620, %get3A_4643 : vector<16xf32>
      %get3A_4645 = arith.constant 22 : i32
      %get3A_4646 = arith.index_cast %get3A_4645 : i32 to index
      %get3A_4647 = arith.constant 0 : index
      %get3A_4648 = tpu.vector_load %arg14[%get3A_4646, %get3A_4647] {strides = array<i32>} : memref<50x32xf32, #tpu.memory_space<vmem>>, vector<1x16xf32>,
      %get3A_4649 = vector.shape_cast %get3A_4648 : vector<1x16xf32> to vector<16xf32>
      %add3A_4650 = arith.addf %add3A_4626, %get3A_4649 : vector<16xf32>
      %get3A_4651 = arith.constant 23 : i32
      %get3A_4652 = arith.index_cast %get3A_4651 : i32 to index
      %get3A_4653 = arith.constant 0 : index
      %get3A_4654 = tpu.vector_load %arg14[%get3A_4652, %get3A_4653] {strides = array<i32>} : memref<50x32xf32, #tpu.memory_space<vmem>>, vector<1x16xf32>,
      %get3A_4655 = vector.shape_cast %get3A_4654 : vector<1x16xf32> to vector<16xf32>
      %add3A_4656 = arith.addf %add3A_4632, %get3A_4655 : vector<16xf32>
      %get3A_4657 = arith.constant 24 : i32
      %get3A_4658 = arith.index_cast %get3A_4657 : i32 to index
      %get3A_4659 = arith.constant 0 : index
      %get3A_4660 = tpu.vector_load %arg14[%get3A_4658, %get3A_4659] {strides = array<i32>} : memref<50x32xf32, #tpu.memory_space<vmem>>, vector<1x16xf32>,
      %get3A_4661 = vector.shape_cast %get3A_4660 : vector<1x16xf32> to vector<16xf32>
      %add3A_4662 = arith.addf %add3A_4638, %get3A_4661 : vector<16xf32>
      %get3A_4663 = arith.constant 25 : i32
      %get3A_4664 = arith.index_cast %get3A_4663 : i32 to index
      %get3A_4665 = arith.constant 0 : index
      %get3A_4666 = tpu.vector_load %arg14[%get3A_4664, %get3A_4665] {strides = array<i32>} : memref<50x32xf32, #tpu.memory_space<vmem>>, vector<1x16xf32>,
      %get3A_4667 = vector.shape_cast %get3A_4666 : vector<1x16xf32> to vector<16xf32>
      %add3A_4668 = arith.addf %add3A_4644, %get3A_4667 : vector<16xf32>
      %get3A_4669 = arith.constant 26 : i32
      %get3A_4670 = arith.index_cast %get3A_4669 : i32 to index
      %get3A_4671 = arith.constant 0 : index
      %get3A_4672 = tpu.vector_load %arg14[%get3A_4670, %get3A_4671] {strides = array<i32>} : memref<50x32xf32, #tpu.memory_space<vmem>>, vector<1x16xf32>,
      %get3A_4673 = vector.shape_cast %get3A_4672 : vector<1x16xf32> to vector<16xf32>
      %add3A_4674 = arith.addf %add3A_4650, %get3A_4673 : vector<16xf32>
      %get3A_4675 = arith.constant 27 : i32
      %get3A_4676 = arith.index_cast %get3A_4675 : i32 to index
      %get3A_4677 = arith.constant 0 : index
      %get3A_4678 = tpu.vector_load %arg14[%get3A_4676, %get3A_4677] {strides = array<i32>} : memref<50x32xf32, #tpu.memory_space<vmem>>, vector<1x16xf32>,
      %get3A_4679 = vector.shape_cast %get3A_4678 : vector<1x16xf32> to vector<16xf32>
      %add3A_4680 = arith.addf %add3A_4656, %get3A_4679 : vector<16xf32>
      %get3A_4681 = arith.constant 28 : i32
      %get3A_4682 = arith.index_cast %get3A_4681 : i32 to index
      %get3A_4683 = arith.constant 0 : index
      %get3A_4684 = tpu.vector_load %arg14[%get3A_4682, %get3A_4683] {strides = array<i32>} : memref<50x32xf32, #tpu.memory_space<vmem>>, vector<1x16xf32>,
      %get3A_4685 = vector.shape_cast %get3A_4684 : vector<1x16xf32> to vector<16xf32>
      %add3A_4686 = arith.addf %add3A_4662, %get3A_4685 : vector<16xf32>
      %get3A_4687 = arith.constant 29 : i32
      %get3A_4688 = arith.index_cast %get3A_4687 : i32 to index
      %get3A_4689 = arith.constant 0 : index
      %get3A_4690 = tpu.vector_load %arg14[%get3A_4688, %get3A_4689] {strides = array<i32>} : memref<50x32xf32, #tpu.memory_space<vmem>>, vector<1x16xf32>,
      %get3A_4691 = vector.shape_cast %get3A_4690 : vector<1x16xf32> to vector<16xf32>
      %add3A_4692 = arith.addf %add3A_4668, %get3A_4691 : vector<16xf32>
      %get3A_4693 = arith.constant 30 : i32
      %get3A_4694 = arith.index_cast %get3A_4693 : i32 to index
      %get3A_4695 = arith.constant 0 : index
      %get3A_4696 = tpu.vector_load %arg14[%get3A_4694, %get3A_4695] {strides = array<i32>} : memref<50x32xf32, #tpu.memory_space<vmem>>, vector<1x16xf32>,
      %get3A_4697 = vector.shape_cast %get3A_4696 : vector<1x16xf32> to vector<16xf32>
      %add3A_4698 = arith.addf %add3A_4674, %get3A_4697 : vector<16xf32>
      %get3A_4699 = arith.constant 31 : i32
      %get3A_4700 = arith.index_cast %get3A_4699 : i32 to index
      %get3A_4701 = arith.constant 0 : index
      %get3A_4702 = tpu.vector_load %arg14[%get3A_4700, %get3A_4701] {strides = array<i32>} : memref<50x32xf32, #tpu.memory_space<vmem>>, vector<1x16xf32>,
      %get3A_4703 = vector.shape_cast %get3A_4702 : vector<1x16xf32> to vector<16xf32>
      %add3A_4704 = arith.addf %add3A_4680, %get3A_4703 : vector<16xf32>
      %get3A_4705 = arith.constant 32 : i32
      %get3A_4706 = arith.index_cast %get3A_4705 : i32 to index
      %get3A_4707 = arith.constant 0 : index
      %get3A_4708 = tpu.vector_load %arg14[%get3A_4706, %get3A_4707] {strides = array<i32>} : memref<50x32xf32, #tpu.memory_space<vmem>>, vector<1x16xf32>,
      %get3A_4709 = vector.shape_cast %get3A_4708 : vector<1x16xf32> to vector<16xf32>
      %add3A_4710 = arith.addf %add3A_4686, %get3A_4709 : vector<16xf32>
      %get3A_4711 = arith.constant 33 : i32
      %get3A_4712 = arith.index_cast %get3A_4711 : i32 to index
      %get3A_4713 = arith.constant 0 : index
      %get3A_4714 = tpu.vector_load %arg14[%get3A_4712, %get3A_4713] {strides = array<i32>} : memref<50x32xf32, #tpu.memory_space<vmem>>, vector<1x16xf32>,
      %get3A_4715 = vector.shape_cast %get3A_4714 : vector<1x16xf32> to vector<16xf32>
      %add3A_4716 = arith.addf %add3A_4692, %get3A_4715 : vector<16xf32>
      %get3A_4717 = arith.constant 34 : i32
      %get3A_4718 = arith.index_cast %get3A_4717 : i32 to index
      %get3A_4719 = arith.constant 0 : index
      %get3A_4720 = tpu.vector_load %arg14[%get3A_4718, %get3A_4719] {strides = array<i32>} : memref<50x32xf32, #tpu.memory_space<vmem>>, vector<1x16xf32>,
      %get3A_4721 = vector.shape_cast %get3A_4720 : vector<1x16xf32> to vector<16xf32>
      %add3A_4722 = arith.addf %add3A_4698, %get3A_4721 : vector<16xf32>
      %get3A_4723 = arith.constant 35 : i32
      %get3A_4724 = arith.index_cast %get3A_4723 : i32 to index
      %get3A_4725 = arith.constant 0 : index
      %get3A_4726 = tpu.vector_load %arg14[%get3A_4724, %get3A_4725] {strides = array<i32>} : memref<50x32xf32, #tpu.memory_space<vmem>>, vector<1x16xf32>,
      %get3A_4727 = vector.shape_cast %get3A_4726 : vector<1x16xf32> to vector<16xf32>
      %add3A_4728 = arith.addf %add3A_4704, %get3A_4727 : vector<16xf32>
      %get3A_4729 = arith.constant 36 : i32
      %get3A_4730 = arith.index_cast %get3A_4729 : i32 to index
      %get3A_4731 = arith.constant 0 : index
      %get3A_4732 = tpu.vector_load %arg14[%get3A_4730, %get3A_4731] {strides = array<i32>} : memref<50x32xf32, #tpu.memory_space<vmem>>, vector<1x16xf32>,
      %get3A_4733 = vector.shape_cast %get3A_4732 : vector<1x16xf32> to vector<16xf32>
      %add3A_4734 = arith.addf %add3A_4710, %get3A_4733 : vector<16xf32>
      %get3A_4735 = arith.constant 37 : i32
      %get3A_4736 = arith.index_cast %get3A_4735 : i32 to index
      %get3A_4737 = arith.constant 0 : index
      %get3A_4738 = tpu.vector_load %arg14[%get3A_4736, %get3A_4737] {strides = array<i32>} : memref<50x32xf32, #tpu.memory_space<vmem>>, vector<1x16xf32>,
      %get3A_4739 = vector.shape_cast %get3A_4738 : vector<1x16xf32> to vector<16xf32>
      %add3A_4740 = arith.addf %add3A_4716, %get3A_4739 : vector<16xf32>
      %get3A_4741 = arith.constant 38 : i32
      %get3A_4742 = arith.index_cast %get3A_4741 : i32 to index
      %get3A_4743 = arith.constant 0 : index
      %get3A_4744 = tpu.vector_load %arg14[%get3A_4742, %get3A_4743] {strides = array<i32>} : memref<50x32xf32, #tpu.memory_space<vmem>>, vector<1x16xf32>,
      %get3A_4745 = vector.shape_cast %get3A_4744 : vector<1x16xf32> to vector<16xf32>
      %add3A_4746 = arith.addf %add3A_4722, %get3A_4745 : vector<16xf32>
      %get3A_4747 = arith.constant 39 : i32
      %get3A_4748 = arith.index_cast %get3A_4747 : i32 to index
      %get3A_4749 = arith.constant 0 : index
      %get3A_4750 = tpu.vector_load %arg14[%get3A_4748, %get3A_4749] {strides = array<i32>} : memref<50x32xf32, #tpu.memory_space<vmem>>, vector<1x16xf32>,
      %get3A_4751 = vector.shape_cast %get3A_4750 : vector<1x16xf32> to vector<16xf32>
      %add3A_4752 = arith.addf %add3A_4728, %get3A_4751 : vector<16xf32>
      %get3A_4753 = arith.constant 40 : i32
      %get3A_4754 = arith.index_cast %get3A_4753 : i32 to index
      %get3A_4755 = arith.constant 0 : index
      %get3A_4756 = tpu.vector_load %arg14[%get3A_4754, %get3A_4755] {strides = array<i32>} : memref<50x32xf32, #tpu.memory_space<vmem>>, vector<1x16xf32>,
      %get3A_4757 = vector.shape_cast %get3A_4756 : vector<1x16xf32> to vector<16xf32>
      %add3A_4758 = arith.addf %add3A_4734, %get3A_4757 : vector<16xf32>
      %get3A_4759 = arith.constant 41 : i32
      %get3A_4760 = arith.index_cast %get3A_4759 : i32 to index
      %get3A_4761 = arith.constant 0 : index
      %get3A_4762 = tpu.vector_load %arg14[%get3A_4760, %get3A_4761] {strides = array<i32>} : memref<50x32xf32, #tpu.memory_space<vmem>>, vector<1x16xf32>,
      %get3A_4763 = vector.shape_cast %get3A_4762 : vector<1x16xf32> to vector<16xf32>
      %add3A_4764 = arith.addf %add3A_4740, %get3A_4763 : vector<16xf32>
      %get3A_4765 = arith.constant 42 : i32
      %get3A_4766 = arith.index_cast %get3A_4765 : i32 to index
      %get3A_4767 = arith.constant 0 : index
      %get3A_4768 = tpu.vector_load %arg14[%get3A_4766, %get3A_4767] {strides = array<i32>} : memref<50x32xf32, #tpu.memory_space<vmem>>, vector<1x16xf32>,
      %get3A_4769 = vector.shape_cast %get3A_4768 : vector<1x16xf32> to vector<16xf32>
      %add3A_4770 = arith.addf %add3A_4746, %get3A_4769 : vector<16xf32>
      %get3A_4771 = arith.constant 43 : i32
      %get3A_4772 = arith.index_cast %get3A_4771 : i32 to index
      %get3A_4773 = arith.constant 0 : index
      %get3A_4774 = tpu.vector_load %arg14[%get3A_4772, %get3A_4773] {strides = array<i32>} : memref<50x32xf32, #tpu.memory_space<vmem>>, vector<1x16xf32>,
      %get3A_4775 = vector.shape_cast %get3A_4774 : vector<1x16xf32> to vector<16xf32>
      %add3A_4776 = arith.addf %add3A_4752, %get3A_4775 : vector<16xf32>
      %get3A_4777 = arith.constant 44 : i32
      %get3A_4778 = arith.index_cast %get3A_4777 : i32 to index
      %get3A_4779 = arith.constant 0 : index
      %get3A_4780 = tpu.vector_load %arg14[%get3A_4778, %get3A_4779] {strides = array<i32>} : memref<50x32xf32, #tpu.memory_space<vmem>>, vector<1x16xf32>,
      %get3A_4781 = vector.shape_cast %get3A_4780 : vector<1x16xf32> to vector<16xf32>
      %add3A_4782 = arith.addf %add3A_4758, %get3A_4781 : vector<16xf32>
      %get3A_4783 = arith.constant 45 : i32
      %get3A_4784 = arith.index_cast %get3A_4783 : i32 to index
      %get3A_4785 = arith.constant 0 : index
      %get3A_4786 = tpu.vector_load %arg14[%get3A_4784, %get3A_4785] {strides = array<i32>} : memref<50x32xf32, #tpu.memory_space<vmem>>, vector<1x16xf32>,
      %get3A_4787 = vector.shape_cast %get3A_4786 : vector<1x16xf32> to vector<16xf32>
      %add3A_4788 = arith.addf %add3A_4764, %get3A_4787 : vector<16xf32>
      %get3A_4789 = arith.constant 46 : i32
      %get3A_4790 = arith.index_cast %get3A_4789 : i32 to index
      %get3A_4791 = arith.constant 0 : index
      %get3A_4792 = tpu.vector_load %arg14[%get3A_4790, %get3A_4791] {strides = array<i32>} : memref<50x32xf32, #tpu.memory_space<vmem>>, vector<1x16xf32>,
      %get3A_4793 = vector.shape_cast %get3A_4792 : vector<1x16xf32> to vector<16xf32>
      %add3A_4794 = arith.addf %add3A_4770, %get3A_4793 : vector<16xf32>
      %get3A_4795 = arith.constant 47 : i32
      %get3A_4796 = arith.index_cast %get3A_4795 : i32 to index
      %get3A_4797 = arith.constant 0 : index
      %get3A_4798 = tpu.vector_load %arg14[%get3A_4796, %get3A_4797] {strides = array<i32>} : memref<50x32xf32, #tpu.memory_space<vmem>>, vector<1x16xf32>,
      %get3A_4799 = vector.shape_cast %get3A_4798 : vector<1x16xf32> to vector<16xf32>
      %add3A_4800 = arith.addf %add3A_4776, %get3A_4799 : vector<16xf32>
      %get3A_4801 = arith.constant 48 : i32
      %get3A_4802 = arith.index_cast %get3A_4801 : i32 to index
      %get3A_4803 = arith.constant 0 : index
      %get3A_4804 = tpu.vector_load %arg14[%get3A_4802, %get3A_4803] {strides = array<i32>} : memref<50x32xf32, #tpu.memory_space<vmem>>, vector<1x16xf32>,
      %get3A_4805 = vector.shape_cast %get3A_4804 : vector<1x16xf32> to vector<16xf32>
      %add3A_4806 = arith.addf %add3A_4782, %get3A_4805 : vector<16xf32>
      %get3A_4807 = arith.constant 49 : i32
      %get3A_4808 = arith.index_cast %get3A_4807 : i32 to index
      %get3A_4809 = arith.constant 0 : index
      %get3A_4810 = tpu.vector_load %arg14[%get3A_4808, %get3A_4809] {strides = array<i32>} : memref<50x32xf32, #tpu.memory_space<vmem>>, vector<1x16xf32>,
      %get3A_4811 = vector.shape_cast %get3A_4810 : vector<1x16xf32> to vector<16xf32>
      %add3A_4812 = arith.addf %add3A_4788, %get3A_4811 : vector<16xf32>
      %add3A_4813 = arith.addf %add3A_4806, %add3A_4812 : vector<16xf32>
      %add3A_4814 = arith.addf %add3A_4794, %add3A_4800 : vector<16xf32>
      %add3A_4815 = arith.addf %add3A_4813, %add3A_4814 : vector<16xf32>
      %get3A_4816 = arith.constant 0 : index
      %get3A_4817 = tpu.vector_load %arg16[%get3A_4816] {strides = array<i32>} : memref<32xf32, #tpu.memory_space<vmem>>, vector<16xf32>,
      %get3A_4818 = vector.shape_cast %get3A_4817 : vector<16xf32> to vector<16xf32>
      %add3A_4819 = arith.addf %add3A_4815, %get3A_4818 : vector<16xf32>
      %swap3A_4820 = arith.index_cast %add3A_4516 : i32 to index
      %swap3A_4821 = arith.constant 0 : index
      %swap3A_4822 = tpu.vector_load %arg15[%swap3A_4820, %swap3A_4821] {strides = array<i32>} : memref<512x32xf32, #tpu.memory_space<vmem>>, vector<1x16xf32>,
      %swap3A_4823 = vector.shape_cast %swap3A_4822 : vector<1x16xf32> to vector<16xf32>
      %swap3A_4824 = vector.shape_cast %add3A_4819 : vector<16xf32> to vector<1x16xf32>
      tpu.vector_store %arg15[%swap3A_4820, %swap3A_4821], %swap3A_4824 {strides = array<i32>} : memref<512x32xf32, #tpu.memory_space<vmem>>, vector<1x16xf32>,
      %get3A_4825 = arith.constant 0 : i32
      %get3A_4826 = arith.index_cast %get3A_4825 : i32 to index
      %get3A_4827 = arith.constant 16 : index
      %get3A_4828 = tpu.vector_load %arg14[%get3A_4826, %get3A_4827] {strides = array<i32>} : memref<50x32xf32, #tpu.memory_space<vmem>>, vector<1x16xf32>,
      %get3A_4829 = vector.shape_cast %get3A_4828 : vector<1x16xf32> to vector<16xf32>
      %get3A_4830 = arith.constant 1 : i32
      %get3A_4831 = arith.index_cast %get3A_4830 : i32 to index
      %get3A_4832 = arith.constant 16 : index
      %get3A_4833 = tpu.vector_load %arg14[%get3A_4831, %get3A_4832] {strides = array<i32>} : memref<50x32xf32, #tpu.memory_space<vmem>>, vector<1x16xf32>,
      %get3A_4834 = vector.shape_cast %get3A_4833 : vector<1x16xf32> to vector<16xf32>
      %get3A_4835 = arith.constant 2 : i32
      %get3A_4836 = arith.index_cast %get3A_4835 : i32 to index
      %get3A_4837 = arith.constant 16 : index
      %get3A_4838 = tpu.vector_load %arg14[%get3A_4836, %get3A_4837] {strides = array<i32>} : memref<50x32xf32, #tpu.memory_space<vmem>>, vector<1x16xf32>,
      %get3A_4839 = vector.shape_cast %get3A_4838 : vector<1x16xf32> to vector<16xf32>
      %get3A_4840 = arith.constant 3 : i32
      %get3A_4841 = arith.index_cast %get3A_4840 : i32 to index
      %get3A_4842 = arith.constant 16 : index
      %get3A_4843 = tpu.vector_load %arg14[%get3A_4841, %get3A_4842] {strides = array<i32>} : memref<50x32xf32, #tpu.memory_space<vmem>>, vector<1x16xf32>,
      %get3A_4844 = vector.shape_cast %get3A_4843 : vector<1x16xf32> to vector<16xf32>
      %get3A_4845 = arith.constant 4 : i32
      %get3A_4846 = arith.index_cast %get3A_4845 : i32 to index
      %get3A_4847 = arith.constant 16 : index
      %get3A_4848 = tpu.vector_load %arg14[%get3A_4846, %get3A_4847] {strides = array<i32>} : memref<50x32xf32, #tpu.memory_space<vmem>>, vector<1x16xf32>,
      %get3A_4849 = vector.shape_cast %get3A_4848 : vector<1x16xf32> to vector<16xf32>
      %add3A_4850 = arith.addf %get3A_4829, %get3A_4849 : vector<16xf32>
      %get3A_4851 = arith.constant 5 : i32
      %get3A_4852 = arith.index_cast %get3A_4851 : i32 to index
      %get3A_4853 = arith.constant 16 : index
      %get3A_4854 = tpu.vector_load %arg14[%get3A_4852, %get3A_4853] {strides = array<i32>} : memref<50x32xf32, #tpu.memory_space<vmem>>, vector<1x16xf32>,
      %get3A_4855 = vector.shape_cast %get3A_4854 : vector<1x16xf32> to vector<16xf32>
      %add3A_4856 = arith.addf %get3A_4834, %get3A_4855 : vector<16xf32>
      %get3A_4857 = arith.constant 6 : i32
      %get3A_4858 = arith.index_cast %get3A_4857 : i32 to index
      %get3A_4859 = arith.constant 16 : index
      %get3A_4860 = tpu.vector_load %arg14[%get3A_4858, %get3A_4859] {strides = array<i32>} : memref<50x32xf32, #tpu.memory_space<vmem>>, vector<1x16xf32>,
      %get3A_4861 = vector.shape_cast %get3A_4860 : vector<1x16xf32> to vector<16xf32>
      %add3A_4862 = arith.addf %get3A_4839, %get3A_4861 : vector<16xf32>
      %get3A_4863 = arith.constant 7 : i32
      %get3A_4864 = arith.index_cast %get3A_4863 : i32 to index
      %get3A_4865 = arith.constant 16 : index
      %get3A_4866 = tpu.vector_load %arg14[%get3A_4864, %get3A_4865] {strides = array<i32>} : memref<50x32xf32, #tpu.memory_space<vmem>>, vector<1x16xf32>,
      %get3A_4867 = vector.shape_cast %get3A_4866 : vector<1x16xf32> to vector<16xf32>
      %add3A_4868 = arith.addf %get3A_4844, %get3A_4867 : vector<16xf32>
      %get3A_4869 = arith.constant 8 : i32
      %get3A_4870 = arith.index_cast %get3A_4869 : i32 to index
      %get3A_4871 = arith.constant 16 : index
      %get3A_4872 = tpu.vector_load %arg14[%get3A_4870, %get3A_4871] {strides = array<i32>} : memref<50x32xf32, #tpu.memory_space<vmem>>, vector<1x16xf32>,
      %get3A_4873 = vector.shape_cast %get3A_4872 : vector<1x16xf32> to vector<16xf32>
      %add3A_4874 = arith.addf %add3A_4850, %get3A_4873 : vector<16xf32>
      %get3A_4875 = arith.constant 9 : i32
      %get3A_4876 = arith.index_cast %get3A_4875 : i32 to index
      %get3A_4877 = arith.constant 16 : index
      %get3A_4878 = tpu.vector_load %arg14[%get3A_4876, %get3A_4877] {strides = array<i32>} : memref<50x32xf32, #tpu.memory_space<vmem>>, vector<1x16xf32>,
      %get3A_4879 = vector.shape_cast %get3A_4878 : vector<1x16xf32> to vector<16xf32>
      %add3A_4880 = arith.addf %add3A_4856, %get3A_4879 : vector<16xf32>
      %get3A_4881 = arith.constant 10 : i32
      %get3A_4882 = arith.index_cast %get3A_4881 : i32 to index
      %get3A_4883 = arith.constant 16 : index
      %get3A_4884 = tpu.vector_load %arg14[%get3A_4882, %get3A_4883] {strides = array<i32>} : memref<50x32xf32, #tpu.memory_space<vmem>>, vector<1x16xf32>,
      %get3A_4885 = vector.shape_cast %get3A_4884 : vector<1x16xf32> to vector<16xf32>
      %add3A_4886 = arith.addf %add3A_4862, %get3A_4885 : vector<16xf32>
      %get3A_4887 = arith.constant 11 : i32
      %get3A_4888 = arith.index_cast %get3A_4887 : i32 to index
      %get3A_4889 = arith.constant 16 : index
      %get3A_4890 = tpu.vector_load %arg14[%get3A_4888, %get3A_4889] {strides = array<i32>} : memref<50x32xf32, #tpu.memory_space<vmem>>, vector<1x16xf32>,
      %get3A_4891 = vector.shape_cast %get3A_4890 : vector<1x16xf32> to vector<16xf32>
      %add3A_4892 = arith.addf %add3A_4868, %get3A_4891 : vector<16xf32>
      %get3A_4893 = arith.constant 12 : i32
      %get3A_4894 = arith.index_cast %get3A_4893 : i32 to index
      %get3A_4895 = arith.constant 16 : index
      %get3A_4896 = tpu.vector_load %arg14[%get3A_4894, %get3A_4895] {strides = array<i32>} : memref<50x32xf32, #tpu.memory_space<vmem>>, vector<1x16xf32>,
      %get3A_4897 = vector.shape_cast %get3A_4896 : vector<1x16xf32> to vector<16xf32>
      %add3A_4898 = arith.addf %add3A_4874, %get3A_4897 : vector<16xf32>
      %get3A_4899 = arith.constant 13 : i32
      %get3A_4900 = arith.index_cast %get3A_4899 : i32 to index
      %get3A_4901 = arith.constant 16 : index
      %get3A_4902 = tpu.vector_load %arg14[%get3A_4900, %get3A_4901] {strides = array<i32>} : memref<50x32xf32, #tpu.memory_space<vmem>>, vector<1x16xf32>,
      %get3A_4903 = vector.shape_cast %get3A_4902 : vector<1x16xf32> to vector<16xf32>
      %add3A_4904 = arith.addf %add3A_4880, %get3A_4903 : vector<16xf32>
      %get3A_4905 = arith.constant 14 : i32
      %get3A_4906 = arith.index_cast %get3A_4905 : i32 to index
      %get3A_4907 = arith.constant 16 : index
      %get3A_4908 = tpu.vector_load %arg14[%get3A_4906, %get3A_4907] {strides = array<i32>} : memref<50x32xf32, #tpu.memory_space<vmem>>, vector<1x16xf32>,
      %get3A_4909 = vector.shape_cast %get3A_4908 : vector<1x16xf32> to vector<16xf32>
      %add3A_4910 = arith.addf %add3A_4886, %get3A_4909 : vector<16xf32>
      %get3A_4911 = arith.constant 15 : i32
      %get3A_4912 = arith.index_cast %get3A_4911 : i32 to index
      %get3A_4913 = arith.constant 16 : index
      %get3A_4914 = tpu.vector_load %arg14[%get3A_4912, %get3A_4913] {strides = array<i32>} : memref<50x32xf32, #tpu.memory_space<vmem>>, vector<1x16xf32>,
      %get3A_4915 = vector.shape_cast %get3A_4914 : vector<1x16xf32> to vector<16xf32>
      %add3A_4916 = arith.addf %add3A_4892, %get3A_4915 : vector<16xf32>
      %get3A_4917 = arith.constant 16 : i32
      %get3A_4918 = arith.index_cast %get3A_4917 : i32 to index
      %get3A_4919 = arith.constant 16 : index
      %get3A_4920 = tpu.vector_load %arg14[%get3A_4918, %get3A_4919] {strides = array<i32>} : memref<50x32xf32, #tpu.memory_space<vmem>>, vector<1x16xf32>,
      %get3A_4921 = vector.shape_cast %get3A_4920 : vector<1x16xf32> to vector<16xf32>
      %add3A_4922 = arith.addf %add3A_4898, %get3A_4921 : vector<16xf32>
      %get3A_4923 = arith.constant 17 : i32
      %get3A_4924 = arith.index_cast %get3A_4923 : i32 to index
      %get3A_4925 = arith.constant 16 : index
      %get3A_4926 = tpu.vector_load %arg14[%get3A_4924, %get3A_4925] {strides = array<i32>} : memref<50x32xf32, #tpu.memory_space<vmem>>, vector<1x16xf32>,
      %get3A_4927 = vector.shape_cast %get3A_4926 : vector<1x16xf32> to vector<16xf32>
      %add3A_4928 = arith.addf %add3A_4904, %get3A_4927 : vector<16xf32>
      %get3A_4929 = arith.constant 18 : i32
      %get3A_4930 = arith.index_cast %get3A_4929 : i32 to index
      %get3A_4931 = arith.constant 16 : index
      %get3A_4932 = tpu.vector_load %arg14[%get3A_4930, %get3A_4931] {strides = array<i32>} : memref<50x32xf32, #tpu.memory_space<vmem>>, vector<1x16xf32>,
      %get3A_4933 = vector.shape_cast %get3A_4932 : vector<1x16xf32> to vector<16xf32>
      %add3A_4934 = arith.addf %add3A_4910, %get3A_4933 : vector<16xf32>
      %get3A_4935 = arith.constant 19 : i32
      %get3A_4936 = arith.index_cast %get3A_4935 : i32 to index
      %get3A_4937 = arith.constant 16 : index
      %get3A_4938 = tpu.vector_load %arg14[%get3A_4936, %get3A_4937] {strides = array<i32>} : memref<50x32xf32, #tpu.memory_space<vmem>>, vector<1x16xf32>,
      %get3A_4939 = vector.shape_cast %get3A_4938 : vector<1x16xf32> to vector<16xf32>
      %add3A_4940 = arith.addf %add3A_4916, %get3A_4939 : vector<16xf32>
      %get3A_4941 = arith.constant 20 : i32
      %get3A_4942 = arith.index_cast %get3A_4941 : i32 to index
      %get3A_4943 = arith.constant 16 : index
      %get3A_4944 = tpu.vector_load %arg14[%get3A_4942, %get3A_4943] {strides = array<i32>} : memref<50x32xf32, #tpu.memory_space<vmem>>, vector<1x16xf32>,
      %get3A_4945 = vector.shape_cast %get3A_4944 : vector<1x16xf32> to vector<16xf32>
      %add3A_4946 = arith.addf %add3A_4922, %get3A_4945 : vector<16xf32>
      %get3A_4947 = arith.constant 21 : i32
      %get3A_4948 = arith.index_cast %get3A_4947 : i32 to index
      %get3A_4949 = arith.constant 16 : index
      %get3A_4950 = tpu.vector_load %arg14[%get3A_4948, %get3A_4949] {strides = array<i32>} : memref<50x32xf32, #tpu.memory_space<vmem>>, vector<1x16xf32>,
      %get3A_4951 = vector.shape_cast %get3A_4950 : vector<1x16xf32> to vector<16xf32>
      %add3A_4952 = arith.addf %add3A_4928, %get3A_4951 : vector<16xf32>
      %get3A_4953 = arith.constant 22 : i32
      %get3A_4954 = arith.index_cast %get3A_4953 : i32 to index
      %get3A_4955 = arith.constant 16 : index
      %get3A_4956 = tpu.vector_load %arg14[%get3A_4954, %get3A_4955] {strides = array<i32>} : memref<50x32xf32, #tpu.memory_space<vmem>>, vector<1x16xf32>,
      %get3A_4957 = vector.shape_cast %get3A_4956 : vector<1x16xf32> to vector<16xf32>
      %add3A_4958 = arith.addf %add3A_4934, %get3A_4957 : vector<16xf32>
      %get3A_4959 = arith.constant 23 : i32
      %get3A_4960 = arith.index_cast %get3A_4959 : i32 to index
      %get3A_4961 = arith.constant 16 : index
      %get3A_4962 = tpu.vector_load %arg14[%get3A_4960, %get3A_4961] {strides = array<i32>} : memref<50x32xf32, #tpu.memory_space<vmem>>, vector<1x16xf32>,
      %get3A_4963 = vector.shape_cast %get3A_4962 : vector<1x16xf32> to vector<16xf32>
      %add3A_4964 = arith.addf %add3A_4940, %get3A_4963 : vector<16xf32>
      %get3A_4965 = arith.constant 24 : i32
      %get3A_4966 = arith.index_cast %get3A_4965 : i32 to index
      %get3A_4967 = arith.constant 16 : index
      %get3A_4968 = tpu.vector_load %arg14[%get3A_4966, %get3A_4967] {strides = array<i32>} : memref<50x32xf32, #tpu.memory_space<vmem>>, vector<1x16xf32>,
      %get3A_4969 = vector.shape_cast %get3A_4968 : vector<1x16xf32> to vector<16xf32>
      %add3A_4970 = arith.addf %add3A_4946, %get3A_4969 : vector<16xf32>
      %get3A_4971 = arith.constant 25 : i32
      %get3A_4972 = arith.index_cast %get3A_4971 : i32 to index
      %get3A_4973 = arith.constant 16 : index
      %get3A_4974 = tpu.vector_load %arg14[%get3A_4972, %get3A_4973] {strides = array<i32>} : memref<50x32xf32, #tpu.memory_space<vmem>>, vector<1x16xf32>,
      %get3A_4975 = vector.shape_cast %get3A_4974 : vector<1x16xf32> to vector<16xf32>
      %add3A_4976 = arith.addf %add3A_4952, %get3A_4975 : vector<16xf32>
      %get3A_4977 = arith.constant 26 : i32
      %get3A_4978 = arith.index_cast %get3A_4977 : i32 to index
      %get3A_4979 = arith.constant 16 : index
      %get3A_4980 = tpu.vector_load %arg14[%get3A_4978, %get3A_4979] {strides = array<i32>} : memref<50x32xf32, #tpu.memory_space<vmem>>, vector<1x16xf32>,
      %get3A_4981 = vector.shape_cast %get3A_4980 : vector<1x16xf32> to vector<16xf32>
      %add3A_4982 = arith.addf %add3A_4958, %get3A_4981 : vector<16xf32>
      %get3A_4983 = arith.constant 27 : i32
      %get3A_4984 = arith.index_cast %get3A_4983 : i32 to index
      %get3A_4985 = arith.constant 16 : index
      %get3A_4986 = tpu.vector_load %arg14[%get3A_4984, %get3A_4985] {strides = array<i32>} : memref<50x32xf32, #tpu.memory_space<vmem>>, vector<1x16xf32>,
      %get3A_4987 = vector.shape_cast %get3A_4986 : vector<1x16xf32> to vector<16xf32>
      %add3A_4988 = arith.addf %add3A_4964, %get3A_4987 : vector<16xf32>
      %get3A_4989 = arith.constant 28 : i32
      %get3A_4990 = arith.index_cast %get3A_4989 : i32 to index
      %get3A_4991 = arith.constant 16 : index
      %get3A_4992 = tpu.vector_load %arg14[%get3A_4990, %get3A_4991] {strides = array<i32>} : memref<50x32xf32, #tpu.memory_space<vmem>>, vector<1x16xf32>,
      %get3A_4993 = vector.shape_cast %get3A_4992 : vector<1x16xf32> to vector<16xf32>
      %add3A_4994 = arith.addf %add3A_4970, %get3A_4993 : vector<16xf32>
      %get3A_4995 = arith.constant 29 : i32
      %get3A_4996 = arith.index_cast %get3A_4995 : i32 to index
      %get3A_4997 = arith.constant 16 : index
      %get3A_4998 = tpu.vector_load %arg14[%get3A_4996, %get3A_4997] {strides = array<i32>} : memref<50x32xf32, #tpu.memory_space<vmem>>, vector<1x16xf32>,
      %get3A_4999 = vector.shape_cast %get3A_4998 : vector<1x16xf32> to vector<16xf32>
      %add3A_5000 = arith.addf %add3A_4976, %get3A_4999 : vector<16xf32>
      %get3A_5001 = arith.constant 30 : i32
      %get3A_5002 = arith.index_cast %get3A_5001 : i32 to index
      %get3A_5003 = arith.constant 16 : index
      %get3A_5004 = tpu.vector_load %arg14[%get3A_5002, %get3A_5003] {strides = array<i32>} : memref<50x32xf32, #tpu.memory_space<vmem>>, vector<1x16xf32>,
      %get3A_5005 = vector.shape_cast %get3A_5004 : vector<1x16xf32> to vector<16xf32>
      %add3A_5006 = arith.addf %add3A_4982, %get3A_5005 : vector<16xf32>
      %get3A_5007 = arith.constant 31 : i32
      %get3A_5008 = arith.index_cast %get3A_5007 : i32 to index
      %get3A_5009 = arith.constant 16 : index
      %get3A_5010 = tpu.vector_load %arg14[%get3A_5008, %get3A_5009] {strides = array<i32>} : memref<50x32xf32, #tpu.memory_space<vmem>>, vector<1x16xf32>,
      %get3A_5011 = vector.shape_cast %get3A_5010 : vector<1x16xf32> to vector<16xf32>
      %add3A_5012 = arith.addf %add3A_4988, %get3A_5011 : vector<16xf32>
      %get3A_5013 = arith.constant 32 : i32
      %get3A_5014 = arith.index_cast %get3A_5013 : i32 to index
      %get3A_5015 = arith.constant 16 : index
      %get3A_5016 = tpu.vector_load %arg14[%get3A_5014, %get3A_5015] {strides = array<i32>} : memref<50x32xf32, #tpu.memory_space<vmem>>, vector<1x16xf32>,
      %get3A_5017 = vector.shape_cast %get3A_5016 : vector<1x16xf32> to vector<16xf32>
      %add3A_5018 = arith.addf %add3A_4994, %get3A_5017 : vector<16xf32>
      %get3A_5019 = arith.constant 33 : i32
      %get3A_5020 = arith.index_cast %get3A_5019 : i32 to index
      %get3A_5021 = arith.constant 16 : index
      %get3A_5022 = tpu.vector_load %arg14[%get3A_5020, %get3A_5021] {strides = array<i32>} : memref<50x32xf32, #tpu.memory_space<vmem>>, vector<1x16xf32>,
      %get3A_5023 = vector.shape_cast %get3A_5022 : vector<1x16xf32> to vector<16xf32>
      %add3A_5024 = arith.addf %add3A_5000, %get3A_5023 : vector<16xf32>
      %get3A_5025 = arith.constant 34 : i32
      %get3A_5026 = arith.index_cast %get3A_5025 : i32 to index
      %get3A_5027 = arith.constant 16 : index
      %get3A_5028 = tpu.vector_load %arg14[%get3A_5026, %get3A_5027] {strides = array<i32>} : memref<50x32xf32, #tpu.memory_space<vmem>>, vector<1x16xf32>,
      %get3A_5029 = vector.shape_cast %get3A_5028 : vector<1x16xf32> to vector<16xf32>
      %add3A_5030 = arith.addf %add3A_5006, %get3A_5029 : vector<16xf32>
      %get3A_5031 = arith.constant 35 : i32
      %get3A_5032 = arith.index_cast %get3A_5031 : i32 to index
      %get3A_5033 = arith.constant 16 : index
      %get3A_5034 = tpu.vector_load %arg14[%get3A_5032, %get3A_5033] {strides = array<i32>} : memref<50x32xf32, #tpu.memory_space<vmem>>, vector<1x16xf32>,
      %get3A_5035 = vector.shape_cast %get3A_5034 : vector<1x16xf32> to vector<16xf32>
      %add3A_5036 = arith.addf %add3A_5012, %get3A_5035 : vector<16xf32>
      %get3A_5037 = arith.constant 36 : i32
      %get3A_5038 = arith.index_cast %get3A_5037 : i32 to index
      %get3A_5039 = arith.constant 16 : index
      %get3A_5040 = tpu.vector_load %arg14[%get3A_5038, %get3A_5039] {strides = array<i32>} : memref<50x32xf32, #tpu.memory_space<vmem>>, vector<1x16xf32>,
      %get3A_5041 = vector.shape_cast %get3A_5040 : vector<1x16xf32> to vector<16xf32>
      %add3A_5042 = arith.addf %add3A_5018, %get3A_5041 : vector<16xf32>
      %get3A_5043 = arith.constant 37 : i32
      %get3A_5044 = arith.index_cast %get3A_5043 : i32 to index
      %get3A_5045 = arith.constant 16 : index
      %get3A_5046 = tpu.vector_load %arg14[%get3A_5044, %get3A_5045] {strides = array<i32>} : memref<50x32xf32, #tpu.memory_space<vmem>>, vector<1x16xf32>,
      %get3A_5047 = vector.shape_cast %get3A_5046 : vector<1x16xf32> to vector<16xf32>
      %add3A_5048 = arith.addf %add3A_5024, %get3A_5047 : vector<16xf32>
      %get3A_5049 = arith.constant 38 : i32
      %get3A_5050 = arith.index_cast %get3A_5049 : i32 to index
      %get3A_5051 = arith.constant 16 : index
      %get3A_5052 = tpu.vector_load %arg14[%get3A_5050, %get3A_5051] {strides = array<i32>} : memref<50x32xf32, #tpu.memory_space<vmem>>, vector<1x16xf32>,
      %get3A_5053 = vector.shape_cast %get3A_5052 : vector<1x16xf32> to vector<16xf32>
      %add3A_5054 = arith.addf %add3A_5030, %get3A_5053 : vector<16xf32>
      %get3A_5055 = arith.constant 39 : i32
      %get3A_5056 = arith.index_cast %get3A_5055 : i32 to index
      %get3A_5057 = arith.constant 16 : index
      %get3A_5058 = tpu.vector_load %arg14[%get3A_5056, %get3A_5057] {strides = array<i32>} : memref<50x32xf32, #tpu.memory_space<vmem>>, vector<1x16xf32>,
      %get3A_5059 = vector.shape_cast %get3A_5058 : vector<1x16xf32> to vector<16xf32>
      %add3A_5060 = arith.addf %add3A_5036, %get3A_5059 : vector<16xf32>
      %get3A_5061 = arith.constant 40 : i32
      %get3A_5062 = arith.index_cast %get3A_5061 : i32 to index
      %get3A_5063 = arith.constant 16 : index
      %get3A_5064 = tpu.vector_load %arg14[%get3A_5062, %get3A_5063] {strides = array<i32>} : memref<50x32xf32, #tpu.memory_space<vmem>>, vector<1x16xf32>,
      %get3A_5065 = vector.shape_cast %get3A_5064 : vector<1x16xf32> to vector<16xf32>
      %add3A_5066 = arith.addf %add3A_5042, %get3A_5065 : vector<16xf32>
      %get3A_5067 = arith.constant 41 : i32
      %get3A_5068 = arith.index_cast %get3A_5067 : i32 to index
      %get3A_5069 = arith.constant 16 : index
      %get3A_5070 = tpu.vector_load %arg14[%get3A_5068, %get3A_5069] {strides = array<i32>} : memref<50x32xf32, #tpu.memory_space<vmem>>, vector<1x16xf32>,
      %get3A_5071 = vector.shape_cast %get3A_5070 : vector<1x16xf32> to vector<16xf32>
      %add3A_5072 = arith.addf %add3A_5048, %get3A_5071 : vector<16xf32>
      %get3A_5073 = arith.constant 42 : i32
      %get3A_5074 = arith.index_cast %get3A_5073 : i32 to index
      %get3A_5075 = arith.constant 16 : index
      %get3A_5076 = tpu.vector_load %arg14[%get3A_5074, %get3A_5075] {strides = array<i32>} : memref<50x32xf32, #tpu.memory_space<vmem>>, vector<1x16xf32>,
      %get3A_5077 = vector.shape_cast %get3A_5076 : vector<1x16xf32> to vector<16xf32>
      %add3A_5078 = arith.addf %add3A_5054, %get3A_5077 : vector<16xf32>
      %get3A_5079 = arith.constant 43 : i32
      %get3A_5080 = arith.index_cast %get3A_5079 : i32 to index
      %get3A_5081 = arith.constant 16 : index
      %get3A_5082 = tpu.vector_load %arg14[%get3A_5080, %get3A_5081] {strides = array<i32>} : memref<50x32xf32, #tpu.memory_space<vmem>>, vector<1x16xf32>,
      %get3A_5083 = vector.shape_cast %get3A_5082 : vector<1x16xf32> to vector<16xf32>
      %add3A_5084 = arith.addf %add3A_5060, %get3A_5083 : vector<16xf32>
      %get3A_5085 = arith.constant 44 : i32
      %get3A_5086 = arith.index_cast %get3A_5085 : i32 to index
      %get3A_5087 = arith.constant 16 : index
      %get3A_5088 = tpu.vector_load %arg14[%get3A_5086, %get3A_5087] {strides = array<i32>} : memref<50x32xf32, #tpu.memory_space<vmem>>, vector<1x16xf32>,
      %get3A_5089 = vector.shape_cast %get3A_5088 : vector<1x16xf32> to vector<16xf32>
      %add3A_5090 = arith.addf %add3A_5066, %get3A_5089 : vector<16xf32>
      %get3A_5091 = arith.constant 45 : i32
      %get3A_5092 = arith.index_cast %get3A_5091 : i32 to index
      %get3A_5093 = arith.constant 16 : index
      %get3A_5094 = tpu.vector_load %arg14[%get3A_5092, %get3A_5093] {strides = array<i32>} : memref<50x32xf32, #tpu.memory_space<vmem>>, vector<1x16xf32>,
      %get3A_5095 = vector.shape_cast %get3A_5094 : vector<1x16xf32> to vector<16xf32>
      %add3A_5096 = arith.addf %add3A_5072, %get3A_5095 : vector<16xf32>
      %get3A_5097 = arith.constant 46 : i32
      %get3A_5098 = arith.index_cast %get3A_5097 : i32 to index
      %get3A_5099 = arith.constant 16 : index
      %get3A_5100 = tpu.vector_load %arg14[%get3A_5098, %get3A_5099] {strides = array<i32>} : memref<50x32xf32, #tpu.memory_space<vmem>>, vector<1x16xf32>,
      %get3A_5101 = vector.shape_cast %get3A_5100 : vector<1x16xf32> to vector<16xf32>
      %add3A_5102 = arith.addf %add3A_5078, %get3A_5101 : vector<16xf32>
      %get3A_5103 = arith.constant 47 : i32
      %get3A_5104 = arith.index_cast %get3A_5103 : i32 to index
      %get3A_5105 = arith.constant 16 : index
      %get3A_5106 = tpu.vector_load %arg14[%get3A_5104, %get3A_5105] {strides = array<i32>} : memref<50x32xf32, #tpu.memory_space<vmem>>, vector<1x16xf32>,
      %get3A_5107 = vector.shape_cast %get3A_5106 : vector<1x16xf32> to vector<16xf32>
      %add3A_5108 = arith.addf %add3A_5084, %get3A_5107 : vector<16xf32>
      %get3A_5109 = arith.constant 48 : i32
      %get3A_5110 = arith.index_cast %get3A_5109 : i32 to index
      %get3A_5111 = arith.constant 16 : index
      %get3A_5112 = tpu.vector_load %arg14[%get3A_5110, %get3A_5111] {strides = array<i32>} : memref<50x32xf32, #tpu.memory_space<vmem>>, vector<1x16xf32>,
      %get3A_5113 = vector.shape_cast %get3A_5112 : vector<1x16xf32> to vector<16xf32>
      %add3A_5114 = arith.addf %add3A_5090, %get3A_5113 : vector<16xf32>
      %get3A_5115 = arith.constant 49 : i32
      %get3A_5116 = arith.index_cast %get3A_5115 : i32 to index
      %get3A_5117 = arith.constant 16 : index
      %get3A_5118 = tpu.vector_load %arg14[%get3A_5116, %get3A_5117] {strides = array<i32>} : memref<50x32xf32, #tpu.memory_space<vmem>>, vector<1x16xf32>,
      %get3A_5119 = vector.shape_cast %get3A_5118 : vector<1x16xf32> to vector<16xf32>
      %add3A_5120 = arith.addf %add3A_5096, %get3A_5119 : vector<16xf32>
      %add3A_5121 = arith.addf %add3A_5114, %add3A_5120 : vector<16xf32>
      %add3A_5122 = arith.addf %add3A_5102, %add3A_5108 : vector<16xf32>
      %add3A_5123 = arith.addf %add3A_5121, %add3A_5122 : vector<16xf32>
      %get3A_5124 = arith.constant 16 : index
      %get3A_5125 = tpu.vector_load %arg16[%get3A_5124] {strides = array<i32>} : memref<32xf32, #tpu.memory_space<vmem>>, vector<16xf32>,
      %get3A_5126 = vector.shape_cast %get3A_5125 : vector<16xf32> to vector<16xf32>
      %add3A_5127 = arith.addf %add3A_5123, %get3A_5126 : vector<16xf32>
      %swap3A_5128 = arith.index_cast %add3A_4516 : i32 to index
      %swap3A_5129 = arith.constant 16 : index
      %swap3A_5130 = tpu.vector_load %arg15[%swap3A_5128, %swap3A_5129] {strides = array<i32>} : memref<512x32xf32, #tpu.memory_space<vmem>>, vector<1x16xf32>,
      %swap3A_5131 = vector.shape_cast %swap3A_5130 : vector<1x16xf32> to vector<16xf32>
      %swap3A_5132 = vector.shape_cast %add3A_5127 : vector<16xf32> to vector<1x16xf32>
      tpu.vector_store %arg15[%swap3A_5128, %swap3A_5129], %swap3A_5132 {strides = array<i32>} : memref<512x32xf32, #tpu.memory_space<vmem>>, vector<1x16xf32>,
      %add3A_5133 = arith.constant 7 : i32
      %add3A_5134 = arith.addi %mul3A_67, %add3A_5133 : i32
      %add3A_5135 = arith.constant 8 : i32
      %add3A_5136 = arith.addi %add3A_5134, %add3A_5135 : i32
      %lt3A_5137 = arith.constant 512 : i32
      %lt3A_5138 = arith.cmpi slt, %add3A_5136, %lt3A_5137 : i32
      %convert_element_type3A_5139 = arith.extui %lt3A_5138 : i1 to i32
      %cond3A_5140 = arith.constant 0 : i32
      %cond3A_5141 = arith.cmpi ne, %convert_element_type3A_5139, %cond3A_5140 : i32
      scf.if %cond3A_5141 {
        %add3A_5142 = arith.constant 7 : i32
        %add3A_5143 = arith.addi %mul3A_67, %add3A_5142 : i32
        %add3A_5144 = arith.constant 8 : i32
        %add3A_5145 = arith.addi %add3A_5143, %add3A_5144 : i32
        %dma_start3A_5146 = arith.constant 0 : i32
        %dma_start3A_5147 = tpu.memref_slice %arg6[%add3A_5145, %dma_start3A_5146] : memref<512x50xi32, #tpu.memory_space<vmem>> -> memref<1x50xi32, #tpu.memory_space<vmem>>
        %dma_start3A_5148 = tpu.memref_squeeze %dma_start3A_5147 : memref<1x50xi32, #tpu.memory_space<vmem>> -> memref<50xi32, #tpu.memory_space<vmem>>
        %dma_start3A_5149 = arith.constant 0 : i32
        %dma_start3A_5150 = arith.constant 0 : i32
        %dma_start3A_5151 = tpu.memref_slice %arg3[%dma_start3A_5149, %dma_start3A_5150] : memref<100000x32xf32, #tpu.memory_space<hbm>> -> memref<100000x32xf32, #tpu.memory_space<hbm>>
        tpu.enqueue_indirect_dma source(%dma_start3A_5151 : memref<100000x32xf32, #tpu.memory_space<hbm>>) target(%arg14 : memref<50x32xf32, #tpu.memory_space<vmem>>) offsets(%dma_start3A_5148 : memref<50xi32, #tpu.memory_space<vmem>>) semaphore(%arg24 : memref<!tpu.dma_semaphore, #tpu.memory_space<semaphore_mem>>)
      } else {
      }
    }
    %scan3A_62 = arith.constant 64 : i32
    %mul3A_63 = arith.constant 512 : i32
    %mul3A_64 = arith.muli %add3A, %mul3A_63 : i32
    "tpu.region"() ({
      %run_scoped3A = tpu.sem_alloc : memref<!tpu.dma_semaphore, #tpu.memory_space<semaphore_mem>>
      %dma_start3A_65 = arith.constant 0 : i32
      %dma_start3A_66 = tpu.memref_slice %arg5[%mul3A_64, %dma_start3A_65] : memref<16384x32xf32, #tpu.memory_space<hbm>> -> memref<512x32xf32, #tpu.memory_space<hbm>>
      %dma_start3A_67 = arith.constant 0 : i32
      %dma_start3A_68 = tpu.memref_slice %arg5[%mul3A_64, %dma_start3A_67] : memref<16384x32xf32, #tpu.memory_space<hbm>> -> memref<512x32xf32, #tpu.memory_space<hbm>>
      tpu.enqueue_dma source(%arg15 : memref<512x32xf32, #tpu.memory_space<vmem>>) target(%dma_start3A_68 : memref<512x32xf32, #tpu.memory_space<hbm>>) target_semaphore(%run_scoped3A : memref<!tpu.dma_semaphore, #tpu.memory_space<semaphore_mem>>)
      %dma_wait3A = arith.constant 0 : i32
      %dma_wait3A_69 = tpu.memref_slice %arg5[%mul3A_64, %dma_wait3A] : memref<16384x32xf32, #tpu.memory_space<hbm>> -> memref<512x32xf32, #tpu.memory_space<hbm>>
      %dma_wait3A_70 = arith.constant 0 : i32
      %dma_wait3A_71 = tpu.memref_slice %arg5[%mul3A_64, %dma_wait3A_70] : memref<16384x32xf32, #tpu.memory_space<hbm>> -> memref<512x32xf32, #tpu.memory_space<hbm>>
      tpu.wait_dma2 semaphore(%run_scoped3A : memref<!tpu.dma_semaphore, #tpu.memory_space<semaphore_mem>>) src(%arg15 : memref<512x32xf32, #tpu.memory_space<vmem>>) dst(%dma_wait3A_71 : memref<512x32xf32, #tpu.memory_space<hbm>>)
      tpu.yield
    }) : () -> ()
    return
  }
}

</mosaic_0001>

<sc_bundles>
// kernel: kernel.3.cloned.1.call-start
scs
__scs_entry_jumppad:
0x0: {  	(pc) =	sbr.rel $0x88, $3  }
0x1: {  	(tag) =	ssettag $0x0;
	lr =	simm.s32 $0x1  }
0x2: {  	[smem:$0x3F9E] =	sst lr;
	_ =	strace $0xD0000000  }
0x3: {  	_ = 	snop  }
0x4: {  	_ = 	snop  }
0x5: {  	_ = 	snop  }
0x6: {  	_ = 	snop  }
0x7: {  	_ = 	snop  }
__scs_overlays_trampoline_lowered:
0x8: {  	[smem:$0x3FAD] =	sst s0  }
0x9: {  	[smem:$0x3FAE] =	sst s1  }
0xa: {  	[smem:$0x3FAF] =	sst s2  }
0xb: {  	[smem:$0x3FB0] =	sst s3  }
0xc: {  	[smem:$0x3FB1] =	sst s4  }
0xd: {  	[smem:$0x3FB2] =	sst s5  }
0xe: {  	[smem:$0x3FB3] =	sst s6  }
0xf: {  	[smem:$0x3FB4] =	sst s7  }
0x10: {  	[smem:$0x3FB5] =	sst s8  }
0x11: {  	[smem:$0x3FB6] =	sst s9;
	s0 =	simm.s32 @!p0 $0x0  }
0x12: {  	s1 =	sld [smem:$0x3F9C];
	s0 =	simm.s32 @p0 $0x1  }
0x13: {  	[smem:$0x3FB7] =	sst s0;
	s0 =	simm.s32 @!p1 $0x0  }
0x14: {  	s2 =	sld [smem:$0x3F9B];
	s0 =	simm.s32 @p1 $0x1  }
0x15: {  	[smem:$0x3FB8] =	sst s0;
	s0 =	simm.s32 @!p2 $0x0  }
0x16: {  	s3 =	sld [smem:$0x3FDB];
	s0 =	simm.s32 @p2 $0x1  }
0x17: {  	s4 =	simm.s32 $0x1BF5;
	[smem:$0x3FBA] =	sst s0  }
0x18: {  	s0 =	sld [smem:$0x3F9D];
	_ =	swait.ge [sflag:s4], $0x0  }
0x19: {  	s7 =	sld [smem:$0x3F9E]  }
0x1a: {  	s8 =	sadd.s32 $0xFFFFE003, lr  }
0x1b: {  	s9 =	sadd.s32 $0xFFFFFEF7, lr;
	s5 =	simm.s32 $0xFFFFFFFF;
	p2 =	slt.u32 s8, $0xFFFFF086  }
0x1c: {  	p1 =	slt.u32 s9, $0xF7A;
	s5 =	simm.s32 @!p2 $0x0  }
0x1d: {  	s5 =	simm.s32 @p1 $0x1;
	p0 =	seq.s32 s7, s2  }
0x1e: {  	s7 =	smul.u32 @!p0 $0xF7A, s2;
	p2 =	seq.s32 @!p0 s5, $0x0  }
0x1f: {  	s9 =	smul.u32 $0xF7A, s1;
	s8 =	simm.s32 @!p0 $0x1BF5;
	p2 =	por !p2, p0  }
0x20: {  	[sflag:s8] =	ssyncset.s32 @!p0 $0xFFFFF086;
	s6 =	sadd.s32 @!p0 s3, s7;
	s7 =	simm.s32 @!p0 $0x108  }
0x21: {  	s3 =	sadd.s32 s3, s9;
	s6 =	sadd.s32 @!p0 $0x88, s6;
	s7 =	simm.s32 @p2 $0x1082  }
0x22: {  	[simem:s7], [sflag:s8] =	dma.local @!p0 [hbm:s6], $0xF7A  }
0x23: {  	s9 =	sor.u32 $0xD0000000, s2;
	s6 =	simm.s32 $0x108;
	_ =	swait.ge @!p0 [sflag:s8], $0x0  }
0x24: {  	s3 =	sadd.s32 $0x88, s3;
	s6 =	simm.s32 @!p1 $0x1082;
	[sflag:s4] =	ssyncset.s32 $0xFFFFF086  }
0x25: {  	[simem:s6], [sflag:s4] =	dma.local [hbm:s3], $0xF7A  }
0x26: {  	[smem:$0x3F9E] =	sst s1;
	(tag) =	ssettag s2;
	_ =	strace s9  }
0x27: {  	s1 =	sld [smem:$0x3FAE]  }
0x28: {  	s2 =	sld [smem:$0x3FAF]  }
0x29: {  	s4 =	sld [smem:$0x3FB1]  }
0x2a: {  	p0 =	seq.s32 s5, $0x0;
	s5 =	sld [smem:$0x3FB2]  }
0x2b: {  	s6 =	sld [smem:$0x3FB3]  }
0x2c: {  	s7 =	sld [smem:$0x3FB4]  }
0x2d: {  	s3 =	simm.s32 $0x108;
	s8 =	sld [smem:$0x3FB5]  }
0x2e: {  	s3 =	simm.s32 @!p0 $0x1082;
	s9 =	sld [smem:$0x3FB6]  }
0x2f: {  	lr =	sadd.s32 s0, s3;
	s0 =	sld [smem:$0x3FAD]  }
0x30: {  	s3 =	sld [smem:$0x3FB0]  }
0x31: {  	[smem:$0x3FB9] =	sst s10  }
0x32: {  	s10 =	sld [smem:$0x3FB7];
	_ =	sdelay $0x3  }
0x33: {  	p0 =	seq.s32 s10, $0x1;
	s10 =	sld [smem:$0x3FB9];
	_ =	sdelay $0x3  }
0x34: {  	[smem:$0x3FB9] =	sst s10  }
0x35: {  	s10 =	sld [smem:$0x3FB8];
	_ =	sdelay $0x3  }
0x36: {  	p1 =	seq.s32 s10, $0x1;
	s10 =	sld [smem:$0x3FB9];
	_ =	sdelay $0x3  }
0x37: {  	[smem:$0x3FB9] =	sst s10  }
0x38: {  	s10 =	sld [smem:$0x3FBA]  }
0x39: {  	_ = 	snop;
	(pc) =	sbr.ind lr, $3  }
0x3a: {  	_ = 	snop  }
0x3b: {  	_ = 	snop  }
0x3c: {  	p2 =	seq.s32 s10, $0x1;
	s10 =	sld [smem:$0x3FB9]  }
0x3d: {  	_ =	shalt  }
0x3e: {  	_ =	shalt  }
0x3f: {  	_ =	shalt  }
0x40: {  	_ =	shalt  }
0x41: {  	_ =	shalt  }
0x42: {  	_ =	shalt  }
0x43: {  	_ =	shalt  }
0x44: {  	_ =	shalt  }
0x45: {  	_ =	shalt  }
0x46: {  	_ =	shalt  }
0x47: {  	_ =	shalt  }
0x48: {  	_ =	shalt  }
0x49: {  	_ =	shalt  }
0x4a: {  	_ =	shalt  }
0x4b: {  	_ =	shalt  }
0x4c: {  	_ =	shalt  }
0x4d: {  	_ =	shalt  }
0x4e: {  	_ =	shalt  }
0x4f: {  	_ =	shalt  }
0x50: {  	_ =	shalt  }
0x51: {  	_ =	shalt  }
0x52: {  	_ =	shalt  }
0x53: {  	_ =	shalt  }
0x54: {  	_ =	shalt  }
0x55: {  	_ =	shalt  }
0x56: {  	_ =	shalt  }
0x57: {  	_ =	shalt  }
0x58: {  	_ =	shalt  }
0x59: {  	_ =	shalt  }
0x5a: {  	_ =	shalt  }
0x5b: {  	_ =	shalt  }
0x5c: {  	_ =	shalt  }
0x5d: {  	_ =	shalt  }
0x5e: {  	_ =	shalt  }
0x5f: {  	_ =	shalt  }
0x60: {  	_ =	shalt  }
0x61: {  	_ =	shalt  }
0x62: {  	_ =	shalt  }
0x63: {  	_ =	shalt  }
0x64: {  	_ =	shalt  }
0x65: {  	_ =	shalt  }
0x66: {  	_ =	shalt  }
0x67: {  	_ =	shalt  }
0x68: {  	_ =	shalt  }
0x69: {  	_ =	shalt  }
0x6a: {  	_ =	shalt  }
0x6b: {  	_ =	shalt  }
0x6c: {  	_ =	shalt  }
0x6d: {  	_ =	shalt  }
0x6e: {  	_ =	shalt  }
0x6f: {  	_ =	shalt  }
0x70: {  	_ =	shalt  }
0x71: {  	_ =	shalt  }
0x72: {  	_ =	shalt  }
0x73: {  	_ =	shalt  }
0x74: {  	_ =	shalt  }
0x75: {  	_ =	shalt  }
0x76: {  	_ =	shalt  }
0x77: {  	_ =	shalt  }
0x78: {  	_ =	shalt  }
0x79: {  	_ =	shalt  }
0x7a: {  	_ =	shalt  }
0x7b: {  	_ =	shalt  }
0x7c: {  	_ =	shalt  }
0x7d: {  	_ =	shalt  }
0x7e: {  	_ =	shalt  }
0x7f: {  	_ =	shalt  }
0x80: {  	_ =	shalt  }
0x81: {  	_ =	shalt  }
0x82: {  	_ =	shalt  }
0x83: {  	_ =	shalt  }
0x84: {  	_ =	shalt  }
0x85: {  	_ =	shalt  }
0x86: {  	_ =	shalt  }
0x87: {  	_ =	shalt  }
.Lfunc_end0:
.L_simem_size_0:
called_computation_lowered:
.L_overlay_start_0:
0x88: {  	s2 =	sld [smem:$0x3FD9]  }
0x89: {  	s3 =	sld [smem:$0x3FFE];
	_ =	sdelay $0x1  }
0x8a: {  	s1 =	srdreg.scid  }
0x8b: {  	s0 =	sand.u32 $0x1, s1  }
0x8c: {  	s17 =	sshll.u32 s0, $0xA;
	s2 =	sadd.s32 s3, s2  }
0x8d: {  	s2 =	sadd.s32 s2, s17  }
0x8e: {  	[smem:$0x3FC5] =	sst s2  }
0x8f: {  	_ = 	snop  }
0x90: {  	s2 =	sld [smem:$0x3FC7]  }
0x91: {  	s18 =	sld [smem:$0x3FD0];
	(tm) =	ssettm $0x1  }
0x92: {  	s4 =	sld [smem:$0x3FFB];
	_ =	sdelay $0x3  }
0x93: {  	_ =	strace s4  }
0x94: {  	s4 =	sld [smem:$0x3FFC];
	_ =	sdelay $0x3  }
0x95: {  	_ =	strace s4  }
0x96: {  	s4 =	sld [smem:$0x3FFD];
	_ =	sdelay $0x3  }
0x97: {  	_ =	strace s4  }
0x98: {  	_ =	strace $0x8FFFFFFF  }
0x99: {  	s19 =	sld [smem:$0x3FDB];
	_ =	sdelay $0x1  }
0x9a: {  	s5 =	simm.s32 $_scs_section_size  }
0x9b: {  	s6 =	simm.s32 $_size__tile_overlayer_lowered;
	s7 =	simm.s32 $_tile_overlayer_lowered  }
0x9c: {  	s22 =	simm.s32 $0x1BFF;
	s21 =	sshll.u32 s7, $0x1;
	s4 =	sadd.s32 s5, s19  }
0x9d: {  	s8 =	simm.s32 $0x0;
	s20 =	sshll.u32 s6, $0x1;
	s6 =	sadd.s32 s21, s4  }
0x9e: {  	[timem:s8], [sflag:s22] =	dma.local [hbm:s6], s20  }
0x9f: {  	_ =	swait.ge [sflag:s22], s20  }
0xa0: {  	s5 =	ssub.s32 $0x0, s20;
	[sflag:s22] =	ssyncset.done $0x0  }
0xa1: {  	[sflag:s22] =	ssyncadd.s32 s5;
	_ =	sdelay $0x1  }
0xa2: {  	s23 =	simm.s32 $0x1B8B  }
0xa3: {  	_ =	swait.ge [sflag:s23], $0x1  }
0xa4: {  	[sflag:s23] =	ssyncset.done $0x0  }
0xa5: {  	s25 =	simm.s32 $0x1B8E;
	s24 =	sld [smem:$0x3FFE];
	[sflag:s23] =	ssyncadd.s32 $0xFFFFFFFF  }
0xa6: {  	s26 =	simm.s32 $execute0_lowered;
	[smem:$0x3FD2] =	sst s25  }
0xa7: {  	s6 =	sshll.u32 s26, $0x1;
	_ =	strace $0x80000046;
	[dreg:$0x1] =	wrdreg $0xFFFFFFFF  }
0xa8: {  	s28 =	simm.s32 $_size_execute0_lowered;
	s4 =	sadd.s32 s4, s6;
	[dreg:$0x0] =	wrdreg $0x0  }
0xa9: {  	s6 =	sshll.u32 s28, $0x1;
	[dreg:$0x2] =	wrdreg s4  }
0xaa: {  	[dreg:$0x3] =	wrdreg s6  }
0xab: {  	[dreg:$0x4] =	wrdreg $0xC0  }
0xac: {  	_ =	task [dreg:s8], $0x5FFFF  }
0xad: {  	[dreg:$0x1] =	wrdreg $0xFFFFFFFF  }
0xae: {  	[dreg:$0x0] =	wrdreg $0x60  }
0xaf: {  	[dreg:$0x2] =	wrdreg s24  }
0xb0: {  	[dreg:$0x3] =	wrdreg s2  }
0xb1: {  	[dreg:$0x4] =	wrdreg s18  }
0xb2: {  	[dreg:$0x5] =	wrdreg $0x9  }
0xb3: {  	_ =	task.clear_ibuf [dreg:s8], $0x6FFFF;
	_ =	strace $0x90000046  }
0xb4: {  	s29 =	simm.s32 $0x9;
	_ =	strace $0x80000048  }
0xb5: {  	_ =	swait.ge [sflag:s29], $0x1  }
0xb6: {  	[sflag:s29] =	ssyncadd.s32 $0xFFFFFFFF  }
0xb7: {  	_ =	strace $0x90000048  }
0xb8: {  	_ =	sfence  }
0xb9: {  	s30 =	sld [smem:$0x0];
	_ =	sdelay $0x2  }
0xba: {  	s31 =	sshll.u32 s1, $0xD;
	s1 =	sshrl.u32 s1, $0x2  }
0xbb: {  	s3 =	sand.u32 $0x4000, s31;
	s1 =	sadd.s32 s1, s30  }
0xbc: {  	s0 =	sor.u32 s3, s0;
	s1 =	sshll.u32 s1, $0x11  }
0xbd: {  	s0 =	sor.u32 s1, s0  }
0xbe: {  	s0 =	sadd.s32 $0x8F2B, s0  }
0xbf: {  	[sflag:s0] =	ssyncadd.remote.s32 $0x1  }
0xc0: {  	_ =	sfence.sel $0xFFFF  }
0xc1: {  	[dreg:$0x0] =	wrdreg $0xFFFFFFFF;
	(pc) =	sbr.abs _section_cstart, $3  }
0xc2: {  	[dreg:$0x1] =	wrdreg $0xFFFFFFFF  }
0xc3: {  	_ =	task.clear_ibuf [dreg:s8], $0x2FFFF;
	_ =	strace $0x9FFFFFFF  }
0xc4: {  	(tm) =	ssettm $0x7FFFFFFF  }
0xc5: {  	_ =	shalt  }
tec
execute0_lowered:
.L_overlay_start_1:
0x0: {  	(tag) =	ssettag $0x1  }
0x1: {  	s0 =	rddreg [dreg:$0x0]  }
0x2: {  	s1 =	srdreg.scid;
	s3 =	stileid.u32  }
0x3: {  	s2 =	rddreg [dreg:$0x2];
	s9 =	simm.s32 $0x9;
	s10 =	simm.s32 $0x32  }
0x4: {  	s18 =	simm.s32 $0xE0;
	s19 =	simm.s32 $0x8900;
	s20 =	simm.s32 $0x118  }
0x5: {  	s21 =	simm.s32 $0x8F40;
	s22 =	simm.s32 $0x150;
	s23 =	simm.s32 $0x9580  }
0x6: {  	s28 =	simm.s32 $0x2;
	s29 =	simm.s32 $0x3;
	s30 =	simm.s32 $0x4  }
0x7: {  	s31 =	simm.s32 $0x5;
	s8 =	simm.s32 $0xA200;
	s1 =	sand.u32 $0x1, s1  }
0x8: {  	s4 =	sshll.u32 s3, $0xA;
	s3 =	simm.s32 $0x0;
	s5 =	sshll.u32 s1, $0x9  }
0x9: {  	s11 =	simm.s32 $0x0;
	[smem:$0x7FF] =	sst s3;
	s6 =	sor.u32 s5, s4  }
0xa: {  	s1 =	ssub.s32 $0x2, s1;
	_ =	strace $0x80000047;
	s4 =	smul.u32 $0x7, s6  }
.Ltmp0:
0xb: {  	s25 =	sshrl.u32 s1, $0x1;
	s26 =	sshll.u32 s6, $0x2;
	(pc) =	sbr.rel .LBB2_1-.Ltmp0, $4  }
0xc: {  	s6 =	sadd.s32 s2, s26;
	s26 =	simm.s32 $0x1;
	s2 =	simm.s32 $0x8  }
0xd: {  	s24 =	sadd.s32 s4, s0;
	s4 =	sadd.s32 $0x187000, s0;
	s0 =	ssub.s32 s1, s25  }
0xe: {  	s25 =	simm.s32 $0x9BC0;
	s1 =	simm.s32 $0x6;
	s5 =	sadd.s32 $0x600, s24  }
0xf: {  	s7 =	smax.u32 s0, $0x1;
	s24 =	simm.s32 $0x188;
	s0 =	simm.s32 $0x7  }
.LBB2_4:
0x10: {  	s11 =	sadd.s32 $0x1, s11  }
0x11: {  	p0 =	sne.s32 s11, s7  }
.Ltmp1:
0x12: {  	_ = 	snop;
	(pc) =	sbr.rel @!p0 .LBB2_5-.Ltmp1, $4  }
0x13: {  	[hbm4b:s6+s3] =	stream.linear.scatter [tilespmem:s8], [sflag:$0x9], $0x4000, $0x38;
	[tilespmem:$0xE220] =	vst v63  }
0x14: {  	_ =	swait.ge [sflag:s9], $0x4000  }
0x15: {  	[sflag:s9] =	ssyncset.done $0x0  }
0x16: {  	[sflag:s9] =	ssyncadd.s32 $0xFFFFC000  }
.LBB2_1:
0x17: {  	s12 =	rddreg [dreg:$0x1];
	s13 =	simm.s32 $0xE200  }
0x18: {  	[tilespmem:s13], [sflag:$0x9] =	stream.linear.gather [hbm4b:s12+s3], $0x20, $0x38;
	[tilespmem:$0xE220] =	vst v63  }
0x19: {  	_ =	swait.ge [sflag:s9], $0x20  }
0x1a: {  	[sflag:s9] =	ssyncset.done $0x0  }
0x1b: {  	[sflag:s9] =	ssyncadd.s32 $0xFFFFFFE0  }
0x1c: {  	[tilespmem:s3], [sflag:$0x9] =	stream.linear.gather [hbm4b:s5+s3], $0x7000, $0x38;
	[tilespmem:$0xE220] =	vst v63  }
0x1d: {  	_ =	swait.ge [sflag:s9], $0x7000  }
0x1e: {  	[sflag:s9] =	ssyncset.done $0x0  }
0x1f: {  	s15 =	simm.s32 $0x7000;
	[sflag:s9] =	ssyncadd.s32 $0xFFFF9000  }
0x20: {  	[tilespmem:s15], [sflag:$0x1] =	stream.indirect.gather [hbm4b:s4+s10], $0x20, s3, s10, $0xb8;
	[tilespmem:$0xE220] =	vst v63  }
0x21: {  	s16 =	simm.s32 $0x38;
	s17 =	simm.s32 $0x7640  }
0x22: {  	[tilespmem:s17], [sflag:$0x2] =	stream.indirect.gather [hbm4b:s4+s10], $0x20, s16, s10, $0xb8;
	[tilespmem:$0xE220] =	vst v63  }
0x23: {  	s14 =	simm.s32 $0x70;
	s15 =	simm.s32 $0x7C80  }
0x24: {  	[tilespmem:s15], [sflag:$0x3] =	stream.indirect.gather [hbm4b:s4+s10], $0x20, s14, s10, $0xb8;
	[tilespmem:$0xE220] =	vst v63  }
0x25: {  	s16 =	simm.s32 $0xA8;
	s17 =	simm.s32 $0x82C0  }
0x26: {  	[tilespmem:s17], [sflag:$0x4] =	stream.indirect.gather [hbm4b:s4+s10], $0x20, s16, s10, $0xb8;
	[tilespmem:$0xE220] =	vst v63  }
0x27: {  	_ = 	snop  }
0x28: {  	[tilespmem:s19], [sflag:$0x5] =	stream.indirect.gather [hbm4b:s4+s10], $0x20, s18, s10, $0xb8;
	[tilespmem:$0xE220] =	vst v63  }
0x29: {  	_ = 	snop  }
0x2a: {  	[tilespmem:s21], [sflag:$0x6] =	stream.indirect.gather [hbm4b:s4+s10], $0x20, s20, s10, $0xb8;
	[tilespmem:$0xE220] =	vst v63  }
0x2b: {  	_ = 	snop  }
0x2c: {  	[tilespmem:s23], [sflag:$0x7] =	stream.indirect.gather [hbm4b:s4+s10], $0x20, s22, s10, $0xb8;
	[tilespmem:$0xE220] =	vst v63  }
0x2d: {  	s12 =	simm.s32 $0xA280;
	s13 =	simm.s32 $0x0  }
0x2e: {  	[tilespmem:s25], [sflag:$0x8] =	stream.indirect.gather [hbm4b:s4+s10], $0x20, s24, s10, $0xb8;
	[tilespmem:$0xE220] =	vst v63  }
.LBB2_2:
0x2f: {  	_ =	swait.ge [sflag:s26], $0x640  }
0x30: {  	[sflag:s26] =	ssyncset.done $0x0  }
0x31: {  	[sflag:s26] =	ssyncadd.s32 $0xFFFFF9C0  }
0x32: {  	v0 =	vld [tilespmem:$0x7000]  }
0x33: {  	v1 =	vld [tilespmem:$0x7020]  }
0x34: {  	v2 =	vld [tilespmem:$0x7040]  }
0x35: {  	v3 =	vld [tilespmem:$0x7060]  }
0x36: {  	v4 =	vld [tilespmem:$0x7080]  }
0x37: {  	v5 =	vld [tilespmem:$0x70A0]  }
0x38: {  	v6 =	vld [tilespmem:$0x70C0]  }
0x39: {  	v7 =	vld [tilespmem:$0x70E0]  }
0x3a: {  	v8 =	vld [tilespmem:$0x7100]  }
0x3b: {  	v9 =	vld [tilespmem:$0x7120]  }
0x3c: {  	v10 =	vld [tilespmem:$0x7140]  }
0x3d: {  	v11 =	vld [tilespmem:$0x7160]  }
0x3e: {  	v12 =	vld [tilespmem:$0x7180]  }
0x3f: {  	v13 =	vld [tilespmem:$0x71A0]  }
0x40: {  	v14 =	vld [tilespmem:$0x71C0]  }
0x41: {  	v15 =	vld [tilespmem:$0x71E0]  }
0x42: {  	v16 =	vld [tilespmem:$0x7200]  }
0x43: {  	v17 =	vld [tilespmem:$0x7220]  }
0x44: {  	v18 =	vld [tilespmem:$0x7240]  }
0x45: {  	v19 =	vld [tilespmem:$0x7260]  }
0x46: {  	v20 =	vld [tilespmem:$0x7280]  }
0x47: {  	v21 =	vld [tilespmem:$0x72A0]  }
0x48: {  	v22 =	vld [tilespmem:$0x72C0]  }
0x49: {  	v23 =	vld [tilespmem:$0x72E0]  }
0x4a: {  	v24 =	vld [tilespmem:$0x7300]  }
0x4b: {  	v25 =	vld [tilespmem:$0x7320]  }
0x4c: {  	v26 =	vld [tilespmem:$0x7340]  }
0x4d: {  	v27 =	vld [tilespmem:$0x7360]  }
0x4e: {  	v28 =	vld [tilespmem:$0x7380]  }
0x4f: {  	v29 =	vld [tilespmem:$0x73A0]  }
0x50: {  	v30 =	vld [tilespmem:$0x73C0]  }
0x51: {  	v31 =	vld [tilespmem:$0x73E0]  }
0x52: {  	v56 =	vld [tilespmem:$0x7400];
	v0 =	vadd.f32 v4, v0;
	v1 =	vadd.f32 v5, v1  }
0x53: {  	v57 =	vld [tilespmem:$0x7420];
	v2 =	vadd.f32 v6, v2;
	v3 =	vadd.f32 v7, v3  }
0x54: {  	v58 =	vld [tilespmem:$0x7440];
	v0 =	vadd.f32 v8, v0;
	v1 =	vadd.f32 v9, v1  }
0x55: {  	v59 =	vld [tilespmem:$0x7460];
	v2 =	vadd.f32 v10, v2;
	v3 =	vadd.f32 v11, v3  }
0x56: {  	v60 =	vld [tilespmem:$0x7480];
	v0 =	vadd.f32 v12, v0;
	v1 =	vadd.f32 v13, v1  }
0x57: {  	v61 =	vld [tilespmem:$0x74A0];
	v2 =	vadd.f32 v14, v2;
	v3 =	vadd.f32 v15, v3  }
0x58: {  	v62 =	vld [tilespmem:$0x74C0];
	v0 =	vadd.f32 v16, v0;
	v1 =	vadd.f32 v17, v1  }
0x59: {  	v63 =	vld [tilespmem:$0x74E0];
	v2 =	vadd.f32 v18, v2;
	v3 =	vadd.f32 v19, v3  }
0x5a: {  	v32 =	vld [tilespmem:$0x7600];
	v0 =	vadd.f32 v20, v0;
	v1 =	vadd.f32 v21, v1  }
0x5b: {  	v21 =	vld [tilespmem:$0x7500];
	v2 =	vadd.f32 v22, v2;
	v3 =	vadd.f32 v23, v3  }
0x5c: {  	v23 =	vld [tilespmem:$0x7520];
	v0 =	vadd.f32 v24, v0;
	v1 =	vadd.f32 v25, v1  }
0x5d: {  	v25 =	vld [tilespmem:$0x7540];
	v2 =	vadd.f32 v26, v2;
	v3 =	vadd.f32 v27, v3  }
0x5e: {  	v27 =	vld [tilespmem:$0x7560];
	v0 =	vadd.f32 v28, v0;
	v1 =	vadd.f32 v29, v1  }
0x5f: {  	v28 =	vld [tilespmem:$0x7580];
	v2 =	vadd.f32 v30, v2;
	v3 =	vadd.f32 v31, v3  }
0x60: {  	v29 =	vld [tilespmem:$0x75A0];
	v0 =	vadd.f32 v56, v0;
	v1 =	vadd.f32 v57, v1  }
0x61: {  	v30 =	vld [tilespmem:$0x75C0];
	v2 =	vadd.f32 v58, v2;
	v3 =	vadd.f32 v59, v3  }
0x62: {  	v31 =	vld [tilespmem:$0x75E0];
	v0 =	vadd.f32 v60, v0;
	v1 =	vadd.f32 v61, v1  }
0x63: {  	v33 =	vld [tilespmem:$0x7620];
	v2 =	vadd.f32 v62, v2;
	v3 =	vadd.f32 v63, v3  }
0x64: {  	v0 =	vadd.f32 v21, v0;
	v1 =	vadd.f32 v23, v1  }
0x65: {  	v2 =	vadd.f32 v25, v2;
	v3 =	vadd.f32 v27, v3  }
0x66: {  	v0 =	vadd.f32 v28, v0;
	v1 =	vadd.f32 v29, v1  }
0x67: {  	v2 =	vadd.f32 v30, v2;
	v3 =	vadd.f32 v31, v3  }
0x68: {  	v0 =	vadd.f32 v32, v0;
	v1 =	vadd.f32 v33, v1  }
0x69: {  	v34 =	vld [tilespmem:$0xE200]  }
0x6a: {  	v35 =	vadd.f32 v3, v2;
	v0 =	vadd.f32 v1, v0;
	_ =	sdelay $0x1  }
0x6b: {  	v0 =	vadd.f32 v0, v35;
	_ =	sdelay $0x1  }
0x6c: {  	v0 =	vadd.f32 v0, v34;
	_ =	sdelay $0x1  }
0x6d: {  	[tilespmem:s12+$0xFFFFFF80] =	vst v0  }
0x6e: {  	v0 =	vld [tilespmem:$0x7010]  }
0x6f: {  	v36 =	vld [tilespmem:$0x7030]  }
0x70: {  	v37 =	vld [tilespmem:$0x7050]  }
0x71: {  	v38 =	vld [tilespmem:$0x7070]  }
0x72: {  	v39 =	vld [tilespmem:$0x7090]  }
0x73: {  	v40 =	vld [tilespmem:$0x70B0]  }
0x74: {  	v41 =	vld [tilespmem:$0x70D0]  }
0x75: {  	v42 =	vld [tilespmem:$0x70F0]  }
0x76: {  	v43 =	vld [tilespmem:$0x7110]  }
0x77: {  	v44 =	vld [tilespmem:$0x7130]  }
0x78: {  	v45 =	vld [tilespmem:$0x7150]  }
0x79: {  	v46 =	vld [tilespmem:$0x7170]  }
0x7a: {  	v47 =	vld [tilespmem:$0x7190]  }
0x7b: {  	v48 =	vld [tilespmem:$0x71B0]  }
0x7c: {  	v49 =	vld [tilespmem:$0x71D0]  }
0x7d: {  	v50 =	vld [tilespmem:$0x71F0]  }
0x7e: {  	v51 =	vld [tilespmem:$0x7210]  }
0x7f: {  	v52 =	vld [tilespmem:$0x7230]  }
0x80: {  	v53 =	vld [tilespmem:$0x7250]  }
0x81: {  	v54 =	vld [tilespmem:$0x7270]  }
0x82: {  	v55 =	vld [tilespmem:$0x7290]  }
0x83: {  	v56 =	vld [tilespmem:$0x72B0]  }
0x84: {  	v57 =	vld [tilespmem:$0x72D0]  }
0x85: {  	v58 =	vld [tilespmem:$0x72F0]  }
0x86: {  	v59 =	vld [tilespmem:$0x7310]  }
0x87: {  	v60 =	vld [tilespmem:$0x7330]  }
0x88: {  	v61 =	vld [tilespmem:$0x7350]  }
0x89: {  	v62 =	vld [tilespmem:$0x7370]  }
0x8a: {  	v63 =	vld [tilespmem:$0x7390]  }
0x8b: {  	v33 =	vld [tilespmem:$0x73B0]  }
0x8c: {  	v34 =	vld [tilespmem:$0x73D0]  }
0x8d: {  	v35 =	vld [tilespmem:$0x73F0]  }
0x8e: {  	v0 =	vadd.f32 v39, v0;
	v1 =	vadd.f32 v40, v36;
	v36 =	vld [tilespmem:$0x7410]  }
0x8f: {  	v2 =	vadd.f32 v41, v37;
	v3 =	vadd.f32 v42, v38;
	v37 =	vld [tilespmem:$0x7430]  }
0x90: {  	v38 =	vld [tilespmem:$0x7450];
	v0 =	vadd.f32 v43, v0;
	v1 =	vadd.f32 v44, v1  }
0x91: {  	v39 =	vld [tilespmem:$0x7470];
	v2 =	vadd.f32 v45, v2;
	v3 =	vadd.f32 v46, v3  }
0x92: {  	v40 =	vld [tilespmem:$0x7490];
	v0 =	vadd.f32 v47, v0;
	v1 =	vadd.f32 v48, v1  }
0x93: {  	v41 =	vld [tilespmem:$0x74B0];
	v2 =	vadd.f32 v49, v2;
	v3 =	vadd.f32 v50, v3  }
0x94: {  	v42 =	vld [tilespmem:$0x74D0];
	v0 =	vadd.f32 v51, v0;
	v1 =	vadd.f32 v52, v1  }
0x95: {  	v43 =	vld [tilespmem:$0x74F0];
	v2 =	vadd.f32 v53, v2;
	v3 =	vadd.f32 v54, v3  }
0x96: {  	v44 =	vld [tilespmem:$0x7510];
	v0 =	vadd.f32 v55, v0;
	v1 =	vadd.f32 v56, v1  }
0x97: {  	v45 =	vld [tilespmem:$0x7530];
	v2 =	vadd.f32 v57, v2;
	v3 =	vadd.f32 v58, v3  }
0x98: {  	v46 =	vld [tilespmem:$0x7550];
	v0 =	vadd.f32 v59, v0;
	v1 =	vadd.f32 v60, v1  }
0x99: {  	v47 =	vld [tilespmem:$0x7570];
	v2 =	vadd.f32 v61, v2;
	v3 =	vadd.f32 v62, v3  }
0x9a: {  	v48 =	vld [tilespmem:$0x7590];
	v0 =	vadd.f32 v63, v0;
	v1 =	vadd.f32 v33, v1  }
0x9b: {  	v49 =	vld [tilespmem:$0x75B0];
	v2 =	vadd.f32 v34, v2;
	v3 =	vadd.f32 v35, v3  }
0x9c: {  	v50 =	vld [tilespmem:$0x75D0];
	v0 =	vadd.f32 v36, v0;
	v1 =	vadd.f32 v37, v1  }
0x9d: {  	v51 =	vld [tilespmem:$0x75F0];
	v2 =	vadd.f32 v38, v2;
	v3 =	vadd.f32 v39, v3  }
0x9e: {  	v52 =	vld [tilespmem:$0x7610];
	v0 =	vadd.f32 v40, v0;
	v1 =	vadd.f32 v41, v1  }
0x9f: {  	v53 =	vld [tilespmem:$0x7630];
	v2 =	vadd.f32 v42, v2;
	v3 =	vadd.f32 v43, v3  }
0xa0: {  	v0 =	vadd.f32 v44, v0;
	v1 =	vadd.f32 v45, v1  }
0xa1: {  	v2 =	vadd.f32 v46, v2;
	v3 =	vadd.f32 v47, v3  }
0xa2: {  	v0 =	vadd.f32 v48, v0;
	v1 =	vadd.f32 v49, v1  }
0xa3: {  	v2 =	vadd.f32 v50, v2;
	v3 =	vadd.f32 v51, v3  }
0xa4: {  	v0 =	vadd.f32 v52, v0;
	v1 =	vadd.f32 v53, v1  }
0xa5: {  	v54 =	vld [tilespmem:$0xE210]  }
0xa6: {  	v55 =	vadd.f32 v3, v2;
	v0 =	vadd.f32 v1, v0;
	_ =	sdelay $0x1  }
0xa7: {  	v0 =	vadd.f32 v0, v55;
	_ =	sdelay $0x1  }
0xa8: {  	p0 =	seq.s32 s13, $0x1B900;
	v0 =	vadd.f32 v0, v54  }
0xa9: {  	s14 =	sshra.s32 @!p0 s13, $0x2  }
0xaa: {  	s15 =	simm.s32 @!p0 $0x32;
	s17 =	simm.s32 @!p0 $0x7000;
	s16 =	sadd.s32 @!p0 $0x1C0, s14;
	[tilespmem:s12+$0xFFFFFF90] =	vst v0  }
0xab: {  	[tilespmem:s17], [sflag:$0x1] =	stream.indirect.gather @!p0 [hbm4b:s4+s15], $0x20, s16, s15, $0xb8;
	[tilespmem:$0xE220] =	vst v63  }
0xac: {  	_ =	swait.ge [sflag:s28], $0x640  }
0xad: {  	[sflag:s28] =	ssyncset.done $0x0  }
0xae: {  	[sflag:s28] =	ssyncadd.s32 $0xFFFFF9C0  }
0xaf: {  	v0 =	vld [tilespmem:$0x7640]  }
0xb0: {  	v56 =	vld [tilespmem:$0x7660]  }
0xb1: {  	v57 =	vld [tilespmem:$0x7680]  }
0xb2: {  	v58 =	vld [tilespmem:$0x76A0]  }
0xb3: {  	v59 =	vld [tilespmem:$0x76C0]  }
0xb4: {  	v60 =	vld [tilespmem:$0x76E0]  }
0xb5: {  	v61 =	vld [tilespmem:$0x7700]  }
0xb6: {  	v62 =	vld [tilespmem:$0x7720]  }
0xb7: {  	v63 =	vld [tilespmem:$0x7740]  }
0xb8: {  	v33 =	vld [tilespmem:$0x7760]  }
0xb9: {  	v34 =	vld [tilespmem:$0x7780]  }
0xba: {  	v35 =	vld [tilespmem:$0x77A0]  }
0xbb: {  	v36 =	vld [tilespmem:$0x77C0]  }
0xbc: {  	v37 =	vld [tilespmem:$0x77E0]  }
0xbd: {  	v38 =	vld [tilespmem:$0x7800]  }
0xbe: {  	v39 =	vld [tilespmem:$0x7820]  }
0xbf: {  	v40 =	vld [tilespmem:$0x7840]  }
0xc0: {  	v41 =	vld [tilespmem:$0x7860]  }
0xc1: {  	v42 =	vld [tilespmem:$0x7880]  }
0xc2: {  	v43 =	vld [tilespmem:$0x78A0]  }
0xc3: {  	v44 =	vld [tilespmem:$0x78C0]  }
0xc4: {  	v45 =	vld [tilespmem:$0x78E0]  }
0xc5: {  	v46 =	vld [tilespmem:$0x7900]  }
0xc6: {  	v47 =	vld [tilespmem:$0x7920]  }
0xc7: {  	v48 =	vld [tilespmem:$0x7940]  }
0xc8: {  	v49 =	vld [tilespmem:$0x7960]  }
0xc9: {  	v50 =	vld [tilespmem:$0x7980]  }
0xca: {  	v51 =	vld [tilespmem:$0x79A0]  }
0xcb: {  	v52 =	vld [tilespmem:$0x79C0]  }
0xcc: {  	v53 =	vld [tilespmem:$0x79E0]  }
0xcd: {  	v54 =	vld [tilespmem:$0x7A00]  }
0xce: {  	v55 =	vld [tilespmem:$0x7A20]  }
0xcf: {  	v21 =	vld [tilespmem:$0x7B40];
	v0 =	vadd.f32 v59, v0;
	v1 =	vadd.f32 v60, v56  }
0xd0: {  	v23 =	vld [tilespmem:$0x7B60];
	v2 =	vadd.f32 v61, v57;
	v3 =	vadd.f32 v62, v58  }
0xd1: {  	v25 =	vld [tilespmem:$0x7B80];
	v0 =	vadd.f32 v63, v0;
	v1 =	vadd.f32 v33, v1  }
0xd2: {  	v27 =	vld [tilespmem:$0x7BA0];
	v2 =	vadd.f32 v34, v2;
	v3 =	vadd.f32 v35, v3  }
0xd3: {  	v28 =	vld [tilespmem:$0x7BC0];
	v0 =	vadd.f32 v36, v0;
	v1 =	vadd.f32 v37, v1  }
0xd4: {  	v56 =	vld [tilespmem:$0x7A40];
	v2 =	vadd.f32 v38, v2;
	v3 =	vadd.f32 v39, v3  }
0xd5: {  	v57 =	vld [tilespmem:$0x7A60];
	v0 =	vadd.f32 v40, v0;
	v1 =	vadd.f32 v41, v1  }
0xd6: {  	v58 =	vld [tilespmem:$0x7A80];
	v2 =	vadd.f32 v42, v2;
	v3 =	vadd.f32 v43, v3  }
0xd7: {  	v59 =	vld [tilespmem:$0x7AA0];
	v0 =	vadd.f32 v44, v0;
	v1 =	vadd.f32 v45, v1  }
0xd8: {  	v60 =	vld [tilespmem:$0x7AC0];
	v2 =	vadd.f32 v46, v2;
	v3 =	vadd.f32 v47, v3  }
0xd9: {  	v61 =	vld [tilespmem:$0x7AE0];
	v0 =	vadd.f32 v48, v0;
	v1 =	vadd.f32 v49, v1  }
0xda: {  	v62 =	vld [tilespmem:$0x7B00];
	v2 =	vadd.f32 v50, v2;
	v3 =	vadd.f32 v51, v3  }
0xdb: {  	v63 =	vld [tilespmem:$0x7B20];
	v0 =	vadd.f32 v52, v0;
	v1 =	vadd.f32 v53, v1  }
0xdc: {  	v29 =	vld [tilespmem:$0x7BE0];
	v2 =	vadd.f32 v54, v2;
	v3 =	vadd.f32 v55, v3  }
0xdd: {  	v30 =	vld [tilespmem:$0x7C00];
	v0 =	vadd.f32 v56, v0;
	v1 =	vadd.f32 v57, v1  }
0xde: {  	v31 =	vld [tilespmem:$0x7C20];
	v2 =	vadd.f32 v58, v2;
	v3 =	vadd.f32 v59, v3  }
0xdf: {  	v32 =	vld [tilespmem:$0x7C40];
	v0 =	vadd.f32 v60, v0;
	v1 =	vadd.f32 v61, v1  }
0xe0: {  	v33 =	vld [tilespmem:$0x7C60];
	v2 =	vadd.f32 v62, v2;
	v3 =	vadd.f32 v63, v3  }
0xe1: {  	v0 =	vadd.f32 v21, v0;
	v1 =	vadd.f32 v23, v1  }
0xe2: {  	v2 =	vadd.f32 v25, v2;
	v3 =	vadd.f32 v27, v3  }
0xe3: {  	v0 =	vadd.f32 v28, v0;
	v1 =	vadd.f32 v29, v1  }
0xe4: {  	v2 =	vadd.f32 v30, v2;
	v3 =	vadd.f32 v31, v3  }
0xe5: {  	v0 =	vadd.f32 v32, v0;
	v1 =	vadd.f32 v33, v1  }
0xe6: {  	v34 =	vld [tilespmem:$0xE200]  }
0xe7: {  	v35 =	vadd.f32 v3, v2;
	v0 =	vadd.f32 v1, v0;
	_ =	sdelay $0x1  }
0xe8: {  	v0 =	vadd.f32 v0, v35;
	_ =	sdelay $0x1  }
0xe9: {  	v0 =	vadd.f32 v0, v34;
	_ =	sdelay $0x1  }
0xea: {  	[tilespmem:s12+$0xFFFFFFA0] =	vst v0  }
0xeb: {  	v0 =	vld [tilespmem:$0x7650]  }
0xec: {  	v36 =	vld [tilespmem:$0x7670]  }
0xed: {  	v37 =	vld [tilespmem:$0x7690]  }
0xee: {  	v38 =	vld [tilespmem:$0x76B0]  }
0xef: {  	v39 =	vld [tilespmem:$0x76D0]  }
0xf0: {  	v40 =	vld [tilespmem:$0x76F0]  }
0xf1: {  	v41 =	vld [tilespmem:$0x7710]  }
0xf2: {  	v42 =	vld [tilespmem:$0x7730]  }
0xf3: {  	v43 =	vld [tilespmem:$0x7750]  }
0xf4: {  	v44 =	vld [tilespmem:$0x7770]  }
0xf5: {  	v45 =	vld [tilespmem:$0x7790]  }
0xf6: {  	v46 =	vld [tilespmem:$0x77B0]  }
0xf7: {  	v47 =	vld [tilespmem:$0x77D0]  }
0xf8: {  	v48 =	vld [tilespmem:$0x77F0]  }
0xf9: {  	v49 =	vld [tilespmem:$0x7810]  }
0xfa: {  	v50 =	vld [tilespmem:$0x7830]  }
0xfb: {  	v51 =	vld [tilespmem:$0x7850]  }
0xfc: {  	v52 =	vld [tilespmem:$0x7870]  }
0xfd: {  	v53 =	vld [tilespmem:$0x7890]  }
0xfe: {  	v54 =	vld [tilespmem:$0x78B0]  }
0xff: {  	v55 =	vld [tilespmem:$0x78D0]  }
0x100: {  	v56 =	vld [tilespmem:$0x78F0]  }
0x101: {  	v57 =	vld [tilespmem:$0x7910]  }
0x102: {  	v58 =	vld [tilespmem:$0x7930]  }
0x103: {  	v59 =	vld [tilespmem:$0x7950]  }
0x104: {  	v60 =	vld [tilespmem:$0x7970]  }
0x105: {  	v61 =	vld [tilespmem:$0x7990]  }
0x106: {  	v62 =	vld [tilespmem:$0x79B0]  }
0x107: {  	v63 =	vld [tilespmem:$0x79D0]  }
0x108: {  	v33 =	vld [tilespmem:$0x79F0]  }
0x109: {  	v34 =	vld [tilespmem:$0x7A10]  }
0x10a: {  	v35 =	vld [tilespmem:$0x7A30]  }
0x10b: {  	v0 =	vadd.f32 v39, v0;
	v1 =	vadd.f32 v40, v36;
	v36 =	vld [tilespmem:$0x7A50]  }
0x10c: {  	v2 =	vadd.f32 v41, v37;
	v3 =	vadd.f32 v42, v38;
	v37 =	vld [tilespmem:$0x7A70]  }
0x10d: {  	v38 =	vld [tilespmem:$0x7A90];
	v0 =	vadd.f32 v43, v0;
	v1 =	vadd.f32 v44, v1  }
0x10e: {  	v39 =	vld [tilespmem:$0x7AB0];
	v2 =	vadd.f32 v45, v2;
	v3 =	vadd.f32 v46, v3  }
0x10f: {  	v40 =	vld [tilespmem:$0x7AD0];
	v0 =	vadd.f32 v47, v0;
	v1 =	vadd.f32 v48, v1  }
0x110: {  	v41 =	vld [tilespmem:$0x7AF0];
	v2 =	vadd.f32 v49, v2;
	v3 =	vadd.f32 v50, v3  }
0x111: {  	v42 =	vld [tilespmem:$0x7B10];
	v0 =	vadd.f32 v51, v0;
	v1 =	vadd.f32 v52, v1  }
0x112: {  	v43 =	vld [tilespmem:$0x7B30];
	v2 =	vadd.f32 v53, v2;
	v3 =	vadd.f32 v54, v3  }
0x113: {  	v44 =	vld [tilespmem:$0x7B50];
	v0 =	vadd.f32 v55, v0;
	v1 =	vadd.f32 v56, v1  }
0x114: {  	v45 =	vld [tilespmem:$0x7B70];
	v2 =	vadd.f32 v57, v2;
	v3 =	vadd.f32 v58, v3  }
0x115: {  	v46 =	vld [tilespmem:$0x7B90];
	v0 =	vadd.f32 v59, v0;
	v1 =	vadd.f32 v60, v1  }
0x116: {  	v47 =	vld [tilespmem:$0x7BB0];
	v2 =	vadd.f32 v61, v2;
	v3 =	vadd.f32 v62, v3  }
0x117: {  	v48 =	vld [tilespmem:$0x7BD0];
	v0 =	vadd.f32 v63, v0;
	v1 =	vadd.f32 v33, v1  }
0x118: {  	v49 =	vld [tilespmem:$0x7BF0];
	v2 =	vadd.f32 v34, v2;
	v3 =	vadd.f32 v35, v3  }
0x119: {  	v50 =	vld [tilespmem:$0x7C10];
	v0 =	vadd.f32 v36, v0;
	v1 =	vadd.f32 v37, v1  }
0x11a: {  	v51 =	vld [tilespmem:$0x7C30];
	v2 =	vadd.f32 v38, v2;
	v3 =	vadd.f32 v39, v3  }
0x11b: {  	v52 =	vld [tilespmem:$0x7C50];
	v0 =	vadd.f32 v40, v0;
	v1 =	vadd.f32 v41, v1  }
0x11c: {  	v53 =	vld [tilespmem:$0x7C70];
	v2 =	vadd.f32 v42, v2;
	v3 =	vadd.f32 v43, v3  }
0x11d: {  	v0 =	vadd.f32 v44, v0;
	v1 =	vadd.f32 v45, v1  }
0x11e: {  	v2 =	vadd.f32 v46, v2;
	v3 =	vadd.f32 v47, v3  }
0x11f: {  	v0 =	vadd.f32 v48, v0;
	v1 =	vadd.f32 v49, v1  }
0x120: {  	v2 =	vadd.f32 v50, v2;
	v3 =	vadd.f32 v51, v3  }
0x121: {  	v0 =	vadd.f32 v52, v0;
	v1 =	vadd.f32 v53, v1  }
0x122: {  	v54 =	vld [tilespmem:$0xE210]  }
0x123: {  	v55 =	vadd.f32 v3, v2;
	v0 =	vadd.f32 v1, v0;
	_ =	sdelay $0x1  }
0x124: {  	v0 =	vadd.f32 v0, v55;
	_ =	sdelay $0x1  }
0x125: {  	v0 =	vadd.f32 v0, v54;
	_ =	sdelay $0x1  }
0x126: {  	s16 =	sadd.s32 @!p0 $0x1F8, s14;
	s17 =	simm.s32 @!p0 $0x7640;
	[tilespmem:s12+$0xFFFFFFB0] =	vst v0  }
0x127: {  	[tilespmem:s17], [sflag:$0x2] =	stream.indirect.gather @!p0 [hbm4b:s4+s15], $0x20, s16, s15, $0xb8;
	[tilespmem:$0xE220] =	vst v63  }
0x128: {  	_ =	swait.ge [sflag:s29], $0x640  }
0x129: {  	[sflag:s29] =	ssyncset.done $0x0  }
0x12a: {  	[sflag:s29] =	ssyncadd.s32 $0xFFFFF9C0  }
0x12b: {  	v0 =	vld [tilespmem:$0x7C80]  }
0x12c: {  	v56 =	vld [tilespmem:$0x7CA0]  }
0x12d: {  	v57 =	vld [tilespmem:$0x7CC0]  }
0x12e: {  	v58 =	vld [tilespmem:$0x7CE0]  }
0x12f: {  	v59 =	vld [tilespmem:$0x7D00]  }
0x130: {  	v60 =	vld [tilespmem:$0x7D20]  }
0x131: {  	v61 =	vld [tilespmem:$0x7D40]  }
0x132: {  	v62 =	vld [tilespmem:$0x7D60]  }
0x133: {  	v63 =	vld [tilespmem:$0x7D80]  }
0x134: {  	v33 =	vld [tilespmem:$0x7DA0]  }
0x135: {  	v34 =	vld [tilespmem:$0x7DC0]  }
0x136: {  	v35 =	vld [tilespmem:$0x7DE0]  }
0x137: {  	v36 =	vld [tilespmem:$0x7E00]  }
0x138: {  	v37 =	vld [tilespmem:$0x7E20]  }
0x139: {  	v38 =	vld [tilespmem:$0x7E40]  }
0x13a: {  	v39 =	vld [tilespmem:$0x7E60]  }
0x13b: {  	v40 =	vld [tilespmem:$0x7E80]  }
0x13c: {  	v41 =	vld [tilespmem:$0x7EA0]  }
0x13d: {  	v42 =	vld [tilespmem:$0x7EC0]  }
0x13e: {  	v43 =	vld [tilespmem:$0x7EE0]  }
0x13f: {  	v44 =	vld [tilespmem:$0x7F00]  }
0x140: {  	v45 =	vld [tilespmem:$0x7F20]  }
0x141: {  	v46 =	vld [tilespmem:$0x7F40]  }
0x142: {  	v47 =	vld [tilespmem:$0x7F60]  }
0x143: {  	v48 =	vld [tilespmem:$0x7F80]  }
0x144: {  	v49 =	vld [tilespmem:$0x7FA0]  }
0x145: {  	v50 =	vld [tilespmem:$0x7FC0]  }
0x146: {  	v51 =	vld [tilespmem:$0x7FE0]  }
0x147: {  	v52 =	vld [tilespmem:$0x8000]  }
0x148: {  	v53 =	vld [tilespmem:$0x8020]  }
0x149: {  	v54 =	vld [tilespmem:$0x8040]  }
0x14a: {  	v55 =	vld [tilespmem:$0x8060]  }
0x14b: {  	v21 =	vld [tilespmem:$0x8180];
	v0 =	vadd.f32 v59, v0;
	v1 =	vadd.f32 v60, v56  }
0x14c: {  	v23 =	vld [tilespmem:$0x81A0];
	v2 =	vadd.f32 v61, v57;
	v3 =	vadd.f32 v62, v58  }
0x14d: {  	v25 =	vld [tilespmem:$0x81C0];
	v0 =	vadd.f32 v63, v0;
	v1 =	vadd.f32 v33, v1  }
0x14e: {  	v27 =	vld [tilespmem:$0x81E0];
	v2 =	vadd.f32 v34, v2;
	v3 =	vadd.f32 v35, v3  }
0x14f: {  	v28 =	vld [tilespmem:$0x8200];
	v0 =	vadd.f32 v36, v0;
	v1 =	vadd.f32 v37, v1  }
0x150: {  	v56 =	vld [tilespmem:$0x8080];
	v2 =	vadd.f32 v38, v2;
	v3 =	vadd.f32 v39, v3  }
0x151: {  	v57 =	vld [tilespmem:$0x80A0];
	v0 =	vadd.f32 v40, v0;
	v1 =	vadd.f32 v41, v1  }
0x152: {  	v58 =	vld [tilespmem:$0x80C0];
	v2 =	vadd.f32 v42, v2;
	v3 =	vadd.f32 v43, v3  }
0x153: {  	v59 =	vld [tilespmem:$0x80E0];
	v0 =	vadd.f32 v44, v0;
	v1 =	vadd.f32 v45, v1  }
0x154: {  	v60 =	vld [tilespmem:$0x8100];
	v2 =	vadd.f32 v46, v2;
	v3 =	vadd.f32 v47, v3  }
0x155: {  	v61 =	vld [tilespmem:$0x8120];
	v0 =	vadd.f32 v48, v0;
	v1 =	vadd.f32 v49, v1  }
0x156: {  	v62 =	vld [tilespmem:$0x8140];
	v2 =	vadd.f32 v50, v2;
	v3 =	vadd.f32 v51, v3  }
0x157: {  	v63 =	vld [tilespmem:$0x8160];
	v0 =	vadd.f32 v52, v0;
	v1 =	vadd.f32 v53, v1  }
0x158: {  	v29 =	vld [tilespmem:$0x8220];
	v2 =	vadd.f32 v54, v2;
	v3 =	vadd.f32 v55, v3  }
0x159: {  	v30 =	vld [tilespmem:$0x8240];
	v0 =	vadd.f32 v56, v0;
	v1 =	vadd.f32 v57, v1  }
0x15a: {  	v31 =	vld [tilespmem:$0x8260];
	v2 =	vadd.f32 v58, v2;
	v3 =	vadd.f32 v59, v3  }
0x15b: {  	v32 =	vld [tilespmem:$0x8280];
	v0 =	vadd.f32 v60, v0;
	v1 =	vadd.f32 v61, v1  }
0x15c: {  	v33 =	vld [tilespmem:$0x82A0];
	v2 =	vadd.f32 v62, v2;
	v3 =	vadd.f32 v63, v3  }
0x15d: {  	v0 =	vadd.f32 v21, v0;
	v1 =	vadd.f32 v23, v1  }
0x15e: {  	v2 =	vadd.f32 v25, v2;
	v3 =	vadd.f32 v27, v3  }
0x15f: {  	v0 =	vadd.f32 v28, v0;
	v1 =	vadd.f32 v29, v1  }
0x160: {  	v2 =	vadd.f32 v30, v2;
	v3 =	vadd.f32 v31, v3  }
0x161: {  	v0 =	vadd.f32 v32, v0;
	v1 =	vadd.f32 v33, v1  }
0x162: {  	v34 =	vld [tilespmem:$0xE200]  }
0x163: {  	v35 =	vadd.f32 v3, v2;
	v0 =	vadd.f32 v1, v0;
	_ =	sdelay $0x1  }
0x164: {  	v0 =	vadd.f32 v0, v35;
	_ =	sdelay $0x1  }
0x165: {  	v0 =	vadd.f32 v0, v34;
	_ =	sdelay $0x1  }
0x166: {  	[tilespmem:s12+$0xFFFFFFC0] =	vst v0  }
0x167: {  	v0 =	vld [tilespmem:$0x7C90]  }
0x168: {  	v36 =	vld [tilespmem:$0x7CB0]  }
0x169: {  	v37 =	vld [tilespmem:$0x7CD0]  }
0x16a: {  	v38 =	vld [tilespmem:$0x7CF0]  }
0x16b: {  	v39 =	vld [tilespmem:$0x7D10]  }
0x16c: {  	v40 =	vld [tilespmem:$0x7D30]  }
0x16d: {  	v41 =	vld [tilespmem:$0x7D50]  }
0x16e: {  	v42 =	vld [tilespmem:$0x7D70]  }
0x16f: {  	v43 =	vld [tilespmem:$0x7D90]  }
0x170: {  	v44 =	vld [tilespmem:$0x7DB0]  }
0x171: {  	v45 =	vld [tilespmem:$0x7DD0]  }
0x172: {  	v46 =	vld [tilespmem:$0x7DF0]  }
0x173: {  	v47 =	vld [tilespmem:$0x7E10]  }
0x174: {  	v48 =	vld [tilespmem:$0x7E30]  }
0x175: {  	v49 =	vld [tilespmem:$0x7E50]  }
0x176: {  	v50 =	vld [tilespmem:$0x7E70]  }
0x177: {  	v51 =	vld [tilespmem:$0x7E90]  }
0x178: {  	v52 =	vld [tilespmem:$0x7EB0]  }
0x179: {  	v53 =	vld [tilespmem:$0x7ED0]  }
0x17a: {  	v54 =	vld [tilespmem:$0x7EF0]  }
0x17b: {  	v55 =	vld [tilespmem:$0x7F10]  }
0x17c: {  	v56 =	vld [tilespmem:$0x7F30]  }
0x17d: {  	v57 =	vld [tilespmem:$0x7F50]  }
0x17e: {  	v58 =	vld [tilespmem:$0x7F70]  }
0x17f: {  	v59 =	vld [tilespmem:$0x7F90]  }
0x180: {  	v60 =	vld [tilespmem:$0x7FB0]  }
0x181: {  	v61 =	vld [tilespmem:$0x7FD0]  }
0x182: {  	v62 =	vld [tilespmem:$0x7FF0]  }
0x183: {  	v63 =	vld [tilespmem:$0x8010]  }
0x184: {  	v33 =	vld [tilespmem:$0x8030]  }
0x185: {  	v34 =	vld [tilespmem:$0x8050]  }
0x186: {  	v35 =	vld [tilespmem:$0x8070]  }
0x187: {  	v0 =	vadd.f32 v39, v0;
	v1 =	vadd.f32 v40, v36;
	v36 =	vld [tilespmem:$0x8090]  }
0x188: {  	v2 =	vadd.f32 v41, v37;
	v3 =	vadd.f32 v42, v38;
	v37 =	vld [tilespmem:$0x80B0]  }
0x189: {  	v38 =	vld [tilespmem:$0x80D0];
	v0 =	vadd.f32 v43, v0;
	v1 =	vadd.f32 v44, v1  }
0x18a: {  	v39 =	vld [tilespmem:$0x80F0];
	v2 =	vadd.f32 v45, v2;
	v3 =	vadd.f32 v46, v3  }
0x18b: {  	v40 =	vld [tilespmem:$0x8110];
	v0 =	vadd.f32 v47, v0;
	v1 =	vadd.f32 v48, v1  }
0x18c: {  	v41 =	vld [tilespmem:$0x8130];
	v2 =	vadd.f32 v49, v2;
	v3 =	vadd.f32 v50, v3  }
0x18d: {  	v42 =	vld [tilespmem:$0x8150];
	v0 =	vadd.f32 v51, v0;
	v1 =	vadd.f32 v52, v1  }
0x18e: {  	v43 =	vld [tilespmem:$0x8170];
	v2 =	vadd.f32 v53, v2;
	v3 =	vadd.f32 v54, v3  }
0x18f: {  	v44 =	vld [tilespmem:$0x8190];
	v0 =	vadd.f32 v55, v0;
	v1 =	vadd.f32 v56, v1  }
0x190: {  	v45 =	vld [tilespmem:$0x81B0];
	v2 =	vadd.f32 v57, v2;
	v3 =	vadd.f32 v58, v3  }
0x191: {  	v46 =	vld [tilespmem:$0x81D0];
	v0 =	vadd.f32 v59, v0;
	v1 =	vadd.f32 v60, v1  }
0x192: {  	v47 =	vld [tilespmem:$0x81F0];
	v2 =	vadd.f32 v61, v2;
	v3 =	vadd.f32 v62, v3  }
0x193: {  	v48 =	vld [tilespmem:$0x8210];
	v0 =	vadd.f32 v63, v0;
	v1 =	vadd.f32 v33, v1  }
0x194: {  	v49 =	vld [tilespmem:$0x8230];
	v2 =	vadd.f32 v34, v2;
	v3 =	vadd.f32 v35, v3  }
0x195: {  	v50 =	vld [tilespmem:$0x8250];
	v0 =	vadd.f32 v36, v0;
	v1 =	vadd.f32 v37, v1  }
0x196: {  	v51 =	vld [tilespmem:$0x8270];
	v2 =	vadd.f32 v38, v2;
	v3 =	vadd.f32 v39, v3  }
0x197: {  	v52 =	vld [tilespmem:$0x8290];
	v0 =	vadd.f32 v40, v0;
	v1 =	vadd.f32 v41, v1  }
0x198: {  	v53 =	vld [tilespmem:$0x82B0];
	v2 =	vadd.f32 v42, v2;
	v3 =	vadd.f32 v43, v3  }
0x199: {  	v0 =	vadd.f32 v44, v0;
	v1 =	vadd.f32 v45, v1  }
0x19a: {  	v2 =	vadd.f32 v46, v2;
	v3 =	vadd.f32 v47, v3  }
0x19b: {  	v0 =	vadd.f32 v48, v0;
	v1 =	vadd.f32 v49, v1  }
0x19c: {  	v2 =	vadd.f32 v50, v2;
	v3 =	vadd.f32 v51, v3  }
0x19d: {  	v0 =	vadd.f32 v52, v0;
	v1 =	vadd.f32 v53, v1  }
0x19e: {  	v54 =	vld [tilespmem:$0xE210]  }
0x19f: {  	v55 =	vadd.f32 v3, v2;
	v0 =	vadd.f32 v1, v0;
	_ =	sdelay $0x1  }
0x1a0: {  	v0 =	vadd.f32 v0, v55;
	_ =	sdelay $0x1  }
0x1a1: {  	v0 =	vadd.f32 v0, v54;
	_ =	sdelay $0x1  }
0x1a2: {  	s16 =	sadd.s32 @!p0 $0x230, s14;
	s17 =	simm.s32 @!p0 $0x7C80;
	[tilespmem:s12+$0xFFFFFFD0] =	vst v0  }
0x1a3: {  	[tilespmem:s17], [sflag:$0x3] =	stream.indirect.gather @!p0 [hbm4b:s4+s15], $0x20, s16, s15, $0xb8;
	[tilespmem:$0xE220] =	vst v63  }
0x1a4: {  	_ =	swait.ge [sflag:s30], $0x640  }
0x1a5: {  	[sflag:s30] =	ssyncset.done $0x0  }
0x1a6: {  	[sflag:s30] =	ssyncadd.s32 $0xFFFFF9C0  }
0x1a7: {  	v0 =	vld [tilespmem:$0x82C0]  }
0x1a8: {  	v56 =	vld [tilespmem:$0x82E0]  }
0x1a9: {  	v57 =	vld [tilespmem:$0x8300]  }
0x1aa: {  	v58 =	vld [tilespmem:$0x8320]  }
0x1ab: {  	v59 =	vld [tilespmem:$0x8340]  }
0x1ac: {  	v60 =	vld [tilespmem:$0x8360]  }
0x1ad: {  	v61 =	vld [tilespmem:$0x8380]  }
0x1ae: {  	v62 =	vld [tilespmem:$0x83A0]  }
0x1af: {  	v63 =	vld [tilespmem:$0x83C0]  }
0x1b0: {  	v33 =	vld [tilespmem:$0x83E0]  }
0x1b1: {  	v34 =	vld [tilespmem:$0x8400]  }
0x1b2: {  	v35 =	vld [tilespmem:$0x8420]  }
0x1b3: {  	v36 =	vld [tilespmem:$0x8440]  }
0x1b4: {  	v37 =	vld [tilespmem:$0x8460]  }
0x1b5: {  	v38 =	vld [tilespmem:$0x8480]  }
0x1b6: {  	v39 =	vld [tilespmem:$0x84A0]  }
0x1b7: {  	v40 =	vld [tilespmem:$0x84C0]  }
0x1b8: {  	v41 =	vld [tilespmem:$0x84E0]  }
0x1b9: {  	v42 =	vld [tilespmem:$0x8500]  }
0x1ba: {  	v43 =	vld [tilespmem:$0x8520]  }
0x1bb: {  	v44 =	vld [tilespmem:$0x8540]  }
0x1bc: {  	v45 =	vld [tilespmem:$0x8560]  }
0x1bd: {  	v46 =	vld [tilespmem:$0x8580]  }
0x1be: {  	v47 =	vld [tilespmem:$0x85A0]  }
0x1bf: {  	v48 =	vld [tilespmem:$0x85C0]  }
0x1c0: {  	v49 =	vld [tilespmem:$0x85E0]  }
0x1c1: {  	v50 =	vld [tilespmem:$0x8600]  }
0x1c2: {  	v51 =	vld [tilespmem:$0x8620]  }
0x1c3: {  	v52 =	vld [tilespmem:$0x8640]  }
0x1c4: {  	v53 =	vld [tilespmem:$0x8660]  }
0x1c5: {  	v54 =	vld [tilespmem:$0x8680]  }
0x1c6: {  	v55 =	vld [tilespmem:$0x86A0]  }
0x1c7: {  	v0 =	vadd.f32 v59, v0;
	v1 =	vadd.f32 v60, v56;
	v56 =	vld [tilespmem:$0x86C0]  }
0x1c8: {  	v2 =	vadd.f32 v61, v57;
	v3 =	vadd.f32 v62, v58;
	v57 =	vld [tilespmem:$0x86E0]  }
0x1c9: {  	v58 =	vld [tilespmem:$0x8700];
	v0 =	vadd.f32 v63, v0;
	v1 =	vadd.f32 v33, v1  }
0x1ca: {  	v59 =	vld [tilespmem:$0x8720];
	v2 =	vadd.f32 v34, v2;
	v3 =	vadd.f32 v35, v3  }
0x1cb: {  	v60 =	vld [tilespmem:$0x8740];
	v0 =	vadd.f32 v36, v0;
	v1 =	vadd.f32 v37, v1  }
0x1cc: {  	v61 =	vld [tilespmem:$0x8760];
	v2 =	vadd.f32 v38, v2;
	v3 =	vadd.f32 v39, v3  }
0x1cd: {  	v62 =	vld [tilespmem:$0x8780];
	v0 =	vadd.f32 v40, v0;
	v1 =	vadd.f32 v41, v1  }
0x1ce: {  	v21 =	vld [tilespmem:$0x87C0];
	v2 =	vadd.f32 v42, v2;
	v3 =	vadd.f32 v43, v3  }
0x1cf: {  	v23 =	vld [tilespmem:$0x87E0];
	v0 =	vadd.f32 v44, v0;
	v1 =	vadd.f32 v45, v1  }
0x1d0: {  	v25 =	vld [tilespmem:$0x8800];
	v2 =	vadd.f32 v46, v2;
	v3 =	vadd.f32 v47, v3  }
0x1d1: {  	v27 =	vld [tilespmem:$0x8820];
	v0 =	vadd.f32 v48, v0;
	v1 =	vadd.f32 v49, v1  }
0x1d2: {  	v28 =	vld [tilespmem:$0x8840];
	v2 =	vadd.f32 v50, v2;
	v3 =	vadd.f32 v51, v3  }
0x1d3: {  	v63 =	vld [tilespmem:$0x87A0];
	v0 =	vadd.f32 v52, v0;
	v1 =	vadd.f32 v53, v1  }
0x1d4: {  	v29 =	vld [tilespmem:$0x8860];
	v2 =	vadd.f32 v54, v2;
	v3 =	vadd.f32 v55, v3  }
0x1d5: {  	v30 =	vld [tilespmem:$0x8880];
	v0 =	vadd.f32 v56, v0;
	v1 =	vadd.f32 v57, v1  }
0x1d6: {  	v31 =	vld [tilespmem:$0x88A0];
	v2 =	vadd.f32 v58, v2;
	v3 =	vadd.f32 v59, v3  }
0x1d7: {  	v32 =	vld [tilespmem:$0x88C0];
	v0 =	vadd.f32 v60, v0;
	v1 =	vadd.f32 v61, v1  }
0x1d8: {  	v33 =	vld [tilespmem:$0x88E0];
	v2 =	vadd.f32 v62, v2;
	v3 =	vadd.f32 v63, v3  }
0x1d9: {  	v0 =	vadd.f32 v21, v0;
	v1 =	vadd.f32 v23, v1  }
0x1da: {  	v2 =	vadd.f32 v25, v2;
	v3 =	vadd.f32 v27, v3  }
0x1db: {  	v0 =	vadd.f32 v28, v0;
	v1 =	vadd.f32 v29, v1  }
0x1dc: {  	v2 =	vadd.f32 v30, v2;
	v3 =	vadd.f32 v31, v3  }
0x1dd: {  	v0 =	vadd.f32 v32, v0;
	v1 =	vadd.f32 v33, v1  }
0x1de: {  	v34 =	vld [tilespmem:$0xE200]  }
0x1df: {  	v35 =	vadd.f32 v3, v2;
	v0 =	vadd.f32 v1, v0;
	_ =	sdelay $0x1  }
0x1e0: {  	v0 =	vadd.f32 v0, v35;
	_ =	sdelay $0x1  }
0x1e1: {  	v0 =	vadd.f32 v0, v34;
	_ =	sdelay $0x1  }
0x1e2: {  	[tilespmem:s12+$0xFFFFFFE0] =	vst v0  }
0x1e3: {  	v0 =	vld [tilespmem:$0x82D0]  }
0x1e4: {  	v36 =	vld [tilespmem:$0x82F0]  }
0x1e5: {  	v37 =	vld [tilespmem:$0x8310]  }
0x1e6: {  	v38 =	vld [tilespmem:$0x8330]  }
0x1e7: {  	v39 =	vld [tilespmem:$0x8350]  }
0x1e8: {  	v40 =	vld [tilespmem:$0x8370]  }
0x1e9: {  	v41 =	vld [tilespmem:$0x8390]  }
0x1ea: {  	v42 =	vld [tilespmem:$0x83B0]  }
0x1eb: {  	v43 =	vld [tilespmem:$0x83D0]  }
0x1ec: {  	v44 =	vld [tilespmem:$0x83F0]  }
0x1ed: {  	v45 =	vld [tilespmem:$0x8410]  }
0x1ee: {  	v46 =	vld [tilespmem:$0x8430]  }
0x1ef: {  	v47 =	vld [tilespmem:$0x8450]  }
0x1f0: {  	v48 =	vld [tilespmem:$0x8470]  }
0x1f1: {  	v49 =	vld [tilespmem:$0x8490]  }
0x1f2: {  	v50 =	vld [tilespmem:$0x84B0]  }
0x1f3: {  	v51 =	vld [tilespmem:$0x84D0]  }
0x1f4: {  	v52 =	vld [tilespmem:$0x84F0]  }
0x1f5: {  	v53 =	vld [tilespmem:$0x8510]  }
0x1f6: {  	v54 =	vld [tilespmem:$0x8530]  }
0x1f7: {  	v55 =	vld [tilespmem:$0x8550]  }
0x1f8: {  	v56 =	vld [tilespmem:$0x8570]  }
0x1f9: {  	v57 =	vld [tilespmem:$0x8590]  }
0x1fa: {  	v58 =	vld [tilespmem:$0x85B0]  }
0x1fb: {  	v59 =	vld [tilespmem:$0x85D0]  }
0x1fc: {  	v60 =	vld [tilespmem:$0x85F0]  }
0x1fd: {  	v61 =	vld [tilespmem:$0x8610]  }
0x1fe: {  	v62 =	vld [tilespmem:$0x8630]  }
0x1ff: {  	v63 =	vld [tilespmem:$0x8650]  }
0x200: {  	v33 =	vld [tilespmem:$0x8670]  }
0x201: {  	v34 =	vld [tilespmem:$0x8690]  }
0x202: {  	v35 =	vld [tilespmem:$0x86B0]  }
0x203: {  	v0 =	vadd.f32 v39, v0;
	v1 =	vadd.f32 v40, v36;
	v36 =	vld [tilespmem:$0x86D0]  }
0x204: {  	v2 =	vadd.f32 v41, v37;
	v3 =	vadd.f32 v42, v38;
	v37 =	vld [tilespmem:$0x86F0]  }
0x205: {  	v38 =	vld [tilespmem:$0x8710];
	v0 =	vadd.f32 v43, v0;
	v1 =	vadd.f32 v44, v1  }
0x206: {  	v39 =	vld [tilespmem:$0x8730];
	v2 =	vadd.f32 v45, v2;
	v3 =	vadd.f32 v46, v3  }
0x207: {  	v40 =	vld [tilespmem:$0x8750];
	v0 =	vadd.f32 v47, v0;
	v1 =	vadd.f32 v48, v1  }
0x208: {  	v41 =	vld [tilespmem:$0x8770];
	v2 =	vadd.f32 v49, v2;
	v3 =	vadd.f32 v50, v3  }
0x209: {  	v42 =	vld [tilespmem:$0x8790];
	v0 =	vadd.f32 v51, v0;
	v1 =	vadd.f32 v52, v1  }
0x20a: {  	v43 =	vld [tilespmem:$0x87B0];
	v2 =	vadd.f32 v53, v2;
	v3 =	vadd.f32 v54, v3  }
0x20b: {  	v44 =	vld [tilespmem:$0x87D0];
	v0 =	vadd.f32 v55, v0;
	v1 =	vadd.f32 v56, v1  }
0x20c: {  	v45 =	vld [tilespmem:$0x87F0];
	v2 =	vadd.f32 v57, v2;
	v3 =	vadd.f32 v58, v3  }
0x20d: {  	v46 =	vld [tilespmem:$0x8810];
	v0 =	vadd.f32 v59, v0;
	v1 =	vadd.f32 v60, v1  }
0x20e: {  	v47 =	vld [tilespmem:$0x8830];
	v2 =	vadd.f32 v61, v2;
	v3 =	vadd.f32 v62, v3  }
0x20f: {  	v48 =	vld [tilespmem:$0x8850];
	v0 =	vadd.f32 v63, v0;
	v1 =	vadd.f32 v33, v1  }
0x210: {  	v49 =	vld [tilespmem:$0x8870];
	v2 =	vadd.f32 v34, v2;
	v3 =	vadd.f32 v35, v3  }
0x211: {  	v50 =	vld [tilespmem:$0x8890];
	v0 =	vadd.f32 v36, v0;
	v1 =	vadd.f32 v37, v1  }
0x212: {  	v51 =	vld [tilespmem:$0x88B0];
	v2 =	vadd.f32 v38, v2;
	v3 =	vadd.f32 v39, v3  }
0x213: {  	v52 =	vld [tilespmem:$0x88D0];
	v0 =	vadd.f32 v40, v0;
	v1 =	vadd.f32 v41, v1  }
0x214: {  	v53 =	vld [tilespmem:$0x88F0];
	v2 =	vadd.f32 v42, v2;
	v3 =	vadd.f32 v43, v3  }
0x215: {  	v0 =	vadd.f32 v44, v0;
	v1 =	vadd.f32 v45, v1  }
0x216: {  	v2 =	vadd.f32 v46, v2;
	v3 =	vadd.f32 v47, v3  }
0x217: {  	v0 =	vadd.f32 v48, v0;
	v1 =	vadd.f32 v49, v1  }
0x218: {  	v2 =	vadd.f32 v50, v2;
	v3 =	vadd.f32 v51, v3  }
0x219: {  	v0 =	vadd.f32 v52, v0;
	v1 =	vadd.f32 v53, v1  }
0x21a: {  	v54 =	vld [tilespmem:$0xE210]  }
0x21b: {  	v55 =	vadd.f32 v3, v2;
	v0 =	vadd.f32 v1, v0;
	_ =	sdelay $0x1  }
0x21c: {  	v0 =	vadd.f32 v0, v55;
	_ =	sdelay $0x1  }
0x21d: {  	v0 =	vadd.f32 v0, v54;
	_ =	sdelay $0x1  }
0x21e: {  	s16 =	sadd.s32 @!p0 $0x268, s14;
	s17 =	simm.s32 @!p0 $0x82C0;
	[tilespmem:s12+$0xFFFFFFF0] =	vst v0  }
0x21f: {  	[tilespmem:s17], [sflag:$0x4] =	stream.indirect.gather @!p0 [hbm4b:s4+s15], $0x20, s16, s15, $0xb8;
	[tilespmem:$0xE220] =	vst v63  }
0x220: {  	_ =	swait.ge [sflag:s31], $0x640  }
0x221: {  	[sflag:s31] =	ssyncset.done $0x0  }
0x222: {  	[sflag:s31] =	ssyncadd.s32 $0xFFFFF9C0  }
0x223: {  	v0 =	vld [tilespmem:$0x8900]  }
0x224: {  	v56 =	vld [tilespmem:$0x8920]  }
0x225: {  	v57 =	vld [tilespmem:$0x8940]  }
0x226: {  	v58 =	vld [tilespmem:$0x8960]  }
0x227: {  	v59 =	vld [tilespmem:$0x8980]  }
0x228: {  	v60 =	vld [tilespmem:$0x89A0]  }
0x229: {  	v61 =	vld [tilespmem:$0x89C0]  }
0x22a: {  	v62 =	vld [tilespmem:$0x89E0]  }
0x22b: {  	v63 =	vld [tilespmem:$0x8A00]  }
0x22c: {  	v33 =	vld [tilespmem:$0x8A20]  }
0x22d: {  	v34 =	vld [tilespmem:$0x8A40]  }
0x22e: {  	v35 =	vld [tilespmem:$0x8A60]  }
0x22f: {  	v36 =	vld [tilespmem:$0x8A80]  }
0x230: {  	v37 =	vld [tilespmem:$0x8AA0]  }
0x231: {  	v38 =	vld [tilespmem:$0x8AC0]  }
0x232: {  	v39 =	vld [tilespmem:$0x8AE0]  }
0x233: {  	v40 =	vld [tilespmem:$0x8B00]  }
0x234: {  	v41 =	vld [tilespmem:$0x8B20]  }
0x235: {  	v42 =	vld [tilespmem:$0x8B40]  }
0x236: {  	v43 =	vld [tilespmem:$0x8B60]  }
0x237: {  	v44 =	vld [tilespmem:$0x8B80]  }
0x238: {  	v45 =	vld [tilespmem:$0x8BA0]  }
0x239: {  	v46 =	vld [tilespmem:$0x8BC0]  }
0x23a: {  	v47 =	vld [tilespmem:$0x8BE0]  }
0x23b: {  	v48 =	vld [tilespmem:$0x8C00]  }
0x23c: {  	v49 =	vld [tilespmem:$0x8C20]  }
0x23d: {  	v50 =	vld [tilespmem:$0x8C40]  }
0x23e: {  	v51 =	vld [tilespmem:$0x8C60]  }
0x23f: {  	v52 =	vld [tilespmem:$0x8C80]  }
0x240: {  	v53 =	vld [tilespmem:$0x8CA0]  }
0x241: {  	v54 =	vld [tilespmem:$0x8CC0]  }
0x242: {  	v55 =	vld [tilespmem:$0x8CE0]  }
0x243: {  	v21 =	vld [tilespmem:$0x8E00];
	v0 =	vadd.f32 v59, v0;
	v1 =	vadd.f32 v60, v56  }
0x244: {  	v23 =	vld [tilespmem:$0x8E20];
	v2 =	vadd.f32 v61, v57;
	v3 =	vadd.f32 v62, v58  }
0x245: {  	v25 =	vld [tilespmem:$0x8E40];
	v0 =	vadd.f32 v63, v0;
	v1 =	vadd.f32 v33, v1  }
0x246: {  	v27 =	vld [tilespmem:$0x8E60];
	v2 =	vadd.f32 v34, v2;
	v3 =	vadd.f32 v35, v3  }
0x247: {  	v28 =	vld [tilespmem:$0x8E80];
	v0 =	vadd.f32 v36, v0;
	v1 =	vadd.f32 v37, v1  }
0x248: {  	v56 =	vld [tilespmem:$0x8D00];
	v2 =	vadd.f32 v38, v2;
	v3 =	vadd.f32 v39, v3  }
0x249: {  	v57 =	vld [tilespmem:$0x8D20];
	v0 =	vadd.f32 v40, v0;
	v1 =	vadd.f32 v41, v1  }
0x24a: {  	v58 =	vld [tilespmem:$0x8D40];
	v2 =	vadd.f32 v42, v2;
	v3 =	vadd.f32 v43, v3  }
0x24b: {  	v59 =	vld [tilespmem:$0x8D60];
	v0 =	vadd.f32 v44, v0;
	v1 =	vadd.f32 v45, v1  }
0x24c: {  	v60 =	vld [tilespmem:$0x8D80];
	v2 =	vadd.f32 v46, v2;
	v3 =	vadd.f32 v47, v3  }
0x24d: {  	v61 =	vld [tilespmem:$0x8DA0];
	v0 =	vadd.f32 v48, v0;
	v1 =	vadd.f32 v49, v1  }
0x24e: {  	v62 =	vld [tilespmem:$0x8DC0];
	v2 =	vadd.f32 v50, v2;
	v3 =	vadd.f32 v51, v3  }
0x24f: {  	v63 =	vld [tilespmem:$0x8DE0];
	v0 =	vadd.f32 v52, v0;
	v1 =	vadd.f32 v53, v1  }
0x250: {  	v29 =	vld [tilespmem:$0x8EA0];
	v2 =	vadd.f32 v54, v2;
	v3 =	vadd.f32 v55, v3  }
0x251: {  	v30 =	vld [tilespmem:$0x8EC0];
	v0 =	vadd.f32 v56, v0;
	v1 =	vadd.f32 v57, v1  }
0x252: {  	v31 =	vld [tilespmem:$0x8EE0];
	v2 =	vadd.f32 v58, v2;
	v3 =	vadd.f32 v59, v3  }
0x253: {  	v32 =	vld [tilespmem:$0x8F00];
	v0 =	vadd.f32 v60, v0;
	v1 =	vadd.f32 v61, v1  }
0x254: {  	v33 =	vld [tilespmem:$0x8F20];
	v2 =	vadd.f32 v62, v2;
	v3 =	vadd.f32 v63, v3  }
0x255: {  	v0 =	vadd.f32 v21, v0;
	v1 =	vadd.f32 v23, v1  }
0x256: {  	v2 =	vadd.f32 v25, v2;
	v3 =	vadd.f32 v27, v3  }
0x257: {  	v0 =	vadd.f32 v28, v0;
	v1 =	vadd.f32 v29, v1  }
0x258: {  	v2 =	vadd.f32 v30, v2;
	v3 =	vadd.f32 v31, v3  }
0x259: {  	v0 =	vadd.f32 v32, v0;
	v1 =	vadd.f32 v33, v1  }
0x25a: {  	v34 =	vld [tilespmem:$0xE200]  }
0x25b: {  	v35 =	vadd.f32 v3, v2;
	v0 =	vadd.f32 v1, v0;
	_ =	sdelay $0x1  }
0x25c: {  	v0 =	vadd.f32 v0, v35;
	_ =	sdelay $0x1  }
0x25d: {  	v0 =	vadd.f32 v0, v34;
	_ =	sdelay $0x1  }
0x25e: {  	[tilespmem:s12+$0x0] =	vst v0  }
0x25f: {  	v0 =	vld [tilespmem:$0x8910]  }
0x260: {  	v36 =	vld [tilespmem:$0x8930]  }
0x261: {  	v37 =	vld [tilespmem:$0x8950]  }
0x262: {  	v38 =	vld [tilespmem:$0x8970]  }
0x263: {  	v39 =	vld [tilespmem:$0x8990]  }
0x264: {  	v40 =	vld [tilespmem:$0x89B0]  }
0x265: {  	v41 =	vld [tilespmem:$0x89D0]  }
0x266: {  	v42 =	vld [tilespmem:$0x89F0]  }
0x267: {  	v43 =	vld [tilespmem:$0x8A10]  }
0x268: {  	v44 =	vld [tilespmem:$0x8A30]  }
0x269: {  	v45 =	vld [tilespmem:$0x8A50]  }
0x26a: {  	v46 =	vld [tilespmem:$0x8A70]  }
0x26b: {  	v47 =	vld [tilespmem:$0x8A90]  }
0x26c: {  	v48 =	vld [tilespmem:$0x8AB0]  }
0x26d: {  	v49 =	vld [tilespmem:$0x8AD0]  }
0x26e: {  	v50 =	vld [tilespmem:$0x8AF0]  }
0x26f: {  	v51 =	vld [tilespmem:$0x8B10]  }
0x270: {  	v52 =	vld [tilespmem:$0x8B30]  }
0x271: {  	v53 =	vld [tilespmem:$0x8B50]  }
0x272: {  	v54 =	vld [tilespmem:$0x8B70]  }
0x273: {  	v55 =	vld [tilespmem:$0x8B90]  }
0x274: {  	v56 =	vld [tilespmem:$0x8BB0]  }
0x275: {  	v57 =	vld [tilespmem:$0x8BD0]  }
0x276: {  	v58 =	vld [tilespmem:$0x8BF0]  }
0x277: {  	v59 =	vld [tilespmem:$0x8C10]  }
0x278: {  	v60 =	vld [tilespmem:$0x8C30]  }
0x279: {  	v61 =	vld [tilespmem:$0x8C50]  }
0x27a: {  	v62 =	vld [tilespmem:$0x8C70]  }
0x27b: {  	v63 =	vld [tilespmem:$0x8C90]  }
0x27c: {  	v33 =	vld [tilespmem:$0x8CB0]  }
0x27d: {  	v34 =	vld [tilespmem:$0x8CD0]  }
0x27e: {  	v35 =	vld [tilespmem:$0x8CF0]  }
0x27f: {  	v0 =	vadd.f32 v39, v0;
	v1 =	vadd.f32 v40, v36;
	v36 =	vld [tilespmem:$0x8D10]  }
0x280: {  	v2 =	vadd.f32 v41, v37;
	v3 =	vadd.f32 v42, v38;
	v37 =	vld [tilespmem:$0x8D30]  }
0x281: {  	v38 =	vld [tilespmem:$0x8D50];
	v0 =	vadd.f32 v43, v0;
	v1 =	vadd.f32 v44, v1  }
0x282: {  	v39 =	vld [tilespmem:$0x8D70];
	v2 =	vadd.f32 v45, v2;
	v3 =	vadd.f32 v46, v3  }
0x283: {  	v40 =	vld [tilespmem:$0x8D90];
	v0 =	vadd.f32 v47, v0;
	v1 =	vadd.f32 v48, v1  }
0x284: {  	v41 =	vld [tilespmem:$0x8DB0];
	v2 =	vadd.f32 v49, v2;
	v3 =	vadd.f32 v50, v3  }
0x285: {  	v42 =	vld [tilespmem:$0x8DD0];
	v0 =	vadd.f32 v51, v0;
	v1 =	vadd.f32 v52, v1  }
0x286: {  	v43 =	vld [tilespmem:$0x8DF0];
	v2 =	vadd.f32 v53, v2;
	v3 =	vadd.f32 v54, v3  }
0x287: {  	v44 =	vld [tilespmem:$0x8E10];
	v0 =	vadd.f32 v55, v0;
	v1 =	vadd.f32 v56, v1  }
0x288: {  	v45 =	vld [tilespmem:$0x8E30];
	v2 =	vadd.f32 v57, v2;
	v3 =	vadd.f32 v58, v3  }
0x289: {  	v46 =	vld [tilespmem:$0x8E50];
	v0 =	vadd.f32 v59, v0;
	v1 =	vadd.f32 v60, v1  }
0x28a: {  	v47 =	vld [tilespmem:$0x8E70];
	v2 =	vadd.f32 v61, v2;
	v3 =	vadd.f32 v62, v3  }
0x28b: {  	v48 =	vld [tilespmem:$0x8E90];
	v0 =	vadd.f32 v63, v0;
	v1 =	vadd.f32 v33, v1  }
0x28c: {  	v49 =	vld [tilespmem:$0x8EB0];
	v2 =	vadd.f32 v34, v2;
	v3 =	vadd.f32 v35, v3  }
0x28d: {  	v50 =	vld [tilespmem:$0x8ED0];
	v0 =	vadd.f32 v36, v0;
	v1 =	vadd.f32 v37, v1  }
0x28e: {  	v51 =	vld [tilespmem:$0x8EF0];
	v2 =	vadd.f32 v38, v2;
	v3 =	vadd.f32 v39, v3  }
0x28f: {  	v52 =	vld [tilespmem:$0x8F10];
	v0 =	vadd.f32 v40, v0;
	v1 =	vadd.f32 v41, v1  }
0x290: {  	v53 =	vld [tilespmem:$0x8F30];
	v2 =	vadd.f32 v42, v2;
	v3 =	vadd.f32 v43, v3  }
0x291: {  	v0 =	vadd.f32 v44, v0;
	v1 =	vadd.f32 v45, v1  }
0x292: {  	v2 =	vadd.f32 v46, v2;
	v3 =	vadd.f32 v47, v3  }
0x293: {  	v0 =	vadd.f32 v48, v0;
	v1 =	vadd.f32 v49, v1  }
0x294: {  	v2 =	vadd.f32 v50, v2;
	v3 =	vadd.f32 v51, v3  }
0x295: {  	v0 =	vadd.f32 v52, v0;
	v1 =	vadd.f32 v53, v1  }
0x296: {  	v54 =	vld [tilespmem:$0xE210]  }
0x297: {  	v55 =	vadd.f32 v3, v2;
	v0 =	vadd.f32 v1, v0;
	_ =	sdelay $0x1  }
0x298: {  	v0 =	vadd.f32 v0, v55;
	_ =	sdelay $0x1  }
0x299: {  	v0 =	vadd.f32 v0, v54;
	_ =	sdelay $0x1  }
0x29a: {  	s16 =	sadd.s32 @!p0 $0x2A0, s14;
	s17 =	simm.s32 @!p0 $0x8900;
	[tilespmem:s12+$0x10] =	vst v0  }
0x29b: {  	[tilespmem:s17], [sflag:$0x5] =	stream.indirect.gather @!p0 [hbm4b:s4+s15], $0x20, s16, s15, $0xb8;
	[tilespmem:$0xE220] =	vst v63  }
0x29c: {  	_ =	swait.ge [sflag:s1], $0x640  }
0x29d: {  	[sflag:s1] =	ssyncset.done $0x0  }
0x29e: {  	[sflag:s1] =	ssyncadd.s32 $0xFFFFF9C0  }
0x29f: {  	v0 =	vld [tilespmem:$0x8F40]  }
0x2a0: {  	v56 =	vld [tilespmem:$0x8F60]  }
0x2a1: {  	v57 =	vld [tilespmem:$0x8F80]  }
0x2a2: {  	v58 =	vld [tilespmem:$0x8FA0]  }
0x2a3: {  	v59 =	vld [tilespmem:$0x8FC0]  }
0x2a4: {  	v60 =	vld [tilespmem:$0x8FE0]  }
0x2a5: {  	v61 =	vld [tilespmem:$0x9000]  }
0x2a6: {  	v62 =	vld [tilespmem:$0x9020]  }
0x2a7: {  	v63 =	vld [tilespmem:$0x9040]  }
0x2a8: {  	v33 =	vld [tilespmem:$0x9060]  }
0x2a9: {  	v34 =	vld [tilespmem:$0x9080]  }
0x2aa: {  	v35 =	vld [tilespmem:$0x90A0]  }
0x2ab: {  	v36 =	vld [tilespmem:$0x90C0]  }
0x2ac: {  	v37 =	vld [tilespmem:$0x90E0]  }
0x2ad: {  	v38 =	vld [tilespmem:$0x9100]  }
0x2ae: {  	v39 =	vld [tilespmem:$0x9120]  }
0x2af: {  	v40 =	vld [tilespmem:$0x9140]  }
0x2b0: {  	v41 =	vld [tilespmem:$0x9160]  }
0x2b1: {  	v42 =	vld [tilespmem:$0x9180]  }
0x2b2: {  	v43 =	vld [tilespmem:$0x91A0]  }
0x2b3: {  	v44 =	vld [tilespmem:$0x91C0]  }
0x2b4: {  	v45 =	vld [tilespmem:$0x91E0]  }
0x2b5: {  	v46 =	vld [tilespmem:$0x9200]  }
0x2b6: {  	v47 =	vld [tilespmem:$0x9220]  }
0x2b7: {  	v48 =	vld [tilespmem:$0x9240]  }
0x2b8: {  	v49 =	vld [tilespmem:$0x9260]  }
0x2b9: {  	v50 =	vld [tilespmem:$0x9280]  }
0x2ba: {  	v51 =	vld [tilespmem:$0x92A0]  }
0x2bb: {  	v52 =	vld [tilespmem:$0x92C0]  }
0x2bc: {  	v53 =	vld [tilespmem:$0x92E0]  }
0x2bd: {  	v54 =	vld [tilespmem:$0x9300]  }
0x2be: {  	v55 =	vld [tilespmem:$0x9320]  }
0x2bf: {  	v21 =	vld [tilespmem:$0x9440];
	v0 =	vadd.f32 v59, v0;
	v1 =	vadd.f32 v60, v56  }
0x2c0: {  	v23 =	vld [tilespmem:$0x9460];
	v2 =	vadd.f32 v61, v57;
	v3 =	vadd.f32 v62, v58  }
0x2c1: {  	v25 =	vld [tilespmem:$0x9480];
	v0 =	vadd.f32 v63, v0;
	v1 =	vadd.f32 v33, v1  }
0x2c2: {  	v27 =	vld [tilespmem:$0x94A0];
	v2 =	vadd.f32 v34, v2;
	v3 =	vadd.f32 v35, v3  }
0x2c3: {  	v28 =	vld [tilespmem:$0x94C0];
	v0 =	vadd.f32 v36, v0;
	v1 =	vadd.f32 v37, v1  }
0x2c4: {  	v56 =	vld [tilespmem:$0x9340];
	v2 =	vadd.f32 v38, v2;
	v3 =	vadd.f32 v39, v3  }
0x2c5: {  	v57 =	vld [tilespmem:$0x9360];
	v0 =	vadd.f32 v40, v0;
	v1 =	vadd.f32 v41, v1  }
0x2c6: {  	v58 =	vld [tilespmem:$0x9380];
	v2 =	vadd.f32 v42, v2;
	v3 =	vadd.f32 v43, v3  }
0x2c7: {  	v59 =	vld [tilespmem:$0x93A0];
	v0 =	vadd.f32 v44, v0;
	v1 =	vadd.f32 v45, v1  }
0x2c8: {  	v60 =	vld [tilespmem:$0x93C0];
	v2 =	vadd.f32 v46, v2;
	v3 =	vadd.f32 v47, v3  }
0x2c9: {  	v61 =	vld [tilespmem:$0x93E0];
	v0 =	vadd.f32 v48, v0;
	v1 =	vadd.f32 v49, v1  }
0x2ca: {  	v62 =	vld [tilespmem:$0x9400];
	v2 =	vadd.f32 v50, v2;
	v3 =	vadd.f32 v51, v3  }
0x2cb: {  	v63 =	vld [tilespmem:$0x9420];
	v0 =	vadd.f32 v52, v0;
	v1 =	vadd.f32 v53, v1  }
0x2cc: {  	v29 =	vld [tilespmem:$0x94E0];
	v2 =	vadd.f32 v54, v2;
	v3 =	vadd.f32 v55, v3  }
0x2cd: {  	v30 =	vld [tilespmem:$0x9500];
	v0 =	vadd.f32 v56, v0;
	v1 =	vadd.f32 v57, v1  }
0x2ce: {  	v31 =	vld [tilespmem:$0x9520];
	v2 =	vadd.f32 v58, v2;
	v3 =	vadd.f32 v59, v3  }
0x2cf: {  	v32 =	vld [tilespmem:$0x9540];
	v0 =	vadd.f32 v60, v0;
	v1 =	vadd.f32 v61, v1  }
0x2d0: {  	v33 =	vld [tilespmem:$0x9560];
	v2 =	vadd.f32 v62, v2;
	v3 =	vadd.f32 v63, v3  }
0x2d1: {  	v0 =	vadd.f32 v21, v0;
	v1 =	vadd.f32 v23, v1  }
0x2d2: {  	v2 =	vadd.f32 v25, v2;
	v3 =	vadd.f32 v27, v3  }
0x2d3: {  	v0 =	vadd.f32 v28, v0;
	v1 =	vadd.f32 v29, v1  }
0x2d4: {  	v2 =	vadd.f32 v30, v2;
	v3 =	vadd.f32 v31, v3  }
0x2d5: {  	v0 =	vadd.f32 v32, v0;
	v1 =	vadd.f32 v33, v1  }
0x2d6: {  	v34 =	vld [tilespmem:$0xE200]  }
0x2d7: {  	v35 =	vadd.f32 v3, v2;
	v0 =	vadd.f32 v1, v0;
	_ =	sdelay $0x1  }
0x2d8: {  	v0 =	vadd.f32 v0, v35;
	_ =	sdelay $0x1  }
0x2d9: {  	v0 =	vadd.f32 v0, v34;
	_ =	sdelay $0x1  }
0x2da: {  	[tilespmem:s12+$0x20] =	vst v0  }
0x2db: {  	v0 =	vld [tilespmem:$0x8F50]  }
0x2dc: {  	v36 =	vld [tilespmem:$0x8F70]  }
0x2dd: {  	v37 =	vld [tilespmem:$0x8F90]  }
0x2de: {  	v38 =	vld [tilespmem:$0x8FB0]  }
0x2df: {  	v39 =	vld [tilespmem:$0x8FD0]  }
0x2e0: {  	v40 =	vld [tilespmem:$0x8FF0]  }
0x2e1: {  	v41 =	vld [tilespmem:$0x9010]  }
0x2e2: {  	v42 =	vld [tilespmem:$0x9030]  }
0x2e3: {  	v43 =	vld [tilespmem:$0x9050]  }
0x2e4: {  	v44 =	vld [tilespmem:$0x9070]  }
0x2e5: {  	v45 =	vld [tilespmem:$0x9090]  }
0x2e6: {  	v46 =	vld [tilespmem:$0x90B0]  }
0x2e7: {  	v47 =	vld [tilespmem:$0x90D0]  }
0x2e8: {  	v48 =	vld [tilespmem:$0x90F0]  }
0x2e9: {  	v49 =	vld [tilespmem:$0x9110]  }
0x2ea: {  	v50 =	vld [tilespmem:$0x9130]  }
0x2eb: {  	v51 =	vld [tilespmem:$0x9150]  }
0x2ec: {  	v52 =	vld [tilespmem:$0x9170]  }
0x2ed: {  	v53 =	vld [tilespmem:$0x9190]  }
0x2ee: {  	v54 =	vld [tilespmem:$0x91B0]  }
0x2ef: {  	v55 =	vld [tilespmem:$0x91D0]  }
0x2f0: {  	v56 =	vld [tilespmem:$0x91F0]  }
0x2f1: {  	v57 =	vld [tilespmem:$0x9210]  }
0x2f2: {  	v58 =	vld [tilespmem:$0x9230]  }
0x2f3: {  	v59 =	vld [tilespmem:$0x9250]  }
0x2f4: {  	v60 =	vld [tilespmem:$0x9270]  }
0x2f5: {  	v61 =	vld [tilespmem:$0x9290]  }
0x2f6: {  	v62 =	vld [tilespmem:$0x92B0]  }
0x2f7: {  	v63 =	vld [tilespmem:$0x92D0]  }
0x2f8: {  	v33 =	vld [tilespmem:$0x92F0]  }
0x2f9: {  	v34 =	vld [tilespmem:$0x9310]  }
0x2fa: {  	v35 =	vld [tilespmem:$0x9330]  }
0x2fb: {  	v0 =	vadd.f32 v39, v0;
	v1 =	vadd.f32 v40, v36;
	v36 =	vld [tilespmem:$0x9350]  }
0x2fc: {  	v2 =	vadd.f32 v41, v37;
	v3 =	vadd.f32 v42, v38;
	v37 =	vld [tilespmem:$0x9370]  }
0x2fd: {  	v38 =	vld [tilespmem:$0x9390];
	v0 =	vadd.f32 v43, v0;
	v1 =	vadd.f32 v44, v1  }
0x2fe: {  	v39 =	vld [tilespmem:$0x93B0];
	v2 =	vadd.f32 v45, v2;
	v3 =	vadd.f32 v46, v3  }
0x2ff: {  	v40 =	vld [tilespmem:$0x93D0];
	v0 =	vadd.f32 v47, v0;
	v1 =	vadd.f32 v48, v1  }
0x300: {  	v41 =	vld [tilespmem:$0x93F0];
	v2 =	vadd.f32 v49, v2;
	v3 =	vadd.f32 v50, v3  }
0x301: {  	v42 =	vld [tilespmem:$0x9410];
	v0 =	vadd.f32 v51, v0;
	v1 =	vadd.f32 v52, v1  }
0x302: {  	v43 =	vld [tilespmem:$0x9430];
	v2 =	vadd.f32 v53, v2;
	v3 =	vadd.f32 v54, v3  }
0x303: {  	v44 =	vld [tilespmem:$0x9450];
	v0 =	vadd.f32 v55, v0;
	v1 =	vadd.f32 v56, v1  }
0x304: {  	v45 =	vld [tilespmem:$0x9470];
	v2 =	vadd.f32 v57, v2;
	v3 =	vadd.f32 v58, v3  }
0x305: {  	v46 =	vld [tilespmem:$0x9490];
	v0 =	vadd.f32 v59, v0;
	v1 =	vadd.f32 v60, v1  }
0x306: {  	v47 =	vld [tilespmem:$0x94B0];
	v2 =	vadd.f32 v61, v2;
	v3 =	vadd.f32 v62, v3  }
0x307: {  	v48 =	vld [tilespmem:$0x94D0];
	v0 =	vadd.f32 v63, v0;
	v1 =	vadd.f32 v33, v1  }
0x308: {  	v49 =	vld [tilespmem:$0x94F0];
	v2 =	vadd.f32 v34, v2;
	v3 =	vadd.f32 v35, v3  }
0x309: {  	v50 =	vld [tilespmem:$0x9510];
	v0 =	vadd.f32 v36, v0;
	v1 =	vadd.f32 v37, v1  }
0x30a: {  	v51 =	vld [tilespmem:$0x9530];
	v2 =	vadd.f32 v38, v2;
	v3 =	vadd.f32 v39, v3  }
0x30b: {  	v52 =	vld [tilespmem:$0x9550];
	v0 =	vadd.f32 v40, v0;
	v1 =	vadd.f32 v41, v1  }
0x30c: {  	v53 =	vld [tilespmem:$0x9570];
	v2 =	vadd.f32 v42, v2;
	v3 =	vadd.f32 v43, v3  }
0x30d: {  	v0 =	vadd.f32 v44, v0;
	v1 =	vadd.f32 v45, v1  }
0x30e: {  	v2 =	vadd.f32 v46, v2;
	v3 =	vadd.f32 v47, v3  }
0x30f: {  	v0 =	vadd.f32 v48, v0;
	v1 =	vadd.f32 v49, v1  }
0x310: {  	v2 =	vadd.f32 v50, v2;
	v3 =	vadd.f32 v51, v3  }
0x311: {  	v0 =	vadd.f32 v52, v0;
	v1 =	vadd.f32 v53, v1  }
0x312: {  	v54 =	vld [tilespmem:$0xE210]  }
0x313: {  	v55 =	vadd.f32 v3, v2;
	v0 =	vadd.f32 v1, v0;
	_ =	sdelay $0x1  }
0x314: {  	v0 =	vadd.f32 v0, v55;
	_ =	sdelay $0x1  }
0x315: {  	v0 =	vadd.f32 v0, v54;
	_ =	sdelay $0x1  }
0x316: {  	s16 =	sadd.s32 @!p0 $0x2D8, s14;
	s17 =	simm.s32 @!p0 $0x8F40;
	[tilespmem:s12+$0x30] =	vst v0  }
0x317: {  	[tilespmem:s17], [sflag:$0x6] =	stream.indirect.gather @!p0 [hbm4b:s4+s15], $0x20, s16, s15, $0xb8;
	[tilespmem:$0xE220] =	vst v63  }
0x318: {  	_ =	swait.ge [sflag:s0], $0x640  }
0x319: {  	[sflag:s0] =	ssyncset.done $0x0  }
0x31a: {  	[sflag:s0] =	ssyncadd.s32 $0xFFFFF9C0  }
0x31b: {  	v0 =	vld [tilespmem:$0x9580]  }
0x31c: {  	v56 =	vld [tilespmem:$0x95A0]  }
0x31d: {  	v57 =	vld [tilespmem:$0x95C0]  }
0x31e: {  	v58 =	vld [tilespmem:$0x95E0]  }
0x31f: {  	v59 =	vld [tilespmem:$0x9600]  }
0x320: {  	v60 =	vld [tilespmem:$0x9620]  }
0x321: {  	v61 =	vld [tilespmem:$0x9640]  }
0x322: {  	v62 =	vld [tilespmem:$0x9660]  }
0x323: {  	v63 =	vld [tilespmem:$0x9680]  }
0x324: {  	v33 =	vld [tilespmem:$0x96A0]  }
0x325: {  	v34 =	vld [tilespmem:$0x96C0]  }
0x326: {  	v35 =	vld [tilespmem:$0x96E0]  }
0x327: {  	v36 =	vld [tilespmem:$0x9700]  }
0x328: {  	v37 =	vld [tilespmem:$0x9720]  }
0x329: {  	v38 =	vld [tilespmem:$0x9740]  }
0x32a: {  	v39 =	vld [tilespmem:$0x9760]  }
0x32b: {  	v40 =	vld [tilespmem:$0x9780]  }
0x32c: {  	v41 =	vld [tilespmem:$0x97A0]  }
0x32d: {  	v42 =	vld [tilespmem:$0x97C0]  }
0x32e: {  	v43 =	vld [tilespmem:$0x97E0]  }
0x32f: {  	v44 =	vld [tilespmem:$0x9800]  }
0x330: {  	v45 =	vld [tilespmem:$0x9820]  }
0x331: {  	v46 =	vld [tilespmem:$0x9840]  }
0x332: {  	v47 =	vld [tilespmem:$0x9860]  }
0x333: {  	v48 =	vld [tilespmem:$0x9880]  }
0x334: {  	v49 =	vld [tilespmem:$0x98A0]  }
0x335: {  	v50 =	vld [tilespmem:$0x98C0]  }
0x336: {  	v51 =	vld [tilespmem:$0x98E0]  }
0x337: {  	v52 =	vld [tilespmem:$0x9900]  }
0x338: {  	v53 =	vld [tilespmem:$0x9920]  }
0x339: {  	v54 =	vld [tilespmem:$0x9940]  }
0x33a: {  	v55 =	vld [tilespmem:$0x9960]  }
0x33b: {  	v21 =	vld [tilespmem:$0x9A80];
	v0 =	vadd.f32 v59, v0;
	v1 =	vadd.f32 v60, v56  }
0x33c: {  	v23 =	vld [tilespmem:$0x9AA0];
	v2 =	vadd.f32 v61, v57;
	v3 =	vadd.f32 v62, v58  }
0x33d: {  	v25 =	vld [tilespmem:$0x9AC0];
	v0 =	vadd.f32 v63, v0;
	v1 =	vadd.f32 v33, v1  }
0x33e: {  	v27 =	vld [tilespmem:$0x9AE0];
	v2 =	vadd.f32 v34, v2;
	v3 =	vadd.f32 v35, v3  }
0x33f: {  	v28 =	vld [tilespmem:$0x9B00];
	v0 =	vadd.f32 v36, v0;
	v1 =	vadd.f32 v37, v1  }
0x340: {  	v56 =	vld [tilespmem:$0x9980];
	v2 =	vadd.f32 v38, v2;
	v3 =	vadd.f32 v39, v3  }
0x341: {  	v57 =	vld [tilespmem:$0x99A0];
	v0 =	vadd.f32 v40, v0;
	v1 =	vadd.f32 v41, v1  }
0x342: {  	v58 =	vld [tilespmem:$0x99C0];
	v2 =	vadd.f32 v42, v2;
	v3 =	vadd.f32 v43, v3  }
0x343: {  	v59 =	vld [tilespmem:$0x99E0];
	v0 =	vadd.f32 v44, v0;
	v1 =	vadd.f32 v45, v1  }
0x344: {  	v60 =	vld [tilespmem:$0x9A00];
	v2 =	vadd.f32 v46, v2;
	v3 =	vadd.f32 v47, v3  }
0x345: {  	v61 =	vld [tilespmem:$0x9A20];
	v0 =	vadd.f32 v48, v0;
	v1 =	vadd.f32 v49, v1  }
0x346: {  	v62 =	vld [tilespmem:$0x9A40];
	v2 =	vadd.f32 v50, v2;
	v3 =	vadd.f32 v51, v3  }
0x347: {  	v63 =	vld [tilespmem:$0x9A60];
	v0 =	vadd.f32 v52, v0;
	v1 =	vadd.f32 v53, v1  }
0x348: {  	v29 =	vld [tilespmem:$0x9B20];
	v2 =	vadd.f32 v54, v2;
	v3 =	vadd.f32 v55, v3  }
0x349: {  	v30 =	vld [tilespmem:$0x9B40];
	v0 =	vadd.f32 v56, v0;
	v1 =	vadd.f32 v57, v1  }
0x34a: {  	v31 =	vld [tilespmem:$0x9B60];
	v2 =	vadd.f32 v58, v2;
	v3 =	vadd.f32 v59, v3  }
0x34b: {  	v32 =	vld [tilespmem:$0x9B80];
	v0 =	vadd.f32 v60, v0;
	v1 =	vadd.f32 v61, v1  }
0x34c: {  	v33 =	vld [tilespmem:$0x9BA0];
	v2 =	vadd.f32 v62, v2;
	v3 =	vadd.f32 v63, v3  }
0x34d: {  	v0 =	vadd.f32 v21, v0;
	v1 =	vadd.f32 v23, v1  }
0x34e: {  	v2 =	vadd.f32 v25, v2;
	v3 =	vadd.f32 v27, v3  }
0x34f: {  	v0 =	vadd.f32 v28, v0;
	v1 =	vadd.f32 v29, v1  }
0x350: {  	v2 =	vadd.f32 v30, v2;
	v3 =	vadd.f32 v31, v3  }
0x351: {  	v0 =	vadd.f32 v32, v0;
	v1 =	vadd.f32 v33, v1  }
0x352: {  	v34 =	vld [tilespmem:$0xE200]  }
0x353: {  	v35 =	vadd.f32 v3, v2;
	v0 =	vadd.f32 v1, v0;
	_ =	sdelay $0x1  }
0x354: {  	v0 =	vadd.f32 v0, v35;
	_ =	sdelay $0x1  }
0x355: {  	v0 =	vadd.f32 v0, v34;
	_ =	sdelay $0x1  }
0x356: {  	[tilespmem:s12+$0x40] =	vst v0  }
0x357: {  	v0 =	vld [tilespmem:$0x9590]  }
0x358: {  	v36 =	vld [tilespmem:$0x95B0]  }
0x359: {  	v37 =	vld [tilespmem:$0x95D0]  }
0x35a: {  	v38 =	vld [tilespmem:$0x95F0]  }
0x35b: {  	v39 =	vld [tilespmem:$0x9610]  }
0x35c: {  	v40 =	vld [tilespmem:$0x9630]  }
0x35d: {  	v41 =	vld [tilespmem:$0x9650]  }
0x35e: {  	v42 =	vld [tilespmem:$0x9670]  }
0x35f: {  	v43 =	vld [tilespmem:$0x9690]  }
0x360: {  	v44 =	vld [tilespmem:$0x96B0]  }
0x361: {  	v45 =	vld [tilespmem:$0x96D0]  }
0x362: {  	v46 =	vld [tilespmem:$0x96F0]  }
0x363: {  	v47 =	vld [tilespmem:$0x9710]  }
0x364: {  	v48 =	vld [tilespmem:$0x9730]  }
0x365: {  	v49 =	vld [tilespmem:$0x9750]  }
0x366: {  	v50 =	vld [tilespmem:$0x9770]  }
0x367: {  	v51 =	vld [tilespmem:$0x9790]  }
0x368: {  	v52 =	vld [tilespmem:$0x97B0]  }
0x369: {  	v53 =	vld [tilespmem:$0x97D0]  }
0x36a: {  	v54 =	vld [tilespmem:$0x97F0]  }
0x36b: {  	v55 =	vld [tilespmem:$0x9810]  }
0x36c: {  	v56 =	vld [tilespmem:$0x9830]  }
0x36d: {  	v57 =	vld [tilespmem:$0x9850]  }
0x36e: {  	v58 =	vld [tilespmem:$0x9870]  }
0x36f: {  	v59 =	vld [tilespmem:$0x9890]  }
0x370: {  	v60 =	vld [tilespmem:$0x98B0]  }
0x371: {  	v61 =	vld [tilespmem:$0x98D0]  }
0x372: {  	v62 =	vld [tilespmem:$0x98F0]  }
0x373: {  	v63 =	vld [tilespmem:$0x9910]  }
0x374: {  	v33 =	vld [tilespmem:$0x9930]  }
0x375: {  	v34 =	vld [tilespmem:$0x9950]  }
0x376: {  	v35 =	vld [tilespmem:$0x9970]  }
0x377: {  	v0 =	vadd.f32 v39, v0;
	v1 =	vadd.f32 v40, v36;
	v36 =	vld [tilespmem:$0x9990]  }
0x378: {  	v2 =	vadd.f32 v41, v37;
	v3 =	vadd.f32 v42, v38;
	v37 =	vld [tilespmem:$0x99B0]  }
0x379: {  	v38 =	vld [tilespmem:$0x99D0];
	v0 =	vadd.f32 v43, v0;
	v1 =	vadd.f32 v44, v1  }
0x37a: {  	v39 =	vld [tilespmem:$0x99F0];
	v2 =	vadd.f32 v45, v2;
	v3 =	vadd.f32 v46, v3  }
0x37b: {  	v40 =	vld [tilespmem:$0x9A10];
	v0 =	vadd.f32 v47, v0;
	v1 =	vadd.f32 v48, v1  }
0x37c: {  	v41 =	vld [tilespmem:$0x9A30];
	v2 =	vadd.f32 v49, v2;
	v3 =	vadd.f32 v50, v3  }
0x37d: {  	v42 =	vld [tilespmem:$0x9A50];
	v0 =	vadd.f32 v51, v0;
	v1 =	vadd.f32 v52, v1  }
0x37e: {  	v43 =	vld [tilespmem:$0x9A70];
	v2 =	vadd.f32 v53, v2;
	v3 =	vadd.f32 v54, v3  }
0x37f: {  	v44 =	vld [tilespmem:$0x9A90];
	v0 =	vadd.f32 v55, v0;
	v1 =	vadd.f32 v56, v1  }
0x380: {  	v45 =	vld [tilespmem:$0x9AB0];
	v2 =	vadd.f32 v57, v2;
	v3 =	vadd.f32 v58, v3  }
0x381: {  	v46 =	vld [tilespmem:$0x9AD0];
	v0 =	vadd.f32 v59, v0;
	v1 =	vadd.f32 v60, v1  }
0x382: {  	v47 =	vld [tilespmem:$0x9AF0];
	v2 =	vadd.f32 v61, v2;
	v3 =	vadd.f32 v62, v3  }
0x383: {  	v48 =	vld [tilespmem:$0x9B10];
	v0 =	vadd.f32 v63, v0;
	v1 =	vadd.f32 v33, v1  }
0x384: {  	v49 =	vld [tilespmem:$0x9B30];
	v2 =	vadd.f32 v34, v2;
	v3 =	vadd.f32 v35, v3  }
0x385: {  	v50 =	vld [tilespmem:$0x9B50];
	v0 =	vadd.f32 v36, v0;
	v1 =	vadd.f32 v37, v1  }
0x386: {  	v51 =	vld [tilespmem:$0x9B70];
	v2 =	vadd.f32 v38, v2;
	v3 =	vadd.f32 v39, v3  }
0x387: {  	v52 =	vld [tilespmem:$0x9B90];
	v0 =	vadd.f32 v40, v0;
	v1 =	vadd.f32 v41, v1  }
0x388: {  	v53 =	vld [tilespmem:$0x9BB0];
	v2 =	vadd.f32 v42, v2;
	v3 =	vadd.f32 v43, v3  }
0x389: {  	v0 =	vadd.f32 v44, v0;
	v1 =	vadd.f32 v45, v1  }
0x38a: {  	v2 =	vadd.f32 v46, v2;
	v3 =	vadd.f32 v47, v3  }
0x38b: {  	v0 =	vadd.f32 v48, v0;
	v1 =	vadd.f32 v49, v1  }
0x38c: {  	v2 =	vadd.f32 v50, v2;
	v3 =	vadd.f32 v51, v3  }
0x38d: {  	v0 =	vadd.f32 v52, v0;
	v1 =	vadd.f32 v53, v1  }
0x38e: {  	v54 =	vld [tilespmem:$0xE210]  }
0x38f: {  	v55 =	vadd.f32 v3, v2;
	v0 =	vadd.f32 v1, v0;
	_ =	sdelay $0x1  }
0x390: {  	v0 =	vadd.f32 v0, v55;
	_ =	sdelay $0x1  }
0x391: {  	v0 =	vadd.f32 v0, v54;
	_ =	sdelay $0x1  }
0x392: {  	s14 =	sadd.s32 @!p0 $0x310, s14;
	s16 =	simm.s32 @!p0 $0x9580;
	[tilespmem:s12+$0x50] =	vst v0  }
0x393: {  	[tilespmem:s16], [sflag:$0x7] =	stream.indirect.gather @!p0 [hbm4b:s4+s15], $0x20, s14, s15, $0xb8;
	[tilespmem:$0xE220] =	vst v63  }
0x394: {  	_ =	swait.ge [sflag:s2], $0x640  }
0x395: {  	[sflag:s2] =	ssyncset.done $0x0  }
0x396: {  	[sflag:s2] =	ssyncadd.s32 $0xFFFFF9C0  }
0x397: {  	v0 =	vld [tilespmem:$0x9BC0]  }
0x398: {  	v56 =	vld [tilespmem:$0x9BE0]  }
0x399: {  	v57 =	vld [tilespmem:$0x9C00]  }
0x39a: {  	v58 =	vld [tilespmem:$0x9C20]  }
0x39b: {  	v59 =	vld [tilespmem:$0x9C40]  }
0x39c: {  	v60 =	vld [tilespmem:$0x9C60]  }
0x39d: {  	v61 =	vld [tilespmem:$0x9C80]  }
0x39e: {  	v62 =	vld [tilespmem:$0x9CA0]  }
0x39f: {  	v63 =	vld [tilespmem:$0x9CC0]  }
0x3a0: {  	v33 =	vld [tilespmem:$0x9CE0]  }
0x3a1: {  	v34 =	vld [tilespmem:$0x9D00]  }
0x3a2: {  	v35 =	vld [tilespmem:$0x9D20]  }
0x3a3: {  	v36 =	vld [tilespmem:$0x9D40]  }
0x3a4: {  	v37 =	vld [tilespmem:$0x9D60]  }
0x3a5: {  	v38 =	vld [tilespmem:$0x9D80]  }
0x3a6: {  	v39 =	vld [tilespmem:$0x9DA0]  }
0x3a7: {  	v40 =	vld [tilespmem:$0x9DC0]  }
0x3a8: {  	v41 =	vld [tilespmem:$0x9DE0]  }
0x3a9: {  	v42 =	vld [tilespmem:$0x9E00]  }
0x3aa: {  	v43 =	vld [tilespmem:$0x9E20]  }
0x3ab: {  	v44 =	vld [tilespmem:$0x9E40]  }
0x3ac: {  	v45 =	vld [tilespmem:$0x9E60]  }
0x3ad: {  	v46 =	vld [tilespmem:$0x9E80]  }
0x3ae: {  	v47 =	vld [tilespmem:$0x9EA0]  }
0x3af: {  	v48 =	vld [tilespmem:$0x9EC0]  }
0x3b0: {  	v49 =	vld [tilespmem:$0x9EE0]  }
0x3b1: {  	v50 =	vld [tilespmem:$0x9F00]  }
0x3b2: {  	v51 =	vld [tilespmem:$0x9F20]  }
0x3b3: {  	v52 =	vld [tilespmem:$0x9F40]  }
0x3b4: {  	v53 =	vld [tilespmem:$0x9F60]  }
0x3b5: {  	v54 =	vld [tilespmem:$0x9F80]  }
0x3b6: {  	v55 =	vld [tilespmem:$0x9FA0]  }
0x3b7: {  	v32 =	vld [tilespmem:$0xA0C0];
	v0 =	vadd.f32 v59, v0;
	v1 =	vadd.f32 v60, v56  }
0x3b8: {  	v56 =	vld [tilespmem:$0x9FC0];
	v2 =	vadd.f32 v61, v57;
	v3 =	vadd.f32 v62, v58  }
0x3b9: {  	v57 =	vld [tilespmem:$0x9FE0];
	v0 =	vadd.f32 v63, v0;
	v1 =	vadd.f32 v33, v1  }
0x3ba: {  	v58 =	vld [tilespmem:$0xA000];
	v2 =	vadd.f32 v34, v2;
	v3 =	vadd.f32 v35, v3  }
0x3bb: {  	v59 =	vld [tilespmem:$0xA020];
	v0 =	vadd.f32 v36, v0;
	v1 =	vadd.f32 v37, v1  }
0x3bc: {  	v60 =	vld [tilespmem:$0xA040];
	v2 =	vadd.f32 v38, v2;
	v3 =	vadd.f32 v39, v3  }
0x3bd: {  	v61 =	vld [tilespmem:$0xA060];
	v0 =	vadd.f32 v40, v0;
	v1 =	vadd.f32 v41, v1  }
0x3be: {  	v62 =	vld [tilespmem:$0xA080];
	v2 =	vadd.f32 v42, v2;
	v3 =	vadd.f32 v43, v3  }
0x3bf: {  	v63 =	vld [tilespmem:$0xA0A0];
	v0 =	vadd.f32 v44, v0;
	v1 =	vadd.f32 v45, v1  }
0x3c0: {  	v33 =	vld [tilespmem:$0xA0E0];
	v2 =	vadd.f32 v46, v2;
	v3 =	vadd.f32 v47, v3  }
0x3c1: {  	v34 =	vld [tilespmem:$0xA100];
	v0 =	vadd.f32 v48, v0;
	v1 =	vadd.f32 v49, v1  }
0x3c2: {  	v35 =	vld [tilespmem:$0xA120];
	v2 =	vadd.f32 v50, v2;
	v3 =	vadd.f32 v51, v3  }
0x3c3: {  	v36 =	vld [tilespmem:$0xA140];
	v0 =	vadd.f32 v52, v0;
	v1 =	vadd.f32 v53, v1  }
0x3c4: {  	v37 =	vld [tilespmem:$0xA160];
	v2 =	vadd.f32 v54, v2;
	v3 =	vadd.f32 v55, v3  }
0x3c5: {  	v38 =	vld [tilespmem:$0xA180];
	v0 =	vadd.f32 v56, v0;
	v1 =	vadd.f32 v57, v1  }
0x3c6: {  	v39 =	vld [tilespmem:$0xA1A0];
	v2 =	vadd.f32 v58, v2;
	v3 =	vadd.f32 v59, v3  }
0x3c7: {  	v40 =	vld [tilespmem:$0xA1C0];
	v0 =	vadd.f32 v60, v0;
	v1 =	vadd.f32 v61, v1  }
0x3c8: {  	v41 =	vld [tilespmem:$0xA1E0];
	v2 =	vadd.f32 v62, v2;
	v3 =	vadd.f32 v63, v3  }
0x3c9: {  	v0 =	vadd.f32 v32, v0;
	v1 =	vadd.f32 v33, v1  }
0x3ca: {  	v2 =	vadd.f32 v34, v2;
	v3 =	vadd.f32 v35, v3  }
0x3cb: {  	v0 =	vadd.f32 v36, v0;
	v1 =	vadd.f32 v37, v1  }
0x3cc: {  	v2 =	vadd.f32 v38, v2;
	v3 =	vadd.f32 v39, v3  }
0x3cd: {  	v0 =	vadd.f32 v40, v0;
	v1 =	vadd.f32 v41, v1  }
0x3ce: {  	v42 =	vld [tilespmem:$0xE200]  }
0x3cf: {  	v43 =	vadd.f32 v3, v2;
	v0 =	vadd.f32 v1, v0;
	_ =	sdelay $0x1  }
0x3d0: {  	v0 =	vadd.f32 v0, v43;
	_ =	sdelay $0x1  }
0x3d1: {  	v0 =	vadd.f32 v0, v42;
	_ =	sdelay $0x1  }
0x3d2: {  	[tilespmem:s12+$0x60] =	vst v0  }
0x3d3: {  	v0 =	vld [tilespmem:$0x9BD0]  }
0x3d4: {  	v44 =	vld [tilespmem:$0x9BF0]  }
0x3d5: {  	v45 =	vld [tilespmem:$0x9C10]  }
0x3d6: {  	v46 =	vld [tilespmem:$0x9C30]  }
0x3d7: {  	v47 =	vld [tilespmem:$0x9C50]  }
0x3d8: {  	v48 =	vld [tilespmem:$0x9C70]  }
0x3d9: {  	v49 =	vld [tilespmem:$0x9C90]  }
0x3da: {  	v50 =	vld [tilespmem:$0x9CB0]  }
0x3db: {  	v51 =	vld [tilespmem:$0x9CD0]  }
0x3dc: {  	v52 =	vld [tilespmem:$0x9CF0]  }
0x3dd: {  	v53 =	vld [tilespmem:$0x9D10]  }
0x3de: {  	v54 =	vld [tilespmem:$0x9D30]  }
0x3df: {  	v55 =	vld [tilespmem:$0x9D50]  }
0x3e0: {  	v56 =	vld [tilespmem:$0x9D70]  }
0x3e1: {  	v57 =	vld [tilespmem:$0x9D90]  }
0x3e2: {  	v58 =	vld [tilespmem:$0x9DB0]  }
0x3e3: {  	v59 =	vld [tilespmem:$0x9DD0]  }
0x3e4: {  	v60 =	vld [tilespmem:$0x9DF0]  }
0x3e5: {  	v61 =	vld [tilespmem:$0x9E10]  }
0x3e6: {  	v62 =	vld [tilespmem:$0x9E30]  }
0x3e7: {  	v63 =	vld [tilespmem:$0x9E50]  }
0x3e8: {  	v33 =	vld [tilespmem:$0x9E70]  }
0x3e9: {  	v34 =	vld [tilespmem:$0x9E90]  }
0x3ea: {  	v35 =	vld [tilespmem:$0x9EB0]  }
0x3eb: {  	v36 =	vld [tilespmem:$0x9ED0]  }
0x3ec: {  	v37 =	vld [tilespmem:$0x9EF0]  }
0x3ed: {  	v38 =	vld [tilespmem:$0x9F10]  }
0x3ee: {  	v39 =	vld [tilespmem:$0x9F30]  }
0x3ef: {  	v40 =	vld [tilespmem:$0x9F50]  }
0x3f0: {  	v41 =	vld [tilespmem:$0x9F70]  }
0x3f1: {  	v42 =	vld [tilespmem:$0x9F90]  }
0x3f2: {  	v43 =	vld [tilespmem:$0x9FB0]  }
0x3f3: {  	v0 =	vadd.f32 v47, v0;
	v1 =	vadd.f32 v48, v44;
	v44 =	vld [tilespmem:$0x9FD0]  }
0x3f4: {  	v2 =	vadd.f32 v49, v45;
	v3 =	vadd.f32 v50, v46;
	v45 =	vld [tilespmem:$0x9FF0]  }
0x3f5: {  	v46 =	vld [tilespmem:$0xA010];
	v0 =	vadd.f32 v51, v0;
	v1 =	vadd.f32 v52, v1  }
0x3f6: {  	v47 =	vld [tilespmem:$0xA030];
	v2 =	vadd.f32 v53, v2;
	v3 =	vadd.f32 v54, v3  }
0x3f7: {  	v48 =	vld [tilespmem:$0xA050];
	v0 =	vadd.f32 v55, v0;
	v1 =	vadd.f32 v56, v1  }
0x3f8: {  	v49 =	vld [tilespmem:$0xA070];
	v2 =	vadd.f32 v57, v2;
	v3 =	vadd.f32 v58, v3  }
0x3f9: {  	v50 =	vld [tilespmem:$0xA090];
	v0 =	vadd.f32 v59, v0;
	v1 =	vadd.f32 v60, v1  }
0x3fa: {  	v51 =	vld [tilespmem:$0xA0B0];
	v2 =	vadd.f32 v61, v2;
	v3 =	vadd.f32 v62, v3  }
0x3fb: {  	v52 =	vld [tilespmem:$0xA0D0];
	v0 =	vadd.f32 v63, v0;
	v1 =	vadd.f32 v33, v1  }
0x3fc: {  	v53 =	vld [tilespmem:$0xA0F0];
	v2 =	vadd.f32 v34, v2;
	v3 =	vadd.f32 v35, v3  }
0x3fd: {  	v54 =	vld [tilespmem:$0xA110];
	v0 =	vadd.f32 v36, v0;
	v1 =	vadd.f32 v37, v1  }
0x3fe: {  	v55 =	vld [tilespmem:$0xA130];
	v2 =	vadd.f32 v38, v2;
	v3 =	vadd.f32 v39, v3  }
0x3ff: {  	v56 =	vld [tilespmem:$0xA150];
	v0 =	vadd.f32 v40, v0;
	v1 =	vadd.f32 v41, v1  }
0x400: {  	v57 =	vld [tilespmem:$0xA170];
	v2 =	vadd.f32 v42, v2;
	v3 =	vadd.f32 v43, v3  }
0x401: {  	v58 =	vld [tilespmem:$0xA190];
	v0 =	vadd.f32 v44, v0;
	v1 =	vadd.f32 v45, v1  }
0x402: {  	v59 =	vld [tilespmem:$0xA1B0];
	v2 =	vadd.f32 v46, v2;
	v3 =	vadd.f32 v47, v3  }
0x403: {  	v60 =	vld [tilespmem:$0xA1D0];
	v0 =	vadd.f32 v48, v0;
	v1 =	vadd.f32 v49, v1  }
0x404: {  	v61 =	vld [tilespmem:$0xA1F0];
	v2 =	vadd.f32 v50, v2;
	v3 =	vadd.f32 v51, v3  }
0x405: {  	v0 =	vadd.f32 v52, v0;
	v1 =	vadd.f32 v53, v1  }
0x406: {  	v2 =	vadd.f32 v54, v2;
	v3 =	vadd.f32 v55, v3  }
0x407: {  	v0 =	vadd.f32 v56, v0;
	v1 =	vadd.f32 v57, v1  }
0x408: {  	v2 =	vadd.f32 v58, v2;
	v3 =	vadd.f32 v59, v3  }
0x409: {  	v0 =	vadd.f32 v60, v0;
	v1 =	vadd.f32 v61, v1  }
0x40a: {  	v62 =	vld [tilespmem:$0xE210]  }
0x40b: {  	v63 =	vadd.f32 v3, v2;
	v0 =	vadd.f32 v1, v0;
	_ =	sdelay $0x1  }
.Ltmp2:
0x40c: {  	v0 =	vadd.f32 v0, v63;
	(pc) =	sbr.rel @p0 .LBB2_4-.Ltmp2, $3  }
0x40d: {  	_ = 	snop  }
0x40e: {  	v0 =	vadd.f32 v0, v62;
	_ =	sdelay $0x1  }
0x40f: {  	[tilespmem:s12+$0x70] =	vst v0  }
.Ltmp3:
0x410: {  	(pc) =	sbr.rel .LBB2_2-.Ltmp3, $4  }
0x411: {  	_ = 	snop  }
0x412: {  	s14 =	sshra.s32 s13, $0x2  }
0x413: {  	s13 =	sadd.s32 $0x700, s13;
	s12 =	sadd.s32 $0x100, s12;
	s14 =	sadd.s32 $0x348, s14  }
0x414: {  	[tilespmem:s25], [sflag:$0x8] =	stream.indirect.gather [hbm4b:s4+s10], $0x20, s14, s10, $0xb8;
	[tilespmem:$0xE220] =	vst v63  }
.LBB2_5:
0x415: {  	_ =	sfence.sel $0x180000  }
0x416: {  	[bflag:$0x0] =	sbarrier.arrive $0xFFFF  }
0x417: {  	_ =	strace $0x90000047  }
0x418: {  	s0 =	stileid.u32;
	[bflag:$0x2] =	sbarrier.arrive $0xFFFF  }
0x419: {  	p0 =	sne.s32 s0, $0x0;
	s0 =	rddreg [dreg:$0x3]  }
0x41a: {  	s0 =	sadd.s32 @!p0 $0x100000, s0  }
0x41b: {  	[sflag:s0] =	ssyncadd.tile.s32 @!p0 $0x1;
	_ =	shalt  }
.Lfunc_end2:
_tile_overlayer_lowered:
.L_overlay_start_2:
0x41c: {  	(tag) =	ssettag $0x2  }
0x41d: {  	s0 =	rddreg [dreg:$0x0];
	s2 =	stileid.u32  }
0x41e: {  	s1 =	rddreg [dreg:$0x1];
	p0 =	sne.s32 s2, $0x0  }
0x41f: {  	s3 =	rddreg [dreg:$0x2];
	[bflag:$0x3] =	sbarrier.arrive $0xFFFF;
	s2 =	simm.s32 @!p0 $0x1C09  }
0x420: {  	[timem:s3], [sflag:s2] =	dma.local @!p0 [hbm:s0], s1  }
0x421: {  	s0 =	simm.s32 @!p0 $0x9  }
0x422: {  	_ =	swait.ge @!p0 [sflag:s0], s1  }
0x423: {  	s1 =	ssub.s32 @!p0 $0x0, s1;
	[sflag:s0] =	ssyncset.done @!p0 $0x0  }
0x424: {  	[sflag:s0] =	ssyncadd.s32 @!p0 s1  }
0x425: {  	[bflag:$0x3] =	sbarrier.arrive $0xFFFF  }
0x426: {  	_ =	shalt  }

</sc_bundles>
